<compile_context>
chip_gen: v7x
topology: tpu7x:2x2x1
jax: 0.10.2.dev20260603
libtpu: 0.0.44.dev20260713+nightly
codegen_flags: <defaults>
</compile_context>

<pallas_src>
import functools

import numpy as np
import jax
import jax.numpy as jnp
from jax import lax
from jax.experimental import pallas as pl
from jax.experimental.pallas import tpu as pltpu
from jax.experimental.pallas import tpu_sc as plsc

_T, _B, _C = 4096, 16, 192
_VIS_T = _T - int(_T * 0.75)
_NC, _NS = 2, 16
_NW = _NC * _NS
_CT = _C // 8
_CTW = _CT // 2
_LANES = 16


@functools.cache
def _host_indexes():
    with jax.default_device(jax.local_devices(backend="cpu")[0]):
        base = jax.random.key(42)
        perms = [jax.random.permutation(jax.random.fold_in(base, b), _T)
                 for b in range(_B)]
        fwd = np.asarray(jnp.stack(perms, axis=-1).astype(jnp.int32))
    bwd = np.argsort(fwd, axis=0).astype(np.int32)
    gidx = np.stack([fwd[:_VIS_T, w // 2].reshape(8, 128)
                     for w in range(_NW)]).astype(np.int32)
    return fwd, bwd, gidx


_FWD_NP, _BWD_NP, _GIDX_NP = _host_indexes()


@functools.cache
def _build_gather():
    @functools.partial(
        pl.kernel,
        mesh=plsc.VectorSubcoreMesh(core_axis_name="c", subcore_axis_name="s"),
        compiler_params=pltpu.CompilerParams(use_tc_tiling_on_sc=True,
                                             needs_layout_passes=False,
                                             disable_bounds_checks=True,
                                             disable_semaphore_checks=True,
                                             skip_device_barrier=True),
        out_type=(
            jax.ShapeDtypeStruct((_B, _C, _VIS_T), jnp.float32),
            jax.ShapeDtypeStruct((_B, _T), jnp.int32),
            jax.ShapeDtypeStruct((_B, _T), jnp.int32),
        ),
        scratch_types=[
            pltpu.VMEM((8, 128), jnp.int32),
            pltpu.VMEM((8, _T), jnp.float32),
            pltpu.VMEM((8, _T), jnp.float32),
            pltpu.VMEM((8, _T), jnp.float32),
            pltpu.VMEM((8, _VIS_T), jnp.float32),
            pltpu.VMEM((8, _VIS_T), jnp.float32),
            pltpu.VMEM((2, 8, 256), jnp.int32),
            pltpu.SemaphoreType.DMA,
            pltpu.SemaphoreType.DMA,
            pltpu.SemaphoreType.DMA,
            pltpu.SemaphoreType.DMA,
            pltpu.SemaphoreType.DMA,
            pltpu.SemaphoreType.DMA,
            pltpu.SemaphoreType.DMA,
            pltpu.SemaphoreType.DMA,
        ],
    )
    def _gather(tbl_hbm, fwd_hbm, bwd_hbm, gidx_hbm,
                vis_hbm, fwd_out, bwd_out,
                idx_v, in_0, in_1, in_2, out_0, out_1, pf_v,
                sem_0, sem_1, sem_2, sem_o0, sem_o1,
                sem_ix, sem_pf, sem_pb):
        wid = lax.axis_index("s") * _NC + lax.axis_index("c")
        b = wid // 2
        base = (wid % 2) * _CTW

        lix = pltpu.async_copy(gidx_hbm.at[wid], idx_v, sem_ix)

        def in_slab(ct):
            return tbl_hbm.at[b, pl.ds(ct * 8, 8), :]

        def out_slab(ct):
            return vis_hbm.at[b, pl.ds(ct * 8, 8), :]

        ins = ((in_0, sem_0), (in_1, sem_1), (in_2, sem_2))
        outs = ((out_0, sem_o0), (out_1, sem_o1))

        for j in range(3):
            pltpu.async_copy(in_slab(base + j), ins[j][0], ins[j][1])

        r0 = (wid % 2) * 8
        c0 = (wid // 2) * 256
        lpf = pltpu.async_copy(fwd_hbm.at[pl.ds(r0, 8), pl.ds(c0, 256)],
                               pf_v.at[0], sem_pf)
        lpb = pltpu.async_copy(bwd_hbm.at[pl.ds(r0, 8), pl.ds(c0, 256)],
                               pf_v.at[1], sem_pb)
        lix.wait()

        def compute(in_v, out_v):
            def kbody(k, carry):
                tv = idx_v[k // 8, pl.ds((k % 8) * _LANES, _LANES)]
                for r in range(8):
                    rv = jnp.full((_LANES,), r, jnp.int32)
                    out_v[r, pl.ds(k * _LANES, _LANES)] = plsc.load_gather(
                        in_v, [rv, tv])
                return carry

            lax.fori_loop(0, _VIS_T // _LANES, kbody, 0)

        def step(s, ct):
            in_v, sem_i = ins[s % 3]
            out_v, sem_o = outs[s % 2]
            pltpu.make_async_copy(in_slab(ct), in_v, sem_i).wait()

            if s >= 2:
                pltpu.make_async_copy(out_v, out_slab(ct - 2), sem_o).wait()

            compute(in_v, out_v)
            pltpu.async_copy(out_v, out_slab(ct), sem_o)

            if s + 3 < _CTW:
                pltpu.async_copy(in_slab(ct + 3), in_v, sem_i)

        for s in range(_CTW):
            step(s, base + s)
        lpf.wait()
        pltpu.async_copy(pf_v.at[0], fwd_out.at[pl.ds(r0, 8), pl.ds(c0, 256)],
                         sem_pf)
        lpb.wait()
        pltpu.async_copy(pf_v.at[1], bwd_out.at[pl.ds(r0, 8), pl.ds(c0, 256)],
                         sem_pb)
        pltpu.make_async_copy(out_0, out_slab(base + _CTW - 2), sem_o0).wait()
        pltpu.make_async_copy(out_1, out_slab(base + _CTW - 1), sem_o1).wait()
        pltpu.make_async_copy(pf_v.at[0],
                              fwd_out.at[pl.ds(r0, 8), pl.ds(c0, 256)],
                              sem_pf).wait()
        pltpu.make_async_copy(pf_v.at[1],
                              bwd_out.at[pl.ds(r0, 8), pl.ds(c0, 256)],
                              sem_pb).wait()

    return _gather


def kernel(patches):
    tblT = jnp.transpose(patches, (1, 2, 0))
    visT, fwdT, bwdT = _build_gather()(
        tblT, jnp.asarray(_FWD_NP.T), jnp.asarray(_BWD_NP.T),
        jnp.asarray(_GIDX_NP))
    vis = jnp.transpose(visT, (2, 0, 1))
    return (vis, fwdT.T, bwdT.T, jnp.int32(_VIS_T))

# --- scband reference (transcript-rebuilt; emitter-appended) ---
"""Pipeline reference for scband-patch-shuffle-42580305772825 (READ-ONLY COPY).

The authoritative reference and input builder live on the scoring server;
editing this copy changes nothing except your own understanding.
"""

import jax, jax.numpy as jnp
import numpy as np

RATIO = 0.75


def setup_inputs(seed: int = 0) -> dict:
    key = jax.random.key(seed)
    patches = jax.random.normal(key, (4096, 16, 192), dtype=jnp.float32)
    return {"patches": patches}


def _make_forward_indexes(T, B):
    # Deterministic stand-in for the per-sample np.random.permutation in the torch module
    base = jax.random.key(42)
    perms = [jax.random.permutation(jax.random.fold_in(base, b), T) for b in range(B)]
    return jnp.stack(perms, axis=-1).astype(jnp.int32)  # [T, B]


def reference(patches):
    T, B, C = patches.shape
    vis_T = int(T * (1 - RATIO))
    forward_indexes = _make_forward_indexes(T, B)            # [T, B]
    backward_indexes = jnp.argsort(forward_indexes, axis=0)  # [T, B]
    # take_indexes: gather along token axis, index broadcast over channel dim
    gathered = jnp.take_along_axis(patches, forward_indexes[:, :, None], axis=0)  # [T, B, C]
    visible = gathered[:vis_T]                                # [vis_T, B, C]
    return (visible, forward_indexes, backward_indexes, jnp.int32(vis_T))

if __name__ == "__main__":
    import jax
    _d = setup_inputs()
    print(jax.jit(kernel)(*tuple(_d.values())))

</pallas_src>

<mosaic_0001>
#map = affine_map<(d0, d1) -> (0, 0, 0)>
#map1 = affine_map<(d0, d1) -> (0, 0)>
module attributes {stable_mosaic.version = 14 : i64} {
  func.func @_gather(%arg0: i32, %arg1: i32, %arg2: memref<16x192x4096xf32, #tpu.memory_space<hbm>>, %arg3: memref<16x4096xi32, #tpu.memory_space<hbm>>, %arg4: memref<16x4096xi32, #tpu.memory_space<hbm>>, %arg5: memref<32x8x128xi32, #tpu.memory_space<hbm>>, %arg6: memref<16x192x1024xf32, #tpu.memory_space<hbm>>, %arg7: memref<16x4096xi32, #tpu.memory_space<hbm>>, %arg8: memref<16x4096xi32, #tpu.memory_space<hbm>>, %arg9: memref<8x128xi32, #tpu.memory_space<vmem>>, %arg10: memref<8x4096xf32, #tpu.memory_space<vmem>>, %arg11: memref<8x4096xf32, #tpu.memory_space<vmem>>, %arg12: memref<8x4096xf32, #tpu.memory_space<vmem>>, %arg13: memref<8x1024xf32, #tpu.memory_space<vmem>>, %arg14: memref<8x1024xf32, #tpu.memory_space<vmem>>, %arg15: memref<2x8x256xi32, #tpu.memory_space<vmem>>, %arg16: memref<!tpu.dma_semaphore, #tpu.memory_space<semaphore_mem>>, %arg17: memref<!tpu.dma_semaphore, #tpu.memory_space<semaphore_mem>>, %arg18: memref<!tpu.dma_semaphore, #tpu.memory_space<semaphore_mem>>, %arg19: memref<!tpu.dma_semaphore, #tpu.memory_space<semaphore_mem>>, %arg20: memref<!tpu.dma_semaphore, #tpu.memory_space<semaphore_mem>>, %arg21: memref<!tpu.dma_semaphore, #tpu.memory_space<semaphore_mem>>, %arg22: memref<!tpu.dma_semaphore, #tpu.memory_space<semaphore_mem>>, %arg23: memref<!tpu.dma_semaphore, #tpu.memory_space<semaphore_mem>>) attributes {dimension_semantics = [#tpu.dimension_semantics<core_parallel>, #tpu.dimension_semantics<subcore_parallel>], iteration_bounds = array<i64: 2, 16>, scalar_prefetch = 0 : i64, scratch_operands = 15 : i64, tpu.core_type = #tpu.core_type<sc_vector_subcore>, window_params = [{transform_indices = #map}, {transform_indices = #map1}, {transform_indices = #map1}, {transform_indices = #map}, {transform_indices = #map}, {transform_indices = #map1}, {transform_indices = #map1}]} {
    %mul3A = arith.constant 2 : i32
    %mul3A_0 = arith.muli %arg1, %mul3A : i32
    %add3A = arith.addi %mul3A_0, %arg0 : i32
    %jit3A = arith.constant 2 : i32
    %div3A = arith.divsi %add3A, %jit3A : i32
    %sign3A = arith.constant 0 : i32
    %sign3A_1 = arith.cmpi sgt, %add3A, %sign3A : i32
    %sign3A_2 = arith.extui %sign3A_1 : i1 to i32
    %sign3A_3 = arith.constant 0 : i32
    %sign3A_4 = arith.cmpi slt, %add3A, %sign3A_3 : i32
    %sign3A_5 = arith.extui %sign3A_4 : i1 to i32
    %sign3A_6 = arith.subi %sign3A_2, %sign3A_5 : i32
    %sign3A_7 = arith.constant 0 : i32
    %sign3A_8 = arith.cmpi sgt, %jit3A, %sign3A_7 : i32
    %sign3A_9 = arith.extui %sign3A_8 : i1 to i32
    %sign3A_10 = arith.constant 0 : i32
    %sign3A_11 = arith.cmpi slt, %jit3A, %sign3A_10 : i32
    %sign3A_12 = arith.extui %sign3A_11 : i1 to i32
    %sign3A_13 = arith.subi %sign3A_9, %sign3A_12 : i32
    %ne3A = arith.cmpi ne, %sign3A_6, %sign3A_13 : i32
    %rem3A = arith.remsi %add3A, %jit3A : i32
    %ne3A_14 = arith.constant 0 : i32
    %ne3A_15 = arith.cmpi ne, %rem3A, %ne3A_14 : i32
    %and3A = arith.andi %ne3A, %ne3A_15 : i1
    %sub3A = arith.constant 1 : i32
    %sub3A_16 = arith.subi %div3A, %sub3A : i32
    %select_n3A = arith.select %and3A, %sub3A_16, %div3A : i32
    %jit3A_17 = arith.constant 2 : i32
    %eq3A = arith.constant 0 : i32
    %eq3A_18 = arith.cmpi eq, %jit3A_17, %eq3A : i32
    %jit3A_19 = arith.constant 1 : i32
    %select_n3A_20 = arith.select %eq3A_18, %jit3A_19, %jit3A_17 : i32
    %rem3A_21 = arith.remsi %add3A, %select_n3A_20 : i32
    %ne3A_22 = arith.constant 0 : i32
    %ne3A_23 = arith.cmpi ne, %rem3A_21, %ne3A_22 : i32
    %lt3A = arith.constant 0 : i32
    %lt3A_24 = arith.cmpi slt, %rem3A_21, %lt3A : i32
    %lt3A_25 = arith.constant 0 : i32
    %lt3A_26 = arith.cmpi slt, %select_n3A_20, %lt3A_25 : i32
    %ne3A_27 = arith.xori %lt3A_24, %lt3A_26 : i1
    %and3A_28 = arith.andi %ne3A_27, %ne3A_23 : i1
    %add3A_29 = arith.addi %rem3A_21, %select_n3A_20 : i32
    %select_n3A_30 = arith.select %and3A_28, %add3A_29, %rem3A_21 : i32
    %mul3A_31 = arith.constant 12 : i32
    %mul3A_32 = arith.muli %select_n3A_30, %mul3A_31 : i32
    %dma_start3A = arith.constant 0 : i32
    %dma_start3A_33 = arith.constant 0 : i32
    %dma_start3A_34 = tpu.memref_slice %arg5[%add3A, %dma_start3A, %dma_start3A_33] : memref<32x8x128xi32, #tpu.memory_space<hbm>> -> memref<1x8x128xi32, #tpu.memory_space<hbm>>
    %dma_start3A_35 = tpu.memref_squeeze %dma_start3A_34 : memref<1x8x128xi32, #tpu.memory_space<hbm>> -> memref<8x128xi32, #tpu.memory_space<hbm>>
    %dma_start3A_36 = arith.constant 0 : i32
    %dma_start3A_37 = arith.constant 0 : i32
    %dma_start3A_38 = tpu.memref_slice %arg5[%add3A, %dma_start3A_36, %dma_start3A_37] : memref<32x8x128xi32, #tpu.memory_space<hbm>> -> memref<1x8x128xi32, #tpu.memory_space<hbm>>
    %dma_start3A_39 = tpu.memref_squeeze %dma_start3A_38 : memref<1x8x128xi32, #tpu.memory_space<hbm>> -> memref<8x128xi32, #tpu.memory_space<hbm>>
    tpu.enqueue_dma source(%dma_start3A_39 : memref<8x128xi32, #tpu.memory_space<hbm>>) target(%arg9 : memref<8x128xi32, #tpu.memory_space<vmem>>) target_semaphore(%arg21 : memref<!tpu.dma_semaphore, #tpu.memory_space<semaphore_mem>>)
    %add3A_40 = arith.constant 0 : i32
    %add3A_41 = arith.addi %mul3A_32, %add3A_40 : i32
    %mul3A_42 = arith.constant 8 : i32
    %mul3A_43 = arith.muli %add3A_41, %mul3A_42 : i32
    %dma_start3A_44 = arith.constant 0 : i32
    %dma_start3A_45 = tpu.memref_slice %arg2[%select_n3A, %mul3A_43, %dma_start3A_44] : memref<16x192x4096xf32, #tpu.memory_space<hbm>> -> memref<1x8x4096xf32, #tpu.memory_space<hbm>>
    %dma_start3A_46 = tpu.memref_squeeze %dma_start3A_45 : memref<1x8x4096xf32, #tpu.memory_space<hbm>> -> memref<8x4096xf32, #tpu.memory_space<hbm>>
    %dma_start3A_47 = arith.constant 0 : i32
    %dma_start3A_48 = tpu.memref_slice %arg2[%select_n3A, %mul3A_43, %dma_start3A_47] : memref<16x192x4096xf32, #tpu.memory_space<hbm>> -> memref<1x8x4096xf32, #tpu.memory_space<hbm>>
    %dma_start3A_49 = tpu.memref_squeeze %dma_start3A_48 : memref<1x8x4096xf32, #tpu.memory_space<hbm>> -> memref<8x4096xf32, #tpu.memory_space<hbm>>
    tpu.enqueue_dma source(%dma_start3A_49 : memref<8x4096xf32, #tpu.memory_space<hbm>>) target(%arg10 : memref<8x4096xf32, #tpu.memory_space<vmem>>) target_semaphore(%arg16 : memref<!tpu.dma_semaphore, #tpu.memory_space<semaphore_mem>>)
    %add3A_50 = arith.constant 1 : i32
    %add3A_51 = arith.addi %mul3A_32, %add3A_50 : i32
    %mul3A_52 = arith.constant 8 : i32
    %mul3A_53 = arith.muli %add3A_51, %mul3A_52 : i32
    %dma_start3A_54 = arith.constant 0 : i32
    %dma_start3A_55 = tpu.memref_slice %arg2[%select_n3A, %mul3A_53, %dma_start3A_54] : memref<16x192x4096xf32, #tpu.memory_space<hbm>> -> memref<1x8x4096xf32, #tpu.memory_space<hbm>>
    %dma_start3A_56 = tpu.memref_squeeze %dma_start3A_55 : memref<1x8x4096xf32, #tpu.memory_space<hbm>> -> memref<8x4096xf32, #tpu.memory_space<hbm>>
    %dma_start3A_57 = arith.constant 0 : i32
    %dma_start3A_58 = tpu.memref_slice %arg2[%select_n3A, %mul3A_53, %dma_start3A_57] : memref<16x192x4096xf32, #tpu.memory_space<hbm>> -> memref<1x8x4096xf32, #tpu.memory_space<hbm>>
    %dma_start3A_59 = tpu.memref_squeeze %dma_start3A_58 : memref<1x8x4096xf32, #tpu.memory_space<hbm>> -> memref<8x4096xf32, #tpu.memory_space<hbm>>
    tpu.enqueue_dma source(%dma_start3A_59 : memref<8x4096xf32, #tpu.memory_space<hbm>>) target(%arg11 : memref<8x4096xf32, #tpu.memory_space<vmem>>) target_semaphore(%arg17 : memref<!tpu.dma_semaphore, #tpu.memory_space<semaphore_mem>>)
    %add3A_60 = arith.constant 2 : i32
    %add3A_61 = arith.addi %mul3A_32, %add3A_60 : i32
    %mul3A_62 = arith.constant 8 : i32
    %mul3A_63 = arith.muli %add3A_61, %mul3A_62 : i32
    %dma_start3A_64 = arith.constant 0 : i32
    %dma_start3A_65 = tpu.memref_slice %arg2[%select_n3A, %mul3A_63, %dma_start3A_64] : memref<16x192x4096xf32, #tpu.memory_space<hbm>> -> memref<1x8x4096xf32, #tpu.memory_space<hbm>>
    %dma_start3A_66 = tpu.memref_squeeze %dma_start3A_65 : memref<1x8x4096xf32, #tpu.memory_space<hbm>> -> memref<8x4096xf32, #tpu.memory_space<hbm>>
    %dma_start3A_67 = arith.constant 0 : i32
    %dma_start3A_68 = tpu.memref_slice %arg2[%select_n3A, %mul3A_63, %dma_start3A_67] : memref<16x192x4096xf32, #tpu.memory_space<hbm>> -> memref<1x8x4096xf32, #tpu.memory_space<hbm>>
    %dma_start3A_69 = tpu.memref_squeeze %dma_start3A_68 : memref<1x8x4096xf32, #tpu.memory_space<hbm>> -> memref<8x4096xf32, #tpu.memory_space<hbm>>
    tpu.enqueue_dma source(%dma_start3A_69 : memref<8x4096xf32, #tpu.memory_space<hbm>>) target(%arg12 : memref<8x4096xf32, #tpu.memory_space<vmem>>) target_semaphore(%arg18 : memref<!tpu.dma_semaphore, #tpu.memory_space<semaphore_mem>>)
    %jit3A_70 = arith.constant 2 : i32
    %eq3A_71 = arith.constant 0 : i32
    %eq3A_72 = arith.cmpi eq, %jit3A_70, %eq3A_71 : i32
    %jit3A_73 = arith.constant 1 : i32
    %select_n3A_74 = arith.select %eq3A_72, %jit3A_73, %jit3A_70 : i32
    %rem3A_75 = arith.remsi %add3A, %select_n3A_74 : i32
    %ne3A_76 = arith.constant 0 : i32
    %ne3A_77 = arith.cmpi ne, %rem3A_75, %ne3A_76 : i32
    %lt3A_78 = arith.constant 0 : i32
    %lt3A_79 = arith.cmpi slt, %rem3A_75, %lt3A_78 : i32
    %lt3A_80 = arith.constant 0 : i32
    %lt3A_81 = arith.cmpi slt, %select_n3A_74, %lt3A_80 : i32
    %ne3A_82 = arith.xori %lt3A_79, %lt3A_81 : i1
    %and3A_83 = arith.andi %ne3A_82, %ne3A_77 : i1
    %add3A_84 = arith.addi %rem3A_75, %select_n3A_74 : i32
    %select_n3A_85 = arith.select %and3A_83, %add3A_84, %rem3A_75 : i32
    %mul3A_86 = arith.constant 8 : i32
    %mul3A_87 = arith.muli %select_n3A_85, %mul3A_86 : i32
    %jit3A_88 = arith.constant 2 : i32
    %div3A_89 = arith.divsi %add3A, %jit3A_88 : i32
    %sign3A_90 = arith.constant 0 : i32
    %sign3A_91 = arith.cmpi sgt, %add3A, %sign3A_90 : i32
    %sign3A_92 = arith.extui %sign3A_91 : i1 to i32
    %sign3A_93 = arith.constant 0 : i32
    %sign3A_94 = arith.cmpi slt, %add3A, %sign3A_93 : i32
    %sign3A_95 = arith.extui %sign3A_94 : i1 to i32
    %sign3A_96 = arith.subi %sign3A_92, %sign3A_95 : i32
    %sign3A_97 = arith.constant 0 : i32
    %sign3A_98 = arith.cmpi sgt, %jit3A_88, %sign3A_97 : i32
    %sign3A_99 = arith.extui %sign3A_98 : i1 to i32
    %sign3A_100 = arith.constant 0 : i32
    %sign3A_101 = arith.cmpi slt, %jit3A_88, %sign3A_100 : i32
    %sign3A_102 = arith.extui %sign3A_101 : i1 to i32
    %sign3A_103 = arith.subi %sign3A_99, %sign3A_102 : i32
    %ne3A_104 = arith.cmpi ne, %sign3A_96, %sign3A_103 : i32
    %rem3A_105 = arith.remsi %add3A, %jit3A_88 : i32
    %ne3A_106 = arith.constant 0 : i32
    %ne3A_107 = arith.cmpi ne, %rem3A_105, %ne3A_106 : i32
    %and3A_108 = arith.andi %ne3A_104, %ne3A_107 : i1
    %sub3A_109 = arith.constant 1 : i32
    %sub3A_110 = arith.subi %div3A_89, %sub3A_109 : i32
    %select_n3A_111 = arith.select %and3A_108, %sub3A_110, %div3A_89 : i32
    %mul3A_112 = arith.constant 256 : i32
    %mul3A_113 = arith.muli %select_n3A_111, %mul3A_112 : i32
    %dma_start3A_114 = arith.constant 0 : i32
    %dma_start3A_115 = arith.constant 0 : i32
    %dma_start3A_116 = arith.constant 0 : i32
    %dma_start3A_117 = tpu.memref_slice %arg15[%dma_start3A_114, %dma_start3A_115, %dma_start3A_116] : memref<2x8x256xi32, #tpu.memory_space<vmem>> -> memref<1x8x256xi32, #tpu.memory_space<vmem>>
    %dma_start3A_118 = tpu.memref_squeeze %dma_start3A_117 : memref<1x8x256xi32, #tpu.memory_space<vmem>> -> memref<8x256xi32, #tpu.memory_space<vmem>>
    %dma_start3A_119 = tpu.memref_slice %arg3[%mul3A_87, %mul3A_113] : memref<16x4096xi32, #tpu.memory_space<hbm>> -> memref<8x256xi32, #tpu.memory_space<hbm>>
    %dma_start3A_120 = arith.constant 0 : i32
    %dma_start3A_121 = arith.constant 0 : i32
    %dma_start3A_122 = tpu.memref_slice %arg15[%dma_start3A_114, %dma_start3A_120, %dma_start3A_121] : memref<2x8x256xi32, #tpu.memory_space<vmem>> -> memref<1x8x256xi32, #tpu.memory_space<vmem>>
    %dma_start3A_123 = tpu.memref_squeeze %dma_start3A_122 : memref<1x8x256xi32, #tpu.memory_space<vmem>> -> memref<8x256xi32, #tpu.memory_space<vmem>>
    %dma_start3A_124 = tpu.memref_slice %arg3[%mul3A_87, %mul3A_113] : memref<16x4096xi32, #tpu.memory_space<hbm>> -> memref<8x256xi32, #tpu.memory_space<hbm>>
    tpu.enqueue_dma source(%dma_start3A_124 : memref<8x256xi32, #tpu.memory_space<hbm>>) target(%dma_start3A_123 : memref<8x256xi32, #tpu.memory_space<vmem>>) target_semaphore(%arg22 : memref<!tpu.dma_semaphore, #tpu.memory_space<semaphore_mem>>)
    %dma_start3A_125 = arith.constant 1 : i32
    %dma_start3A_126 = arith.constant 0 : i32
    %dma_start3A_127 = arith.constant 0 : i32
    %dma_start3A_128 = tpu.memref_slice %arg15[%dma_start3A_125, %dma_start3A_126, %dma_start3A_127] : memref<2x8x256xi32, #tpu.memory_space<vmem>> -> memref<1x8x256xi32, #tpu.memory_space<vmem>>
    %dma_start3A_129 = tpu.memref_squeeze %dma_start3A_128 : memref<1x8x256xi32, #tpu.memory_space<vmem>> -> memref<8x256xi32, #tpu.memory_space<vmem>>
    %dma_start3A_130 = tpu.memref_slice %arg4[%mul3A_87, %mul3A_113] : memref<16x4096xi32, #tpu.memory_space<hbm>> -> memref<8x256xi32, #tpu.memory_space<hbm>>
    %dma_start3A_131 = arith.constant 0 : i32
    %dma_start3A_132 = arith.constant 0 : i32
    %dma_start3A_133 = tpu.memref_slice %arg15[%dma_start3A_125, %dma_start3A_131, %dma_start3A_132] : memref<2x8x256xi32, #tpu.memory_space<vmem>> -> memref<1x8x256xi32, #tpu.memory_space<vmem>>
    %dma_start3A_134 = tpu.memref_squeeze %dma_start3A_133 : memref<1x8x256xi32, #tpu.memory_space<vmem>> -> memref<8x256xi32, #tpu.memory_space<vmem>>
    %dma_start3A_135 = tpu.memref_slice %arg4[%mul3A_87, %mul3A_113] : memref<16x4096xi32, #tpu.memory_space<hbm>> -> memref<8x256xi32, #tpu.memory_space<hbm>>
    tpu.enqueue_dma source(%dma_start3A_135 : memref<8x256xi32, #tpu.memory_space<hbm>>) target(%dma_start3A_134 : memref<8x256xi32, #tpu.memory_space<vmem>>) target_semaphore(%arg23 : memref<!tpu.dma_semaphore, #tpu.memory_space<semaphore_mem>>)
    %dma_wait3A = arith.constant 0 : i32
    %dma_wait3A_136 = arith.constant 0 : i32
    %dma_wait3A_137 = tpu.memref_slice %arg5[%add3A, %dma_wait3A, %dma_wait3A_136] : memref<32x8x128xi32, #tpu.memory_space<hbm>> -> memref<1x8x128xi32, #tpu.memory_space<hbm>>
    %dma_wait3A_138 = tpu.memref_squeeze %dma_wait3A_137 : memref<1x8x128xi32, #tpu.memory_space<hbm>> -> memref<8x128xi32, #tpu.memory_space<hbm>>
    %dma_wait3A_139 = arith.constant 0 : i32
    %dma_wait3A_140 = arith.constant 0 : i32
    %dma_wait3A_141 = tpu.memref_slice %arg5[%add3A, %dma_wait3A_139, %dma_wait3A_140] : memref<32x8x128xi32, #tpu.memory_space<hbm>> -> memref<1x8x128xi32, #tpu.memory_space<hbm>>
    %dma_wait3A_142 = tpu.memref_squeeze %dma_wait3A_141 : memref<1x8x128xi32, #tpu.memory_space<hbm>> -> memref<8x128xi32, #tpu.memory_space<hbm>>
    tpu.wait_dma2 semaphore(%arg21 : memref<!tpu.dma_semaphore, #tpu.memory_space<semaphore_mem>>) src(%dma_wait3A_142 : memref<8x128xi32, #tpu.memory_space<hbm>>) dst(%arg9 : memref<8x128xi32, #tpu.memory_space<vmem>>)
    %add3A_143 = arith.constant 0 : i32
    %add3A_144 = arith.addi %mul3A_32, %add3A_143 : i32
    %mul3A_145 = arith.constant 8 : i32
    %mul3A_146 = arith.muli %add3A_144, %mul3A_145 : i32
    %dma_wait3A_147 = arith.constant 0 : i32
    %dma_wait3A_148 = tpu.memref_slice %arg2[%select_n3A, %mul3A_146, %dma_wait3A_147] : memref<16x192x4096xf32, #tpu.memory_space<hbm>> -> memref<1x8x4096xf32, #tpu.memory_space<hbm>>
    %dma_wait3A_149 = tpu.memref_squeeze %dma_wait3A_148 : memref<1x8x4096xf32, #tpu.memory_space<hbm>> -> memref<8x4096xf32, #tpu.memory_space<hbm>>
    %dma_wait3A_150 = arith.constant 0 : i32
    %dma_wait3A_151 = tpu.memref_slice %arg2[%select_n3A, %mul3A_146, %dma_wait3A_150] : memref<16x192x4096xf32, #tpu.memory_space<hbm>> -> memref<1x8x4096xf32, #tpu.memory_space<hbm>>
    %dma_wait3A_152 = tpu.memref_squeeze %dma_wait3A_151 : memref<1x8x4096xf32, #tpu.memory_space<hbm>> -> memref<8x4096xf32, #tpu.memory_space<hbm>>
    tpu.wait_dma2 semaphore(%arg16 : memref<!tpu.dma_semaphore, #tpu.memory_space<semaphore_mem>>) src(%dma_wait3A_152 : memref<8x4096xf32, #tpu.memory_space<hbm>>) dst(%arg10 : memref<8x4096xf32, #tpu.memory_space<vmem>>)
    %scan3A = arith.constant 0 : i32
    %scan3A_153 = arith.constant 0 : i32
    %scan3A_154 = arith.constant 64 : i32
    %scan3A_155 = arith.addi %scan3A_153, %scan3A_154 : i32
    %scan3A_156 = arith.constant 1 : i32
    scf.for %scan3A_710 = %scan3A_153 to %scan3A_155 step %scan3A_156  : i32 {
      %jit3A_711 = arith.constant 8 : i32
      %div3A_712 = arith.divsi %scan3A_710, %jit3A_711 : i32
      %sign3A_713 = arith.constant 0 : i32
      %sign3A_714 = arith.cmpi sgt, %scan3A_710, %sign3A_713 : i32
      %sign3A_715 = arith.extui %sign3A_714 : i1 to i32
      %sign3A_716 = arith.constant 0 : i32
      %sign3A_717 = arith.cmpi slt, %scan3A_710, %sign3A_716 : i32
      %sign3A_718 = arith.extui %sign3A_717 : i1 to i32
      %sign3A_719 = arith.subi %sign3A_715, %sign3A_718 : i32
      %sign3A_720 = arith.constant 0 : i32
      %sign3A_721 = arith.cmpi sgt, %jit3A_711, %sign3A_720 : i32
      %sign3A_722 = arith.extui %sign3A_721 : i1 to i32
      %sign3A_723 = arith.constant 0 : i32
      %sign3A_724 = arith.cmpi slt, %jit3A_711, %sign3A_723 : i32
      %sign3A_725 = arith.extui %sign3A_724 : i1 to i32
      %sign3A_726 = arith.subi %sign3A_722, %sign3A_725 : i32
      %ne3A_727 = arith.cmpi ne, %sign3A_719, %sign3A_726 : i32
      %rem3A_728 = arith.remsi %scan3A_710, %jit3A_711 : i32
      %ne3A_729 = arith.constant 0 : i32
      %ne3A_730 = arith.cmpi ne, %rem3A_728, %ne3A_729 : i32
      %and3A_731 = arith.andi %ne3A_727, %ne3A_730 : i1
      %sub3A_732 = arith.constant 1 : i32
      %sub3A_733 = arith.subi %div3A_712, %sub3A_732 : i32
      %select_n3A_734 = arith.select %and3A_731, %sub3A_733, %div3A_712 : i32
      %jit3A_735 = arith.constant 8 : i32
      %eq3A_736 = arith.constant 0 : i32
      %eq3A_737 = arith.cmpi eq, %jit3A_735, %eq3A_736 : i32
      %jit3A_738 = arith.constant 1 : i32
      %select_n3A_739 = arith.select %eq3A_737, %jit3A_738, %jit3A_735 : i32
      %rem3A_740 = arith.remsi %scan3A_710, %select_n3A_739 : i32
      %ne3A_741 = arith.constant 0 : i32
      %ne3A_742 = arith.cmpi ne, %rem3A_740, %ne3A_741 : i32
      %lt3A_743 = arith.constant 0 : i32
      %lt3A_744 = arith.cmpi slt, %rem3A_740, %lt3A_743 : i32
      %lt3A_745 = arith.constant 0 : i32
      %lt3A_746 = arith.cmpi slt, %select_n3A_739, %lt3A_745 : i32
      %ne3A_747 = arith.xori %lt3A_744, %lt3A_746 : i1
      %and3A_748 = arith.andi %ne3A_747, %ne3A_742 : i1
      %add3A_749 = arith.addi %rem3A_740, %select_n3A_739 : i32
      %select_n3A_750 = arith.select %and3A_748, %add3A_749, %rem3A_740 : i32
      %mul3A_751 = arith.constant 16 : i32
      %mul3A_752 = arith.muli %select_n3A_750, %mul3A_751 : i32
      %get3A = arith.index_cast %select_n3A_734 : i32 to index
      %get3A_753 = arith.index_cast %mul3A_752 : i32 to index
      %get3A_754 = tpu.vector_load %arg9[%get3A, %get3A_753] {strides = array<i32>} : memref<8x128xi32, #tpu.memory_space<vmem>>, vector<16xi32>,
      %broadcast_in_dim3A = arith.constant 0 : i32
      %broadcast_in_dim3A_755 = vector.broadcast %broadcast_in_dim3A : i32 to vector<16xi32>
      %gather3A = tpu.vector_load_idx %arg10[%broadcast_in_dim3A_755, %get3A_754] : memref<8x4096xf32, #tpu.memory_space<vmem>>[vector<16xi32>, vector<16xi32>], vector<16xf32>,
      %mul3A_756 = arith.constant 16 : i32
      %mul3A_757 = arith.muli %scan3A_710, %mul3A_756 : i32
      %swap3A = arith.constant 0 : i32
      %swap3A_758 = arith.index_cast %swap3A : i32 to index
      %swap3A_759 = arith.index_cast %mul3A_757 : i32 to index
      %swap3A_760 = tpu.vector_load %arg13[%swap3A_758, %swap3A_759] {strides = array<i32>} : memref<8x1024xf32, #tpu.memory_space<vmem>>, vector<16xf32>,
      tpu.vector_store %arg13[%swap3A_758, %swap3A_759], %gather3A {strides = array<i32>} : memref<8x1024xf32, #tpu.memory_space<vmem>>, vector<16xf32>,
      %broadcast_in_dim3A_761 = arith.constant 1 : i32
      %broadcast_in_dim3A_762 = vector.broadcast %broadcast_in_dim3A_761 : i32 to vector<16xi32>
      %gather3A_763 = tpu.vector_load_idx %arg10[%broadcast_in_dim3A_762, %get3A_754] : memref<8x4096xf32, #tpu.memory_space<vmem>>[vector<16xi32>, vector<16xi32>], vector<16xf32>,
      %mul3A_764 = arith.constant 16 : i32
      %mul3A_765 = arith.muli %scan3A_710, %mul3A_764 : i32
      %swap3A_766 = arith.constant 1 : i32
      %swap3A_767 = arith.index_cast %swap3A_766 : i32 to index
      %swap3A_768 = arith.index_cast %mul3A_765 : i32 to index
      %swap3A_769 = tpu.vector_load %arg13[%swap3A_767, %swap3A_768] {strides = array<i32>} : memref<8x1024xf32, #tpu.memory_space<vmem>>, vector<16xf32>,
      tpu.vector_store %arg13[%swap3A_767, %swap3A_768], %gather3A_763 {strides = array<i32>} : memref<8x1024xf32, #tpu.memory_space<vmem>>, vector<16xf32>,
      %broadcast_in_dim3A_770 = arith.constant 2 : i32
      %broadcast_in_dim3A_771 = vector.broadcast %broadcast_in_dim3A_770 : i32 to vector<16xi32>
      %gather3A_772 = tpu.vector_load_idx %arg10[%broadcast_in_dim3A_771, %get3A_754] : memref<8x4096xf32, #tpu.memory_space<vmem>>[vector<16xi32>, vector<16xi32>], vector<16xf32>,
      %mul3A_773 = arith.constant 16 : i32
      %mul3A_774 = arith.muli %scan3A_710, %mul3A_773 : i32
      %swap3A_775 = arith.constant 2 : i32
      %swap3A_776 = arith.index_cast %swap3A_775 : i32 to index
      %swap3A_777 = arith.index_cast %mul3A_774 : i32 to index
      %swap3A_778 = tpu.vector_load %arg13[%swap3A_776, %swap3A_777] {strides = array<i32>} : memref<8x1024xf32, #tpu.memory_space<vmem>>, vector<16xf32>,
      tpu.vector_store %arg13[%swap3A_776, %swap3A_777], %gather3A_772 {strides = array<i32>} : memref<8x1024xf32, #tpu.memory_space<vmem>>, vector<16xf32>,
      %broadcast_in_dim3A_779 = arith.constant 3 : i32
      %broadcast_in_dim3A_780 = vector.broadcast %broadcast_in_dim3A_779 : i32 to vector<16xi32>
      %gather3A_781 = tpu.vector_load_idx %arg10[%broadcast_in_dim3A_780, %get3A_754] : memref<8x4096xf32, #tpu.memory_space<vmem>>[vector<16xi32>, vector<16xi32>], vector<16xf32>,
      %mul3A_782 = arith.constant 16 : i32
      %mul3A_783 = arith.muli %scan3A_710, %mul3A_782 : i32
      %swap3A_784 = arith.constant 3 : i32
      %swap3A_785 = arith.index_cast %swap3A_784 : i32 to index
      %swap3A_786 = arith.index_cast %mul3A_783 : i32 to index
      %swap3A_787 = tpu.vector_load %arg13[%swap3A_785, %swap3A_786] {strides = array<i32>} : memref<8x1024xf32, #tpu.memory_space<vmem>>, vector<16xf32>,
      tpu.vector_store %arg13[%swap3A_785, %swap3A_786], %gather3A_781 {strides = array<i32>} : memref<8x1024xf32, #tpu.memory_space<vmem>>, vector<16xf32>,
      %broadcast_in_dim3A_788 = arith.constant 4 : i32
      %broadcast_in_dim3A_789 = vector.broadcast %broadcast_in_dim3A_788 : i32 to vector<16xi32>
      %gather3A_790 = tpu.vector_load_idx %arg10[%broadcast_in_dim3A_789, %get3A_754] : memref<8x4096xf32, #tpu.memory_space<vmem>>[vector<16xi32>, vector<16xi32>], vector<16xf32>,
      %mul3A_791 = arith.constant 16 : i32
      %mul3A_792 = arith.muli %scan3A_710, %mul3A_791 : i32
      %swap3A_793 = arith.constant 4 : i32
      %swap3A_794 = arith.index_cast %swap3A_793 : i32 to index
      %swap3A_795 = arith.index_cast %mul3A_792 : i32 to index
      %swap3A_796 = tpu.vector_load %arg13[%swap3A_794, %swap3A_795] {strides = array<i32>} : memref<8x1024xf32, #tpu.memory_space<vmem>>, vector<16xf32>,
      tpu.vector_store %arg13[%swap3A_794, %swap3A_795], %gather3A_790 {strides = array<i32>} : memref<8x1024xf32, #tpu.memory_space<vmem>>, vector<16xf32>,
      %broadcast_in_dim3A_797 = arith.constant 5 : i32
      %broadcast_in_dim3A_798 = vector.broadcast %broadcast_in_dim3A_797 : i32 to vector<16xi32>
      %gather3A_799 = tpu.vector_load_idx %arg10[%broadcast_in_dim3A_798, %get3A_754] : memref<8x4096xf32, #tpu.memory_space<vmem>>[vector<16xi32>, vector<16xi32>], vector<16xf32>,
      %mul3A_800 = arith.constant 16 : i32
      %mul3A_801 = arith.muli %scan3A_710, %mul3A_800 : i32
      %swap3A_802 = arith.constant 5 : i32
      %swap3A_803 = arith.index_cast %swap3A_802 : i32 to index
      %swap3A_804 = arith.index_cast %mul3A_801 : i32 to index
      %swap3A_805 = tpu.vector_load %arg13[%swap3A_803, %swap3A_804] {strides = array<i32>} : memref<8x1024xf32, #tpu.memory_space<vmem>>, vector<16xf32>,
      tpu.vector_store %arg13[%swap3A_803, %swap3A_804], %gather3A_799 {strides = array<i32>} : memref<8x1024xf32, #tpu.memory_space<vmem>>, vector<16xf32>,
      %broadcast_in_dim3A_806 = arith.constant 6 : i32
      %broadcast_in_dim3A_807 = vector.broadcast %broadcast_in_dim3A_806 : i32 to vector<16xi32>
      %gather3A_808 = tpu.vector_load_idx %arg10[%broadcast_in_dim3A_807, %get3A_754] : memref<8x4096xf32, #tpu.memory_space<vmem>>[vector<16xi32>, vector<16xi32>], vector<16xf32>,
      %mul3A_809 = arith.constant 16 : i32
      %mul3A_810 = arith.muli %scan3A_710, %mul3A_809 : i32
      %swap3A_811 = arith.constant 6 : i32
      %swap3A_812 = arith.index_cast %swap3A_811 : i32 to index
      %swap3A_813 = arith.index_cast %mul3A_810 : i32 to index
      %swap3A_814 = tpu.vector_load %arg13[%swap3A_812, %swap3A_813] {strides = array<i32>} : memref<8x1024xf32, #tpu.memory_space<vmem>>, vector<16xf32>,
      tpu.vector_store %arg13[%swap3A_812, %swap3A_813], %gather3A_808 {strides = array<i32>} : memref<8x1024xf32, #tpu.memory_space<vmem>>, vector<16xf32>,
      %broadcast_in_dim3A_815 = arith.constant 7 : i32
      %broadcast_in_dim3A_816 = vector.broadcast %broadcast_in_dim3A_815 : i32 to vector<16xi32>
      %gather3A_817 = tpu.vector_load_idx %arg10[%broadcast_in_dim3A_816, %get3A_754] : memref<8x4096xf32, #tpu.memory_space<vmem>>[vector<16xi32>, vector<16xi32>], vector<16xf32>,
      %mul3A_818 = arith.constant 16 : i32
      %mul3A_819 = arith.muli %scan3A_710, %mul3A_818 : i32
      %swap3A_820 = arith.constant 7 : i32
      %swap3A_821 = arith.index_cast %swap3A_820 : i32 to index
      %swap3A_822 = arith.index_cast %mul3A_819 : i32 to index
      %swap3A_823 = tpu.vector_load %arg13[%swap3A_821, %swap3A_822] {strides = array<i32>} : memref<8x1024xf32, #tpu.memory_space<vmem>>, vector<16xf32>,
      tpu.vector_store %arg13[%swap3A_821, %swap3A_822], %gather3A_817 {strides = array<i32>} : memref<8x1024xf32, #tpu.memory_space<vmem>>, vector<16xf32>,
    }
    %scan3A_157 = arith.constant 64 : i32
    %mul3A_158 = arith.constant 8 : i32
    %mul3A_159 = arith.muli %add3A_144, %mul3A_158 : i32
    %dma_start3A_160 = arith.constant 0 : i32
    %dma_start3A_161 = tpu.memref_slice %arg6[%select_n3A, %mul3A_159, %dma_start3A_160] : memref<16x192x1024xf32, #tpu.memory_space<hbm>> -> memref<1x8x1024xf32, #tpu.memory_space<hbm>>
    %dma_start3A_162 = tpu.memref_squeeze %dma_start3A_161 : memref<1x8x1024xf32, #tpu.memory_space<hbm>> -> memref<8x1024xf32, #tpu.memory_space<hbm>>
    %dma_start3A_163 = arith.constant 0 : i32
    %dma_start3A_164 = tpu.memref_slice %arg6[%select_n3A, %mul3A_159, %dma_start3A_163] : memref<16x192x1024xf32, #tpu.memory_space<hbm>> -> memref<1x8x1024xf32, #tpu.memory_space<hbm>>
    %dma_start3A_165 = tpu.memref_squeeze %dma_start3A_164 : memref<1x8x1024xf32, #tpu.memory_space<hbm>> -> memref<8x1024xf32, #tpu.memory_space<hbm>>
    tpu.enqueue_dma source(%arg13 : memref<8x1024xf32, #tpu.memory_space<vmem>>) target(%dma_start3A_165 : memref<8x1024xf32, #tpu.memory_space<hbm>>) target_semaphore(%arg19 : memref<!tpu.dma_semaphore, #tpu.memory_space<semaphore_mem>>)
    %add3A_166 = arith.constant 3 : i32
    %add3A_167 = arith.addi %add3A_144, %add3A_166 : i32
    %mul3A_168 = arith.constant 8 : i32
    %mul3A_169 = arith.muli %add3A_167, %mul3A_168 : i32
    %dma_start3A_170 = arith.constant 0 : i32
    %dma_start3A_171 = tpu.memref_slice %arg2[%select_n3A, %mul3A_169, %dma_start3A_170] : memref<16x192x4096xf32, #tpu.memory_space<hbm>> -> memref<1x8x4096xf32, #tpu.memory_space<hbm>>
    %dma_start3A_172 = tpu.memref_squeeze %dma_start3A_171 : memref<1x8x4096xf32, #tpu.memory_space<hbm>> -> memref<8x4096xf32, #tpu.memory_space<hbm>>
    %dma_start3A_173 = arith.constant 0 : i32
    %dma_start3A_174 = tpu.memref_slice %arg2[%select_n3A, %mul3A_169, %dma_start3A_173] : memref<16x192x4096xf32, #tpu.memory_space<hbm>> -> memref<1x8x4096xf32, #tpu.memory_space<hbm>>
    %dma_start3A_175 = tpu.memref_squeeze %dma_start3A_174 : memref<1x8x4096xf32, #tpu.memory_space<hbm>> -> memref<8x4096xf32, #tpu.memory_space<hbm>>
    tpu.enqueue_dma source(%dma_start3A_175 : memref<8x4096xf32, #tpu.memory_space<hbm>>) target(%arg10 : memref<8x4096xf32, #tpu.memory_space<vmem>>) target_semaphore(%arg16 : memref<!tpu.dma_semaphore, #tpu.memory_space<semaphore_mem>>)
    %add3A_176 = arith.constant 1 : i32
    %add3A_177 = arith.addi %mul3A_32, %add3A_176 : i32
    %mul3A_178 = arith.constant 8 : i32
    %mul3A_179 = arith.muli %add3A_177, %mul3A_178 : i32
    %dma_wait3A_180 = arith.constant 0 : i32
    %dma_wait3A_181 = tpu.memref_slice %arg2[%select_n3A, %mul3A_179, %dma_wait3A_180] : memref<16x192x4096xf32, #tpu.memory_space<hbm>> -> memref<1x8x4096xf32, #tpu.memory_space<hbm>>
    %dma_wait3A_182 = tpu.memref_squeeze %dma_wait3A_181 : memref<1x8x4096xf32, #tpu.memory_space<hbm>> -> memref<8x4096xf32, #tpu.memory_space<hbm>>
    %dma_wait3A_183 = arith.constant 0 : i32
    %dma_wait3A_184 = tpu.memref_slice %arg2[%select_n3A, %mul3A_179, %dma_wait3A_183] : memref<16x192x4096xf32, #tpu.memory_space<hbm>> -> memref<1x8x4096xf32, #tpu.memory_space<hbm>>
    %dma_wait3A_185 = tpu.memref_squeeze %dma_wait3A_184 : memref<1x8x4096xf32, #tpu.memory_space<hbm>> -> memref<8x4096xf32, #tpu.memory_space<hbm>>
    tpu.wait_dma2 semaphore(%arg17 : memref<!tpu.dma_semaphore, #tpu.memory_space<semaphore_mem>>) src(%dma_wait3A_185 : memref<8x4096xf32, #tpu.memory_space<hbm>>) dst(%arg11 : memref<8x4096xf32, #tpu.memory_space<vmem>>)
    %scan3A_186 = arith.constant 0 : i32
    %scan3A_187 = arith.constant 0 : i32
    %scan3A_188 = arith.constant 64 : i32
    %scan3A_189 = arith.addi %scan3A_187, %scan3A_188 : i32
    %scan3A_190 = arith.constant 1 : i32
    scf.for %scan3A_710 = %scan3A_187 to %scan3A_189 step %scan3A_190  : i32 {
      %jit3A_711 = arith.constant 8 : i32
      %div3A_712 = arith.divsi %scan3A_710, %jit3A_711 : i32
      %sign3A_713 = arith.constant 0 : i32
      %sign3A_714 = arith.cmpi sgt, %scan3A_710, %sign3A_713 : i32
      %sign3A_715 = arith.extui %sign3A_714 : i1 to i32
      %sign3A_716 = arith.constant 0 : i32
      %sign3A_717 = arith.cmpi slt, %scan3A_710, %sign3A_716 : i32
      %sign3A_718 = arith.extui %sign3A_717 : i1 to i32
      %sign3A_719 = arith.subi %sign3A_715, %sign3A_718 : i32
      %sign3A_720 = arith.constant 0 : i32
      %sign3A_721 = arith.cmpi sgt, %jit3A_711, %sign3A_720 : i32
      %sign3A_722 = arith.extui %sign3A_721 : i1 to i32
      %sign3A_723 = arith.constant 0 : i32
      %sign3A_724 = arith.cmpi slt, %jit3A_711, %sign3A_723 : i32
      %sign3A_725 = arith.extui %sign3A_724 : i1 to i32
      %sign3A_726 = arith.subi %sign3A_722, %sign3A_725 : i32
      %ne3A_727 = arith.cmpi ne, %sign3A_719, %sign3A_726 : i32
      %rem3A_728 = arith.remsi %scan3A_710, %jit3A_711 : i32
      %ne3A_729 = arith.constant 0 : i32
      %ne3A_730 = arith.cmpi ne, %rem3A_728, %ne3A_729 : i32
      %and3A_731 = arith.andi %ne3A_727, %ne3A_730 : i1
      %sub3A_732 = arith.constant 1 : i32
      %sub3A_733 = arith.subi %div3A_712, %sub3A_732 : i32
      %select_n3A_734 = arith.select %and3A_731, %sub3A_733, %div3A_712 : i32
      %jit3A_735 = arith.constant 8 : i32
      %eq3A_736 = arith.constant 0 : i32
      %eq3A_737 = arith.cmpi eq, %jit3A_735, %eq3A_736 : i32
      %jit3A_738 = arith.constant 1 : i32
      %select_n3A_739 = arith.select %eq3A_737, %jit3A_738, %jit3A_735 : i32
      %rem3A_740 = arith.remsi %scan3A_710, %select_n3A_739 : i32
      %ne3A_741 = arith.constant 0 : i32
      %ne3A_742 = arith.cmpi ne, %rem3A_740, %ne3A_741 : i32
      %lt3A_743 = arith.constant 0 : i32
      %lt3A_744 = arith.cmpi slt, %rem3A_740, %lt3A_743 : i32
      %lt3A_745 = arith.constant 0 : i32
      %lt3A_746 = arith.cmpi slt, %select_n3A_739, %lt3A_745 : i32
      %ne3A_747 = arith.xori %lt3A_744, %lt3A_746 : i1
      %and3A_748 = arith.andi %ne3A_747, %ne3A_742 : i1
      %add3A_749 = arith.addi %rem3A_740, %select_n3A_739 : i32
      %select_n3A_750 = arith.select %and3A_748, %add3A_749, %rem3A_740 : i32
      %mul3A_751 = arith.constant 16 : i32
      %mul3A_752 = arith.muli %select_n3A_750, %mul3A_751 : i32
      %get3A = arith.index_cast %select_n3A_734 : i32 to index
      %get3A_753 = arith.index_cast %mul3A_752 : i32 to index
      %get3A_754 = tpu.vector_load %arg9[%get3A, %get3A_753] {strides = array<i32>} : memref<8x128xi32, #tpu.memory_space<vmem>>, vector<16xi32>,
      %broadcast_in_dim3A = arith.constant 0 : i32
      %broadcast_in_dim3A_755 = vector.broadcast %broadcast_in_dim3A : i32 to vector<16xi32>
      %gather3A = tpu.vector_load_idx %arg11[%broadcast_in_dim3A_755, %get3A_754] : memref<8x4096xf32, #tpu.memory_space<vmem>>[vector<16xi32>, vector<16xi32>], vector<16xf32>,
      %mul3A_756 = arith.constant 16 : i32
      %mul3A_757 = arith.muli %scan3A_710, %mul3A_756 : i32
      %swap3A = arith.constant 0 : i32
      %swap3A_758 = arith.index_cast %swap3A : i32 to index
      %swap3A_759 = arith.index_cast %mul3A_757 : i32 to index
      %swap3A_760 = tpu.vector_load %arg14[%swap3A_758, %swap3A_759] {strides = array<i32>} : memref<8x1024xf32, #tpu.memory_space<vmem>>, vector<16xf32>,
      tpu.vector_store %arg14[%swap3A_758, %swap3A_759], %gather3A {strides = array<i32>} : memref<8x1024xf32, #tpu.memory_space<vmem>>, vector<16xf32>,
      %broadcast_in_dim3A_761 = arith.constant 1 : i32
      %broadcast_in_dim3A_762 = vector.broadcast %broadcast_in_dim3A_761 : i32 to vector<16xi32>
      %gather3A_763 = tpu.vector_load_idx %arg11[%broadcast_in_dim3A_762, %get3A_754] : memref<8x4096xf32, #tpu.memory_space<vmem>>[vector<16xi32>, vector<16xi32>], vector<16xf32>,
      %mul3A_764 = arith.constant 16 : i32
      %mul3A_765 = arith.muli %scan3A_710, %mul3A_764 : i32
      %swap3A_766 = arith.constant 1 : i32
      %swap3A_767 = arith.index_cast %swap3A_766 : i32 to index
      %swap3A_768 = arith.index_cast %mul3A_765 : i32 to index
      %swap3A_769 = tpu.vector_load %arg14[%swap3A_767, %swap3A_768] {strides = array<i32>} : memref<8x1024xf32, #tpu.memory_space<vmem>>, vector<16xf32>,
      tpu.vector_store %arg14[%swap3A_767, %swap3A_768], %gather3A_763 {strides = array<i32>} : memref<8x1024xf32, #tpu.memory_space<vmem>>, vector<16xf32>,
      %broadcast_in_dim3A_770 = arith.constant 2 : i32
      %broadcast_in_dim3A_771 = vector.broadcast %broadcast_in_dim3A_770 : i32 to vector<16xi32>
      %gather3A_772 = tpu.vector_load_idx %arg11[%broadcast_in_dim3A_771, %get3A_754] : memref<8x4096xf32, #tpu.memory_space<vmem>>[vector<16xi32>, vector<16xi32>], vector<16xf32>,
      %mul3A_773 = arith.constant 16 : i32
      %mul3A_774 = arith.muli %scan3A_710, %mul3A_773 : i32
      %swap3A_775 = arith.constant 2 : i32
      %swap3A_776 = arith.index_cast %swap3A_775 : i32 to index
      %swap3A_777 = arith.index_cast %mul3A_774 : i32 to index
      %swap3A_778 = tpu.vector_load %arg14[%swap3A_776, %swap3A_777] {strides = array<i32>} : memref<8x1024xf32, #tpu.memory_space<vmem>>, vector<16xf32>,
      tpu.vector_store %arg14[%swap3A_776, %swap3A_777], %gather3A_772 {strides = array<i32>} : memref<8x1024xf32, #tpu.memory_space<vmem>>, vector<16xf32>,
      %broadcast_in_dim3A_779 = arith.constant 3 : i32
      %broadcast_in_dim3A_780 = vector.broadcast %broadcast_in_dim3A_779 : i32 to vector<16xi32>
      %gather3A_781 = tpu.vector_load_idx %arg11[%broadcast_in_dim3A_780, %get3A_754] : memref<8x4096xf32, #tpu.memory_space<vmem>>[vector<16xi32>, vector<16xi32>], vector<16xf32>,
      %mul3A_782 = arith.constant 16 : i32
      %mul3A_783 = arith.muli %scan3A_710, %mul3A_782 : i32
      %swap3A_784 = arith.constant 3 : i32
      %swap3A_785 = arith.index_cast %swap3A_784 : i32 to index
      %swap3A_786 = arith.index_cast %mul3A_783 : i32 to index
      %swap3A_787 = tpu.vector_load %arg14[%swap3A_785, %swap3A_786] {strides = array<i32>} : memref<8x1024xf32, #tpu.memory_space<vmem>>, vector<16xf32>,
      tpu.vector_store %arg14[%swap3A_785, %swap3A_786], %gather3A_781 {strides = array<i32>} : memref<8x1024xf32, #tpu.memory_space<vmem>>, vector<16xf32>,
      %broadcast_in_dim3A_788 = arith.constant 4 : i32
      %broadcast_in_dim3A_789 = vector.broadcast %broadcast_in_dim3A_788 : i32 to vector<16xi32>
      %gather3A_790 = tpu.vector_load_idx %arg11[%broadcast_in_dim3A_789, %get3A_754] : memref<8x4096xf32, #tpu.memory_space<vmem>>[vector<16xi32>, vector<16xi32>], vector<16xf32>,
      %mul3A_791 = arith.constant 16 : i32
      %mul3A_792 = arith.muli %scan3A_710, %mul3A_791 : i32
      %swap3A_793 = arith.constant 4 : i32
      %swap3A_794 = arith.index_cast %swap3A_793 : i32 to index
      %swap3A_795 = arith.index_cast %mul3A_792 : i32 to index
      %swap3A_796 = tpu.vector_load %arg14[%swap3A_794, %swap3A_795] {strides = array<i32>} : memref<8x1024xf32, #tpu.memory_space<vmem>>, vector<16xf32>,
      tpu.vector_store %arg14[%swap3A_794, %swap3A_795], %gather3A_790 {strides = array<i32>} : memref<8x1024xf32, #tpu.memory_space<vmem>>, vector<16xf32>,
      %broadcast_in_dim3A_797 = arith.constant 5 : i32
      %broadcast_in_dim3A_798 = vector.broadcast %broadcast_in_dim3A_797 : i32 to vector<16xi32>
      %gather3A_799 = tpu.vector_load_idx %arg11[%broadcast_in_dim3A_798, %get3A_754] : memref<8x4096xf32, #tpu.memory_space<vmem>>[vector<16xi32>, vector<16xi32>], vector<16xf32>,
      %mul3A_800 = arith.constant 16 : i32
      %mul3A_801 = arith.muli %scan3A_710, %mul3A_800 : i32
      %swap3A_802 = arith.constant 5 : i32
      %swap3A_803 = arith.index_cast %swap3A_802 : i32 to index
      %swap3A_804 = arith.index_cast %mul3A_801 : i32 to index
      %swap3A_805 = tpu.vector_load %arg14[%swap3A_803, %swap3A_804] {strides = array<i32>} : memref<8x1024xf32, #tpu.memory_space<vmem>>, vector<16xf32>,
      tpu.vector_store %arg14[%swap3A_803, %swap3A_804], %gather3A_799 {strides = array<i32>} : memref<8x1024xf32, #tpu.memory_space<vmem>>, vector<16xf32>,
      %broadcast_in_dim3A_806 = arith.constant 6 : i32
      %broadcast_in_dim3A_807 = vector.broadcast %broadcast_in_dim3A_806 : i32 to vector<16xi32>
      %gather3A_808 = tpu.vector_load_idx %arg11[%broadcast_in_dim3A_807, %get3A_754] : memref<8x4096xf32, #tpu.memory_space<vmem>>[vector<16xi32>, vector<16xi32>], vector<16xf32>,
      %mul3A_809 = arith.constant 16 : i32
      %mul3A_810 = arith.muli %scan3A_710, %mul3A_809 : i32
      %swap3A_811 = arith.constant 6 : i32
      %swap3A_812 = arith.index_cast %swap3A_811 : i32 to index
      %swap3A_813 = arith.index_cast %mul3A_810 : i32 to index
      %swap3A_814 = tpu.vector_load %arg14[%swap3A_812, %swap3A_813] {strides = array<i32>} : memref<8x1024xf32, #tpu.memory_space<vmem>>, vector<16xf32>,
      tpu.vector_store %arg14[%swap3A_812, %swap3A_813], %gather3A_808 {strides = array<i32>} : memref<8x1024xf32, #tpu.memory_space<vmem>>, vector<16xf32>,
      %broadcast_in_dim3A_815 = arith.constant 7 : i32
      %broadcast_in_dim3A_816 = vector.broadcast %broadcast_in_dim3A_815 : i32 to vector<16xi32>
      %gather3A_817 = tpu.vector_load_idx %arg11[%broadcast_in_dim3A_816, %get3A_754] : memref<8x4096xf32, #tpu.memory_space<vmem>>[vector<16xi32>, vector<16xi32>], vector<16xf32>,
      %mul3A_818 = arith.constant 16 : i32
      %mul3A_819 = arith.muli %scan3A_710, %mul3A_818 : i32
      %swap3A_820 = arith.constant 7 : i32
      %swap3A_821 = arith.index_cast %swap3A_820 : i32 to index
      %swap3A_822 = arith.index_cast %mul3A_819 : i32 to index
      %swap3A_823 = tpu.vector_load %arg14[%swap3A_821, %swap3A_822] {strides = array<i32>} : memref<8x1024xf32, #tpu.memory_space<vmem>>, vector<16xf32>,
      tpu.vector_store %arg14[%swap3A_821, %swap3A_822], %gather3A_817 {strides = array<i32>} : memref<8x1024xf32, #tpu.memory_space<vmem>>, vector<16xf32>,
    }
    %scan3A_191 = arith.constant 64 : i32
    %mul3A_192 = arith.constant 8 : i32
    %mul3A_193 = arith.muli %add3A_177, %mul3A_192 : i32
    %dma_start3A_194 = arith.constant 0 : i32
    %dma_start3A_195 = tpu.memref_slice %arg6[%select_n3A, %mul3A_193, %dma_start3A_194] : memref<16x192x1024xf32, #tpu.memory_space<hbm>> -> memref<1x8x1024xf32, #tpu.memory_space<hbm>>
    %dma_start3A_196 = tpu.memref_squeeze %dma_start3A_195 : memref<1x8x1024xf32, #tpu.memory_space<hbm>> -> memref<8x1024xf32, #tpu.memory_space<hbm>>
    %dma_start3A_197 = arith.constant 0 : i32
    %dma_start3A_198 = tpu.memref_slice %arg6[%select_n3A, %mul3A_193, %dma_start3A_197] : memref<16x192x1024xf32, #tpu.memory_space<hbm>> -> memref<1x8x1024xf32, #tpu.memory_space<hbm>>
    %dma_start3A_199 = tpu.memref_squeeze %dma_start3A_198 : memref<1x8x1024xf32, #tpu.memory_space<hbm>> -> memref<8x1024xf32, #tpu.memory_space<hbm>>
    tpu.enqueue_dma source(%arg14 : memref<8x1024xf32, #tpu.memory_space<vmem>>) target(%dma_start3A_199 : memref<8x1024xf32, #tpu.memory_space<hbm>>) target_semaphore(%arg20 : memref<!tpu.dma_semaphore, #tpu.memory_space<semaphore_mem>>)
    %add3A_200 = arith.constant 3 : i32
    %add3A_201 = arith.addi %add3A_177, %add3A_200 : i32
    %mul3A_202 = arith.constant 8 : i32
    %mul3A_203 = arith.muli %add3A_201, %mul3A_202 : i32
    %dma_start3A_204 = arith.constant 0 : i32
    %dma_start3A_205 = tpu.memref_slice %arg2[%select_n3A, %mul3A_203, %dma_start3A_204] : memref<16x192x4096xf32, #tpu.memory_space<hbm>> -> memref<1x8x4096xf32, #tpu.memory_space<hbm>>
    %dma_start3A_206 = tpu.memref_squeeze %dma_start3A_205 : memref<1x8x4096xf32, #tpu.memory_space<hbm>> -> memref<8x4096xf32, #tpu.memory_space<hbm>>
    %dma_start3A_207 = arith.constant 0 : i32
    %dma_start3A_208 = tpu.memref_slice %arg2[%select_n3A, %mul3A_203, %dma_start3A_207] : memref<16x192x4096xf32, #tpu.memory_space<hbm>> -> memref<1x8x4096xf32, #tpu.memory_space<hbm>>
    %dma_start3A_209 = tpu.memref_squeeze %dma_start3A_208 : memref<1x8x4096xf32, #tpu.memory_space<hbm>> -> memref<8x4096xf32, #tpu.memory_space<hbm>>
    tpu.enqueue_dma source(%dma_start3A_209 : memref<8x4096xf32, #tpu.memory_space<hbm>>) target(%arg11 : memref<8x4096xf32, #tpu.memory_space<vmem>>) target_semaphore(%arg17 : memref<!tpu.dma_semaphore, #tpu.memory_space<semaphore_mem>>)
    %add3A_210 = arith.constant 2 : i32
    %add3A_211 = arith.addi %mul3A_32, %add3A_210 : i32
    %mul3A_212 = arith.constant 8 : i32
    %mul3A_213 = arith.muli %add3A_211, %mul3A_212 : i32
    %dma_wait3A_214 = arith.constant 0 : i32
    %dma_wait3A_215 = tpu.memref_slice %arg2[%select_n3A, %mul3A_213, %dma_wait3A_214] : memref<16x192x4096xf32, #tpu.memory_space<hbm>> -> memref<1x8x4096xf32, #tpu.memory_space<hbm>>
    %dma_wait3A_216 = tpu.memref_squeeze %dma_wait3A_215 : memref<1x8x4096xf32, #tpu.memory_space<hbm>> -> memref<8x4096xf32, #tpu.memory_space<hbm>>
    %dma_wait3A_217 = arith.constant 0 : i32
    %dma_wait3A_218 = tpu.memref_slice %arg2[%select_n3A, %mul3A_213, %dma_wait3A_217] : memref<16x192x4096xf32, #tpu.memory_space<hbm>> -> memref<1x8x4096xf32, #tpu.memory_space<hbm>>
    %dma_wait3A_219 = tpu.memref_squeeze %dma_wait3A_218 : memref<1x8x4096xf32, #tpu.memory_space<hbm>> -> memref<8x4096xf32, #tpu.memory_space<hbm>>
    tpu.wait_dma2 semaphore(%arg18 : memref<!tpu.dma_semaphore, #tpu.memory_space<semaphore_mem>>) src(%dma_wait3A_219 : memref<8x4096xf32, #tpu.memory_space<hbm>>) dst(%arg12 : memref<8x4096xf32, #tpu.memory_space<vmem>>)
    %sub3A_220 = arith.constant 2 : i32
    %sub3A_221 = arith.subi %add3A_211, %sub3A_220 : i32
    %mul3A_222 = arith.constant 8 : i32
    %mul3A_223 = arith.muli %sub3A_221, %mul3A_222 : i32
    %dma_wait3A_224 = arith.constant 0 : i32
    %dma_wait3A_225 = tpu.memref_slice %arg6[%select_n3A, %mul3A_223, %dma_wait3A_224] : memref<16x192x1024xf32, #tpu.memory_space<hbm>> -> memref<1x8x1024xf32, #tpu.memory_space<hbm>>
    %dma_wait3A_226 = tpu.memref_squeeze %dma_wait3A_225 : memref<1x8x1024xf32, #tpu.memory_space<hbm>> -> memref<8x1024xf32, #tpu.memory_space<hbm>>
    %dma_wait3A_227 = arith.constant 0 : i32
    %dma_wait3A_228 = tpu.memref_slice %arg6[%select_n3A, %mul3A_223, %dma_wait3A_227] : memref<16x192x1024xf32, #tpu.memory_space<hbm>> -> memref<1x8x1024xf32, #tpu.memory_space<hbm>>
    %dma_wait3A_229 = tpu.memref_squeeze %dma_wait3A_228 : memref<1x8x1024xf32, #tpu.memory_space<hbm>> -> memref<8x1024xf32, #tpu.memory_space<hbm>>
    tpu.wait_dma2 semaphore(%arg19 : memref<!tpu.dma_semaphore, #tpu.memory_space<semaphore_mem>>) src(%arg13 : memref<8x1024xf32, #tpu.memory_space<vmem>>) dst(%dma_wait3A_229 : memref<8x1024xf32, #tpu.memory_space<hbm>>)
    %scan3A_230 = arith.constant 0 : i32
    %scan3A_231 = arith.constant 0 : i32
    %scan3A_232 = arith.constant 64 : i32
    %scan3A_233 = arith.addi %scan3A_231, %scan3A_232 : i32
    %scan3A_234 = arith.constant 1 : i32
    scf.for %scan3A_710 = %scan3A_231 to %scan3A_233 step %scan3A_234  : i32 {
      %jit3A_711 = arith.constant 8 : i32
      %div3A_712 = arith.divsi %scan3A_710, %jit3A_711 : i32
      %sign3A_713 = arith.constant 0 : i32
      %sign3A_714 = arith.cmpi sgt, %scan3A_710, %sign3A_713 : i32
      %sign3A_715 = arith.extui %sign3A_714 : i1 to i32
      %sign3A_716 = arith.constant 0 : i32
      %sign3A_717 = arith.cmpi slt, %scan3A_710, %sign3A_716 : i32
      %sign3A_718 = arith.extui %sign3A_717 : i1 to i32
      %sign3A_719 = arith.subi %sign3A_715, %sign3A_718 : i32
      %sign3A_720 = arith.constant 0 : i32
      %sign3A_721 = arith.cmpi sgt, %jit3A_711, %sign3A_720 : i32
      %sign3A_722 = arith.extui %sign3A_721 : i1 to i32
      %sign3A_723 = arith.constant 0 : i32
      %sign3A_724 = arith.cmpi slt, %jit3A_711, %sign3A_723 : i32
      %sign3A_725 = arith.extui %sign3A_724 : i1 to i32
      %sign3A_726 = arith.subi %sign3A_722, %sign3A_725 : i32
      %ne3A_727 = arith.cmpi ne, %sign3A_719, %sign3A_726 : i32
      %rem3A_728 = arith.remsi %scan3A_710, %jit3A_711 : i32
      %ne3A_729 = arith.constant 0 : i32
      %ne3A_730 = arith.cmpi ne, %rem3A_728, %ne3A_729 : i32
      %and3A_731 = arith.andi %ne3A_727, %ne3A_730 : i1
      %sub3A_732 = arith.constant 1 : i32
      %sub3A_733 = arith.subi %div3A_712, %sub3A_732 : i32
      %select_n3A_734 = arith.select %and3A_731, %sub3A_733, %div3A_712 : i32
      %jit3A_735 = arith.constant 8 : i32
      %eq3A_736 = arith.constant 0 : i32
      %eq3A_737 = arith.cmpi eq, %jit3A_735, %eq3A_736 : i32
      %jit3A_738 = arith.constant 1 : i32
      %select_n3A_739 = arith.select %eq3A_737, %jit3A_738, %jit3A_735 : i32
      %rem3A_740 = arith.remsi %scan3A_710, %select_n3A_739 : i32
      %ne3A_741 = arith.constant 0 : i32
      %ne3A_742 = arith.cmpi ne, %rem3A_740, %ne3A_741 : i32
      %lt3A_743 = arith.constant 0 : i32
      %lt3A_744 = arith.cmpi slt, %rem3A_740, %lt3A_743 : i32
      %lt3A_745 = arith.constant 0 : i32
      %lt3A_746 = arith.cmpi slt, %select_n3A_739, %lt3A_745 : i32
      %ne3A_747 = arith.xori %lt3A_744, %lt3A_746 : i1
      %and3A_748 = arith.andi %ne3A_747, %ne3A_742 : i1
      %add3A_749 = arith.addi %rem3A_740, %select_n3A_739 : i32
      %select_n3A_750 = arith.select %and3A_748, %add3A_749, %rem3A_740 : i32
      %mul3A_751 = arith.constant 16 : i32
      %mul3A_752 = arith.muli %select_n3A_750, %mul3A_751 : i32
      %get3A = arith.index_cast %select_n3A_734 : i32 to index
      %get3A_753 = arith.index_cast %mul3A_752 : i32 to index
      %get3A_754 = tpu.vector_load %arg9[%get3A, %get3A_753] {strides = array<i32>} : memref<8x128xi32, #tpu.memory_space<vmem>>, vector<16xi32>,
      %broadcast_in_dim3A = arith.constant 0 : i32
      %broadcast_in_dim3A_755 = vector.broadcast %broadcast_in_dim3A : i32 to vector<16xi32>
      %gather3A = tpu.vector_load_idx %arg12[%broadcast_in_dim3A_755, %get3A_754] : memref<8x4096xf32, #tpu.memory_space<vmem>>[vector<16xi32>, vector<16xi32>], vector<16xf32>,
      %mul3A_756 = arith.constant 16 : i32
      %mul3A_757 = arith.muli %scan3A_710, %mul3A_756 : i32
      %swap3A = arith.constant 0 : i32
      %swap3A_758 = arith.index_cast %swap3A : i32 to index
      %swap3A_759 = arith.index_cast %mul3A_757 : i32 to index
      %swap3A_760 = tpu.vector_load %arg13[%swap3A_758, %swap3A_759] {strides = array<i32>} : memref<8x1024xf32, #tpu.memory_space<vmem>>, vector<16xf32>,
      tpu.vector_store %arg13[%swap3A_758, %swap3A_759], %gather3A {strides = array<i32>} : memref<8x1024xf32, #tpu.memory_space<vmem>>, vector<16xf32>,
      %broadcast_in_dim3A_761 = arith.constant 1 : i32
      %broadcast_in_dim3A_762 = vector.broadcast %broadcast_in_dim3A_761 : i32 to vector<16xi32>
      %gather3A_763 = tpu.vector_load_idx %arg12[%broadcast_in_dim3A_762, %get3A_754] : memref<8x4096xf32, #tpu.memory_space<vmem>>[vector<16xi32>, vector<16xi32>], vector<16xf32>,
      %mul3A_764 = arith.constant 16 : i32
      %mul3A_765 = arith.muli %scan3A_710, %mul3A_764 : i32
      %swap3A_766 = arith.constant 1 : i32
      %swap3A_767 = arith.index_cast %swap3A_766 : i32 to index
      %swap3A_768 = arith.index_cast %mul3A_765 : i32 to index
      %swap3A_769 = tpu.vector_load %arg13[%swap3A_767, %swap3A_768] {strides = array<i32>} : memref<8x1024xf32, #tpu.memory_space<vmem>>, vector<16xf32>,
      tpu.vector_store %arg13[%swap3A_767, %swap3A_768], %gather3A_763 {strides = array<i32>} : memref<8x1024xf32, #tpu.memory_space<vmem>>, vector<16xf32>,
      %broadcast_in_dim3A_770 = arith.constant 2 : i32
      %broadcast_in_dim3A_771 = vector.broadcast %broadcast_in_dim3A_770 : i32 to vector<16xi32>
      %gather3A_772 = tpu.vector_load_idx %arg12[%broadcast_in_dim3A_771, %get3A_754] : memref<8x4096xf32, #tpu.memory_space<vmem>>[vector<16xi32>, vector<16xi32>], vector<16xf32>,
      %mul3A_773 = arith.constant 16 : i32
      %mul3A_774 = arith.muli %scan3A_710, %mul3A_773 : i32
      %swap3A_775 = arith.constant 2 : i32
      %swap3A_776 = arith.index_cast %swap3A_775 : i32 to index
      %swap3A_777 = arith.index_cast %mul3A_774 : i32 to index
      %swap3A_778 = tpu.vector_load %arg13[%swap3A_776, %swap3A_777] {strides = array<i32>} : memref<8x1024xf32, #tpu.memory_space<vmem>>, vector<16xf32>,
      tpu.vector_store %arg13[%swap3A_776, %swap3A_777], %gather3A_772 {strides = array<i32>} : memref<8x1024xf32, #tpu.memory_space<vmem>>, vector<16xf32>,
      %broadcast_in_dim3A_779 = arith.constant 3 : i32
      %broadcast_in_dim3A_780 = vector.broadcast %broadcast_in_dim3A_779 : i32 to vector<16xi32>
      %gather3A_781 = tpu.vector_load_idx %arg12[%broadcast_in_dim3A_780, %get3A_754] : memref<8x4096xf32, #tpu.memory_space<vmem>>[vector<16xi32>, vector<16xi32>], vector<16xf32>,
      %mul3A_782 = arith.constant 16 : i32
      %mul3A_783 = arith.muli %scan3A_710, %mul3A_782 : i32
      %swap3A_784 = arith.constant 3 : i32
      %swap3A_785 = arith.index_cast %swap3A_784 : i32 to index
      %swap3A_786 = arith.index_cast %mul3A_783 : i32 to index
      %swap3A_787 = tpu.vector_load %arg13[%swap3A_785, %swap3A_786] {strides = array<i32>} : memref<8x1024xf32, #tpu.memory_space<vmem>>, vector<16xf32>,
      tpu.vector_store %arg13[%swap3A_785, %swap3A_786], %gather3A_781 {strides = array<i32>} : memref<8x1024xf32, #tpu.memory_space<vmem>>, vector<16xf32>,
      %broadcast_in_dim3A_788 = arith.constant 4 : i32
      %broadcast_in_dim3A_789 = vector.broadcast %broadcast_in_dim3A_788 : i32 to vector<16xi32>
      %gather3A_790 = tpu.vector_load_idx %arg12[%broadcast_in_dim3A_789, %get3A_754] : memref<8x4096xf32, #tpu.memory_space<vmem>>[vector<16xi32>, vector<16xi32>], vector<16xf32>,
      %mul3A_791 = arith.constant 16 : i32
      %mul3A_792 = arith.muli %scan3A_710, %mul3A_791 : i32
      %swap3A_793 = arith.constant 4 : i32
      %swap3A_794 = arith.index_cast %swap3A_793 : i32 to index
      %swap3A_795 = arith.index_cast %mul3A_792 : i32 to index
      %swap3A_796 = tpu.vector_load %arg13[%swap3A_794, %swap3A_795] {strides = array<i32>} : memref<8x1024xf32, #tpu.memory_space<vmem>>, vector<16xf32>,
      tpu.vector_store %arg13[%swap3A_794, %swap3A_795], %gather3A_790 {strides = array<i32>} : memref<8x1024xf32, #tpu.memory_space<vmem>>, vector<16xf32>,
      %broadcast_in_dim3A_797 = arith.constant 5 : i32
      %broadcast_in_dim3A_798 = vector.broadcast %broadcast_in_dim3A_797 : i32 to vector<16xi32>
      %gather3A_799 = tpu.vector_load_idx %arg12[%broadcast_in_dim3A_798, %get3A_754] : memref<8x4096xf32, #tpu.memory_space<vmem>>[vector<16xi32>, vector<16xi32>], vector<16xf32>,
      %mul3A_800 = arith.constant 16 : i32
      %mul3A_801 = arith.muli %scan3A_710, %mul3A_800 : i32
      %swap3A_802 = arith.constant 5 : i32
      %swap3A_803 = arith.index_cast %swap3A_802 : i32 to index
      %swap3A_804 = arith.index_cast %mul3A_801 : i32 to index
      %swap3A_805 = tpu.vector_load %arg13[%swap3A_803, %swap3A_804] {strides = array<i32>} : memref<8x1024xf32, #tpu.memory_space<vmem>>, vector<16xf32>,
      tpu.vector_store %arg13[%swap3A_803, %swap3A_804], %gather3A_799 {strides = array<i32>} : memref<8x1024xf32, #tpu.memory_space<vmem>>, vector<16xf32>,
      %broadcast_in_dim3A_806 = arith.constant 6 : i32
      %broadcast_in_dim3A_807 = vector.broadcast %broadcast_in_dim3A_806 : i32 to vector<16xi32>
      %gather3A_808 = tpu.vector_load_idx %arg12[%broadcast_in_dim3A_807, %get3A_754] : memref<8x4096xf32, #tpu.memory_space<vmem>>[vector<16xi32>, vector<16xi32>], vector<16xf32>,
      %mul3A_809 = arith.constant 16 : i32
      %mul3A_810 = arith.muli %scan3A_710, %mul3A_809 : i32
      %swap3A_811 = arith.constant 6 : i32
      %swap3A_812 = arith.index_cast %swap3A_811 : i32 to index
      %swap3A_813 = arith.index_cast %mul3A_810 : i32 to index
      %swap3A_814 = tpu.vector_load %arg13[%swap3A_812, %swap3A_813] {strides = array<i32>} : memref<8x1024xf32, #tpu.memory_space<vmem>>, vector<16xf32>,
      tpu.vector_store %arg13[%swap3A_812, %swap3A_813], %gather3A_808 {strides = array<i32>} : memref<8x1024xf32, #tpu.memory_space<vmem>>, vector<16xf32>,
      %broadcast_in_dim3A_815 = arith.constant 7 : i32
      %broadcast_in_dim3A_816 = vector.broadcast %broadcast_in_dim3A_815 : i32 to vector<16xi32>
      %gather3A_817 = tpu.vector_load_idx %arg12[%broadcast_in_dim3A_816, %get3A_754] : memref<8x4096xf32, #tpu.memory_space<vmem>>[vector<16xi32>, vector<16xi32>], vector<16xf32>,
      %mul3A_818 = arith.constant 16 : i32
      %mul3A_819 = arith.muli %scan3A_710, %mul3A_818 : i32
      %swap3A_820 = arith.constant 7 : i32
      %swap3A_821 = arith.index_cast %swap3A_820 : i32 to index
      %swap3A_822 = arith.index_cast %mul3A_819 : i32 to index
      %swap3A_823 = tpu.vector_load %arg13[%swap3A_821, %swap3A_822] {strides = array<i32>} : memref<8x1024xf32, #tpu.memory_space<vmem>>, vector<16xf32>,
      tpu.vector_store %arg13[%swap3A_821, %swap3A_822], %gather3A_817 {strides = array<i32>} : memref<8x1024xf32, #tpu.memory_space<vmem>>, vector<16xf32>,
    }
    %scan3A_235 = arith.constant 64 : i32
    %mul3A_236 = arith.constant 8 : i32
    %mul3A_237 = arith.muli %add3A_211, %mul3A_236 : i32
    %dma_start3A_238 = arith.constant 0 : i32
    %dma_start3A_239 = tpu.memref_slice %arg6[%select_n3A, %mul3A_237, %dma_start3A_238] : memref<16x192x1024xf32, #tpu.memory_space<hbm>> -> memref<1x8x1024xf32, #tpu.memory_space<hbm>>
    %dma_start3A_240 = tpu.memref_squeeze %dma_start3A_239 : memref<1x8x1024xf32, #tpu.memory_space<hbm>> -> memref<8x1024xf32, #tpu.memory_space<hbm>>
    %dma_start3A_241 = arith.constant 0 : i32
    %dma_start3A_242 = tpu.memref_slice %arg6[%select_n3A, %mul3A_237, %dma_start3A_241] : memref<16x192x1024xf32, #tpu.memory_space<hbm>> -> memref<1x8x1024xf32, #tpu.memory_space<hbm>>
    %dma_start3A_243 = tpu.memref_squeeze %dma_start3A_242 : memref<1x8x1024xf32, #tpu.memory_space<hbm>> -> memref<8x1024xf32, #tpu.memory_space<hbm>>
    tpu.enqueue_dma source(%arg13 : memref<8x1024xf32, #tpu.memory_space<vmem>>) target(%dma_start3A_243 : memref<8x1024xf32, #tpu.memory_space<hbm>>) target_semaphore(%arg19 : memref<!tpu.dma_semaphore, #tpu.memory_space<semaphore_mem>>)
    %add3A_244 = arith.constant 3 : i32
    %add3A_245 = arith.addi %add3A_211, %add3A_244 : i32
    %mul3A_246 = arith.constant 8 : i32
    %mul3A_247 = arith.muli %add3A_245, %mul3A_246 : i32
    %dma_start3A_248 = arith.constant 0 : i32
    %dma_start3A_249 = tpu.memref_slice %arg2[%select_n3A, %mul3A_247, %dma_start3A_248] : memref<16x192x4096xf32, #tpu.memory_space<hbm>> -> memref<1x8x4096xf32, #tpu.memory_space<hbm>>
    %dma_start3A_250 = tpu.memref_squeeze %dma_start3A_249 : memref<1x8x4096xf32, #tpu.memory_space<hbm>> -> memref<8x4096xf32, #tpu.memory_space<hbm>>
    %dma_start3A_251 = arith.constant 0 : i32
    %dma_start3A_252 = tpu.memref_slice %arg2[%select_n3A, %mul3A_247, %dma_start3A_251] : memref<16x192x4096xf32, #tpu.memory_space<hbm>> -> memref<1x8x4096xf32, #tpu.memory_space<hbm>>
    %dma_start3A_253 = tpu.memref_squeeze %dma_start3A_252 : memref<1x8x4096xf32, #tpu.memory_space<hbm>> -> memref<8x4096xf32, #tpu.memory_space<hbm>>
    tpu.enqueue_dma source(%dma_start3A_253 : memref<8x4096xf32, #tpu.memory_space<hbm>>) target(%arg12 : memref<8x4096xf32, #tpu.memory_space<vmem>>) target_semaphore(%arg18 : memref<!tpu.dma_semaphore, #tpu.memory_space<semaphore_mem>>)
    %add3A_254 = arith.constant 3 : i32
    %add3A_255 = arith.addi %mul3A_32, %add3A_254 : i32
    %mul3A_256 = arith.constant 8 : i32
    %mul3A_257 = arith.muli %add3A_255, %mul3A_256 : i32
    %dma_wait3A_258 = arith.constant 0 : i32
    %dma_wait3A_259 = tpu.memref_slice %arg2[%select_n3A, %mul3A_257, %dma_wait3A_258] : memref<16x192x4096xf32, #tpu.memory_space<hbm>> -> memref<1x8x4096xf32, #tpu.memory_space<hbm>>
    %dma_wait3A_260 = tpu.memref_squeeze %dma_wait3A_259 : memref<1x8x4096xf32, #tpu.memory_space<hbm>> -> memref<8x4096xf32, #tpu.memory_space<hbm>>
    %dma_wait3A_261 = arith.constant 0 : i32
    %dma_wait3A_262 = tpu.memref_slice %arg2[%select_n3A, %mul3A_257, %dma_wait3A_261] : memref<16x192x4096xf32, #tpu.memory_space<hbm>> -> memref<1x8x4096xf32, #tpu.memory_space<hbm>>
    %dma_wait3A_263 = tpu.memref_squeeze %dma_wait3A_262 : memref<1x8x4096xf32, #tpu.memory_space<hbm>> -> memref<8x4096xf32, #tpu.memory_space<hbm>>
    tpu.wait_dma2 semaphore(%arg16 : memref<!tpu.dma_semaphore, #tpu.memory_space<semaphore_mem>>) src(%dma_wait3A_263 : memref<8x4096xf32, #tpu.memory_space<hbm>>) dst(%arg10 : memref<8x4096xf32, #tpu.memory_space<vmem>>)
    %sub3A_264 = arith.constant 2 : i32
    %sub3A_265 = arith.subi %add3A_255, %sub3A_264 : i32
    %mul3A_266 = arith.constant 8 : i32
    %mul3A_267 = arith.muli %sub3A_265, %mul3A_266 : i32
    %dma_wait3A_268 = arith.constant 0 : i32
    %dma_wait3A_269 = tpu.memref_slice %arg6[%select_n3A, %mul3A_267, %dma_wait3A_268] : memref<16x192x1024xf32, #tpu.memory_space<hbm>> -> memref<1x8x1024xf32, #tpu.memory_space<hbm>>
    %dma_wait3A_270 = tpu.memref_squeeze %dma_wait3A_269 : memref<1x8x1024xf32, #tpu.memory_space<hbm>> -> memref<8x1024xf32, #tpu.memory_space<hbm>>
    %dma_wait3A_271 = arith.constant 0 : i32
    %dma_wait3A_272 = tpu.memref_slice %arg6[%select_n3A, %mul3A_267, %dma_wait3A_271] : memref<16x192x1024xf32, #tpu.memory_space<hbm>> -> memref<1x8x1024xf32, #tpu.memory_space<hbm>>
    %dma_wait3A_273 = tpu.memref_squeeze %dma_wait3A_272 : memref<1x8x1024xf32, #tpu.memory_space<hbm>> -> memref<8x1024xf32, #tpu.memory_space<hbm>>
    tpu.wait_dma2 semaphore(%arg20 : memref<!tpu.dma_semaphore, #tpu.memory_space<semaphore_mem>>) src(%arg14 : memref<8x1024xf32, #tpu.memory_space<vmem>>) dst(%dma_wait3A_273 : memref<8x1024xf32, #tpu.memory_space<hbm>>)
    %scan3A_274 = arith.constant 0 : i32
    %scan3A_275 = arith.constant 0 : i32
    %scan3A_276 = arith.constant 64 : i32
    %scan3A_277 = arith.addi %scan3A_275, %scan3A_276 : i32
    %scan3A_278 = arith.constant 1 : i32
    scf.for %scan3A_710 = %scan3A_275 to %scan3A_277 step %scan3A_278  : i32 {
      %jit3A_711 = arith.constant 8 : i32
      %div3A_712 = arith.divsi %scan3A_710, %jit3A_711 : i32
      %sign3A_713 = arith.constant 0 : i32
      %sign3A_714 = arith.cmpi sgt, %scan3A_710, %sign3A_713 : i32
      %sign3A_715 = arith.extui %sign3A_714 : i1 to i32
      %sign3A_716 = arith.constant 0 : i32
      %sign3A_717 = arith.cmpi slt, %scan3A_710, %sign3A_716 : i32
      %sign3A_718 = arith.extui %sign3A_717 : i1 to i32
      %sign3A_719 = arith.subi %sign3A_715, %sign3A_718 : i32
      %sign3A_720 = arith.constant 0 : i32
      %sign3A_721 = arith.cmpi sgt, %jit3A_711, %sign3A_720 : i32
      %sign3A_722 = arith.extui %sign3A_721 : i1 to i32
      %sign3A_723 = arith.constant 0 : i32
      %sign3A_724 = arith.cmpi slt, %jit3A_711, %sign3A_723 : i32
      %sign3A_725 = arith.extui %sign3A_724 : i1 to i32
      %sign3A_726 = arith.subi %sign3A_722, %sign3A_725 : i32
      %ne3A_727 = arith.cmpi ne, %sign3A_719, %sign3A_726 : i32
      %rem3A_728 = arith.remsi %scan3A_710, %jit3A_711 : i32
      %ne3A_729 = arith.constant 0 : i32
      %ne3A_730 = arith.cmpi ne, %rem3A_728, %ne3A_729 : i32
      %and3A_731 = arith.andi %ne3A_727, %ne3A_730 : i1
      %sub3A_732 = arith.constant 1 : i32
      %sub3A_733 = arith.subi %div3A_712, %sub3A_732 : i32
      %select_n3A_734 = arith.select %and3A_731, %sub3A_733, %div3A_712 : i32
      %jit3A_735 = arith.constant 8 : i32
      %eq3A_736 = arith.constant 0 : i32
      %eq3A_737 = arith.cmpi eq, %jit3A_735, %eq3A_736 : i32
      %jit3A_738 = arith.constant 1 : i32
      %select_n3A_739 = arith.select %eq3A_737, %jit3A_738, %jit3A_735 : i32
      %rem3A_740 = arith.remsi %scan3A_710, %select_n3A_739 : i32
      %ne3A_741 = arith.constant 0 : i32
      %ne3A_742 = arith.cmpi ne, %rem3A_740, %ne3A_741 : i32
      %lt3A_743 = arith.constant 0 : i32
      %lt3A_744 = arith.cmpi slt, %rem3A_740, %lt3A_743 : i32
      %lt3A_745 = arith.constant 0 : i32
      %lt3A_746 = arith.cmpi slt, %select_n3A_739, %lt3A_745 : i32
      %ne3A_747 = arith.xori %lt3A_744, %lt3A_746 : i1
      %and3A_748 = arith.andi %ne3A_747, %ne3A_742 : i1
      %add3A_749 = arith.addi %rem3A_740, %select_n3A_739 : i32
      %select_n3A_750 = arith.select %and3A_748, %add3A_749, %rem3A_740 : i32
      %mul3A_751 = arith.constant 16 : i32
      %mul3A_752 = arith.muli %select_n3A_750, %mul3A_751 : i32
      %get3A = arith.index_cast %select_n3A_734 : i32 to index
      %get3A_753 = arith.index_cast %mul3A_752 : i32 to index
      %get3A_754 = tpu.vector_load %arg9[%get3A, %get3A_753] {strides = array<i32>} : memref<8x128xi32, #tpu.memory_space<vmem>>, vector<16xi32>,
      %broadcast_in_dim3A = arith.constant 0 : i32
      %broadcast_in_dim3A_755 = vector.broadcast %broadcast_in_dim3A : i32 to vector<16xi32>
      %gather3A = tpu.vector_load_idx %arg10[%broadcast_in_dim3A_755, %get3A_754] : memref<8x4096xf32, #tpu.memory_space<vmem>>[vector<16xi32>, vector<16xi32>], vector<16xf32>,
      %mul3A_756 = arith.constant 16 : i32
      %mul3A_757 = arith.muli %scan3A_710, %mul3A_756 : i32
      %swap3A = arith.constant 0 : i32
      %swap3A_758 = arith.index_cast %swap3A : i32 to index
      %swap3A_759 = arith.index_cast %mul3A_757 : i32 to index
      %swap3A_760 = tpu.vector_load %arg14[%swap3A_758, %swap3A_759] {strides = array<i32>} : memref<8x1024xf32, #tpu.memory_space<vmem>>, vector<16xf32>,
      tpu.vector_store %arg14[%swap3A_758, %swap3A_759], %gather3A {strides = array<i32>} : memref<8x1024xf32, #tpu.memory_space<vmem>>, vector<16xf32>,
      %broadcast_in_dim3A_761 = arith.constant 1 : i32
      %broadcast_in_dim3A_762 = vector.broadcast %broadcast_in_dim3A_761 : i32 to vector<16xi32>
      %gather3A_763 = tpu.vector_load_idx %arg10[%broadcast_in_dim3A_762, %get3A_754] : memref<8x4096xf32, #tpu.memory_space<vmem>>[vector<16xi32>, vector<16xi32>], vector<16xf32>,
      %mul3A_764 = arith.constant 16 : i32
      %mul3A_765 = arith.muli %scan3A_710, %mul3A_764 : i32
      %swap3A_766 = arith.constant 1 : i32
      %swap3A_767 = arith.index_cast %swap3A_766 : i32 to index
      %swap3A_768 = arith.index_cast %mul3A_765 : i32 to index
      %swap3A_769 = tpu.vector_load %arg14[%swap3A_767, %swap3A_768] {strides = array<i32>} : memref<8x1024xf32, #tpu.memory_space<vmem>>, vector<16xf32>,
      tpu.vector_store %arg14[%swap3A_767, %swap3A_768], %gather3A_763 {strides = array<i32>} : memref<8x1024xf32, #tpu.memory_space<vmem>>, vector<16xf32>,
      %broadcast_in_dim3A_770 = arith.constant 2 : i32
      %broadcast_in_dim3A_771 = vector.broadcast %broadcast_in_dim3A_770 : i32 to vector<16xi32>
      %gather3A_772 = tpu.vector_load_idx %arg10[%broadcast_in_dim3A_771, %get3A_754] : memref<8x4096xf32, #tpu.memory_space<vmem>>[vector<16xi32>, vector<16xi32>], vector<16xf32>,
      %mul3A_773 = arith.constant 16 : i32
      %mul3A_774 = arith.muli %scan3A_710, %mul3A_773 : i32
      %swap3A_775 = arith.constant 2 : i32
      %swap3A_776 = arith.index_cast %swap3A_775 : i32 to index
      %swap3A_777 = arith.index_cast %mul3A_774 : i32 to index
      %swap3A_778 = tpu.vector_load %arg14[%swap3A_776, %swap3A_777] {strides = array<i32>} : memref<8x1024xf32, #tpu.memory_space<vmem>>, vector<16xf32>,
      tpu.vector_store %arg14[%swap3A_776, %swap3A_777], %gather3A_772 {strides = array<i32>} : memref<8x1024xf32, #tpu.memory_space<vmem>>, vector<16xf32>,
      %broadcast_in_dim3A_779 = arith.constant 3 : i32
      %broadcast_in_dim3A_780 = vector.broadcast %broadcast_in_dim3A_779 : i32 to vector<16xi32>
      %gather3A_781 = tpu.vector_load_idx %arg10[%broadcast_in_dim3A_780, %get3A_754] : memref<8x4096xf32, #tpu.memory_space<vmem>>[vector<16xi32>, vector<16xi32>], vector<16xf32>,
      %mul3A_782 = arith.constant 16 : i32
      %mul3A_783 = arith.muli %scan3A_710, %mul3A_782 : i32
      %swap3A_784 = arith.constant 3 : i32
      %swap3A_785 = arith.index_cast %swap3A_784 : i32 to index
      %swap3A_786 = arith.index_cast %mul3A_783 : i32 to index
      %swap3A_787 = tpu.vector_load %arg14[%swap3A_785, %swap3A_786] {strides = array<i32>} : memref<8x1024xf32, #tpu.memory_space<vmem>>, vector<16xf32>,
      tpu.vector_store %arg14[%swap3A_785, %swap3A_786], %gather3A_781 {strides = array<i32>} : memref<8x1024xf32, #tpu.memory_space<vmem>>, vector<16xf32>,
      %broadcast_in_dim3A_788 = arith.constant 4 : i32
      %broadcast_in_dim3A_789 = vector.broadcast %broadcast_in_dim3A_788 : i32 to vector<16xi32>
      %gather3A_790 = tpu.vector_load_idx %arg10[%broadcast_in_dim3A_789, %get3A_754] : memref<8x4096xf32, #tpu.memory_space<vmem>>[vector<16xi32>, vector<16xi32>], vector<16xf32>,
      %mul3A_791 = arith.constant 16 : i32
      %mul3A_792 = arith.muli %scan3A_710, %mul3A_791 : i32
      %swap3A_793 = arith.constant 4 : i32
      %swap3A_794 = arith.index_cast %swap3A_793 : i32 to index
      %swap3A_795 = arith.index_cast %mul3A_792 : i32 to index
      %swap3A_796 = tpu.vector_load %arg14[%swap3A_794, %swap3A_795] {strides = array<i32>} : memref<8x1024xf32, #tpu.memory_space<vmem>>, vector<16xf32>,
      tpu.vector_store %arg14[%swap3A_794, %swap3A_795], %gather3A_790 {strides = array<i32>} : memref<8x1024xf32, #tpu.memory_space<vmem>>, vector<16xf32>,
      %broadcast_in_dim3A_797 = arith.constant 5 : i32
      %broadcast_in_dim3A_798 = vector.broadcast %broadcast_in_dim3A_797 : i32 to vector<16xi32>
      %gather3A_799 = tpu.vector_load_idx %arg10[%broadcast_in_dim3A_798, %get3A_754] : memref<8x4096xf32, #tpu.memory_space<vmem>>[vector<16xi32>, vector<16xi32>], vector<16xf32>,
      %mul3A_800 = arith.constant 16 : i32
      %mul3A_801 = arith.muli %scan3A_710, %mul3A_800 : i32
      %swap3A_802 = arith.constant 5 : i32
      %swap3A_803 = arith.index_cast %swap3A_802 : i32 to index
      %swap3A_804 = arith.index_cast %mul3A_801 : i32 to index
      %swap3A_805 = tpu.vector_load %arg14[%swap3A_803, %swap3A_804] {strides = array<i32>} : memref<8x1024xf32, #tpu.memory_space<vmem>>, vector<16xf32>,
      tpu.vector_store %arg14[%swap3A_803, %swap3A_804], %gather3A_799 {strides = array<i32>} : memref<8x1024xf32, #tpu.memory_space<vmem>>, vector<16xf32>,
      %broadcast_in_dim3A_806 = arith.constant 6 : i32
      %broadcast_in_dim3A_807 = vector.broadcast %broadcast_in_dim3A_806 : i32 to vector<16xi32>
      %gather3A_808 = tpu.vector_load_idx %arg10[%broadcast_in_dim3A_807, %get3A_754] : memref<8x4096xf32, #tpu.memory_space<vmem>>[vector<16xi32>, vector<16xi32>], vector<16xf32>,
      %mul3A_809 = arith.constant 16 : i32
      %mul3A_810 = arith.muli %scan3A_710, %mul3A_809 : i32
      %swap3A_811 = arith.constant 6 : i32
      %swap3A_812 = arith.index_cast %swap3A_811 : i32 to index
      %swap3A_813 = arith.index_cast %mul3A_810 : i32 to index
      %swap3A_814 = tpu.vector_load %arg14[%swap3A_812, %swap3A_813] {strides = array<i32>} : memref<8x1024xf32, #tpu.memory_space<vmem>>, vector<16xf32>,
      tpu.vector_store %arg14[%swap3A_812, %swap3A_813], %gather3A_808 {strides = array<i32>} : memref<8x1024xf32, #tpu.memory_space<vmem>>, vector<16xf32>,
      %broadcast_in_dim3A_815 = arith.constant 7 : i32
      %broadcast_in_dim3A_816 = vector.broadcast %broadcast_in_dim3A_815 : i32 to vector<16xi32>
      %gather3A_817 = tpu.vector_load_idx %arg10[%broadcast_in_dim3A_816, %get3A_754] : memref<8x4096xf32, #tpu.memory_space<vmem>>[vector<16xi32>, vector<16xi32>], vector<16xf32>,
      %mul3A_818 = arith.constant 16 : i32
      %mul3A_819 = arith.muli %scan3A_710, %mul3A_818 : i32
      %swap3A_820 = arith.constant 7 : i32
      %swap3A_821 = arith.index_cast %swap3A_820 : i32 to index
      %swap3A_822 = arith.index_cast %mul3A_819 : i32 to index
      %swap3A_823 = tpu.vector_load %arg14[%swap3A_821, %swap3A_822] {strides = array<i32>} : memref<8x1024xf32, #tpu.memory_space<vmem>>, vector<16xf32>,
      tpu.vector_store %arg14[%swap3A_821, %swap3A_822], %gather3A_817 {strides = array<i32>} : memref<8x1024xf32, #tpu.memory_space<vmem>>, vector<16xf32>,
    }
    %scan3A_279 = arith.constant 64 : i32
    %mul3A_280 = arith.constant 8 : i32
    %mul3A_281 = arith.muli %add3A_255, %mul3A_280 : i32
    %dma_start3A_282 = arith.constant 0 : i32
    %dma_start3A_283 = tpu.memref_slice %arg6[%select_n3A, %mul3A_281, %dma_start3A_282] : memref<16x192x1024xf32, #tpu.memory_space<hbm>> -> memref<1x8x1024xf32, #tpu.memory_space<hbm>>
    %dma_start3A_284 = tpu.memref_squeeze %dma_start3A_283 : memref<1x8x1024xf32, #tpu.memory_space<hbm>> -> memref<8x1024xf32, #tpu.memory_space<hbm>>
    %dma_start3A_285 = arith.constant 0 : i32
    %dma_start3A_286 = tpu.memref_slice %arg6[%select_n3A, %mul3A_281, %dma_start3A_285] : memref<16x192x1024xf32, #tpu.memory_space<hbm>> -> memref<1x8x1024xf32, #tpu.memory_space<hbm>>
    %dma_start3A_287 = tpu.memref_squeeze %dma_start3A_286 : memref<1x8x1024xf32, #tpu.memory_space<hbm>> -> memref<8x1024xf32, #tpu.memory_space<hbm>>
    tpu.enqueue_dma source(%arg14 : memref<8x1024xf32, #tpu.memory_space<vmem>>) target(%dma_start3A_287 : memref<8x1024xf32, #tpu.memory_space<hbm>>) target_semaphore(%arg20 : memref<!tpu.dma_semaphore, #tpu.memory_space<semaphore_mem>>)
    %add3A_288 = arith.constant 3 : i32
    %add3A_289 = arith.addi %add3A_255, %add3A_288 : i32
    %mul3A_290 = arith.constant 8 : i32
    %mul3A_291 = arith.muli %add3A_289, %mul3A_290 : i32
    %dma_start3A_292 = arith.constant 0 : i32
    %dma_start3A_293 = tpu.memref_slice %arg2[%select_n3A, %mul3A_291, %dma_start3A_292] : memref<16x192x4096xf32, #tpu.memory_space<hbm>> -> memref<1x8x4096xf32, #tpu.memory_space<hbm>>
    %dma_start3A_294 = tpu.memref_squeeze %dma_start3A_293 : memref<1x8x4096xf32, #tpu.memory_space<hbm>> -> memref<8x4096xf32, #tpu.memory_space<hbm>>
    %dma_start3A_295 = arith.constant 0 : i32
    %dma_start3A_296 = tpu.memref_slice %arg2[%select_n3A, %mul3A_291, %dma_start3A_295] : memref<16x192x4096xf32, #tpu.memory_space<hbm>> -> memref<1x8x4096xf32, #tpu.memory_space<hbm>>
    %dma_start3A_297 = tpu.memref_squeeze %dma_start3A_296 : memref<1x8x4096xf32, #tpu.memory_space<hbm>> -> memref<8x4096xf32, #tpu.memory_space<hbm>>
    tpu.enqueue_dma source(%dma_start3A_297 : memref<8x4096xf32, #tpu.memory_space<hbm>>) target(%arg10 : memref<8x4096xf32, #tpu.memory_space<vmem>>) target_semaphore(%arg16 : memref<!tpu.dma_semaphore, #tpu.memory_space<semaphore_mem>>)
    %add3A_298 = arith.constant 4 : i32
    %add3A_299 = arith.addi %mul3A_32, %add3A_298 : i32
    %mul3A_300 = arith.constant 8 : i32
    %mul3A_301 = arith.muli %add3A_299, %mul3A_300 : i32
    %dma_wait3A_302 = arith.constant 0 : i32
    %dma_wait3A_303 = tpu.memref_slice %arg2[%select_n3A, %mul3A_301, %dma_wait3A_302] : memref<16x192x4096xf32, #tpu.memory_space<hbm>> -> memref<1x8x4096xf32, #tpu.memory_space<hbm>>
    %dma_wait3A_304 = tpu.memref_squeeze %dma_wait3A_303 : memref<1x8x4096xf32, #tpu.memory_space<hbm>> -> memref<8x4096xf32, #tpu.memory_space<hbm>>
    %dma_wait3A_305 = arith.constant 0 : i32
    %dma_wait3A_306 = tpu.memref_slice %arg2[%select_n3A, %mul3A_301, %dma_wait3A_305] : memref<16x192x4096xf32, #tpu.memory_space<hbm>> -> memref<1x8x4096xf32, #tpu.memory_space<hbm>>
    %dma_wait3A_307 = tpu.memref_squeeze %dma_wait3A_306 : memref<1x8x4096xf32, #tpu.memory_space<hbm>> -> memref<8x4096xf32, #tpu.memory_space<hbm>>
    tpu.wait_dma2 semaphore(%arg17 : memref<!tpu.dma_semaphore, #tpu.memory_space<semaphore_mem>>) src(%dma_wait3A_307 : memref<8x4096xf32, #tpu.memory_space<hbm>>) dst(%arg11 : memref<8x4096xf32, #tpu.memory_space<vmem>>)
    %sub3A_308 = arith.constant 2 : i32
    %sub3A_309 = arith.subi %add3A_299, %sub3A_308 : i32
    %mul3A_310 = arith.constant 8 : i32
    %mul3A_311 = arith.muli %sub3A_309, %mul3A_310 : i32
    %dma_wait3A_312 = arith.constant 0 : i32
    %dma_wait3A_313 = tpu.memref_slice %arg6[%select_n3A, %mul3A_311, %dma_wait3A_312] : memref<16x192x1024xf32, #tpu.memory_space<hbm>> -> memref<1x8x1024xf32, #tpu.memory_space<hbm>>
    %dma_wait3A_314 = tpu.memref_squeeze %dma_wait3A_313 : memref<1x8x1024xf32, #tpu.memory_space<hbm>> -> memref<8x1024xf32, #tpu.memory_space<hbm>>
    %dma_wait3A_315 = arith.constant 0 : i32
    %dma_wait3A_316 = tpu.memref_slice %arg6[%select_n3A, %mul3A_311, %dma_wait3A_315] : memref<16x192x1024xf32, #tpu.memory_space<hbm>> -> memref<1x8x1024xf32, #tpu.memory_space<hbm>>
    %dma_wait3A_317 = tpu.memref_squeeze %dma_wait3A_316 : memref<1x8x1024xf32, #tpu.memory_space<hbm>> -> memref<8x1024xf32, #tpu.memory_space<hbm>>
    tpu.wait_dma2 semaphore(%arg19 : memref<!tpu.dma_semaphore, #tpu.memory_space<semaphore_mem>>) src(%arg13 : memref<8x1024xf32, #tpu.memory_space<vmem>>) dst(%dma_wait3A_317 : memref<8x1024xf32, #tpu.memory_space<hbm>>)
    %scan3A_318 = arith.constant 0 : i32
    %scan3A_319 = arith.constant 0 : i32
    %scan3A_320 = arith.constant 64 : i32
    %scan3A_321 = arith.addi %scan3A_319, %scan3A_320 : i32
    %scan3A_322 = arith.constant 1 : i32
    scf.for %scan3A_710 = %scan3A_319 to %scan3A_321 step %scan3A_322  : i32 {
      %jit3A_711 = arith.constant 8 : i32
      %div3A_712 = arith.divsi %scan3A_710, %jit3A_711 : i32
      %sign3A_713 = arith.constant 0 : i32
      %sign3A_714 = arith.cmpi sgt, %scan3A_710, %sign3A_713 : i32
      %sign3A_715 = arith.extui %sign3A_714 : i1 to i32
      %sign3A_716 = arith.constant 0 : i32
      %sign3A_717 = arith.cmpi slt, %scan3A_710, %sign3A_716 : i32
      %sign3A_718 = arith.extui %sign3A_717 : i1 to i32
      %sign3A_719 = arith.subi %sign3A_715, %sign3A_718 : i32
      %sign3A_720 = arith.constant 0 : i32
      %sign3A_721 = arith.cmpi sgt, %jit3A_711, %sign3A_720 : i32
      %sign3A_722 = arith.extui %sign3A_721 : i1 to i32
      %sign3A_723 = arith.constant 0 : i32
      %sign3A_724 = arith.cmpi slt, %jit3A_711, %sign3A_723 : i32
      %sign3A_725 = arith.extui %sign3A_724 : i1 to i32
      %sign3A_726 = arith.subi %sign3A_722, %sign3A_725 : i32
      %ne3A_727 = arith.cmpi ne, %sign3A_719, %sign3A_726 : i32
      %rem3A_728 = arith.remsi %scan3A_710, %jit3A_711 : i32
      %ne3A_729 = arith.constant 0 : i32
      %ne3A_730 = arith.cmpi ne, %rem3A_728, %ne3A_729 : i32
      %and3A_731 = arith.andi %ne3A_727, %ne3A_730 : i1
      %sub3A_732 = arith.constant 1 : i32
      %sub3A_733 = arith.subi %div3A_712, %sub3A_732 : i32
      %select_n3A_734 = arith.select %and3A_731, %sub3A_733, %div3A_712 : i32
      %jit3A_735 = arith.constant 8 : i32
      %eq3A_736 = arith.constant 0 : i32
      %eq3A_737 = arith.cmpi eq, %jit3A_735, %eq3A_736 : i32
      %jit3A_738 = arith.constant 1 : i32
      %select_n3A_739 = arith.select %eq3A_737, %jit3A_738, %jit3A_735 : i32
      %rem3A_740 = arith.remsi %scan3A_710, %select_n3A_739 : i32
      %ne3A_741 = arith.constant 0 : i32
      %ne3A_742 = arith.cmpi ne, %rem3A_740, %ne3A_741 : i32
      %lt3A_743 = arith.constant 0 : i32
      %lt3A_744 = arith.cmpi slt, %rem3A_740, %lt3A_743 : i32
      %lt3A_745 = arith.constant 0 : i32
      %lt3A_746 = arith.cmpi slt, %select_n3A_739, %lt3A_745 : i32
      %ne3A_747 = arith.xori %lt3A_744, %lt3A_746 : i1
      %and3A_748 = arith.andi %ne3A_747, %ne3A_742 : i1
      %add3A_749 = arith.addi %rem3A_740, %select_n3A_739 : i32
      %select_n3A_750 = arith.select %and3A_748, %add3A_749, %rem3A_740 : i32
      %mul3A_751 = arith.constant 16 : i32
      %mul3A_752 = arith.muli %select_n3A_750, %mul3A_751 : i32
      %get3A = arith.index_cast %select_n3A_734 : i32 to index
      %get3A_753 = arith.index_cast %mul3A_752 : i32 to index
      %get3A_754 = tpu.vector_load %arg9[%get3A, %get3A_753] {strides = array<i32>} : memref<8x128xi32, #tpu.memory_space<vmem>>, vector<16xi32>,
      %broadcast_in_dim3A = arith.constant 0 : i32
      %broadcast_in_dim3A_755 = vector.broadcast %broadcast_in_dim3A : i32 to vector<16xi32>
      %gather3A = tpu.vector_load_idx %arg11[%broadcast_in_dim3A_755, %get3A_754] : memref<8x4096xf32, #tpu.memory_space<vmem>>[vector<16xi32>, vector<16xi32>], vector<16xf32>,
      %mul3A_756 = arith.constant 16 : i32
      %mul3A_757 = arith.muli %scan3A_710, %mul3A_756 : i32
      %swap3A = arith.constant 0 : i32
      %swap3A_758 = arith.index_cast %swap3A : i32 to index
      %swap3A_759 = arith.index_cast %mul3A_757 : i32 to index
      %swap3A_760 = tpu.vector_load %arg13[%swap3A_758, %swap3A_759] {strides = array<i32>} : memref<8x1024xf32, #tpu.memory_space<vmem>>, vector<16xf32>,
      tpu.vector_store %arg13[%swap3A_758, %swap3A_759], %gather3A {strides = array<i32>} : memref<8x1024xf32, #tpu.memory_space<vmem>>, vector<16xf32>,
      %broadcast_in_dim3A_761 = arith.constant 1 : i32
      %broadcast_in_dim3A_762 = vector.broadcast %broadcast_in_dim3A_761 : i32 to vector<16xi32>
      %gather3A_763 = tpu.vector_load_idx %arg11[%broadcast_in_dim3A_762, %get3A_754] : memref<8x4096xf32, #tpu.memory_space<vmem>>[vector<16xi32>, vector<16xi32>], vector<16xf32>,
      %mul3A_764 = arith.constant 16 : i32
      %mul3A_765 = arith.muli %scan3A_710, %mul3A_764 : i32
      %swap3A_766 = arith.constant 1 : i32
      %swap3A_767 = arith.index_cast %swap3A_766 : i32 to index
      %swap3A_768 = arith.index_cast %mul3A_765 : i32 to index
      %swap3A_769 = tpu.vector_load %arg13[%swap3A_767, %swap3A_768] {strides = array<i32>} : memref<8x1024xf32, #tpu.memory_space<vmem>>, vector<16xf32>,
      tpu.vector_store %arg13[%swap3A_767, %swap3A_768], %gather3A_763 {strides = array<i32>} : memref<8x1024xf32, #tpu.memory_space<vmem>>, vector<16xf32>,
      %broadcast_in_dim3A_770 = arith.constant 2 : i32
      %broadcast_in_dim3A_771 = vector.broadcast %broadcast_in_dim3A_770 : i32 to vector<16xi32>
      %gather3A_772 = tpu.vector_load_idx %arg11[%broadcast_in_dim3A_771, %get3A_754] : memref<8x4096xf32, #tpu.memory_space<vmem>>[vector<16xi32>, vector<16xi32>], vector<16xf32>,
      %mul3A_773 = arith.constant 16 : i32
      %mul3A_774 = arith.muli %scan3A_710, %mul3A_773 : i32
      %swap3A_775 = arith.constant 2 : i32
      %swap3A_776 = arith.index_cast %swap3A_775 : i32 to index
      %swap3A_777 = arith.index_cast %mul3A_774 : i32 to index
      %swap3A_778 = tpu.vector_load %arg13[%swap3A_776, %swap3A_777] {strides = array<i32>} : memref<8x1024xf32, #tpu.memory_space<vmem>>, vector<16xf32>,
      tpu.vector_store %arg13[%swap3A_776, %swap3A_777], %gather3A_772 {strides = array<i32>} : memref<8x1024xf32, #tpu.memory_space<vmem>>, vector<16xf32>,
      %broadcast_in_dim3A_779 = arith.constant 3 : i32
      %broadcast_in_dim3A_780 = vector.broadcast %broadcast_in_dim3A_779 : i32 to vector<16xi32>
      %gather3A_781 = tpu.vector_load_idx %arg11[%broadcast_in_dim3A_780, %get3A_754] : memref<8x4096xf32, #tpu.memory_space<vmem>>[vector<16xi32>, vector<16xi32>], vector<16xf32>,
      %mul3A_782 = arith.constant 16 : i32
      %mul3A_783 = arith.muli %scan3A_710, %mul3A_782 : i32
      %swap3A_784 = arith.constant 3 : i32
      %swap3A_785 = arith.index_cast %swap3A_784 : i32 to index
      %swap3A_786 = arith.index_cast %mul3A_783 : i32 to index
      %swap3A_787 = tpu.vector_load %arg13[%swap3A_785, %swap3A_786] {strides = array<i32>} : memref<8x1024xf32, #tpu.memory_space<vmem>>, vector<16xf32>,
      tpu.vector_store %arg13[%swap3A_785, %swap3A_786], %gather3A_781 {strides = array<i32>} : memref<8x1024xf32, #tpu.memory_space<vmem>>, vector<16xf32>,
      %broadcast_in_dim3A_788 = arith.constant 4 : i32
      %broadcast_in_dim3A_789 = vector.broadcast %broadcast_in_dim3A_788 : i32 to vector<16xi32>
      %gather3A_790 = tpu.vector_load_idx %arg11[%broadcast_in_dim3A_789, %get3A_754] : memref<8x4096xf32, #tpu.memory_space<vmem>>[vector<16xi32>, vector<16xi32>], vector<16xf32>,
      %mul3A_791 = arith.constant 16 : i32
      %mul3A_792 = arith.muli %scan3A_710, %mul3A_791 : i32
      %swap3A_793 = arith.constant 4 : i32
      %swap3A_794 = arith.index_cast %swap3A_793 : i32 to index
      %swap3A_795 = arith.index_cast %mul3A_792 : i32 to index
      %swap3A_796 = tpu.vector_load %arg13[%swap3A_794, %swap3A_795] {strides = array<i32>} : memref<8x1024xf32, #tpu.memory_space<vmem>>, vector<16xf32>,
      tpu.vector_store %arg13[%swap3A_794, %swap3A_795], %gather3A_790 {strides = array<i32>} : memref<8x1024xf32, #tpu.memory_space<vmem>>, vector<16xf32>,
      %broadcast_in_dim3A_797 = arith.constant 5 : i32
      %broadcast_in_dim3A_798 = vector.broadcast %broadcast_in_dim3A_797 : i32 to vector<16xi32>
      %gather3A_799 = tpu.vector_load_idx %arg11[%broadcast_in_dim3A_798, %get3A_754] : memref<8x4096xf32, #tpu.memory_space<vmem>>[vector<16xi32>, vector<16xi32>], vector<16xf32>,
      %mul3A_800 = arith.constant 16 : i32
      %mul3A_801 = arith.muli %scan3A_710, %mul3A_800 : i32
      %swap3A_802 = arith.constant 5 : i32
      %swap3A_803 = arith.index_cast %swap3A_802 : i32 to index
      %swap3A_804 = arith.index_cast %mul3A_801 : i32 to index
      %swap3A_805 = tpu.vector_load %arg13[%swap3A_803, %swap3A_804] {strides = array<i32>} : memref<8x1024xf32, #tpu.memory_space<vmem>>, vector<16xf32>,
      tpu.vector_store %arg13[%swap3A_803, %swap3A_804], %gather3A_799 {strides = array<i32>} : memref<8x1024xf32, #tpu.memory_space<vmem>>, vector<16xf32>,
      %broadcast_in_dim3A_806 = arith.constant 6 : i32
      %broadcast_in_dim3A_807 = vector.broadcast %broadcast_in_dim3A_806 : i32 to vector<16xi32>
      %gather3A_808 = tpu.vector_load_idx %arg11[%broadcast_in_dim3A_807, %get3A_754] : memref<8x4096xf32, #tpu.memory_space<vmem>>[vector<16xi32>, vector<16xi32>], vector<16xf32>,
      %mul3A_809 = arith.constant 16 : i32
      %mul3A_810 = arith.muli %scan3A_710, %mul3A_809 : i32
      %swap3A_811 = arith.constant 6 : i32
      %swap3A_812 = arith.index_cast %swap3A_811 : i32 to index
      %swap3A_813 = arith.index_cast %mul3A_810 : i32 to index
      %swap3A_814 = tpu.vector_load %arg13[%swap3A_812, %swap3A_813] {strides = array<i32>} : memref<8x1024xf32, #tpu.memory_space<vmem>>, vector<16xf32>,
      tpu.vector_store %arg13[%swap3A_812, %swap3A_813], %gather3A_808 {strides = array<i32>} : memref<8x1024xf32, #tpu.memory_space<vmem>>, vector<16xf32>,
      %broadcast_in_dim3A_815 = arith.constant 7 : i32
      %broadcast_in_dim3A_816 = vector.broadcast %broadcast_in_dim3A_815 : i32 to vector<16xi32>
      %gather3A_817 = tpu.vector_load_idx %arg11[%broadcast_in_dim3A_816, %get3A_754] : memref<8x4096xf32, #tpu.memory_space<vmem>>[vector<16xi32>, vector<16xi32>], vector<16xf32>,
      %mul3A_818 = arith.constant 16 : i32
      %mul3A_819 = arith.muli %scan3A_710, %mul3A_818 : i32
      %swap3A_820 = arith.constant 7 : i32
      %swap3A_821 = arith.index_cast %swap3A_820 : i32 to index
      %swap3A_822 = arith.index_cast %mul3A_819 : i32 to index
      %swap3A_823 = tpu.vector_load %arg13[%swap3A_821, %swap3A_822] {strides = array<i32>} : memref<8x1024xf32, #tpu.memory_space<vmem>>, vector<16xf32>,
      tpu.vector_store %arg13[%swap3A_821, %swap3A_822], %gather3A_817 {strides = array<i32>} : memref<8x1024xf32, #tpu.memory_space<vmem>>, vector<16xf32>,
    }
    %scan3A_323 = arith.constant 64 : i32
    %mul3A_324 = arith.constant 8 : i32
    %mul3A_325 = arith.muli %add3A_299, %mul3A_324 : i32
    %dma_start3A_326 = arith.constant 0 : i32
    %dma_start3A_327 = tpu.memref_slice %arg6[%select_n3A, %mul3A_325, %dma_start3A_326] : memref<16x192x1024xf32, #tpu.memory_space<hbm>> -> memref<1x8x1024xf32, #tpu.memory_space<hbm>>
    %dma_start3A_328 = tpu.memref_squeeze %dma_start3A_327 : memref<1x8x1024xf32, #tpu.memory_space<hbm>> -> memref<8x1024xf32, #tpu.memory_space<hbm>>
    %dma_start3A_329 = arith.constant 0 : i32
    %dma_start3A_330 = tpu.memref_slice %arg6[%select_n3A, %mul3A_325, %dma_start3A_329] : memref<16x192x1024xf32, #tpu.memory_space<hbm>> -> memref<1x8x1024xf32, #tpu.memory_space<hbm>>
    %dma_start3A_331 = tpu.memref_squeeze %dma_start3A_330 : memref<1x8x1024xf32, #tpu.memory_space<hbm>> -> memref<8x1024xf32, #tpu.memory_space<hbm>>
    tpu.enqueue_dma source(%arg13 : memref<8x1024xf32, #tpu.memory_space<vmem>>) target(%dma_start3A_331 : memref<8x1024xf32, #tpu.memory_space<hbm>>) target_semaphore(%arg19 : memref<!tpu.dma_semaphore, #tpu.memory_space<semaphore_mem>>)
    %add3A_332 = arith.constant 3 : i32
    %add3A_333 = arith.addi %add3A_299, %add3A_332 : i32
    %mul3A_334 = arith.constant 8 : i32
    %mul3A_335 = arith.muli %add3A_333, %mul3A_334 : i32
    %dma_start3A_336 = arith.constant 0 : i32
    %dma_start3A_337 = tpu.memref_slice %arg2[%select_n3A, %mul3A_335, %dma_start3A_336] : memref<16x192x4096xf32, #tpu.memory_space<hbm>> -> memref<1x8x4096xf32, #tpu.memory_space<hbm>>
    %dma_start3A_338 = tpu.memref_squeeze %dma_start3A_337 : memref<1x8x4096xf32, #tpu.memory_space<hbm>> -> memref<8x4096xf32, #tpu.memory_space<hbm>>
    %dma_start3A_339 = arith.constant 0 : i32
    %dma_start3A_340 = tpu.memref_slice %arg2[%select_n3A, %mul3A_335, %dma_start3A_339] : memref<16x192x4096xf32, #tpu.memory_space<hbm>> -> memref<1x8x4096xf32, #tpu.memory_space<hbm>>
    %dma_start3A_341 = tpu.memref_squeeze %dma_start3A_340 : memref<1x8x4096xf32, #tpu.memory_space<hbm>> -> memref<8x4096xf32, #tpu.memory_space<hbm>>
    tpu.enqueue_dma source(%dma_start3A_341 : memref<8x4096xf32, #tpu.memory_space<hbm>>) target(%arg11 : memref<8x4096xf32, #tpu.memory_space<vmem>>) target_semaphore(%arg17 : memref<!tpu.dma_semaphore, #tpu.memory_space<semaphore_mem>>)
    %add3A_342 = arith.constant 5 : i32
    %add3A_343 = arith.addi %mul3A_32, %add3A_342 : i32
    %mul3A_344 = arith.constant 8 : i32
    %mul3A_345 = arith.muli %add3A_343, %mul3A_344 : i32
    %dma_wait3A_346 = arith.constant 0 : i32
    %dma_wait3A_347 = tpu.memref_slice %arg2[%select_n3A, %mul3A_345, %dma_wait3A_346] : memref<16x192x4096xf32, #tpu.memory_space<hbm>> -> memref<1x8x4096xf32, #tpu.memory_space<hbm>>
    %dma_wait3A_348 = tpu.memref_squeeze %dma_wait3A_347 : memref<1x8x4096xf32, #tpu.memory_space<hbm>> -> memref<8x4096xf32, #tpu.memory_space<hbm>>
    %dma_wait3A_349 = arith.constant 0 : i32
    %dma_wait3A_350 = tpu.memref_slice %arg2[%select_n3A, %mul3A_345, %dma_wait3A_349] : memref<16x192x4096xf32, #tpu.memory_space<hbm>> -> memref<1x8x4096xf32, #tpu.memory_space<hbm>>
    %dma_wait3A_351 = tpu.memref_squeeze %dma_wait3A_350 : memref<1x8x4096xf32, #tpu.memory_space<hbm>> -> memref<8x4096xf32, #tpu.memory_space<hbm>>
    tpu.wait_dma2 semaphore(%arg18 : memref<!tpu.dma_semaphore, #tpu.memory_space<semaphore_mem>>) src(%dma_wait3A_351 : memref<8x4096xf32, #tpu.memory_space<hbm>>) dst(%arg12 : memref<8x4096xf32, #tpu.memory_space<vmem>>)
    %sub3A_352 = arith.constant 2 : i32
    %sub3A_353 = arith.subi %add3A_343, %sub3A_352 : i32
    %mul3A_354 = arith.constant 8 : i32
    %mul3A_355 = arith.muli %sub3A_353, %mul3A_354 : i32
    %dma_wait3A_356 = arith.constant 0 : i32
    %dma_wait3A_357 = tpu.memref_slice %arg6[%select_n3A, %mul3A_355, %dma_wait3A_356] : memref<16x192x1024xf32, #tpu.memory_space<hbm>> -> memref<1x8x1024xf32, #tpu.memory_space<hbm>>
    %dma_wait3A_358 = tpu.memref_squeeze %dma_wait3A_357 : memref<1x8x1024xf32, #tpu.memory_space<hbm>> -> memref<8x1024xf32, #tpu.memory_space<hbm>>
    %dma_wait3A_359 = arith.constant 0 : i32
    %dma_wait3A_360 = tpu.memref_slice %arg6[%select_n3A, %mul3A_355, %dma_wait3A_359] : memref<16x192x1024xf32, #tpu.memory_space<hbm>> -> memref<1x8x1024xf32, #tpu.memory_space<hbm>>
    %dma_wait3A_361 = tpu.memref_squeeze %dma_wait3A_360 : memref<1x8x1024xf32, #tpu.memory_space<hbm>> -> memref<8x1024xf32, #tpu.memory_space<hbm>>
    tpu.wait_dma2 semaphore(%arg20 : memref<!tpu.dma_semaphore, #tpu.memory_space<semaphore_mem>>) src(%arg14 : memref<8x1024xf32, #tpu.memory_space<vmem>>) dst(%dma_wait3A_361 : memref<8x1024xf32, #tpu.memory_space<hbm>>)
    %scan3A_362 = arith.constant 0 : i32
    %scan3A_363 = arith.constant 0 : i32
    %scan3A_364 = arith.constant 64 : i32
    %scan3A_365 = arith.addi %scan3A_363, %scan3A_364 : i32
    %scan3A_366 = arith.constant 1 : i32
    scf.for %scan3A_710 = %scan3A_363 to %scan3A_365 step %scan3A_366  : i32 {
      %jit3A_711 = arith.constant 8 : i32
      %div3A_712 = arith.divsi %scan3A_710, %jit3A_711 : i32
      %sign3A_713 = arith.constant 0 : i32
      %sign3A_714 = arith.cmpi sgt, %scan3A_710, %sign3A_713 : i32
      %sign3A_715 = arith.extui %sign3A_714 : i1 to i32
      %sign3A_716 = arith.constant 0 : i32
      %sign3A_717 = arith.cmpi slt, %scan3A_710, %sign3A_716 : i32
      %sign3A_718 = arith.extui %sign3A_717 : i1 to i32
      %sign3A_719 = arith.subi %sign3A_715, %sign3A_718 : i32
      %sign3A_720 = arith.constant 0 : i32
      %sign3A_721 = arith.cmpi sgt, %jit3A_711, %sign3A_720 : i32
      %sign3A_722 = arith.extui %sign3A_721 : i1 to i32
      %sign3A_723 = arith.constant 0 : i32
      %sign3A_724 = arith.cmpi slt, %jit3A_711, %sign3A_723 : i32
      %sign3A_725 = arith.extui %sign3A_724 : i1 to i32
      %sign3A_726 = arith.subi %sign3A_722, %sign3A_725 : i32
      %ne3A_727 = arith.cmpi ne, %sign3A_719, %sign3A_726 : i32
      %rem3A_728 = arith.remsi %scan3A_710, %jit3A_711 : i32
      %ne3A_729 = arith.constant 0 : i32
      %ne3A_730 = arith.cmpi ne, %rem3A_728, %ne3A_729 : i32
      %and3A_731 = arith.andi %ne3A_727, %ne3A_730 : i1
      %sub3A_732 = arith.constant 1 : i32
      %sub3A_733 = arith.subi %div3A_712, %sub3A_732 : i32
      %select_n3A_734 = arith.select %and3A_731, %sub3A_733, %div3A_712 : i32
      %jit3A_735 = arith.constant 8 : i32
      %eq3A_736 = arith.constant 0 : i32
      %eq3A_737 = arith.cmpi eq, %jit3A_735, %eq3A_736 : i32
      %jit3A_738 = arith.constant 1 : i32
      %select_n3A_739 = arith.select %eq3A_737, %jit3A_738, %jit3A_735 : i32
      %rem3A_740 = arith.remsi %scan3A_710, %select_n3A_739 : i32
      %ne3A_741 = arith.constant 0 : i32
      %ne3A_742 = arith.cmpi ne, %rem3A_740, %ne3A_741 : i32
      %lt3A_743 = arith.constant 0 : i32
      %lt3A_744 = arith.cmpi slt, %rem3A_740, %lt3A_743 : i32
      %lt3A_745 = arith.constant 0 : i32
      %lt3A_746 = arith.cmpi slt, %select_n3A_739, %lt3A_745 : i32
      %ne3A_747 = arith.xori %lt3A_744, %lt3A_746 : i1
      %and3A_748 = arith.andi %ne3A_747, %ne3A_742 : i1
      %add3A_749 = arith.addi %rem3A_740, %select_n3A_739 : i32
      %select_n3A_750 = arith.select %and3A_748, %add3A_749, %rem3A_740 : i32
      %mul3A_751 = arith.constant 16 : i32
      %mul3A_752 = arith.muli %select_n3A_750, %mul3A_751 : i32
      %get3A = arith.index_cast %select_n3A_734 : i32 to index
      %get3A_753 = arith.index_cast %mul3A_752 : i32 to index
      %get3A_754 = tpu.vector_load %arg9[%get3A, %get3A_753] {strides = array<i32>} : memref<8x128xi32, #tpu.memory_space<vmem>>, vector<16xi32>,
      %broadcast_in_dim3A = arith.constant 0 : i32
      %broadcast_in_dim3A_755 = vector.broadcast %broadcast_in_dim3A : i32 to vector<16xi32>
      %gather3A = tpu.vector_load_idx %arg12[%broadcast_in_dim3A_755, %get3A_754] : memref<8x4096xf32, #tpu.memory_space<vmem>>[vector<16xi32>, vector<16xi32>], vector<16xf32>,
      %mul3A_756 = arith.constant 16 : i32
      %mul3A_757 = arith.muli %scan3A_710, %mul3A_756 : i32
      %swap3A = arith.constant 0 : i32
      %swap3A_758 = arith.index_cast %swap3A : i32 to index
      %swap3A_759 = arith.index_cast %mul3A_757 : i32 to index
      %swap3A_760 = tpu.vector_load %arg14[%swap3A_758, %swap3A_759] {strides = array<i32>} : memref<8x1024xf32, #tpu.memory_space<vmem>>, vector<16xf32>,
      tpu.vector_store %arg14[%swap3A_758, %swap3A_759], %gather3A {strides = array<i32>} : memref<8x1024xf32, #tpu.memory_space<vmem>>, vector<16xf32>,
      %broadcast_in_dim3A_761 = arith.constant 1 : i32
      %broadcast_in_dim3A_762 = vector.broadcast %broadcast_in_dim3A_761 : i32 to vector<16xi32>
      %gather3A_763 = tpu.vector_load_idx %arg12[%broadcast_in_dim3A_762, %get3A_754] : memref<8x4096xf32, #tpu.memory_space<vmem>>[vector<16xi32>, vector<16xi32>], vector<16xf32>,
      %mul3A_764 = arith.constant 16 : i32
      %mul3A_765 = arith.muli %scan3A_710, %mul3A_764 : i32
      %swap3A_766 = arith.constant 1 : i32
      %swap3A_767 = arith.index_cast %swap3A_766 : i32 to index
      %swap3A_768 = arith.index_cast %mul3A_765 : i32 to index
      %swap3A_769 = tpu.vector_load %arg14[%swap3A_767, %swap3A_768] {strides = array<i32>} : memref<8x1024xf32, #tpu.memory_space<vmem>>, vector<16xf32>,
      tpu.vector_store %arg14[%swap3A_767, %swap3A_768], %gather3A_763 {strides = array<i32>} : memref<8x1024xf32, #tpu.memory_space<vmem>>, vector<16xf32>,
      %broadcast_in_dim3A_770 = arith.constant 2 : i32
      %broadcast_in_dim3A_771 = vector.broadcast %broadcast_in_dim3A_770 : i32 to vector<16xi32>
      %gather3A_772 = tpu.vector_load_idx %arg12[%broadcast_in_dim3A_771, %get3A_754] : memref<8x4096xf32, #tpu.memory_space<vmem>>[vector<16xi32>, vector<16xi32>], vector<16xf32>,
      %mul3A_773 = arith.constant 16 : i32
      %mul3A_774 = arith.muli %scan3A_710, %mul3A_773 : i32
      %swap3A_775 = arith.constant 2 : i32
      %swap3A_776 = arith.index_cast %swap3A_775 : i32 to index
      %swap3A_777 = arith.index_cast %mul3A_774 : i32 to index
      %swap3A_778 = tpu.vector_load %arg14[%swap3A_776, %swap3A_777] {strides = array<i32>} : memref<8x1024xf32, #tpu.memory_space<vmem>>, vector<16xf32>,
      tpu.vector_store %arg14[%swap3A_776, %swap3A_777], %gather3A_772 {strides = array<i32>} : memref<8x1024xf32, #tpu.memory_space<vmem>>, vector<16xf32>,
      %broadcast_in_dim3A_779 = arith.constant 3 : i32
      %broadcast_in_dim3A_780 = vector.broadcast %broadcast_in_dim3A_779 : i32 to vector<16xi32>
      %gather3A_781 = tpu.vector_load_idx %arg12[%broadcast_in_dim3A_780, %get3A_754] : memref<8x4096xf32, #tpu.memory_space<vmem>>[vector<16xi32>, vector<16xi32>], vector<16xf32>,
      %mul3A_782 = arith.constant 16 : i32
      %mul3A_783 = arith.muli %scan3A_710, %mul3A_782 : i32
      %swap3A_784 = arith.constant 3 : i32
      %swap3A_785 = arith.index_cast %swap3A_784 : i32 to index
      %swap3A_786 = arith.index_cast %mul3A_783 : i32 to index
      %swap3A_787 = tpu.vector_load %arg14[%swap3A_785, %swap3A_786] {strides = array<i32>} : memref<8x1024xf32, #tpu.memory_space<vmem>>, vector<16xf32>,
      tpu.vector_store %arg14[%swap3A_785, %swap3A_786], %gather3A_781 {strides = array<i32>} : memref<8x1024xf32, #tpu.memory_space<vmem>>, vector<16xf32>,
      %broadcast_in_dim3A_788 = arith.constant 4 : i32
      %broadcast_in_dim3A_789 = vector.broadcast %broadcast_in_dim3A_788 : i32 to vector<16xi32>
      %gather3A_790 = tpu.vector_load_idx %arg12[%broadcast_in_dim3A_789, %get3A_754] : memref<8x4096xf32, #tpu.memory_space<vmem>>[vector<16xi32>, vector<16xi32>], vector<16xf32>,
      %mul3A_791 = arith.constant 16 : i32
      %mul3A_792 = arith.muli %scan3A_710, %mul3A_791 : i32
      %swap3A_793 = arith.constant 4 : i32
      %swap3A_794 = arith.index_cast %swap3A_793 : i32 to index
      %swap3A_795 = arith.index_cast %mul3A_792 : i32 to index
      %swap3A_796 = tpu.vector_load %arg14[%swap3A_794, %swap3A_795] {strides = array<i32>} : memref<8x1024xf32, #tpu.memory_space<vmem>>, vector<16xf32>,
      tpu.vector_store %arg14[%swap3A_794, %swap3A_795], %gather3A_790 {strides = array<i32>} : memref<8x1024xf32, #tpu.memory_space<vmem>>, vector<16xf32>,
      %broadcast_in_dim3A_797 = arith.constant 5 : i32
      %broadcast_in_dim3A_798 = vector.broadcast %broadcast_in_dim3A_797 : i32 to vector<16xi32>
      %gather3A_799 = tpu.vector_load_idx %arg12[%broadcast_in_dim3A_798, %get3A_754] : memref<8x4096xf32, #tpu.memory_space<vmem>>[vector<16xi32>, vector<16xi32>], vector<16xf32>,
      %mul3A_800 = arith.constant 16 : i32
      %mul3A_801 = arith.muli %scan3A_710, %mul3A_800 : i32
      %swap3A_802 = arith.constant 5 : i32
      %swap3A_803 = arith.index_cast %swap3A_802 : i32 to index
      %swap3A_804 = arith.index_cast %mul3A_801 : i32 to index
      %swap3A_805 = tpu.vector_load %arg14[%swap3A_803, %swap3A_804] {strides = array<i32>} : memref<8x1024xf32, #tpu.memory_space<vmem>>, vector<16xf32>,
      tpu.vector_store %arg14[%swap3A_803, %swap3A_804], %gather3A_799 {strides = array<i32>} : memref<8x1024xf32, #tpu.memory_space<vmem>>, vector<16xf32>,
      %broadcast_in_dim3A_806 = arith.constant 6 : i32
      %broadcast_in_dim3A_807 = vector.broadcast %broadcast_in_dim3A_806 : i32 to vector<16xi32>
      %gather3A_808 = tpu.vector_load_idx %arg12[%broadcast_in_dim3A_807, %get3A_754] : memref<8x4096xf32, #tpu.memory_space<vmem>>[vector<16xi32>, vector<16xi32>], vector<16xf32>,
      %mul3A_809 = arith.constant 16 : i32
      %mul3A_810 = arith.muli %scan3A_710, %mul3A_809 : i32
      %swap3A_811 = arith.constant 6 : i32
      %swap3A_812 = arith.index_cast %swap3A_811 : i32 to index
      %swap3A_813 = arith.index_cast %mul3A_810 : i32 to index
      %swap3A_814 = tpu.vector_load %arg14[%swap3A_812, %swap3A_813] {strides = array<i32>} : memref<8x1024xf32, #tpu.memory_space<vmem>>, vector<16xf32>,
      tpu.vector_store %arg14[%swap3A_812, %swap3A_813], %gather3A_808 {strides = array<i32>} : memref<8x1024xf32, #tpu.memory_space<vmem>>, vector<16xf32>,
      %broadcast_in_dim3A_815 = arith.constant 7 : i32
      %broadcast_in_dim3A_816 = vector.broadcast %broadcast_in_dim3A_815 : i32 to vector<16xi32>
      %gather3A_817 = tpu.vector_load_idx %arg12[%broadcast_in_dim3A_816, %get3A_754] : memref<8x4096xf32, #tpu.memory_space<vmem>>[vector<16xi32>, vector<16xi32>], vector<16xf32>,
      %mul3A_818 = arith.constant 16 : i32
      %mul3A_819 = arith.muli %scan3A_710, %mul3A_818 : i32
      %swap3A_820 = arith.constant 7 : i32
      %swap3A_821 = arith.index_cast %swap3A_820 : i32 to index
      %swap3A_822 = arith.index_cast %mul3A_819 : i32 to index
      %swap3A_823 = tpu.vector_load %arg14[%swap3A_821, %swap3A_822] {strides = array<i32>} : memref<8x1024xf32, #tpu.memory_space<vmem>>, vector<16xf32>,
      tpu.vector_store %arg14[%swap3A_821, %swap3A_822], %gather3A_817 {strides = array<i32>} : memref<8x1024xf32, #tpu.memory_space<vmem>>, vector<16xf32>,
    }
    %scan3A_367 = arith.constant 64 : i32
    %mul3A_368 = arith.constant 8 : i32
    %mul3A_369 = arith.muli %add3A_343, %mul3A_368 : i32
    %dma_start3A_370 = arith.constant 0 : i32
    %dma_start3A_371 = tpu.memref_slice %arg6[%select_n3A, %mul3A_369, %dma_start3A_370] : memref<16x192x1024xf32, #tpu.memory_space<hbm>> -> memref<1x8x1024xf32, #tpu.memory_space<hbm>>
    %dma_start3A_372 = tpu.memref_squeeze %dma_start3A_371 : memref<1x8x1024xf32, #tpu.memory_space<hbm>> -> memref<8x1024xf32, #tpu.memory_space<hbm>>
    %dma_start3A_373 = arith.constant 0 : i32
    %dma_start3A_374 = tpu.memref_slice %arg6[%select_n3A, %mul3A_369, %dma_start3A_373] : memref<16x192x1024xf32, #tpu.memory_space<hbm>> -> memref<1x8x1024xf32, #tpu.memory_space<hbm>>
    %dma_start3A_375 = tpu.memref_squeeze %dma_start3A_374 : memref<1x8x1024xf32, #tpu.memory_space<hbm>> -> memref<8x1024xf32, #tpu.memory_space<hbm>>
    tpu.enqueue_dma source(%arg14 : memref<8x1024xf32, #tpu.memory_space<vmem>>) target(%dma_start3A_375 : memref<8x1024xf32, #tpu.memory_space<hbm>>) target_semaphore(%arg20 : memref<!tpu.dma_semaphore, #tpu.memory_space<semaphore_mem>>)
    %add3A_376 = arith.constant 3 : i32
    %add3A_377 = arith.addi %add3A_343, %add3A_376 : i32
    %mul3A_378 = arith.constant 8 : i32
    %mul3A_379 = arith.muli %add3A_377, %mul3A_378 : i32
    %dma_start3A_380 = arith.constant 0 : i32
    %dma_start3A_381 = tpu.memref_slice %arg2[%select_n3A, %mul3A_379, %dma_start3A_380] : memref<16x192x4096xf32, #tpu.memory_space<hbm>> -> memref<1x8x4096xf32, #tpu.memory_space<hbm>>
    %dma_start3A_382 = tpu.memref_squeeze %dma_start3A_381 : memref<1x8x4096xf32, #tpu.memory_space<hbm>> -> memref<8x4096xf32, #tpu.memory_space<hbm>>
    %dma_start3A_383 = arith.constant 0 : i32
    %dma_start3A_384 = tpu.memref_slice %arg2[%select_n3A, %mul3A_379, %dma_start3A_383] : memref<16x192x4096xf32, #tpu.memory_space<hbm>> -> memref<1x8x4096xf32, #tpu.memory_space<hbm>>
    %dma_start3A_385 = tpu.memref_squeeze %dma_start3A_384 : memref<1x8x4096xf32, #tpu.memory_space<hbm>> -> memref<8x4096xf32, #tpu.memory_space<hbm>>
    tpu.enqueue_dma source(%dma_start3A_385 : memref<8x4096xf32, #tpu.memory_space<hbm>>) target(%arg12 : memref<8x4096xf32, #tpu.memory_space<vmem>>) target_semaphore(%arg18 : memref<!tpu.dma_semaphore, #tpu.memory_space<semaphore_mem>>)
    %add3A_386 = arith.constant 6 : i32
    %add3A_387 = arith.addi %mul3A_32, %add3A_386 : i32
    %mul3A_388 = arith.constant 8 : i32
    %mul3A_389 = arith.muli %add3A_387, %mul3A_388 : i32
    %dma_wait3A_390 = arith.constant 0 : i32
    %dma_wait3A_391 = tpu.memref_slice %arg2[%select_n3A, %mul3A_389, %dma_wait3A_390] : memref<16x192x4096xf32, #tpu.memory_space<hbm>> -> memref<1x8x4096xf32, #tpu.memory_space<hbm>>
    %dma_wait3A_392 = tpu.memref_squeeze %dma_wait3A_391 : memref<1x8x4096xf32, #tpu.memory_space<hbm>> -> memref<8x4096xf32, #tpu.memory_space<hbm>>
    %dma_wait3A_393 = arith.constant 0 : i32
    %dma_wait3A_394 = tpu.memref_slice %arg2[%select_n3A, %mul3A_389, %dma_wait3A_393] : memref<16x192x4096xf32, #tpu.memory_space<hbm>> -> memref<1x8x4096xf32, #tpu.memory_space<hbm>>
    %dma_wait3A_395 = tpu.memref_squeeze %dma_wait3A_394 : memref<1x8x4096xf32, #tpu.memory_space<hbm>> -> memref<8x4096xf32, #tpu.memory_space<hbm>>
    tpu.wait_dma2 semaphore(%arg16 : memref<!tpu.dma_semaphore, #tpu.memory_space<semaphore_mem>>) src(%dma_wait3A_395 : memref<8x4096xf32, #tpu.memory_space<hbm>>) dst(%arg10 : memref<8x4096xf32, #tpu.memory_space<vmem>>)
    %sub3A_396 = arith.constant 2 : i32
    %sub3A_397 = arith.subi %add3A_387, %sub3A_396 : i32
    %mul3A_398 = arith.constant 8 : i32
    %mul3A_399 = arith.muli %sub3A_397, %mul3A_398 : i32
    %dma_wait3A_400 = arith.constant 0 : i32
    %dma_wait3A_401 = tpu.memref_slice %arg6[%select_n3A, %mul3A_399, %dma_wait3A_400] : memref<16x192x1024xf32, #tpu.memory_space<hbm>> -> memref<1x8x1024xf32, #tpu.memory_space<hbm>>
    %dma_wait3A_402 = tpu.memref_squeeze %dma_wait3A_401 : memref<1x8x1024xf32, #tpu.memory_space<hbm>> -> memref<8x1024xf32, #tpu.memory_space<hbm>>
    %dma_wait3A_403 = arith.constant 0 : i32
    %dma_wait3A_404 = tpu.memref_slice %arg6[%select_n3A, %mul3A_399, %dma_wait3A_403] : memref<16x192x1024xf32, #tpu.memory_space<hbm>> -> memref<1x8x1024xf32, #tpu.memory_space<hbm>>
    %dma_wait3A_405 = tpu.memref_squeeze %dma_wait3A_404 : memref<1x8x1024xf32, #tpu.memory_space<hbm>> -> memref<8x1024xf32, #tpu.memory_space<hbm>>
    tpu.wait_dma2 semaphore(%arg19 : memref<!tpu.dma_semaphore, #tpu.memory_space<semaphore_mem>>) src(%arg13 : memref<8x1024xf32, #tpu.memory_space<vmem>>) dst(%dma_wait3A_405 : memref<8x1024xf32, #tpu.memory_space<hbm>>)
    %scan3A_406 = arith.constant 0 : i32
    %scan3A_407 = arith.constant 0 : i32
    %scan3A_408 = arith.constant 64 : i32
    %scan3A_409 = arith.addi %scan3A_407, %scan3A_408 : i32
    %scan3A_410 = arith.constant 1 : i32
    scf.for %scan3A_710 = %scan3A_407 to %scan3A_409 step %scan3A_410  : i32 {
      %jit3A_711 = arith.constant 8 : i32
      %div3A_712 = arith.divsi %scan3A_710, %jit3A_711 : i32
      %sign3A_713 = arith.constant 0 : i32
      %sign3A_714 = arith.cmpi sgt, %scan3A_710, %sign3A_713 : i32
      %sign3A_715 = arith.extui %sign3A_714 : i1 to i32
      %sign3A_716 = arith.constant 0 : i32
      %sign3A_717 = arith.cmpi slt, %scan3A_710, %sign3A_716 : i32
      %sign3A_718 = arith.extui %sign3A_717 : i1 to i32
      %sign3A_719 = arith.subi %sign3A_715, %sign3A_718 : i32
      %sign3A_720 = arith.constant 0 : i32
      %sign3A_721 = arith.cmpi sgt, %jit3A_711, %sign3A_720 : i32
      %sign3A_722 = arith.extui %sign3A_721 : i1 to i32
      %sign3A_723 = arith.constant 0 : i32
      %sign3A_724 = arith.cmpi slt, %jit3A_711, %sign3A_723 : i32
      %sign3A_725 = arith.extui %sign3A_724 : i1 to i32
      %sign3A_726 = arith.subi %sign3A_722, %sign3A_725 : i32
      %ne3A_727 = arith.cmpi ne, %sign3A_719, %sign3A_726 : i32
      %rem3A_728 = arith.remsi %scan3A_710, %jit3A_711 : i32
      %ne3A_729 = arith.constant 0 : i32
      %ne3A_730 = arith.cmpi ne, %rem3A_728, %ne3A_729 : i32
      %and3A_731 = arith.andi %ne3A_727, %ne3A_730 : i1
      %sub3A_732 = arith.constant 1 : i32
      %sub3A_733 = arith.subi %div3A_712, %sub3A_732 : i32
      %select_n3A_734 = arith.select %and3A_731, %sub3A_733, %div3A_712 : i32
      %jit3A_735 = arith.constant 8 : i32
      %eq3A_736 = arith.constant 0 : i32
      %eq3A_737 = arith.cmpi eq, %jit3A_735, %eq3A_736 : i32
      %jit3A_738 = arith.constant 1 : i32
      %select_n3A_739 = arith.select %eq3A_737, %jit3A_738, %jit3A_735 : i32
      %rem3A_740 = arith.remsi %scan3A_710, %select_n3A_739 : i32
      %ne3A_741 = arith.constant 0 : i32
      %ne3A_742 = arith.cmpi ne, %rem3A_740, %ne3A_741 : i32
      %lt3A_743 = arith.constant 0 : i32
      %lt3A_744 = arith.cmpi slt, %rem3A_740, %lt3A_743 : i32
      %lt3A_745 = arith.constant 0 : i32
      %lt3A_746 = arith.cmpi slt, %select_n3A_739, %lt3A_745 : i32
      %ne3A_747 = arith.xori %lt3A_744, %lt3A_746 : i1
      %and3A_748 = arith.andi %ne3A_747, %ne3A_742 : i1
      %add3A_749 = arith.addi %rem3A_740, %select_n3A_739 : i32
      %select_n3A_750 = arith.select %and3A_748, %add3A_749, %rem3A_740 : i32
      %mul3A_751 = arith.constant 16 : i32
      %mul3A_752 = arith.muli %select_n3A_750, %mul3A_751 : i32
      %get3A = arith.index_cast %select_n3A_734 : i32 to index
      %get3A_753 = arith.index_cast %mul3A_752 : i32 to index
      %get3A_754 = tpu.vector_load %arg9[%get3A, %get3A_753] {strides = array<i32>} : memref<8x128xi32, #tpu.memory_space<vmem>>, vector<16xi32>,
      %broadcast_in_dim3A = arith.constant 0 : i32
      %broadcast_in_dim3A_755 = vector.broadcast %broadcast_in_dim3A : i32 to vector<16xi32>
      %gather3A = tpu.vector_load_idx %arg10[%broadcast_in_dim3A_755, %get3A_754] : memref<8x4096xf32, #tpu.memory_space<vmem>>[vector<16xi32>, vector<16xi32>], vector<16xf32>,
      %mul3A_756 = arith.constant 16 : i32
      %mul3A_757 = arith.muli %scan3A_710, %mul3A_756 : i32
      %swap3A = arith.constant 0 : i32
      %swap3A_758 = arith.index_cast %swap3A : i32 to index
      %swap3A_759 = arith.index_cast %mul3A_757 : i32 to index
      %swap3A_760 = tpu.vector_load %arg13[%swap3A_758, %swap3A_759] {strides = array<i32>} : memref<8x1024xf32, #tpu.memory_space<vmem>>, vector<16xf32>,
      tpu.vector_store %arg13[%swap3A_758, %swap3A_759], %gather3A {strides = array<i32>} : memref<8x1024xf32, #tpu.memory_space<vmem>>, vector<16xf32>,
      %broadcast_in_dim3A_761 = arith.constant 1 : i32
      %broadcast_in_dim3A_762 = vector.broadcast %broadcast_in_dim3A_761 : i32 to vector<16xi32>
      %gather3A_763 = tpu.vector_load_idx %arg10[%broadcast_in_dim3A_762, %get3A_754] : memref<8x4096xf32, #tpu.memory_space<vmem>>[vector<16xi32>, vector<16xi32>], vector<16xf32>,
      %mul3A_764 = arith.constant 16 : i32
      %mul3A_765 = arith.muli %scan3A_710, %mul3A_764 : i32
      %swap3A_766 = arith.constant 1 : i32
      %swap3A_767 = arith.index_cast %swap3A_766 : i32 to index
      %swap3A_768 = arith.index_cast %mul3A_765 : i32 to index
      %swap3A_769 = tpu.vector_load %arg13[%swap3A_767, %swap3A_768] {strides = array<i32>} : memref<8x1024xf32, #tpu.memory_space<vmem>>, vector<16xf32>,
      tpu.vector_store %arg13[%swap3A_767, %swap3A_768], %gather3A_763 {strides = array<i32>} : memref<8x1024xf32, #tpu.memory_space<vmem>>, vector<16xf32>,
      %broadcast_in_dim3A_770 = arith.constant 2 : i32
      %broadcast_in_dim3A_771 = vector.broadcast %broadcast_in_dim3A_770 : i32 to vector<16xi32>
      %gather3A_772 = tpu.vector_load_idx %arg10[%broadcast_in_dim3A_771, %get3A_754] : memref<8x4096xf32, #tpu.memory_space<vmem>>[vector<16xi32>, vector<16xi32>], vector<16xf32>,
      %mul3A_773 = arith.constant 16 : i32
      %mul3A_774 = arith.muli %scan3A_710, %mul3A_773 : i32
      %swap3A_775 = arith.constant 2 : i32
      %swap3A_776 = arith.index_cast %swap3A_775 : i32 to index
      %swap3A_777 = arith.index_cast %mul3A_774 : i32 to index
      %swap3A_778 = tpu.vector_load %arg13[%swap3A_776, %swap3A_777] {strides = array<i32>} : memref<8x1024xf32, #tpu.memory_space<vmem>>, vector<16xf32>,
      tpu.vector_store %arg13[%swap3A_776, %swap3A_777], %gather3A_772 {strides = array<i32>} : memref<8x1024xf32, #tpu.memory_space<vmem>>, vector<16xf32>,
      %broadcast_in_dim3A_779 = arith.constant 3 : i32
      %broadcast_in_dim3A_780 = vector.broadcast %broadcast_in_dim3A_779 : i32 to vector<16xi32>
      %gather3A_781 = tpu.vector_load_idx %arg10[%broadcast_in_dim3A_780, %get3A_754] : memref<8x4096xf32, #tpu.memory_space<vmem>>[vector<16xi32>, vector<16xi32>], vector<16xf32>,
      %mul3A_782 = arith.constant 16 : i32
      %mul3A_783 = arith.muli %scan3A_710, %mul3A_782 : i32
      %swap3A_784 = arith.constant 3 : i32
      %swap3A_785 = arith.index_cast %swap3A_784 : i32 to index
      %swap3A_786 = arith.index_cast %mul3A_783 : i32 to index
      %swap3A_787 = tpu.vector_load %arg13[%swap3A_785, %swap3A_786] {strides = array<i32>} : memref<8x1024xf32, #tpu.memory_space<vmem>>, vector<16xf32>,
      tpu.vector_store %arg13[%swap3A_785, %swap3A_786], %gather3A_781 {strides = array<i32>} : memref<8x1024xf32, #tpu.memory_space<vmem>>, vector<16xf32>,
      %broadcast_in_dim3A_788 = arith.constant 4 : i32
      %broadcast_in_dim3A_789 = vector.broadcast %broadcast_in_dim3A_788 : i32 to vector<16xi32>
      %gather3A_790 = tpu.vector_load_idx %arg10[%broadcast_in_dim3A_789, %get3A_754] : memref<8x4096xf32, #tpu.memory_space<vmem>>[vector<16xi32>, vector<16xi32>], vector<16xf32>,
      %mul3A_791 = arith.constant 16 : i32
      %mul3A_792 = arith.muli %scan3A_710, %mul3A_791 : i32
      %swap3A_793 = arith.constant 4 : i32
      %swap3A_794 = arith.index_cast %swap3A_793 : i32 to index
      %swap3A_795 = arith.index_cast %mul3A_792 : i32 to index
      %swap3A_796 = tpu.vector_load %arg13[%swap3A_794, %swap3A_795] {strides = array<i32>} : memref<8x1024xf32, #tpu.memory_space<vmem>>, vector<16xf32>,
      tpu.vector_store %arg13[%swap3A_794, %swap3A_795], %gather3A_790 {strides = array<i32>} : memref<8x1024xf32, #tpu.memory_space<vmem>>, vector<16xf32>,
      %broadcast_in_dim3A_797 = arith.constant 5 : i32
      %broadcast_in_dim3A_798 = vector.broadcast %broadcast_in_dim3A_797 : i32 to vector<16xi32>
      %gather3A_799 = tpu.vector_load_idx %arg10[%broadcast_in_dim3A_798, %get3A_754] : memref<8x4096xf32, #tpu.memory_space<vmem>>[vector<16xi32>, vector<16xi32>], vector<16xf32>,
      %mul3A_800 = arith.constant 16 : i32
      %mul3A_801 = arith.muli %scan3A_710, %mul3A_800 : i32
      %swap3A_802 = arith.constant 5 : i32
      %swap3A_803 = arith.index_cast %swap3A_802 : i32 to index
      %swap3A_804 = arith.index_cast %mul3A_801 : i32 to index
      %swap3A_805 = tpu.vector_load %arg13[%swap3A_803, %swap3A_804] {strides = array<i32>} : memref<8x1024xf32, #tpu.memory_space<vmem>>, vector<16xf32>,
      tpu.vector_store %arg13[%swap3A_803, %swap3A_804], %gather3A_799 {strides = array<i32>} : memref<8x1024xf32, #tpu.memory_space<vmem>>, vector<16xf32>,
      %broadcast_in_dim3A_806 = arith.constant 6 : i32
      %broadcast_in_dim3A_807 = vector.broadcast %broadcast_in_dim3A_806 : i32 to vector<16xi32>
      %gather3A_808 = tpu.vector_load_idx %arg10[%broadcast_in_dim3A_807, %get3A_754] : memref<8x4096xf32, #tpu.memory_space<vmem>>[vector<16xi32>, vector<16xi32>], vector<16xf32>,
      %mul3A_809 = arith.constant 16 : i32
      %mul3A_810 = arith.muli %scan3A_710, %mul3A_809 : i32
      %swap3A_811 = arith.constant 6 : i32
      %swap3A_812 = arith.index_cast %swap3A_811 : i32 to index
      %swap3A_813 = arith.index_cast %mul3A_810 : i32 to index
      %swap3A_814 = tpu.vector_load %arg13[%swap3A_812, %swap3A_813] {strides = array<i32>} : memref<8x1024xf32, #tpu.memory_space<vmem>>, vector<16xf32>,
      tpu.vector_store %arg13[%swap3A_812, %swap3A_813], %gather3A_808 {strides = array<i32>} : memref<8x1024xf32, #tpu.memory_space<vmem>>, vector<16xf32>,
      %broadcast_in_dim3A_815 = arith.constant 7 : i32
      %broadcast_in_dim3A_816 = vector.broadcast %broadcast_in_dim3A_815 : i32 to vector<16xi32>
      %gather3A_817 = tpu.vector_load_idx %arg10[%broadcast_in_dim3A_816, %get3A_754] : memref<8x4096xf32, #tpu.memory_space<vmem>>[vector<16xi32>, vector<16xi32>], vector<16xf32>,
      %mul3A_818 = arith.constant 16 : i32
      %mul3A_819 = arith.muli %scan3A_710, %mul3A_818 : i32
      %swap3A_820 = arith.constant 7 : i32
      %swap3A_821 = arith.index_cast %swap3A_820 : i32 to index
      %swap3A_822 = arith.index_cast %mul3A_819 : i32 to index
      %swap3A_823 = tpu.vector_load %arg13[%swap3A_821, %swap3A_822] {strides = array<i32>} : memref<8x1024xf32, #tpu.memory_space<vmem>>, vector<16xf32>,
      tpu.vector_store %arg13[%swap3A_821, %swap3A_822], %gather3A_817 {strides = array<i32>} : memref<8x1024xf32, #tpu.memory_space<vmem>>, vector<16xf32>,
    }
    %scan3A_411 = arith.constant 64 : i32
    %mul3A_412 = arith.constant 8 : i32
    %mul3A_413 = arith.muli %add3A_387, %mul3A_412 : i32
    %dma_start3A_414 = arith.constant 0 : i32
    %dma_start3A_415 = tpu.memref_slice %arg6[%select_n3A, %mul3A_413, %dma_start3A_414] : memref<16x192x1024xf32, #tpu.memory_space<hbm>> -> memref<1x8x1024xf32, #tpu.memory_space<hbm>>
    %dma_start3A_416 = tpu.memref_squeeze %dma_start3A_415 : memref<1x8x1024xf32, #tpu.memory_space<hbm>> -> memref<8x1024xf32, #tpu.memory_space<hbm>>
    %dma_start3A_417 = arith.constant 0 : i32
    %dma_start3A_418 = tpu.memref_slice %arg6[%select_n3A, %mul3A_413, %dma_start3A_417] : memref<16x192x1024xf32, #tpu.memory_space<hbm>> -> memref<1x8x1024xf32, #tpu.memory_space<hbm>>
    %dma_start3A_419 = tpu.memref_squeeze %dma_start3A_418 : memref<1x8x1024xf32, #tpu.memory_space<hbm>> -> memref<8x1024xf32, #tpu.memory_space<hbm>>
    tpu.enqueue_dma source(%arg13 : memref<8x1024xf32, #tpu.memory_space<vmem>>) target(%dma_start3A_419 : memref<8x1024xf32, #tpu.memory_space<hbm>>) target_semaphore(%arg19 : memref<!tpu.dma_semaphore, #tpu.memory_space<semaphore_mem>>)
    %add3A_420 = arith.constant 3 : i32
    %add3A_421 = arith.addi %add3A_387, %add3A_420 : i32
    %mul3A_422 = arith.constant 8 : i32
    %mul3A_423 = arith.muli %add3A_421, %mul3A_422 : i32
    %dma_start3A_424 = arith.constant 0 : i32
    %dma_start3A_425 = tpu.memref_slice %arg2[%select_n3A, %mul3A_423, %dma_start3A_424] : memref<16x192x4096xf32, #tpu.memory_space<hbm>> -> memref<1x8x4096xf32, #tpu.memory_space<hbm>>
    %dma_start3A_426 = tpu.memref_squeeze %dma_start3A_425 : memref<1x8x4096xf32, #tpu.memory_space<hbm>> -> memref<8x4096xf32, #tpu.memory_space<hbm>>
    %dma_start3A_427 = arith.constant 0 : i32
    %dma_start3A_428 = tpu.memref_slice %arg2[%select_n3A, %mul3A_423, %dma_start3A_427] : memref<16x192x4096xf32, #tpu.memory_space<hbm>> -> memref<1x8x4096xf32, #tpu.memory_space<hbm>>
    %dma_start3A_429 = tpu.memref_squeeze %dma_start3A_428 : memref<1x8x4096xf32, #tpu.memory_space<hbm>> -> memref<8x4096xf32, #tpu.memory_space<hbm>>
    tpu.enqueue_dma source(%dma_start3A_429 : memref<8x4096xf32, #tpu.memory_space<hbm>>) target(%arg10 : memref<8x4096xf32, #tpu.memory_space<vmem>>) target_semaphore(%arg16 : memref<!tpu.dma_semaphore, #tpu.memory_space<semaphore_mem>>)
    %add3A_430 = arith.constant 7 : i32
    %add3A_431 = arith.addi %mul3A_32, %add3A_430 : i32
    %mul3A_432 = arith.constant 8 : i32
    %mul3A_433 = arith.muli %add3A_431, %mul3A_432 : i32
    %dma_wait3A_434 = arith.constant 0 : i32
    %dma_wait3A_435 = tpu.memref_slice %arg2[%select_n3A, %mul3A_433, %dma_wait3A_434] : memref<16x192x4096xf32, #tpu.memory_space<hbm>> -> memref<1x8x4096xf32, #tpu.memory_space<hbm>>
    %dma_wait3A_436 = tpu.memref_squeeze %dma_wait3A_435 : memref<1x8x4096xf32, #tpu.memory_space<hbm>> -> memref<8x4096xf32, #tpu.memory_space<hbm>>
    %dma_wait3A_437 = arith.constant 0 : i32
    %dma_wait3A_438 = tpu.memref_slice %arg2[%select_n3A, %mul3A_433, %dma_wait3A_437] : memref<16x192x4096xf32, #tpu.memory_space<hbm>> -> memref<1x8x4096xf32, #tpu.memory_space<hbm>>
    %dma_wait3A_439 = tpu.memref_squeeze %dma_wait3A_438 : memref<1x8x4096xf32, #tpu.memory_space<hbm>> -> memref<8x4096xf32, #tpu.memory_space<hbm>>
    tpu.wait_dma2 semaphore(%arg17 : memref<!tpu.dma_semaphore, #tpu.memory_space<semaphore_mem>>) src(%dma_wait3A_439 : memref<8x4096xf32, #tpu.memory_space<hbm>>) dst(%arg11 : memref<8x4096xf32, #tpu.memory_space<vmem>>)
    %sub3A_440 = arith.constant 2 : i32
    %sub3A_441 = arith.subi %add3A_431, %sub3A_440 : i32
    %mul3A_442 = arith.constant 8 : i32
    %mul3A_443 = arith.muli %sub3A_441, %mul3A_442 : i32
    %dma_wait3A_444 = arith.constant 0 : i32
    %dma_wait3A_445 = tpu.memref_slice %arg6[%select_n3A, %mul3A_443, %dma_wait3A_444] : memref<16x192x1024xf32, #tpu.memory_space<hbm>> -> memref<1x8x1024xf32, #tpu.memory_space<hbm>>
    %dma_wait3A_446 = tpu.memref_squeeze %dma_wait3A_445 : memref<1x8x1024xf32, #tpu.memory_space<hbm>> -> memref<8x1024xf32, #tpu.memory_space<hbm>>
    %dma_wait3A_447 = arith.constant 0 : i32
    %dma_wait3A_448 = tpu.memref_slice %arg6[%select_n3A, %mul3A_443, %dma_wait3A_447] : memref<16x192x1024xf32, #tpu.memory_space<hbm>> -> memref<1x8x1024xf32, #tpu.memory_space<hbm>>
    %dma_wait3A_449 = tpu.memref_squeeze %dma_wait3A_448 : memref<1x8x1024xf32, #tpu.memory_space<hbm>> -> memref<8x1024xf32, #tpu.memory_space<hbm>>
    tpu.wait_dma2 semaphore(%arg20 : memref<!tpu.dma_semaphore, #tpu.memory_space<semaphore_mem>>) src(%arg14 : memref<8x1024xf32, #tpu.memory_space<vmem>>) dst(%dma_wait3A_449 : memref<8x1024xf32, #tpu.memory_space<hbm>>)
    %scan3A_450 = arith.constant 0 : i32
    %scan3A_451 = arith.constant 0 : i32
    %scan3A_452 = arith.constant 64 : i32
    %scan3A_453 = arith.addi %scan3A_451, %scan3A_452 : i32
    %scan3A_454 = arith.constant 1 : i32
    scf.for %scan3A_710 = %scan3A_451 to %scan3A_453 step %scan3A_454  : i32 {
      %jit3A_711 = arith.constant 8 : i32
      %div3A_712 = arith.divsi %scan3A_710, %jit3A_711 : i32
      %sign3A_713 = arith.constant 0 : i32
      %sign3A_714 = arith.cmpi sgt, %scan3A_710, %sign3A_713 : i32
      %sign3A_715 = arith.extui %sign3A_714 : i1 to i32
      %sign3A_716 = arith.constant 0 : i32
      %sign3A_717 = arith.cmpi slt, %scan3A_710, %sign3A_716 : i32
      %sign3A_718 = arith.extui %sign3A_717 : i1 to i32
      %sign3A_719 = arith.subi %sign3A_715, %sign3A_718 : i32
      %sign3A_720 = arith.constant 0 : i32
      %sign3A_721 = arith.cmpi sgt, %jit3A_711, %sign3A_720 : i32
      %sign3A_722 = arith.extui %sign3A_721 : i1 to i32
      %sign3A_723 = arith.constant 0 : i32
      %sign3A_724 = arith.cmpi slt, %jit3A_711, %sign3A_723 : i32
      %sign3A_725 = arith.extui %sign3A_724 : i1 to i32
      %sign3A_726 = arith.subi %sign3A_722, %sign3A_725 : i32
      %ne3A_727 = arith.cmpi ne, %sign3A_719, %sign3A_726 : i32
      %rem3A_728 = arith.remsi %scan3A_710, %jit3A_711 : i32
      %ne3A_729 = arith.constant 0 : i32
      %ne3A_730 = arith.cmpi ne, %rem3A_728, %ne3A_729 : i32
      %and3A_731 = arith.andi %ne3A_727, %ne3A_730 : i1
      %sub3A_732 = arith.constant 1 : i32
      %sub3A_733 = arith.subi %div3A_712, %sub3A_732 : i32
      %select_n3A_734 = arith.select %and3A_731, %sub3A_733, %div3A_712 : i32
      %jit3A_735 = arith.constant 8 : i32
      %eq3A_736 = arith.constant 0 : i32
      %eq3A_737 = arith.cmpi eq, %jit3A_735, %eq3A_736 : i32
      %jit3A_738 = arith.constant 1 : i32
      %select_n3A_739 = arith.select %eq3A_737, %jit3A_738, %jit3A_735 : i32
      %rem3A_740 = arith.remsi %scan3A_710, %select_n3A_739 : i32
      %ne3A_741 = arith.constant 0 : i32
      %ne3A_742 = arith.cmpi ne, %rem3A_740, %ne3A_741 : i32
      %lt3A_743 = arith.constant 0 : i32
      %lt3A_744 = arith.cmpi slt, %rem3A_740, %lt3A_743 : i32
      %lt3A_745 = arith.constant 0 : i32
      %lt3A_746 = arith.cmpi slt, %select_n3A_739, %lt3A_745 : i32
      %ne3A_747 = arith.xori %lt3A_744, %lt3A_746 : i1
      %and3A_748 = arith.andi %ne3A_747, %ne3A_742 : i1
      %add3A_749 = arith.addi %rem3A_740, %select_n3A_739 : i32
      %select_n3A_750 = arith.select %and3A_748, %add3A_749, %rem3A_740 : i32
      %mul3A_751 = arith.constant 16 : i32
      %mul3A_752 = arith.muli %select_n3A_750, %mul3A_751 : i32
      %get3A = arith.index_cast %select_n3A_734 : i32 to index
      %get3A_753 = arith.index_cast %mul3A_752 : i32 to index
      %get3A_754 = tpu.vector_load %arg9[%get3A, %get3A_753] {strides = array<i32>} : memref<8x128xi32, #tpu.memory_space<vmem>>, vector<16xi32>,
      %broadcast_in_dim3A = arith.constant 0 : i32
      %broadcast_in_dim3A_755 = vector.broadcast %broadcast_in_dim3A : i32 to vector<16xi32>
      %gather3A = tpu.vector_load_idx %arg11[%broadcast_in_dim3A_755, %get3A_754] : memref<8x4096xf32, #tpu.memory_space<vmem>>[vector<16xi32>, vector<16xi32>], vector<16xf32>,
      %mul3A_756 = arith.constant 16 : i32
      %mul3A_757 = arith.muli %scan3A_710, %mul3A_756 : i32
      %swap3A = arith.constant 0 : i32
      %swap3A_758 = arith.index_cast %swap3A : i32 to index
      %swap3A_759 = arith.index_cast %mul3A_757 : i32 to index
      %swap3A_760 = tpu.vector_load %arg14[%swap3A_758, %swap3A_759] {strides = array<i32>} : memref<8x1024xf32, #tpu.memory_space<vmem>>, vector<16xf32>,
      tpu.vector_store %arg14[%swap3A_758, %swap3A_759], %gather3A {strides = array<i32>} : memref<8x1024xf32, #tpu.memory_space<vmem>>, vector<16xf32>,
      %broadcast_in_dim3A_761 = arith.constant 1 : i32
      %broadcast_in_dim3A_762 = vector.broadcast %broadcast_in_dim3A_761 : i32 to vector<16xi32>
      %gather3A_763 = tpu.vector_load_idx %arg11[%broadcast_in_dim3A_762, %get3A_754] : memref<8x4096xf32, #tpu.memory_space<vmem>>[vector<16xi32>, vector<16xi32>], vector<16xf32>,
      %mul3A_764 = arith.constant 16 : i32
      %mul3A_765 = arith.muli %scan3A_710, %mul3A_764 : i32
      %swap3A_766 = arith.constant 1 : i32
      %swap3A_767 = arith.index_cast %swap3A_766 : i32 to index
      %swap3A_768 = arith.index_cast %mul3A_765 : i32 to index
      %swap3A_769 = tpu.vector_load %arg14[%swap3A_767, %swap3A_768] {strides = array<i32>} : memref<8x1024xf32, #tpu.memory_space<vmem>>, vector<16xf32>,
      tpu.vector_store %arg14[%swap3A_767, %swap3A_768], %gather3A_763 {strides = array<i32>} : memref<8x1024xf32, #tpu.memory_space<vmem>>, vector<16xf32>,
      %broadcast_in_dim3A_770 = arith.constant 2 : i32
      %broadcast_in_dim3A_771 = vector.broadcast %broadcast_in_dim3A_770 : i32 to vector<16xi32>
      %gather3A_772 = tpu.vector_load_idx %arg11[%broadcast_in_dim3A_771, %get3A_754] : memref<8x4096xf32, #tpu.memory_space<vmem>>[vector<16xi32>, vector<16xi32>], vector<16xf32>,
      %mul3A_773 = arith.constant 16 : i32
      %mul3A_774 = arith.muli %scan3A_710, %mul3A_773 : i32
      %swap3A_775 = arith.constant 2 : i32
      %swap3A_776 = arith.index_cast %swap3A_775 : i32 to index
      %swap3A_777 = arith.index_cast %mul3A_774 : i32 to index
      %swap3A_778 = tpu.vector_load %arg14[%swap3A_776, %swap3A_777] {strides = array<i32>} : memref<8x1024xf32, #tpu.memory_space<vmem>>, vector<16xf32>,
      tpu.vector_store %arg14[%swap3A_776, %swap3A_777], %gather3A_772 {strides = array<i32>} : memref<8x1024xf32, #tpu.memory_space<vmem>>, vector<16xf32>,
      %broadcast_in_dim3A_779 = arith.constant 3 : i32
      %broadcast_in_dim3A_780 = vector.broadcast %broadcast_in_dim3A_779 : i32 to vector<16xi32>
      %gather3A_781 = tpu.vector_load_idx %arg11[%broadcast_in_dim3A_780, %get3A_754] : memref<8x4096xf32, #tpu.memory_space<vmem>>[vector<16xi32>, vector<16xi32>], vector<16xf32>,
      %mul3A_782 = arith.constant 16 : i32
      %mul3A_783 = arith.muli %scan3A_710, %mul3A_782 : i32
      %swap3A_784 = arith.constant 3 : i32
      %swap3A_785 = arith.index_cast %swap3A_784 : i32 to index
      %swap3A_786 = arith.index_cast %mul3A_783 : i32 to index
      %swap3A_787 = tpu.vector_load %arg14[%swap3A_785, %swap3A_786] {strides = array<i32>} : memref<8x1024xf32, #tpu.memory_space<vmem>>, vector<16xf32>,
      tpu.vector_store %arg14[%swap3A_785, %swap3A_786], %gather3A_781 {strides = array<i32>} : memref<8x1024xf32, #tpu.memory_space<vmem>>, vector<16xf32>,
      %broadcast_in_dim3A_788 = arith.constant 4 : i32
      %broadcast_in_dim3A_789 = vector.broadcast %broadcast_in_dim3A_788 : i32 to vector<16xi32>
      %gather3A_790 = tpu.vector_load_idx %arg11[%broadcast_in_dim3A_789, %get3A_754] : memref<8x4096xf32, #tpu.memory_space<vmem>>[vector<16xi32>, vector<16xi32>], vector<16xf32>,
      %mul3A_791 = arith.constant 16 : i32
      %mul3A_792 = arith.muli %scan3A_710, %mul3A_791 : i32
      %swap3A_793 = arith.constant 4 : i32
      %swap3A_794 = arith.index_cast %swap3A_793 : i32 to index
      %swap3A_795 = arith.index_cast %mul3A_792 : i32 to index
      %swap3A_796 = tpu.vector_load %arg14[%swap3A_794, %swap3A_795] {strides = array<i32>} : memref<8x1024xf32, #tpu.memory_space<vmem>>, vector<16xf32>,
      tpu.vector_store %arg14[%swap3A_794, %swap3A_795], %gather3A_790 {strides = array<i32>} : memref<8x1024xf32, #tpu.memory_space<vmem>>, vector<16xf32>,
      %broadcast_in_dim3A_797 = arith.constant 5 : i32
      %broadcast_in_dim3A_798 = vector.broadcast %broadcast_in_dim3A_797 : i32 to vector<16xi32>
      %gather3A_799 = tpu.vector_load_idx %arg11[%broadcast_in_dim3A_798, %get3A_754] : memref<8x4096xf32, #tpu.memory_space<vmem>>[vector<16xi32>, vector<16xi32>], vector<16xf32>,
      %mul3A_800 = arith.constant 16 : i32
      %mul3A_801 = arith.muli %scan3A_710, %mul3A_800 : i32
      %swap3A_802 = arith.constant 5 : i32
      %swap3A_803 = arith.index_cast %swap3A_802 : i32 to index
      %swap3A_804 = arith.index_cast %mul3A_801 : i32 to index
      %swap3A_805 = tpu.vector_load %arg14[%swap3A_803, %swap3A_804] {strides = array<i32>} : memref<8x1024xf32, #tpu.memory_space<vmem>>, vector<16xf32>,
      tpu.vector_store %arg14[%swap3A_803, %swap3A_804], %gather3A_799 {strides = array<i32>} : memref<8x1024xf32, #tpu.memory_space<vmem>>, vector<16xf32>,
      %broadcast_in_dim3A_806 = arith.constant 6 : i32
      %broadcast_in_dim3A_807 = vector.broadcast %broadcast_in_dim3A_806 : i32 to vector<16xi32>
      %gather3A_808 = tpu.vector_load_idx %arg11[%broadcast_in_dim3A_807, %get3A_754] : memref<8x4096xf32, #tpu.memory_space<vmem>>[vector<16xi32>, vector<16xi32>], vector<16xf32>,
      %mul3A_809 = arith.constant 16 : i32
      %mul3A_810 = arith.muli %scan3A_710, %mul3A_809 : i32
      %swap3A_811 = arith.constant 6 : i32
      %swap3A_812 = arith.index_cast %swap3A_811 : i32 to index
      %swap3A_813 = arith.index_cast %mul3A_810 : i32 to index
      %swap3A_814 = tpu.vector_load %arg14[%swap3A_812, %swap3A_813] {strides = array<i32>} : memref<8x1024xf32, #tpu.memory_space<vmem>>, vector<16xf32>,
      tpu.vector_store %arg14[%swap3A_812, %swap3A_813], %gather3A_808 {strides = array<i32>} : memref<8x1024xf32, #tpu.memory_space<vmem>>, vector<16xf32>,
      %broadcast_in_dim3A_815 = arith.constant 7 : i32
      %broadcast_in_dim3A_816 = vector.broadcast %broadcast_in_dim3A_815 : i32 to vector<16xi32>
      %gather3A_817 = tpu.vector_load_idx %arg11[%broadcast_in_dim3A_816, %get3A_754] : memref<8x4096xf32, #tpu.memory_space<vmem>>[vector<16xi32>, vector<16xi32>], vector<16xf32>,
      %mul3A_818 = arith.constant 16 : i32
      %mul3A_819 = arith.muli %scan3A_710, %mul3A_818 : i32
      %swap3A_820 = arith.constant 7 : i32
      %swap3A_821 = arith.index_cast %swap3A_820 : i32 to index
      %swap3A_822 = arith.index_cast %mul3A_819 : i32 to index
      %swap3A_823 = tpu.vector_load %arg14[%swap3A_821, %swap3A_822] {strides = array<i32>} : memref<8x1024xf32, #tpu.memory_space<vmem>>, vector<16xf32>,
      tpu.vector_store %arg14[%swap3A_821, %swap3A_822], %gather3A_817 {strides = array<i32>} : memref<8x1024xf32, #tpu.memory_space<vmem>>, vector<16xf32>,
    }
    %scan3A_455 = arith.constant 64 : i32
    %mul3A_456 = arith.constant 8 : i32
    %mul3A_457 = arith.muli %add3A_431, %mul3A_456 : i32
    %dma_start3A_458 = arith.constant 0 : i32
    %dma_start3A_459 = tpu.memref_slice %arg6[%select_n3A, %mul3A_457, %dma_start3A_458] : memref<16x192x1024xf32, #tpu.memory_space<hbm>> -> memref<1x8x1024xf32, #tpu.memory_space<hbm>>
    %dma_start3A_460 = tpu.memref_squeeze %dma_start3A_459 : memref<1x8x1024xf32, #tpu.memory_space<hbm>> -> memref<8x1024xf32, #tpu.memory_space<hbm>>
    %dma_start3A_461 = arith.constant 0 : i32
    %dma_start3A_462 = tpu.memref_slice %arg6[%select_n3A, %mul3A_457, %dma_start3A_461] : memref<16x192x1024xf32, #tpu.memory_space<hbm>> -> memref<1x8x1024xf32, #tpu.memory_space<hbm>>
    %dma_start3A_463 = tpu.memref_squeeze %dma_start3A_462 : memref<1x8x1024xf32, #tpu.memory_space<hbm>> -> memref<8x1024xf32, #tpu.memory_space<hbm>>
    tpu.enqueue_dma source(%arg14 : memref<8x1024xf32, #tpu.memory_space<vmem>>) target(%dma_start3A_463 : memref<8x1024xf32, #tpu.memory_space<hbm>>) target_semaphore(%arg20 : memref<!tpu.dma_semaphore, #tpu.memory_space<semaphore_mem>>)
    %add3A_464 = arith.constant 3 : i32
    %add3A_465 = arith.addi %add3A_431, %add3A_464 : i32
    %mul3A_466 = arith.constant 8 : i32
    %mul3A_467 = arith.muli %add3A_465, %mul3A_466 : i32
    %dma_start3A_468 = arith.constant 0 : i32
    %dma_start3A_469 = tpu.memref_slice %arg2[%select_n3A, %mul3A_467, %dma_start3A_468] : memref<16x192x4096xf32, #tpu.memory_space<hbm>> -> memref<1x8x4096xf32, #tpu.memory_space<hbm>>
    %dma_start3A_470 = tpu.memref_squeeze %dma_start3A_469 : memref<1x8x4096xf32, #tpu.memory_space<hbm>> -> memref<8x4096xf32, #tpu.memory_space<hbm>>
    %dma_start3A_471 = arith.constant 0 : i32
    %dma_start3A_472 = tpu.memref_slice %arg2[%select_n3A, %mul3A_467, %dma_start3A_471] : memref<16x192x4096xf32, #tpu.memory_space<hbm>> -> memref<1x8x4096xf32, #tpu.memory_space<hbm>>
    %dma_start3A_473 = tpu.memref_squeeze %dma_start3A_472 : memref<1x8x4096xf32, #tpu.memory_space<hbm>> -> memref<8x4096xf32, #tpu.memory_space<hbm>>
    tpu.enqueue_dma source(%dma_start3A_473 : memref<8x4096xf32, #tpu.memory_space<hbm>>) target(%arg11 : memref<8x4096xf32, #tpu.memory_space<vmem>>) target_semaphore(%arg17 : memref<!tpu.dma_semaphore, #tpu.memory_space<semaphore_mem>>)
    %add3A_474 = arith.constant 8 : i32
    %add3A_475 = arith.addi %mul3A_32, %add3A_474 : i32
    %mul3A_476 = arith.constant 8 : i32
    %mul3A_477 = arith.muli %add3A_475, %mul3A_476 : i32
    %dma_wait3A_478 = arith.constant 0 : i32
    %dma_wait3A_479 = tpu.memref_slice %arg2[%select_n3A, %mul3A_477, %dma_wait3A_478] : memref<16x192x4096xf32, #tpu.memory_space<hbm>> -> memref<1x8x4096xf32, #tpu.memory_space<hbm>>
    %dma_wait3A_480 = tpu.memref_squeeze %dma_wait3A_479 : memref<1x8x4096xf32, #tpu.memory_space<hbm>> -> memref<8x4096xf32, #tpu.memory_space<hbm>>
    %dma_wait3A_481 = arith.constant 0 : i32
    %dma_wait3A_482 = tpu.memref_slice %arg2[%select_n3A, %mul3A_477, %dma_wait3A_481] : memref<16x192x4096xf32, #tpu.memory_space<hbm>> -> memref<1x8x4096xf32, #tpu.memory_space<hbm>>
    %dma_wait3A_483 = tpu.memref_squeeze %dma_wait3A_482 : memref<1x8x4096xf32, #tpu.memory_space<hbm>> -> memref<8x4096xf32, #tpu.memory_space<hbm>>
    tpu.wait_dma2 semaphore(%arg18 : memref<!tpu.dma_semaphore, #tpu.memory_space<semaphore_mem>>) src(%dma_wait3A_483 : memref<8x4096xf32, #tpu.memory_space<hbm>>) dst(%arg12 : memref<8x4096xf32, #tpu.memory_space<vmem>>)
    %sub3A_484 = arith.constant 2 : i32
    %sub3A_485 = arith.subi %add3A_475, %sub3A_484 : i32
    %mul3A_486 = arith.constant 8 : i32
    %mul3A_487 = arith.muli %sub3A_485, %mul3A_486 : i32
    %dma_wait3A_488 = arith.constant 0 : i32
    %dma_wait3A_489 = tpu.memref_slice %arg6[%select_n3A, %mul3A_487, %dma_wait3A_488] : memref<16x192x1024xf32, #tpu.memory_space<hbm>> -> memref<1x8x1024xf32, #tpu.memory_space<hbm>>
    %dma_wait3A_490 = tpu.memref_squeeze %dma_wait3A_489 : memref<1x8x1024xf32, #tpu.memory_space<hbm>> -> memref<8x1024xf32, #tpu.memory_space<hbm>>
    %dma_wait3A_491 = arith.constant 0 : i32
    %dma_wait3A_492 = tpu.memref_slice %arg6[%select_n3A, %mul3A_487, %dma_wait3A_491] : memref<16x192x1024xf32, #tpu.memory_space<hbm>> -> memref<1x8x1024xf32, #tpu.memory_space<hbm>>
    %dma_wait3A_493 = tpu.memref_squeeze %dma_wait3A_492 : memref<1x8x1024xf32, #tpu.memory_space<hbm>> -> memref<8x1024xf32, #tpu.memory_space<hbm>>
    tpu.wait_dma2 semaphore(%arg19 : memref<!tpu.dma_semaphore, #tpu.memory_space<semaphore_mem>>) src(%arg13 : memref<8x1024xf32, #tpu.memory_space<vmem>>) dst(%dma_wait3A_493 : memref<8x1024xf32, #tpu.memory_space<hbm>>)
    %scan3A_494 = arith.constant 0 : i32
    %scan3A_495 = arith.constant 0 : i32
    %scan3A_496 = arith.constant 64 : i32
    %scan3A_497 = arith.addi %scan3A_495, %scan3A_496 : i32
    %scan3A_498 = arith.constant 1 : i32
    scf.for %scan3A_710 = %scan3A_495 to %scan3A_497 step %scan3A_498  : i32 {
      %jit3A_711 = arith.constant 8 : i32
      %div3A_712 = arith.divsi %scan3A_710, %jit3A_711 : i32
      %sign3A_713 = arith.constant 0 : i32
      %sign3A_714 = arith.cmpi sgt, %scan3A_710, %sign3A_713 : i32
      %sign3A_715 = arith.extui %sign3A_714 : i1 to i32
      %sign3A_716 = arith.constant 0 : i32
      %sign3A_717 = arith.cmpi slt, %scan3A_710, %sign3A_716 : i32
      %sign3A_718 = arith.extui %sign3A_717 : i1 to i32
      %sign3A_719 = arith.subi %sign3A_715, %sign3A_718 : i32
      %sign3A_720 = arith.constant 0 : i32
      %sign3A_721 = arith.cmpi sgt, %jit3A_711, %sign3A_720 : i32
      %sign3A_722 = arith.extui %sign3A_721 : i1 to i32
      %sign3A_723 = arith.constant 0 : i32
      %sign3A_724 = arith.cmpi slt, %jit3A_711, %sign3A_723 : i32
      %sign3A_725 = arith.extui %sign3A_724 : i1 to i32
      %sign3A_726 = arith.subi %sign3A_722, %sign3A_725 : i32
      %ne3A_727 = arith.cmpi ne, %sign3A_719, %sign3A_726 : i32
      %rem3A_728 = arith.remsi %scan3A_710, %jit3A_711 : i32
      %ne3A_729 = arith.constant 0 : i32
      %ne3A_730 = arith.cmpi ne, %rem3A_728, %ne3A_729 : i32
      %and3A_731 = arith.andi %ne3A_727, %ne3A_730 : i1
      %sub3A_732 = arith.constant 1 : i32
      %sub3A_733 = arith.subi %div3A_712, %sub3A_732 : i32
      %select_n3A_734 = arith.select %and3A_731, %sub3A_733, %div3A_712 : i32
      %jit3A_735 = arith.constant 8 : i32
      %eq3A_736 = arith.constant 0 : i32
      %eq3A_737 = arith.cmpi eq, %jit3A_735, %eq3A_736 : i32
      %jit3A_738 = arith.constant 1 : i32
      %select_n3A_739 = arith.select %eq3A_737, %jit3A_738, %jit3A_735 : i32
      %rem3A_740 = arith.remsi %scan3A_710, %select_n3A_739 : i32
      %ne3A_741 = arith.constant 0 : i32
      %ne3A_742 = arith.cmpi ne, %rem3A_740, %ne3A_741 : i32
      %lt3A_743 = arith.constant 0 : i32
      %lt3A_744 = arith.cmpi slt, %rem3A_740, %lt3A_743 : i32
      %lt3A_745 = arith.constant 0 : i32
      %lt3A_746 = arith.cmpi slt, %select_n3A_739, %lt3A_745 : i32
      %ne3A_747 = arith.xori %lt3A_744, %lt3A_746 : i1
      %and3A_748 = arith.andi %ne3A_747, %ne3A_742 : i1
      %add3A_749 = arith.addi %rem3A_740, %select_n3A_739 : i32
      %select_n3A_750 = arith.select %and3A_748, %add3A_749, %rem3A_740 : i32
      %mul3A_751 = arith.constant 16 : i32
      %mul3A_752 = arith.muli %select_n3A_750, %mul3A_751 : i32
      %get3A = arith.index_cast %select_n3A_734 : i32 to index
      %get3A_753 = arith.index_cast %mul3A_752 : i32 to index
      %get3A_754 = tpu.vector_load %arg9[%get3A, %get3A_753] {strides = array<i32>} : memref<8x128xi32, #tpu.memory_space<vmem>>, vector<16xi32>,
      %broadcast_in_dim3A = arith.constant 0 : i32
      %broadcast_in_dim3A_755 = vector.broadcast %broadcast_in_dim3A : i32 to vector<16xi32>
      %gather3A = tpu.vector_load_idx %arg12[%broadcast_in_dim3A_755, %get3A_754] : memref<8x4096xf32, #tpu.memory_space<vmem>>[vector<16xi32>, vector<16xi32>], vector<16xf32>,
      %mul3A_756 = arith.constant 16 : i32
      %mul3A_757 = arith.muli %scan3A_710, %mul3A_756 : i32
      %swap3A = arith.constant 0 : i32
      %swap3A_758 = arith.index_cast %swap3A : i32 to index
      %swap3A_759 = arith.index_cast %mul3A_757 : i32 to index
      %swap3A_760 = tpu.vector_load %arg13[%swap3A_758, %swap3A_759] {strides = array<i32>} : memref<8x1024xf32, #tpu.memory_space<vmem>>, vector<16xf32>,
      tpu.vector_store %arg13[%swap3A_758, %swap3A_759], %gather3A {strides = array<i32>} : memref<8x1024xf32, #tpu.memory_space<vmem>>, vector<16xf32>,
      %broadcast_in_dim3A_761 = arith.constant 1 : i32
      %broadcast_in_dim3A_762 = vector.broadcast %broadcast_in_dim3A_761 : i32 to vector<16xi32>
      %gather3A_763 = tpu.vector_load_idx %arg12[%broadcast_in_dim3A_762, %get3A_754] : memref<8x4096xf32, #tpu.memory_space<vmem>>[vector<16xi32>, vector<16xi32>], vector<16xf32>,
      %mul3A_764 = arith.constant 16 : i32
      %mul3A_765 = arith.muli %scan3A_710, %mul3A_764 : i32
      %swap3A_766 = arith.constant 1 : i32
      %swap3A_767 = arith.index_cast %swap3A_766 : i32 to index
      %swap3A_768 = arith.index_cast %mul3A_765 : i32 to index
      %swap3A_769 = tpu.vector_load %arg13[%swap3A_767, %swap3A_768] {strides = array<i32>} : memref<8x1024xf32, #tpu.memory_space<vmem>>, vector<16xf32>,
      tpu.vector_store %arg13[%swap3A_767, %swap3A_768], %gather3A_763 {strides = array<i32>} : memref<8x1024xf32, #tpu.memory_space<vmem>>, vector<16xf32>,
      %broadcast_in_dim3A_770 = arith.constant 2 : i32
      %broadcast_in_dim3A_771 = vector.broadcast %broadcast_in_dim3A_770 : i32 to vector<16xi32>
      %gather3A_772 = tpu.vector_load_idx %arg12[%broadcast_in_dim3A_771, %get3A_754] : memref<8x4096xf32, #tpu.memory_space<vmem>>[vector<16xi32>, vector<16xi32>], vector<16xf32>,
      %mul3A_773 = arith.constant 16 : i32
      %mul3A_774 = arith.muli %scan3A_710, %mul3A_773 : i32
      %swap3A_775 = arith.constant 2 : i32
      %swap3A_776 = arith.index_cast %swap3A_775 : i32 to index
      %swap3A_777 = arith.index_cast %mul3A_774 : i32 to index
      %swap3A_778 = tpu.vector_load %arg13[%swap3A_776, %swap3A_777] {strides = array<i32>} : memref<8x1024xf32, #tpu.memory_space<vmem>>, vector<16xf32>,
      tpu.vector_store %arg13[%swap3A_776, %swap3A_777], %gather3A_772 {strides = array<i32>} : memref<8x1024xf32, #tpu.memory_space<vmem>>, vector<16xf32>,
      %broadcast_in_dim3A_779 = arith.constant 3 : i32
      %broadcast_in_dim3A_780 = vector.broadcast %broadcast_in_dim3A_779 : i32 to vector<16xi32>
      %gather3A_781 = tpu.vector_load_idx %arg12[%broadcast_in_dim3A_780, %get3A_754] : memref<8x4096xf32, #tpu.memory_space<vmem>>[vector<16xi32>, vector<16xi32>], vector<16xf32>,
      %mul3A_782 = arith.constant 16 : i32
      %mul3A_783 = arith.muli %scan3A_710, %mul3A_782 : i32
      %swap3A_784 = arith.constant 3 : i32
      %swap3A_785 = arith.index_cast %swap3A_784 : i32 to index
      %swap3A_786 = arith.index_cast %mul3A_783 : i32 to index
      %swap3A_787 = tpu.vector_load %arg13[%swap3A_785, %swap3A_786] {strides = array<i32>} : memref<8x1024xf32, #tpu.memory_space<vmem>>, vector<16xf32>,
      tpu.vector_store %arg13[%swap3A_785, %swap3A_786], %gather3A_781 {strides = array<i32>} : memref<8x1024xf32, #tpu.memory_space<vmem>>, vector<16xf32>,
      %broadcast_in_dim3A_788 = arith.constant 4 : i32
      %broadcast_in_dim3A_789 = vector.broadcast %broadcast_in_dim3A_788 : i32 to vector<16xi32>
      %gather3A_790 = tpu.vector_load_idx %arg12[%broadcast_in_dim3A_789, %get3A_754] : memref<8x4096xf32, #tpu.memory_space<vmem>>[vector<16xi32>, vector<16xi32>], vector<16xf32>,
      %mul3A_791 = arith.constant 16 : i32
      %mul3A_792 = arith.muli %scan3A_710, %mul3A_791 : i32
      %swap3A_793 = arith.constant 4 : i32
      %swap3A_794 = arith.index_cast %swap3A_793 : i32 to index
      %swap3A_795 = arith.index_cast %mul3A_792 : i32 to index
      %swap3A_796 = tpu.vector_load %arg13[%swap3A_794, %swap3A_795] {strides = array<i32>} : memref<8x1024xf32, #tpu.memory_space<vmem>>, vector<16xf32>,
      tpu.vector_store %arg13[%swap3A_794, %swap3A_795], %gather3A_790 {strides = array<i32>} : memref<8x1024xf32, #tpu.memory_space<vmem>>, vector<16xf32>,
      %broadcast_in_dim3A_797 = arith.constant 5 : i32
      %broadcast_in_dim3A_798 = vector.broadcast %broadcast_in_dim3A_797 : i32 to vector<16xi32>
      %gather3A_799 = tpu.vector_load_idx %arg12[%broadcast_in_dim3A_798, %get3A_754] : memref<8x4096xf32, #tpu.memory_space<vmem>>[vector<16xi32>, vector<16xi32>], vector<16xf32>,
      %mul3A_800 = arith.constant 16 : i32
      %mul3A_801 = arith.muli %scan3A_710, %mul3A_800 : i32
      %swap3A_802 = arith.constant 5 : i32
      %swap3A_803 = arith.index_cast %swap3A_802 : i32 to index
      %swap3A_804 = arith.index_cast %mul3A_801 : i32 to index
      %swap3A_805 = tpu.vector_load %arg13[%swap3A_803, %swap3A_804] {strides = array<i32>} : memref<8x1024xf32, #tpu.memory_space<vmem>>, vector<16xf32>,
      tpu.vector_store %arg13[%swap3A_803, %swap3A_804], %gather3A_799 {strides = array<i32>} : memref<8x1024xf32, #tpu.memory_space<vmem>>, vector<16xf32>,
      %broadcast_in_dim3A_806 = arith.constant 6 : i32
      %broadcast_in_dim3A_807 = vector.broadcast %broadcast_in_dim3A_806 : i32 to vector<16xi32>
      %gather3A_808 = tpu.vector_load_idx %arg12[%broadcast_in_dim3A_807, %get3A_754] : memref<8x4096xf32, #tpu.memory_space<vmem>>[vector<16xi32>, vector<16xi32>], vector<16xf32>,
      %mul3A_809 = arith.constant 16 : i32
      %mul3A_810 = arith.muli %scan3A_710, %mul3A_809 : i32
      %swap3A_811 = arith.constant 6 : i32
      %swap3A_812 = arith.index_cast %swap3A_811 : i32 to index
      %swap3A_813 = arith.index_cast %mul3A_810 : i32 to index
      %swap3A_814 = tpu.vector_load %arg13[%swap3A_812, %swap3A_813] {strides = array<i32>} : memref<8x1024xf32, #tpu.memory_space<vmem>>, vector<16xf32>,
      tpu.vector_store %arg13[%swap3A_812, %swap3A_813], %gather3A_808 {strides = array<i32>} : memref<8x1024xf32, #tpu.memory_space<vmem>>, vector<16xf32>,
      %broadcast_in_dim3A_815 = arith.constant 7 : i32
      %broadcast_in_dim3A_816 = vector.broadcast %broadcast_in_dim3A_815 : i32 to vector<16xi32>
      %gather3A_817 = tpu.vector_load_idx %arg12[%broadcast_in_dim3A_816, %get3A_754] : memref<8x4096xf32, #tpu.memory_space<vmem>>[vector<16xi32>, vector<16xi32>], vector<16xf32>,
      %mul3A_818 = arith.constant 16 : i32
      %mul3A_819 = arith.muli %scan3A_710, %mul3A_818 : i32
      %swap3A_820 = arith.constant 7 : i32
      %swap3A_821 = arith.index_cast %swap3A_820 : i32 to index
      %swap3A_822 = arith.index_cast %mul3A_819 : i32 to index
      %swap3A_823 = tpu.vector_load %arg13[%swap3A_821, %swap3A_822] {strides = array<i32>} : memref<8x1024xf32, #tpu.memory_space<vmem>>, vector<16xf32>,
      tpu.vector_store %arg13[%swap3A_821, %swap3A_822], %gather3A_817 {strides = array<i32>} : memref<8x1024xf32, #tpu.memory_space<vmem>>, vector<16xf32>,
    }
    %scan3A_499 = arith.constant 64 : i32
    %mul3A_500 = arith.constant 8 : i32
    %mul3A_501 = arith.muli %add3A_475, %mul3A_500 : i32
    %dma_start3A_502 = arith.constant 0 : i32
    %dma_start3A_503 = tpu.memref_slice %arg6[%select_n3A, %mul3A_501, %dma_start3A_502] : memref<16x192x1024xf32, #tpu.memory_space<hbm>> -> memref<1x8x1024xf32, #tpu.memory_space<hbm>>
    %dma_start3A_504 = tpu.memref_squeeze %dma_start3A_503 : memref<1x8x1024xf32, #tpu.memory_space<hbm>> -> memref<8x1024xf32, #tpu.memory_space<hbm>>
    %dma_start3A_505 = arith.constant 0 : i32
    %dma_start3A_506 = tpu.memref_slice %arg6[%select_n3A, %mul3A_501, %dma_start3A_505] : memref<16x192x1024xf32, #tpu.memory_space<hbm>> -> memref<1x8x1024xf32, #tpu.memory_space<hbm>>
    %dma_start3A_507 = tpu.memref_squeeze %dma_start3A_506 : memref<1x8x1024xf32, #tpu.memory_space<hbm>> -> memref<8x1024xf32, #tpu.memory_space<hbm>>
    tpu.enqueue_dma source(%arg13 : memref<8x1024xf32, #tpu.memory_space<vmem>>) target(%dma_start3A_507 : memref<8x1024xf32, #tpu.memory_space<hbm>>) target_semaphore(%arg19 : memref<!tpu.dma_semaphore, #tpu.memory_space<semaphore_mem>>)
    %add3A_508 = arith.constant 3 : i32
    %add3A_509 = arith.addi %add3A_475, %add3A_508 : i32
    %mul3A_510 = arith.constant 8 : i32
    %mul3A_511 = arith.muli %add3A_509, %mul3A_510 : i32
    %dma_start3A_512 = arith.constant 0 : i32
    %dma_start3A_513 = tpu.memref_slice %arg2[%select_n3A, %mul3A_511, %dma_start3A_512] : memref<16x192x4096xf32, #tpu.memory_space<hbm>> -> memref<1x8x4096xf32, #tpu.memory_space<hbm>>
    %dma_start3A_514 = tpu.memref_squeeze %dma_start3A_513 : memref<1x8x4096xf32, #tpu.memory_space<hbm>> -> memref<8x4096xf32, #tpu.memory_space<hbm>>
    %dma_start3A_515 = arith.constant 0 : i32
    %dma_start3A_516 = tpu.memref_slice %arg2[%select_n3A, %mul3A_511, %dma_start3A_515] : memref<16x192x4096xf32, #tpu.memory_space<hbm>> -> memref<1x8x4096xf32, #tpu.memory_space<hbm>>
    %dma_start3A_517 = tpu.memref_squeeze %dma_start3A_516 : memref<1x8x4096xf32, #tpu.memory_space<hbm>> -> memref<8x4096xf32, #tpu.memory_space<hbm>>
    tpu.enqueue_dma source(%dma_start3A_517 : memref<8x4096xf32, #tpu.memory_space<hbm>>) target(%arg12 : memref<8x4096xf32, #tpu.memory_space<vmem>>) target_semaphore(%arg18 : memref<!tpu.dma_semaphore, #tpu.memory_space<semaphore_mem>>)
    %add3A_518 = arith.constant 9 : i32
    %add3A_519 = arith.addi %mul3A_32, %add3A_518 : i32
    %mul3A_520 = arith.constant 8 : i32
    %mul3A_521 = arith.muli %add3A_519, %mul3A_520 : i32
    %dma_wait3A_522 = arith.constant 0 : i32
    %dma_wait3A_523 = tpu.memref_slice %arg2[%select_n3A, %mul3A_521, %dma_wait3A_522] : memref<16x192x4096xf32, #tpu.memory_space<hbm>> -> memref<1x8x4096xf32, #tpu.memory_space<hbm>>
    %dma_wait3A_524 = tpu.memref_squeeze %dma_wait3A_523 : memref<1x8x4096xf32, #tpu.memory_space<hbm>> -> memref<8x4096xf32, #tpu.memory_space<hbm>>
    %dma_wait3A_525 = arith.constant 0 : i32
    %dma_wait3A_526 = tpu.memref_slice %arg2[%select_n3A, %mul3A_521, %dma_wait3A_525] : memref<16x192x4096xf32, #tpu.memory_space<hbm>> -> memref<1x8x4096xf32, #tpu.memory_space<hbm>>
    %dma_wait3A_527 = tpu.memref_squeeze %dma_wait3A_526 : memref<1x8x4096xf32, #tpu.memory_space<hbm>> -> memref<8x4096xf32, #tpu.memory_space<hbm>>
    tpu.wait_dma2 semaphore(%arg16 : memref<!tpu.dma_semaphore, #tpu.memory_space<semaphore_mem>>) src(%dma_wait3A_527 : memref<8x4096xf32, #tpu.memory_space<hbm>>) dst(%arg10 : memref<8x4096xf32, #tpu.memory_space<vmem>>)
    %sub3A_528 = arith.constant 2 : i32
    %sub3A_529 = arith.subi %add3A_519, %sub3A_528 : i32
    %mul3A_530 = arith.constant 8 : i32
    %mul3A_531 = arith.muli %sub3A_529, %mul3A_530 : i32
    %dma_wait3A_532 = arith.constant 0 : i32
    %dma_wait3A_533 = tpu.memref_slice %arg6[%select_n3A, %mul3A_531, %dma_wait3A_532] : memref<16x192x1024xf32, #tpu.memory_space<hbm>> -> memref<1x8x1024xf32, #tpu.memory_space<hbm>>
    %dma_wait3A_534 = tpu.memref_squeeze %dma_wait3A_533 : memref<1x8x1024xf32, #tpu.memory_space<hbm>> -> memref<8x1024xf32, #tpu.memory_space<hbm>>
    %dma_wait3A_535 = arith.constant 0 : i32
    %dma_wait3A_536 = tpu.memref_slice %arg6[%select_n3A, %mul3A_531, %dma_wait3A_535] : memref<16x192x1024xf32, #tpu.memory_space<hbm>> -> memref<1x8x1024xf32, #tpu.memory_space<hbm>>
    %dma_wait3A_537 = tpu.memref_squeeze %dma_wait3A_536 : memref<1x8x1024xf32, #tpu.memory_space<hbm>> -> memref<8x1024xf32, #tpu.memory_space<hbm>>
    tpu.wait_dma2 semaphore(%arg20 : memref<!tpu.dma_semaphore, #tpu.memory_space<semaphore_mem>>) src(%arg14 : memref<8x1024xf32, #tpu.memory_space<vmem>>) dst(%dma_wait3A_537 : memref<8x1024xf32, #tpu.memory_space<hbm>>)
    %scan3A_538 = arith.constant 0 : i32
    %scan3A_539 = arith.constant 0 : i32
    %scan3A_540 = arith.constant 64 : i32
    %scan3A_541 = arith.addi %scan3A_539, %scan3A_540 : i32
    %scan3A_542 = arith.constant 1 : i32
    scf.for %scan3A_710 = %scan3A_539 to %scan3A_541 step %scan3A_542  : i32 {
      %jit3A_711 = arith.constant 8 : i32
      %div3A_712 = arith.divsi %scan3A_710, %jit3A_711 : i32
      %sign3A_713 = arith.constant 0 : i32
      %sign3A_714 = arith.cmpi sgt, %scan3A_710, %sign3A_713 : i32
      %sign3A_715 = arith.extui %sign3A_714 : i1 to i32
      %sign3A_716 = arith.constant 0 : i32
      %sign3A_717 = arith.cmpi slt, %scan3A_710, %sign3A_716 : i32
      %sign3A_718 = arith.extui %sign3A_717 : i1 to i32
      %sign3A_719 = arith.subi %sign3A_715, %sign3A_718 : i32
      %sign3A_720 = arith.constant 0 : i32
      %sign3A_721 = arith.cmpi sgt, %jit3A_711, %sign3A_720 : i32
      %sign3A_722 = arith.extui %sign3A_721 : i1 to i32
      %sign3A_723 = arith.constant 0 : i32
      %sign3A_724 = arith.cmpi slt, %jit3A_711, %sign3A_723 : i32
      %sign3A_725 = arith.extui %sign3A_724 : i1 to i32
      %sign3A_726 = arith.subi %sign3A_722, %sign3A_725 : i32
      %ne3A_727 = arith.cmpi ne, %sign3A_719, %sign3A_726 : i32
      %rem3A_728 = arith.remsi %scan3A_710, %jit3A_711 : i32
      %ne3A_729 = arith.constant 0 : i32
      %ne3A_730 = arith.cmpi ne, %rem3A_728, %ne3A_729 : i32
      %and3A_731 = arith.andi %ne3A_727, %ne3A_730 : i1
      %sub3A_732 = arith.constant 1 : i32
      %sub3A_733 = arith.subi %div3A_712, %sub3A_732 : i32
      %select_n3A_734 = arith.select %and3A_731, %sub3A_733, %div3A_712 : i32
      %jit3A_735 = arith.constant 8 : i32
      %eq3A_736 = arith.constant 0 : i32
      %eq3A_737 = arith.cmpi eq, %jit3A_735, %eq3A_736 : i32
      %jit3A_738 = arith.constant 1 : i32
      %select_n3A_739 = arith.select %eq3A_737, %jit3A_738, %jit3A_735 : i32
      %rem3A_740 = arith.remsi %scan3A_710, %select_n3A_739 : i32
      %ne3A_741 = arith.constant 0 : i32
      %ne3A_742 = arith.cmpi ne, %rem3A_740, %ne3A_741 : i32
      %lt3A_743 = arith.constant 0 : i32
      %lt3A_744 = arith.cmpi slt, %rem3A_740, %lt3A_743 : i32
      %lt3A_745 = arith.constant 0 : i32
      %lt3A_746 = arith.cmpi slt, %select_n3A_739, %lt3A_745 : i32
      %ne3A_747 = arith.xori %lt3A_744, %lt3A_746 : i1
      %and3A_748 = arith.andi %ne3A_747, %ne3A_742 : i1
      %add3A_749 = arith.addi %rem3A_740, %select_n3A_739 : i32
      %select_n3A_750 = arith.select %and3A_748, %add3A_749, %rem3A_740 : i32
      %mul3A_751 = arith.constant 16 : i32
      %mul3A_752 = arith.muli %select_n3A_750, %mul3A_751 : i32
      %get3A = arith.index_cast %select_n3A_734 : i32 to index
      %get3A_753 = arith.index_cast %mul3A_752 : i32 to index
      %get3A_754 = tpu.vector_load %arg9[%get3A, %get3A_753] {strides = array<i32>} : memref<8x128xi32, #tpu.memory_space<vmem>>, vector<16xi32>,
      %broadcast_in_dim3A = arith.constant 0 : i32
      %broadcast_in_dim3A_755 = vector.broadcast %broadcast_in_dim3A : i32 to vector<16xi32>
      %gather3A = tpu.vector_load_idx %arg10[%broadcast_in_dim3A_755, %get3A_754] : memref<8x4096xf32, #tpu.memory_space<vmem>>[vector<16xi32>, vector<16xi32>], vector<16xf32>,
      %mul3A_756 = arith.constant 16 : i32
      %mul3A_757 = arith.muli %scan3A_710, %mul3A_756 : i32
      %swap3A = arith.constant 0 : i32
      %swap3A_758 = arith.index_cast %swap3A : i32 to index
      %swap3A_759 = arith.index_cast %mul3A_757 : i32 to index
      %swap3A_760 = tpu.vector_load %arg14[%swap3A_758, %swap3A_759] {strides = array<i32>} : memref<8x1024xf32, #tpu.memory_space<vmem>>, vector<16xf32>,
      tpu.vector_store %arg14[%swap3A_758, %swap3A_759], %gather3A {strides = array<i32>} : memref<8x1024xf32, #tpu.memory_space<vmem>>, vector<16xf32>,
      %broadcast_in_dim3A_761 = arith.constant 1 : i32
      %broadcast_in_dim3A_762 = vector.broadcast %broadcast_in_dim3A_761 : i32 to vector<16xi32>
      %gather3A_763 = tpu.vector_load_idx %arg10[%broadcast_in_dim3A_762, %get3A_754] : memref<8x4096xf32, #tpu.memory_space<vmem>>[vector<16xi32>, vector<16xi32>], vector<16xf32>,
      %mul3A_764 = arith.constant 16 : i32
      %mul3A_765 = arith.muli %scan3A_710, %mul3A_764 : i32
      %swap3A_766 = arith.constant 1 : i32
      %swap3A_767 = arith.index_cast %swap3A_766 : i32 to index
      %swap3A_768 = arith.index_cast %mul3A_765 : i32 to index
      %swap3A_769 = tpu.vector_load %arg14[%swap3A_767, %swap3A_768] {strides = array<i32>} : memref<8x1024xf32, #tpu.memory_space<vmem>>, vector<16xf32>,
      tpu.vector_store %arg14[%swap3A_767, %swap3A_768], %gather3A_763 {strides = array<i32>} : memref<8x1024xf32, #tpu.memory_space<vmem>>, vector<16xf32>,
      %broadcast_in_dim3A_770 = arith.constant 2 : i32
      %broadcast_in_dim3A_771 = vector.broadcast %broadcast_in_dim3A_770 : i32 to vector<16xi32>
      %gather3A_772 = tpu.vector_load_idx %arg10[%broadcast_in_dim3A_771, %get3A_754] : memref<8x4096xf32, #tpu.memory_space<vmem>>[vector<16xi32>, vector<16xi32>], vector<16xf32>,
      %mul3A_773 = arith.constant 16 : i32
      %mul3A_774 = arith.muli %scan3A_710, %mul3A_773 : i32
      %swap3A_775 = arith.constant 2 : i32
      %swap3A_776 = arith.index_cast %swap3A_775 : i32 to index
      %swap3A_777 = arith.index_cast %mul3A_774 : i32 to index
      %swap3A_778 = tpu.vector_load %arg14[%swap3A_776, %swap3A_777] {strides = array<i32>} : memref<8x1024xf32, #tpu.memory_space<vmem>>, vector<16xf32>,
      tpu.vector_store %arg14[%swap3A_776, %swap3A_777], %gather3A_772 {strides = array<i32>} : memref<8x1024xf32, #tpu.memory_space<vmem>>, vector<16xf32>,
      %broadcast_in_dim3A_779 = arith.constant 3 : i32
      %broadcast_in_dim3A_780 = vector.broadcast %broadcast_in_dim3A_779 : i32 to vector<16xi32>
      %gather3A_781 = tpu.vector_load_idx %arg10[%broadcast_in_dim3A_780, %get3A_754] : memref<8x4096xf32, #tpu.memory_space<vmem>>[vector<16xi32>, vector<16xi32>], vector<16xf32>,
      %mul3A_782 = arith.constant 16 : i32
      %mul3A_783 = arith.muli %scan3A_710, %mul3A_782 : i32
      %swap3A_784 = arith.constant 3 : i32
      %swap3A_785 = arith.index_cast %swap3A_784 : i32 to index
      %swap3A_786 = arith.index_cast %mul3A_783 : i32 to index
      %swap3A_787 = tpu.vector_load %arg14[%swap3A_785, %swap3A_786] {strides = array<i32>} : memref<8x1024xf32, #tpu.memory_space<vmem>>, vector<16xf32>,
      tpu.vector_store %arg14[%swap3A_785, %swap3A_786], %gather3A_781 {strides = array<i32>} : memref<8x1024xf32, #tpu.memory_space<vmem>>, vector<16xf32>,
      %broadcast_in_dim3A_788 = arith.constant 4 : i32
      %broadcast_in_dim3A_789 = vector.broadcast %broadcast_in_dim3A_788 : i32 to vector<16xi32>
      %gather3A_790 = tpu.vector_load_idx %arg10[%broadcast_in_dim3A_789, %get3A_754] : memref<8x4096xf32, #tpu.memory_space<vmem>>[vector<16xi32>, vector<16xi32>], vector<16xf32>,
      %mul3A_791 = arith.constant 16 : i32
      %mul3A_792 = arith.muli %scan3A_710, %mul3A_791 : i32
      %swap3A_793 = arith.constant 4 : i32
      %swap3A_794 = arith.index_cast %swap3A_793 : i32 to index
      %swap3A_795 = arith.index_cast %mul3A_792 : i32 to index
      %swap3A_796 = tpu.vector_load %arg14[%swap3A_794, %swap3A_795] {strides = array<i32>} : memref<8x1024xf32, #tpu.memory_space<vmem>>, vector<16xf32>,
      tpu.vector_store %arg14[%swap3A_794, %swap3A_795], %gather3A_790 {strides = array<i32>} : memref<8x1024xf32, #tpu.memory_space<vmem>>, vector<16xf32>,
      %broadcast_in_dim3A_797 = arith.constant 5 : i32
      %broadcast_in_dim3A_798 = vector.broadcast %broadcast_in_dim3A_797 : i32 to vector<16xi32>
      %gather3A_799 = tpu.vector_load_idx %arg10[%broadcast_in_dim3A_798, %get3A_754] : memref<8x4096xf32, #tpu.memory_space<vmem>>[vector<16xi32>, vector<16xi32>], vector<16xf32>,
      %mul3A_800 = arith.constant 16 : i32
      %mul3A_801 = arith.muli %scan3A_710, %mul3A_800 : i32
      %swap3A_802 = arith.constant 5 : i32
      %swap3A_803 = arith.index_cast %swap3A_802 : i32 to index
      %swap3A_804 = arith.index_cast %mul3A_801 : i32 to index
      %swap3A_805 = tpu.vector_load %arg14[%swap3A_803, %swap3A_804] {strides = array<i32>} : memref<8x1024xf32, #tpu.memory_space<vmem>>, vector<16xf32>,
      tpu.vector_store %arg14[%swap3A_803, %swap3A_804], %gather3A_799 {strides = array<i32>} : memref<8x1024xf32, #tpu.memory_space<vmem>>, vector<16xf32>,
      %broadcast_in_dim3A_806 = arith.constant 6 : i32
      %broadcast_in_dim3A_807 = vector.broadcast %broadcast_in_dim3A_806 : i32 to vector<16xi32>
      %gather3A_808 = tpu.vector_load_idx %arg10[%broadcast_in_dim3A_807, %get3A_754] : memref<8x4096xf32, #tpu.memory_space<vmem>>[vector<16xi32>, vector<16xi32>], vector<16xf32>,
      %mul3A_809 = arith.constant 16 : i32
      %mul3A_810 = arith.muli %scan3A_710, %mul3A_809 : i32
      %swap3A_811 = arith.constant 6 : i32
      %swap3A_812 = arith.index_cast %swap3A_811 : i32 to index
      %swap3A_813 = arith.index_cast %mul3A_810 : i32 to index
      %swap3A_814 = tpu.vector_load %arg14[%swap3A_812, %swap3A_813] {strides = array<i32>} : memref<8x1024xf32, #tpu.memory_space<vmem>>, vector<16xf32>,
      tpu.vector_store %arg14[%swap3A_812, %swap3A_813], %gather3A_808 {strides = array<i32>} : memref<8x1024xf32, #tpu.memory_space<vmem>>, vector<16xf32>,
      %broadcast_in_dim3A_815 = arith.constant 7 : i32
      %broadcast_in_dim3A_816 = vector.broadcast %broadcast_in_dim3A_815 : i32 to vector<16xi32>
      %gather3A_817 = tpu.vector_load_idx %arg10[%broadcast_in_dim3A_816, %get3A_754] : memref<8x4096xf32, #tpu.memory_space<vmem>>[vector<16xi32>, vector<16xi32>], vector<16xf32>,
      %mul3A_818 = arith.constant 16 : i32
      %mul3A_819 = arith.muli %scan3A_710, %mul3A_818 : i32
      %swap3A_820 = arith.constant 7 : i32
      %swap3A_821 = arith.index_cast %swap3A_820 : i32 to index
      %swap3A_822 = arith.index_cast %mul3A_819 : i32 to index
      %swap3A_823 = tpu.vector_load %arg14[%swap3A_821, %swap3A_822] {strides = array<i32>} : memref<8x1024xf32, #tpu.memory_space<vmem>>, vector<16xf32>,
      tpu.vector_store %arg14[%swap3A_821, %swap3A_822], %gather3A_817 {strides = array<i32>} : memref<8x1024xf32, #tpu.memory_space<vmem>>, vector<16xf32>,
    }
    %scan3A_543 = arith.constant 64 : i32
    %mul3A_544 = arith.constant 8 : i32
    %mul3A_545 = arith.muli %add3A_519, %mul3A_544 : i32
    %dma_start3A_546 = arith.constant 0 : i32
    %dma_start3A_547 = tpu.memref_slice %arg6[%select_n3A, %mul3A_545, %dma_start3A_546] : memref<16x192x1024xf32, #tpu.memory_space<hbm>> -> memref<1x8x1024xf32, #tpu.memory_space<hbm>>
    %dma_start3A_548 = tpu.memref_squeeze %dma_start3A_547 : memref<1x8x1024xf32, #tpu.memory_space<hbm>> -> memref<8x1024xf32, #tpu.memory_space<hbm>>
    %dma_start3A_549 = arith.constant 0 : i32
    %dma_start3A_550 = tpu.memref_slice %arg6[%select_n3A, %mul3A_545, %dma_start3A_549] : memref<16x192x1024xf32, #tpu.memory_space<hbm>> -> memref<1x8x1024xf32, #tpu.memory_space<hbm>>
    %dma_start3A_551 = tpu.memref_squeeze %dma_start3A_550 : memref<1x8x1024xf32, #tpu.memory_space<hbm>> -> memref<8x1024xf32, #tpu.memory_space<hbm>>
    tpu.enqueue_dma source(%arg14 : memref<8x1024xf32, #tpu.memory_space<vmem>>) target(%dma_start3A_551 : memref<8x1024xf32, #tpu.memory_space<hbm>>) target_semaphore(%arg20 : memref<!tpu.dma_semaphore, #tpu.memory_space<semaphore_mem>>)
    %add3A_552 = arith.constant 10 : i32
    %add3A_553 = arith.addi %mul3A_32, %add3A_552 : i32
    %mul3A_554 = arith.constant 8 : i32
    %mul3A_555 = arith.muli %add3A_553, %mul3A_554 : i32
    %dma_wait3A_556 = arith.constant 0 : i32
    %dma_wait3A_557 = tpu.memref_slice %arg2[%select_n3A, %mul3A_555, %dma_wait3A_556] : memref<16x192x4096xf32, #tpu.memory_space<hbm>> -> memref<1x8x4096xf32, #tpu.memory_space<hbm>>
    %dma_wait3A_558 = tpu.memref_squeeze %dma_wait3A_557 : memref<1x8x4096xf32, #tpu.memory_space<hbm>> -> memref<8x4096xf32, #tpu.memory_space<hbm>>
    %dma_wait3A_559 = arith.constant 0 : i32
    %dma_wait3A_560 = tpu.memref_slice %arg2[%select_n3A, %mul3A_555, %dma_wait3A_559] : memref<16x192x4096xf32, #tpu.memory_space<hbm>> -> memref<1x8x4096xf32, #tpu.memory_space<hbm>>
    %dma_wait3A_561 = tpu.memref_squeeze %dma_wait3A_560 : memref<1x8x4096xf32, #tpu.memory_space<hbm>> -> memref<8x4096xf32, #tpu.memory_space<hbm>>
    tpu.wait_dma2 semaphore(%arg17 : memref<!tpu.dma_semaphore, #tpu.memory_space<semaphore_mem>>) src(%dma_wait3A_561 : memref<8x4096xf32, #tpu.memory_space<hbm>>) dst(%arg11 : memref<8x4096xf32, #tpu.memory_space<vmem>>)
    %sub3A_562 = arith.constant 2 : i32
    %sub3A_563 = arith.subi %add3A_553, %sub3A_562 : i32
    %mul3A_564 = arith.constant 8 : i32
    %mul3A_565 = arith.muli %sub3A_563, %mul3A_564 : i32
    %dma_wait3A_566 = arith.constant 0 : i32
    %dma_wait3A_567 = tpu.memref_slice %arg6[%select_n3A, %mul3A_565, %dma_wait3A_566] : memref<16x192x1024xf32, #tpu.memory_space<hbm>> -> memref<1x8x1024xf32, #tpu.memory_space<hbm>>
    %dma_wait3A_568 = tpu.memref_squeeze %dma_wait3A_567 : memref<1x8x1024xf32, #tpu.memory_space<hbm>> -> memref<8x1024xf32, #tpu.memory_space<hbm>>
    %dma_wait3A_569 = arith.constant 0 : i32
    %dma_wait3A_570 = tpu.memref_slice %arg6[%select_n3A, %mul3A_565, %dma_wait3A_569] : memref<16x192x1024xf32, #tpu.memory_space<hbm>> -> memref<1x8x1024xf32, #tpu.memory_space<hbm>>
    %dma_wait3A_571 = tpu.memref_squeeze %dma_wait3A_570 : memref<1x8x1024xf32, #tpu.memory_space<hbm>> -> memref<8x1024xf32, #tpu.memory_space<hbm>>
    tpu.wait_dma2 semaphore(%arg19 : memref<!tpu.dma_semaphore, #tpu.memory_space<semaphore_mem>>) src(%arg13 : memref<8x1024xf32, #tpu.memory_space<vmem>>) dst(%dma_wait3A_571 : memref<8x1024xf32, #tpu.memory_space<hbm>>)
    %scan3A_572 = arith.constant 0 : i32
    %scan3A_573 = arith.constant 0 : i32
    %scan3A_574 = arith.constant 64 : i32
    %scan3A_575 = arith.addi %scan3A_573, %scan3A_574 : i32
    %scan3A_576 = arith.constant 1 : i32
    scf.for %scan3A_710 = %scan3A_573 to %scan3A_575 step %scan3A_576  : i32 {
      %jit3A_711 = arith.constant 8 : i32
      %div3A_712 = arith.divsi %scan3A_710, %jit3A_711 : i32
      %sign3A_713 = arith.constant 0 : i32
      %sign3A_714 = arith.cmpi sgt, %scan3A_710, %sign3A_713 : i32
      %sign3A_715 = arith.extui %sign3A_714 : i1 to i32
      %sign3A_716 = arith.constant 0 : i32
      %sign3A_717 = arith.cmpi slt, %scan3A_710, %sign3A_716 : i32
      %sign3A_718 = arith.extui %sign3A_717 : i1 to i32
      %sign3A_719 = arith.subi %sign3A_715, %sign3A_718 : i32
      %sign3A_720 = arith.constant 0 : i32
      %sign3A_721 = arith.cmpi sgt, %jit3A_711, %sign3A_720 : i32
      %sign3A_722 = arith.extui %sign3A_721 : i1 to i32
      %sign3A_723 = arith.constant 0 : i32
      %sign3A_724 = arith.cmpi slt, %jit3A_711, %sign3A_723 : i32
      %sign3A_725 = arith.extui %sign3A_724 : i1 to i32
      %sign3A_726 = arith.subi %sign3A_722, %sign3A_725 : i32
      %ne3A_727 = arith.cmpi ne, %sign3A_719, %sign3A_726 : i32
      %rem3A_728 = arith.remsi %scan3A_710, %jit3A_711 : i32
      %ne3A_729 = arith.constant 0 : i32
      %ne3A_730 = arith.cmpi ne, %rem3A_728, %ne3A_729 : i32
      %and3A_731 = arith.andi %ne3A_727, %ne3A_730 : i1
      %sub3A_732 = arith.constant 1 : i32
      %sub3A_733 = arith.subi %div3A_712, %sub3A_732 : i32
      %select_n3A_734 = arith.select %and3A_731, %sub3A_733, %div3A_712 : i32
      %jit3A_735 = arith.constant 8 : i32
      %eq3A_736 = arith.constant 0 : i32
      %eq3A_737 = arith.cmpi eq, %jit3A_735, %eq3A_736 : i32
      %jit3A_738 = arith.constant 1 : i32
      %select_n3A_739 = arith.select %eq3A_737, %jit3A_738, %jit3A_735 : i32
      %rem3A_740 = arith.remsi %scan3A_710, %select_n3A_739 : i32
      %ne3A_741 = arith.constant 0 : i32
      %ne3A_742 = arith.cmpi ne, %rem3A_740, %ne3A_741 : i32
      %lt3A_743 = arith.constant 0 : i32
      %lt3A_744 = arith.cmpi slt, %rem3A_740, %lt3A_743 : i32
      %lt3A_745 = arith.constant 0 : i32
      %lt3A_746 = arith.cmpi slt, %select_n3A_739, %lt3A_745 : i32
      %ne3A_747 = arith.xori %lt3A_744, %lt3A_746 : i1
      %and3A_748 = arith.andi %ne3A_747, %ne3A_742 : i1
      %add3A_749 = arith.addi %rem3A_740, %select_n3A_739 : i32
      %select_n3A_750 = arith.select %and3A_748, %add3A_749, %rem3A_740 : i32
      %mul3A_751 = arith.constant 16 : i32
      %mul3A_752 = arith.muli %select_n3A_750, %mul3A_751 : i32
      %get3A = arith.index_cast %select_n3A_734 : i32 to index
      %get3A_753 = arith.index_cast %mul3A_752 : i32 to index
      %get3A_754 = tpu.vector_load %arg9[%get3A, %get3A_753] {strides = array<i32>} : memref<8x128xi32, #tpu.memory_space<vmem>>, vector<16xi32>,
      %broadcast_in_dim3A = arith.constant 0 : i32
      %broadcast_in_dim3A_755 = vector.broadcast %broadcast_in_dim3A : i32 to vector<16xi32>
      %gather3A = tpu.vector_load_idx %arg11[%broadcast_in_dim3A_755, %get3A_754] : memref<8x4096xf32, #tpu.memory_space<vmem>>[vector<16xi32>, vector<16xi32>], vector<16xf32>,
      %mul3A_756 = arith.constant 16 : i32
      %mul3A_757 = arith.muli %scan3A_710, %mul3A_756 : i32
      %swap3A = arith.constant 0 : i32
      %swap3A_758 = arith.index_cast %swap3A : i32 to index
      %swap3A_759 = arith.index_cast %mul3A_757 : i32 to index
      %swap3A_760 = tpu.vector_load %arg13[%swap3A_758, %swap3A_759] {strides = array<i32>} : memref<8x1024xf32, #tpu.memory_space<vmem>>, vector<16xf32>,
      tpu.vector_store %arg13[%swap3A_758, %swap3A_759], %gather3A {strides = array<i32>} : memref<8x1024xf32, #tpu.memory_space<vmem>>, vector<16xf32>,
      %broadcast_in_dim3A_761 = arith.constant 1 : i32
      %broadcast_in_dim3A_762 = vector.broadcast %broadcast_in_dim3A_761 : i32 to vector<16xi32>
      %gather3A_763 = tpu.vector_load_idx %arg11[%broadcast_in_dim3A_762, %get3A_754] : memref<8x4096xf32, #tpu.memory_space<vmem>>[vector<16xi32>, vector<16xi32>], vector<16xf32>,
      %mul3A_764 = arith.constant 16 : i32
      %mul3A_765 = arith.muli %scan3A_710, %mul3A_764 : i32
      %swap3A_766 = arith.constant 1 : i32
      %swap3A_767 = arith.index_cast %swap3A_766 : i32 to index
      %swap3A_768 = arith.index_cast %mul3A_765 : i32 to index
      %swap3A_769 = tpu.vector_load %arg13[%swap3A_767, %swap3A_768] {strides = array<i32>} : memref<8x1024xf32, #tpu.memory_space<vmem>>, vector<16xf32>,
      tpu.vector_store %arg13[%swap3A_767, %swap3A_768], %gather3A_763 {strides = array<i32>} : memref<8x1024xf32, #tpu.memory_space<vmem>>, vector<16xf32>,
      %broadcast_in_dim3A_770 = arith.constant 2 : i32
      %broadcast_in_dim3A_771 = vector.broadcast %broadcast_in_dim3A_770 : i32 to vector<16xi32>
      %gather3A_772 = tpu.vector_load_idx %arg11[%broadcast_in_dim3A_771, %get3A_754] : memref<8x4096xf32, #tpu.memory_space<vmem>>[vector<16xi32>, vector<16xi32>], vector<16xf32>,
      %mul3A_773 = arith.constant 16 : i32
      %mul3A_774 = arith.muli %scan3A_710, %mul3A_773 : i32
      %swap3A_775 = arith.constant 2 : i32
      %swap3A_776 = arith.index_cast %swap3A_775 : i32 to index
      %swap3A_777 = arith.index_cast %mul3A_774 : i32 to index
      %swap3A_778 = tpu.vector_load %arg13[%swap3A_776, %swap3A_777] {strides = array<i32>} : memref<8x1024xf32, #tpu.memory_space<vmem>>, vector<16xf32>,
      tpu.vector_store %arg13[%swap3A_776, %swap3A_777], %gather3A_772 {strides = array<i32>} : memref<8x1024xf32, #tpu.memory_space<vmem>>, vector<16xf32>,
      %broadcast_in_dim3A_779 = arith.constant 3 : i32
      %broadcast_in_dim3A_780 = vector.broadcast %broadcast_in_dim3A_779 : i32 to vector<16xi32>
      %gather3A_781 = tpu.vector_load_idx %arg11[%broadcast_in_dim3A_780, %get3A_754] : memref<8x4096xf32, #tpu.memory_space<vmem>>[vector<16xi32>, vector<16xi32>], vector<16xf32>,
      %mul3A_782 = arith.constant 16 : i32
      %mul3A_783 = arith.muli %scan3A_710, %mul3A_782 : i32
      %swap3A_784 = arith.constant 3 : i32
      %swap3A_785 = arith.index_cast %swap3A_784 : i32 to index
      %swap3A_786 = arith.index_cast %mul3A_783 : i32 to index
      %swap3A_787 = tpu.vector_load %arg13[%swap3A_785, %swap3A_786] {strides = array<i32>} : memref<8x1024xf32, #tpu.memory_space<vmem>>, vector<16xf32>,
      tpu.vector_store %arg13[%swap3A_785, %swap3A_786], %gather3A_781 {strides = array<i32>} : memref<8x1024xf32, #tpu.memory_space<vmem>>, vector<16xf32>,
      %broadcast_in_dim3A_788 = arith.constant 4 : i32
      %broadcast_in_dim3A_789 = vector.broadcast %broadcast_in_dim3A_788 : i32 to vector<16xi32>
      %gather3A_790 = tpu.vector_load_idx %arg11[%broadcast_in_dim3A_789, %get3A_754] : memref<8x4096xf32, #tpu.memory_space<vmem>>[vector<16xi32>, vector<16xi32>], vector<16xf32>,
      %mul3A_791 = arith.constant 16 : i32
      %mul3A_792 = arith.muli %scan3A_710, %mul3A_791 : i32
      %swap3A_793 = arith.constant 4 : i32
      %swap3A_794 = arith.index_cast %swap3A_793 : i32 to index
      %swap3A_795 = arith.index_cast %mul3A_792 : i32 to index
      %swap3A_796 = tpu.vector_load %arg13[%swap3A_794, %swap3A_795] {strides = array<i32>} : memref<8x1024xf32, #tpu.memory_space<vmem>>, vector<16xf32>,
      tpu.vector_store %arg13[%swap3A_794, %swap3A_795], %gather3A_790 {strides = array<i32>} : memref<8x1024xf32, #tpu.memory_space<vmem>>, vector<16xf32>,
      %broadcast_in_dim3A_797 = arith.constant 5 : i32
      %broadcast_in_dim3A_798 = vector.broadcast %broadcast_in_dim3A_797 : i32 to vector<16xi32>
      %gather3A_799 = tpu.vector_load_idx %arg11[%broadcast_in_dim3A_798, %get3A_754] : memref<8x4096xf32, #tpu.memory_space<vmem>>[vector<16xi32>, vector<16xi32>], vector<16xf32>,
      %mul3A_800 = arith.constant 16 : i32
      %mul3A_801 = arith.muli %scan3A_710, %mul3A_800 : i32
      %swap3A_802 = arith.constant 5 : i32
      %swap3A_803 = arith.index_cast %swap3A_802 : i32 to index
      %swap3A_804 = arith.index_cast %mul3A_801 : i32 to index
      %swap3A_805 = tpu.vector_load %arg13[%swap3A_803, %swap3A_804] {strides = array<i32>} : memref<8x1024xf32, #tpu.memory_space<vmem>>, vector<16xf32>,
      tpu.vector_store %arg13[%swap3A_803, %swap3A_804], %gather3A_799 {strides = array<i32>} : memref<8x1024xf32, #tpu.memory_space<vmem>>, vector<16xf32>,
      %broadcast_in_dim3A_806 = arith.constant 6 : i32
      %broadcast_in_dim3A_807 = vector.broadcast %broadcast_in_dim3A_806 : i32 to vector<16xi32>
      %gather3A_808 = tpu.vector_load_idx %arg11[%broadcast_in_dim3A_807, %get3A_754] : memref<8x4096xf32, #tpu.memory_space<vmem>>[vector<16xi32>, vector<16xi32>], vector<16xf32>,
      %mul3A_809 = arith.constant 16 : i32
      %mul3A_810 = arith.muli %scan3A_710, %mul3A_809 : i32
      %swap3A_811 = arith.constant 6 : i32
      %swap3A_812 = arith.index_cast %swap3A_811 : i32 to index
      %swap3A_813 = arith.index_cast %mul3A_810 : i32 to index
      %swap3A_814 = tpu.vector_load %arg13[%swap3A_812, %swap3A_813] {strides = array<i32>} : memref<8x1024xf32, #tpu.memory_space<vmem>>, vector<16xf32>,
      tpu.vector_store %arg13[%swap3A_812, %swap3A_813], %gather3A_808 {strides = array<i32>} : memref<8x1024xf32, #tpu.memory_space<vmem>>, vector<16xf32>,
      %broadcast_in_dim3A_815 = arith.constant 7 : i32
      %broadcast_in_dim3A_816 = vector.broadcast %broadcast_in_dim3A_815 : i32 to vector<16xi32>
      %gather3A_817 = tpu.vector_load_idx %arg11[%broadcast_in_dim3A_816, %get3A_754] : memref<8x4096xf32, #tpu.memory_space<vmem>>[vector<16xi32>, vector<16xi32>], vector<16xf32>,
      %mul3A_818 = arith.constant 16 : i32
      %mul3A_819 = arith.muli %scan3A_710, %mul3A_818 : i32
      %swap3A_820 = arith.constant 7 : i32
      %swap3A_821 = arith.index_cast %swap3A_820 : i32 to index
      %swap3A_822 = arith.index_cast %mul3A_819 : i32 to index
      %swap3A_823 = tpu.vector_load %arg13[%swap3A_821, %swap3A_822] {strides = array<i32>} : memref<8x1024xf32, #tpu.memory_space<vmem>>, vector<16xf32>,
      tpu.vector_store %arg13[%swap3A_821, %swap3A_822], %gather3A_817 {strides = array<i32>} : memref<8x1024xf32, #tpu.memory_space<vmem>>, vector<16xf32>,
    }
    %scan3A_577 = arith.constant 64 : i32
    %mul3A_578 = arith.constant 8 : i32
    %mul3A_579 = arith.muli %add3A_553, %mul3A_578 : i32
    %dma_start3A_580 = arith.constant 0 : i32
    %dma_start3A_581 = tpu.memref_slice %arg6[%select_n3A, %mul3A_579, %dma_start3A_580] : memref<16x192x1024xf32, #tpu.memory_space<hbm>> -> memref<1x8x1024xf32, #tpu.memory_space<hbm>>
    %dma_start3A_582 = tpu.memref_squeeze %dma_start3A_581 : memref<1x8x1024xf32, #tpu.memory_space<hbm>> -> memref<8x1024xf32, #tpu.memory_space<hbm>>
    %dma_start3A_583 = arith.constant 0 : i32
    %dma_start3A_584 = tpu.memref_slice %arg6[%select_n3A, %mul3A_579, %dma_start3A_583] : memref<16x192x1024xf32, #tpu.memory_space<hbm>> -> memref<1x8x1024xf32, #tpu.memory_space<hbm>>
    %dma_start3A_585 = tpu.memref_squeeze %dma_start3A_584 : memref<1x8x1024xf32, #tpu.memory_space<hbm>> -> memref<8x1024xf32, #tpu.memory_space<hbm>>
    tpu.enqueue_dma source(%arg13 : memref<8x1024xf32, #tpu.memory_space<vmem>>) target(%dma_start3A_585 : memref<8x1024xf32, #tpu.memory_space<hbm>>) target_semaphore(%arg19 : memref<!tpu.dma_semaphore, #tpu.memory_space<semaphore_mem>>)
    %add3A_586 = arith.constant 11 : i32
    %add3A_587 = arith.addi %mul3A_32, %add3A_586 : i32
    %mul3A_588 = arith.constant 8 : i32
    %mul3A_589 = arith.muli %add3A_587, %mul3A_588 : i32
    %dma_wait3A_590 = arith.constant 0 : i32
    %dma_wait3A_591 = tpu.memref_slice %arg2[%select_n3A, %mul3A_589, %dma_wait3A_590] : memref<16x192x4096xf32, #tpu.memory_space<hbm>> -> memref<1x8x4096xf32, #tpu.memory_space<hbm>>
    %dma_wait3A_592 = tpu.memref_squeeze %dma_wait3A_591 : memref<1x8x4096xf32, #tpu.memory_space<hbm>> -> memref<8x4096xf32, #tpu.memory_space<hbm>>
    %dma_wait3A_593 = arith.constant 0 : i32
    %dma_wait3A_594 = tpu.memref_slice %arg2[%select_n3A, %mul3A_589, %dma_wait3A_593] : memref<16x192x4096xf32, #tpu.memory_space<hbm>> -> memref<1x8x4096xf32, #tpu.memory_space<hbm>>
    %dma_wait3A_595 = tpu.memref_squeeze %dma_wait3A_594 : memref<1x8x4096xf32, #tpu.memory_space<hbm>> -> memref<8x4096xf32, #tpu.memory_space<hbm>>
    tpu.wait_dma2 semaphore(%arg18 : memref<!tpu.dma_semaphore, #tpu.memory_space<semaphore_mem>>) src(%dma_wait3A_595 : memref<8x4096xf32, #tpu.memory_space<hbm>>) dst(%arg12 : memref<8x4096xf32, #tpu.memory_space<vmem>>)
    %sub3A_596 = arith.constant 2 : i32
    %sub3A_597 = arith.subi %add3A_587, %sub3A_596 : i32
    %mul3A_598 = arith.constant 8 : i32
    %mul3A_599 = arith.muli %sub3A_597, %mul3A_598 : i32
    %dma_wait3A_600 = arith.constant 0 : i32
    %dma_wait3A_601 = tpu.memref_slice %arg6[%select_n3A, %mul3A_599, %dma_wait3A_600] : memref<16x192x1024xf32, #tpu.memory_space<hbm>> -> memref<1x8x1024xf32, #tpu.memory_space<hbm>>
    %dma_wait3A_602 = tpu.memref_squeeze %dma_wait3A_601 : memref<1x8x1024xf32, #tpu.memory_space<hbm>> -> memref<8x1024xf32, #tpu.memory_space<hbm>>
    %dma_wait3A_603 = arith.constant 0 : i32
    %dma_wait3A_604 = tpu.memref_slice %arg6[%select_n3A, %mul3A_599, %dma_wait3A_603] : memref<16x192x1024xf32, #tpu.memory_space<hbm>> -> memref<1x8x1024xf32, #tpu.memory_space<hbm>>
    %dma_wait3A_605 = tpu.memref_squeeze %dma_wait3A_604 : memref<1x8x1024xf32, #tpu.memory_space<hbm>> -> memref<8x1024xf32, #tpu.memory_space<hbm>>
    tpu.wait_dma2 semaphore(%arg20 : memref<!tpu.dma_semaphore, #tpu.memory_space<semaphore_mem>>) src(%arg14 : memref<8x1024xf32, #tpu.memory_space<vmem>>) dst(%dma_wait3A_605 : memref<8x1024xf32, #tpu.memory_space<hbm>>)
    %scan3A_606 = arith.constant 0 : i32
    %scan3A_607 = arith.constant 0 : i32
    %scan3A_608 = arith.constant 64 : i32
    %scan3A_609 = arith.addi %scan3A_607, %scan3A_608 : i32
    %scan3A_610 = arith.constant 1 : i32
    scf.for %scan3A_710 = %scan3A_607 to %scan3A_609 step %scan3A_610  : i32 {
      %jit3A_711 = arith.constant 8 : i32
      %div3A_712 = arith.divsi %scan3A_710, %jit3A_711 : i32
      %sign3A_713 = arith.constant 0 : i32
      %sign3A_714 = arith.cmpi sgt, %scan3A_710, %sign3A_713 : i32
      %sign3A_715 = arith.extui %sign3A_714 : i1 to i32
      %sign3A_716 = arith.constant 0 : i32
      %sign3A_717 = arith.cmpi slt, %scan3A_710, %sign3A_716 : i32
      %sign3A_718 = arith.extui %sign3A_717 : i1 to i32
      %sign3A_719 = arith.subi %sign3A_715, %sign3A_718 : i32
      %sign3A_720 = arith.constant 0 : i32
      %sign3A_721 = arith.cmpi sgt, %jit3A_711, %sign3A_720 : i32
      %sign3A_722 = arith.extui %sign3A_721 : i1 to i32
      %sign3A_723 = arith.constant 0 : i32
      %sign3A_724 = arith.cmpi slt, %jit3A_711, %sign3A_723 : i32
      %sign3A_725 = arith.extui %sign3A_724 : i1 to i32
      %sign3A_726 = arith.subi %sign3A_722, %sign3A_725 : i32
      %ne3A_727 = arith.cmpi ne, %sign3A_719, %sign3A_726 : i32
      %rem3A_728 = arith.remsi %scan3A_710, %jit3A_711 : i32
      %ne3A_729 = arith.constant 0 : i32
      %ne3A_730 = arith.cmpi ne, %rem3A_728, %ne3A_729 : i32
      %and3A_731 = arith.andi %ne3A_727, %ne3A_730 : i1
      %sub3A_732 = arith.constant 1 : i32
      %sub3A_733 = arith.subi %div3A_712, %sub3A_732 : i32
      %select_n3A_734 = arith.select %and3A_731, %sub3A_733, %div3A_712 : i32
      %jit3A_735 = arith.constant 8 : i32
      %eq3A_736 = arith.constant 0 : i32
      %eq3A_737 = arith.cmpi eq, %jit3A_735, %eq3A_736 : i32
      %jit3A_738 = arith.constant 1 : i32
      %select_n3A_739 = arith.select %eq3A_737, %jit3A_738, %jit3A_735 : i32
      %rem3A_740 = arith.remsi %scan3A_710, %select_n3A_739 : i32
      %ne3A_741 = arith.constant 0 : i32
      %ne3A_742 = arith.cmpi ne, %rem3A_740, %ne3A_741 : i32
      %lt3A_743 = arith.constant 0 : i32
      %lt3A_744 = arith.cmpi slt, %rem3A_740, %lt3A_743 : i32
      %lt3A_745 = arith.constant 0 : i32
      %lt3A_746 = arith.cmpi slt, %select_n3A_739, %lt3A_745 : i32
      %ne3A_747 = arith.xori %lt3A_744, %lt3A_746 : i1
      %and3A_748 = arith.andi %ne3A_747, %ne3A_742 : i1
      %add3A_749 = arith.addi %rem3A_740, %select_n3A_739 : i32
      %select_n3A_750 = arith.select %and3A_748, %add3A_749, %rem3A_740 : i32
      %mul3A_751 = arith.constant 16 : i32
      %mul3A_752 = arith.muli %select_n3A_750, %mul3A_751 : i32
      %get3A = arith.index_cast %select_n3A_734 : i32 to index
      %get3A_753 = arith.index_cast %mul3A_752 : i32 to index
      %get3A_754 = tpu.vector_load %arg9[%get3A, %get3A_753] {strides = array<i32>} : memref<8x128xi32, #tpu.memory_space<vmem>>, vector<16xi32>,
      %broadcast_in_dim3A = arith.constant 0 : i32
      %broadcast_in_dim3A_755 = vector.broadcast %broadcast_in_dim3A : i32 to vector<16xi32>
      %gather3A = tpu.vector_load_idx %arg12[%broadcast_in_dim3A_755, %get3A_754] : memref<8x4096xf32, #tpu.memory_space<vmem>>[vector<16xi32>, vector<16xi32>], vector<16xf32>,
      %mul3A_756 = arith.constant 16 : i32
      %mul3A_757 = arith.muli %scan3A_710, %mul3A_756 : i32
      %swap3A = arith.constant 0 : i32
      %swap3A_758 = arith.index_cast %swap3A : i32 to index
      %swap3A_759 = arith.index_cast %mul3A_757 : i32 to index
      %swap3A_760 = tpu.vector_load %arg14[%swap3A_758, %swap3A_759] {strides = array<i32>} : memref<8x1024xf32, #tpu.memory_space<vmem>>, vector<16xf32>,
      tpu.vector_store %arg14[%swap3A_758, %swap3A_759], %gather3A {strides = array<i32>} : memref<8x1024xf32, #tpu.memory_space<vmem>>, vector<16xf32>,
      %broadcast_in_dim3A_761 = arith.constant 1 : i32
      %broadcast_in_dim3A_762 = vector.broadcast %broadcast_in_dim3A_761 : i32 to vector<16xi32>
      %gather3A_763 = tpu.vector_load_idx %arg12[%broadcast_in_dim3A_762, %get3A_754] : memref<8x4096xf32, #tpu.memory_space<vmem>>[vector<16xi32>, vector<16xi32>], vector<16xf32>,
      %mul3A_764 = arith.constant 16 : i32
      %mul3A_765 = arith.muli %scan3A_710, %mul3A_764 : i32
      %swap3A_766 = arith.constant 1 : i32
      %swap3A_767 = arith.index_cast %swap3A_766 : i32 to index
      %swap3A_768 = arith.index_cast %mul3A_765 : i32 to index
      %swap3A_769 = tpu.vector_load %arg14[%swap3A_767, %swap3A_768] {strides = array<i32>} : memref<8x1024xf32, #tpu.memory_space<vmem>>, vector<16xf32>,
      tpu.vector_store %arg14[%swap3A_767, %swap3A_768], %gather3A_763 {strides = array<i32>} : memref<8x1024xf32, #tpu.memory_space<vmem>>, vector<16xf32>,
      %broadcast_in_dim3A_770 = arith.constant 2 : i32
      %broadcast_in_dim3A_771 = vector.broadcast %broadcast_in_dim3A_770 : i32 to vector<16xi32>
      %gather3A_772 = tpu.vector_load_idx %arg12[%broadcast_in_dim3A_771, %get3A_754] : memref<8x4096xf32, #tpu.memory_space<vmem>>[vector<16xi32>, vector<16xi32>], vector<16xf32>,
      %mul3A_773 = arith.constant 16 : i32
      %mul3A_774 = arith.muli %scan3A_710, %mul3A_773 : i32
      %swap3A_775 = arith.constant 2 : i32
      %swap3A_776 = arith.index_cast %swap3A_775 : i32 to index
      %swap3A_777 = arith.index_cast %mul3A_774 : i32 to index
      %swap3A_778 = tpu.vector_load %arg14[%swap3A_776, %swap3A_777] {strides = array<i32>} : memref<8x1024xf32, #tpu.memory_space<vmem>>, vector<16xf32>,
      tpu.vector_store %arg14[%swap3A_776, %swap3A_777], %gather3A_772 {strides = array<i32>} : memref<8x1024xf32, #tpu.memory_space<vmem>>, vector<16xf32>,
      %broadcast_in_dim3A_779 = arith.constant 3 : i32
      %broadcast_in_dim3A_780 = vector.broadcast %broadcast_in_dim3A_779 : i32 to vector<16xi32>
      %gather3A_781 = tpu.vector_load_idx %arg12[%broadcast_in_dim3A_780, %get3A_754] : memref<8x4096xf32, #tpu.memory_space<vmem>>[vector<16xi32>, vector<16xi32>], vector<16xf32>,
      %mul3A_782 = arith.constant 16 : i32
      %mul3A_783 = arith.muli %scan3A_710, %mul3A_782 : i32
      %swap3A_784 = arith.constant 3 : i32
      %swap3A_785 = arith.index_cast %swap3A_784 : i32 to index
      %swap3A_786 = arith.index_cast %mul3A_783 : i32 to index
      %swap3A_787 = tpu.vector_load %arg14[%swap3A_785, %swap3A_786] {strides = array<i32>} : memref<8x1024xf32, #tpu.memory_space<vmem>>, vector<16xf32>,
      tpu.vector_store %arg14[%swap3A_785, %swap3A_786], %gather3A_781 {strides = array<i32>} : memref<8x1024xf32, #tpu.memory_space<vmem>>, vector<16xf32>,
      %broadcast_in_dim3A_788 = arith.constant 4 : i32
      %broadcast_in_dim3A_789 = vector.broadcast %broadcast_in_dim3A_788 : i32 to vector<16xi32>
      %gather3A_790 = tpu.vector_load_idx %arg12[%broadcast_in_dim3A_789, %get3A_754] : memref<8x4096xf32, #tpu.memory_space<vmem>>[vector<16xi32>, vector<16xi32>], vector<16xf32>,
      %mul3A_791 = arith.constant 16 : i32
      %mul3A_792 = arith.muli %scan3A_710, %mul3A_791 : i32
      %swap3A_793 = arith.constant 4 : i32
      %swap3A_794 = arith.index_cast %swap3A_793 : i32 to index
      %swap3A_795 = arith.index_cast %mul3A_792 : i32 to index
      %swap3A_796 = tpu.vector_load %arg14[%swap3A_794, %swap3A_795] {strides = array<i32>} : memref<8x1024xf32, #tpu.memory_space<vmem>>, vector<16xf32>,
      tpu.vector_store %arg14[%swap3A_794, %swap3A_795], %gather3A_790 {strides = array<i32>} : memref<8x1024xf32, #tpu.memory_space<vmem>>, vector<16xf32>,
      %broadcast_in_dim3A_797 = arith.constant 5 : i32
      %broadcast_in_dim3A_798 = vector.broadcast %broadcast_in_dim3A_797 : i32 to vector<16xi32>
      %gather3A_799 = tpu.vector_load_idx %arg12[%broadcast_in_dim3A_798, %get3A_754] : memref<8x4096xf32, #tpu.memory_space<vmem>>[vector<16xi32>, vector<16xi32>], vector<16xf32>,
      %mul3A_800 = arith.constant 16 : i32
      %mul3A_801 = arith.muli %scan3A_710, %mul3A_800 : i32
      %swap3A_802 = arith.constant 5 : i32
      %swap3A_803 = arith.index_cast %swap3A_802 : i32 to index
      %swap3A_804 = arith.index_cast %mul3A_801 : i32 to index
      %swap3A_805 = tpu.vector_load %arg14[%swap3A_803, %swap3A_804] {strides = array<i32>} : memref<8x1024xf32, #tpu.memory_space<vmem>>, vector<16xf32>,
      tpu.vector_store %arg14[%swap3A_803, %swap3A_804], %gather3A_799 {strides = array<i32>} : memref<8x1024xf32, #tpu.memory_space<vmem>>, vector<16xf32>,
      %broadcast_in_dim3A_806 = arith.constant 6 : i32
      %broadcast_in_dim3A_807 = vector.broadcast %broadcast_in_dim3A_806 : i32 to vector<16xi32>
      %gather3A_808 = tpu.vector_load_idx %arg12[%broadcast_in_dim3A_807, %get3A_754] : memref<8x4096xf32, #tpu.memory_space<vmem>>[vector<16xi32>, vector<16xi32>], vector<16xf32>,
      %mul3A_809 = arith.constant 16 : i32
      %mul3A_810 = arith.muli %scan3A_710, %mul3A_809 : i32
      %swap3A_811 = arith.constant 6 : i32
      %swap3A_812 = arith.index_cast %swap3A_811 : i32 to index
      %swap3A_813 = arith.index_cast %mul3A_810 : i32 to index
      %swap3A_814 = tpu.vector_load %arg14[%swap3A_812, %swap3A_813] {strides = array<i32>} : memref<8x1024xf32, #tpu.memory_space<vmem>>, vector<16xf32>,
      tpu.vector_store %arg14[%swap3A_812, %swap3A_813], %gather3A_808 {strides = array<i32>} : memref<8x1024xf32, #tpu.memory_space<vmem>>, vector<16xf32>,
      %broadcast_in_dim3A_815 = arith.constant 7 : i32
      %broadcast_in_dim3A_816 = vector.broadcast %broadcast_in_dim3A_815 : i32 to vector<16xi32>
      %gather3A_817 = tpu.vector_load_idx %arg12[%broadcast_in_dim3A_816, %get3A_754] : memref<8x4096xf32, #tpu.memory_space<vmem>>[vector<16xi32>, vector<16xi32>], vector<16xf32>,
      %mul3A_818 = arith.constant 16 : i32
      %mul3A_819 = arith.muli %scan3A_710, %mul3A_818 : i32
      %swap3A_820 = arith.constant 7 : i32
      %swap3A_821 = arith.index_cast %swap3A_820 : i32 to index
      %swap3A_822 = arith.index_cast %mul3A_819 : i32 to index
      %swap3A_823 = tpu.vector_load %arg14[%swap3A_821, %swap3A_822] {strides = array<i32>} : memref<8x1024xf32, #tpu.memory_space<vmem>>, vector<16xf32>,
      tpu.vector_store %arg14[%swap3A_821, %swap3A_822], %gather3A_817 {strides = array<i32>} : memref<8x1024xf32, #tpu.memory_space<vmem>>, vector<16xf32>,
    }
    %scan3A_611 = arith.constant 64 : i32
    %mul3A_612 = arith.constant 8 : i32
    %mul3A_613 = arith.muli %add3A_587, %mul3A_612 : i32
    %dma_start3A_614 = arith.constant 0 : i32
    %dma_start3A_615 = tpu.memref_slice %arg6[%select_n3A, %mul3A_613, %dma_start3A_614] : memref<16x192x1024xf32, #tpu.memory_space<hbm>> -> memref<1x8x1024xf32, #tpu.memory_space<hbm>>
    %dma_start3A_616 = tpu.memref_squeeze %dma_start3A_615 : memref<1x8x1024xf32, #tpu.memory_space<hbm>> -> memref<8x1024xf32, #tpu.memory_space<hbm>>
    %dma_start3A_617 = arith.constant 0 : i32
    %dma_start3A_618 = tpu.memref_slice %arg6[%select_n3A, %mul3A_613, %dma_start3A_617] : memref<16x192x1024xf32, #tpu.memory_space<hbm>> -> memref<1x8x1024xf32, #tpu.memory_space<hbm>>
    %dma_start3A_619 = tpu.memref_squeeze %dma_start3A_618 : memref<1x8x1024xf32, #tpu.memory_space<hbm>> -> memref<8x1024xf32, #tpu.memory_space<hbm>>
    tpu.enqueue_dma source(%arg14 : memref<8x1024xf32, #tpu.memory_space<vmem>>) target(%dma_start3A_619 : memref<8x1024xf32, #tpu.memory_space<hbm>>) target_semaphore(%arg20 : memref<!tpu.dma_semaphore, #tpu.memory_space<semaphore_mem>>)
    %dma_wait3A_620 = arith.constant 0 : i32
    %dma_wait3A_621 = arith.constant 0 : i32
    %dma_wait3A_622 = arith.constant 0 : i32
    %dma_wait3A_623 = tpu.memref_slice %arg15[%dma_wait3A_620, %dma_wait3A_621, %dma_wait3A_622] : memref<2x8x256xi32, #tpu.memory_space<vmem>> -> memref<1x8x256xi32, #tpu.memory_space<vmem>>
    %dma_wait3A_624 = tpu.memref_squeeze %dma_wait3A_623 : memref<1x8x256xi32, #tpu.memory_space<vmem>> -> memref<8x256xi32, #tpu.memory_space<vmem>>
    %dma_wait3A_625 = tpu.memref_slice %arg3[%mul3A_87, %mul3A_113] : memref<16x4096xi32, #tpu.memory_space<hbm>> -> memref<8x256xi32, #tpu.memory_space<hbm>>
    %dma_wait3A_626 = arith.constant 0 : i32
    %dma_wait3A_627 = arith.constant 0 : i32
    %dma_wait3A_628 = tpu.memref_slice %arg15[%dma_wait3A_620, %dma_wait3A_626, %dma_wait3A_627] : memref<2x8x256xi32, #tpu.memory_space<vmem>> -> memref<1x8x256xi32, #tpu.memory_space<vmem>>
    %dma_wait3A_629 = tpu.memref_squeeze %dma_wait3A_628 : memref<1x8x256xi32, #tpu.memory_space<vmem>> -> memref<8x256xi32, #tpu.memory_space<vmem>>
    %dma_wait3A_630 = tpu.memref_slice %arg3[%mul3A_87, %mul3A_113] : memref<16x4096xi32, #tpu.memory_space<hbm>> -> memref<8x256xi32, #tpu.memory_space<hbm>>
    tpu.wait_dma2 semaphore(%arg22 : memref<!tpu.dma_semaphore, #tpu.memory_space<semaphore_mem>>) src(%dma_wait3A_630 : memref<8x256xi32, #tpu.memory_space<hbm>>) dst(%dma_wait3A_629 : memref<8x256xi32, #tpu.memory_space<vmem>>)
    %dma_start3A_631 = arith.constant 0 : i32
    %dma_start3A_632 = arith.constant 0 : i32
    %dma_start3A_633 = arith.constant 0 : i32
    %dma_start3A_634 = tpu.memref_slice %arg15[%dma_start3A_631, %dma_start3A_632, %dma_start3A_633] : memref<2x8x256xi32, #tpu.memory_space<vmem>> -> memref<1x8x256xi32, #tpu.memory_space<vmem>>
    %dma_start3A_635 = tpu.memref_squeeze %dma_start3A_634 : memref<1x8x256xi32, #tpu.memory_space<vmem>> -> memref<8x256xi32, #tpu.memory_space<vmem>>
    %dma_start3A_636 = tpu.memref_slice %arg7[%mul3A_87, %mul3A_113] : memref<16x4096xi32, #tpu.memory_space<hbm>> -> memref<8x256xi32, #tpu.memory_space<hbm>>
    %dma_start3A_637 = tpu.memref_slice %arg7[%mul3A_87, %mul3A_113] : memref<16x4096xi32, #tpu.memory_space<hbm>> -> memref<8x256xi32, #tpu.memory_space<hbm>>
    %dma_start3A_638 = arith.constant 0 : i32
    %dma_start3A_639 = arith.constant 0 : i32
    %dma_start3A_640 = tpu.memref_slice %arg15[%dma_start3A_631, %dma_start3A_638, %dma_start3A_639] : memref<2x8x256xi32, #tpu.memory_space<vmem>> -> memref<1x8x256xi32, #tpu.memory_space<vmem>>
    %dma_start3A_641 = tpu.memref_squeeze %dma_start3A_640 : memref<1x8x256xi32, #tpu.memory_space<vmem>> -> memref<8x256xi32, #tpu.memory_space<vmem>>
    tpu.enqueue_dma source(%dma_start3A_641 : memref<8x256xi32, #tpu.memory_space<vmem>>) target(%dma_start3A_637 : memref<8x256xi32, #tpu.memory_space<hbm>>) target_semaphore(%arg22 : memref<!tpu.dma_semaphore, #tpu.memory_space<semaphore_mem>>)
    %dma_wait3A_642 = arith.constant 1 : i32
    %dma_wait3A_643 = arith.constant 0 : i32
    %dma_wait3A_644 = arith.constant 0 : i32
    %dma_wait3A_645 = tpu.memref_slice %arg15[%dma_wait3A_642, %dma_wait3A_643, %dma_wait3A_644] : memref<2x8x256xi32, #tpu.memory_space<vmem>> -> memref<1x8x256xi32, #tpu.memory_space<vmem>>
    %dma_wait3A_646 = tpu.memref_squeeze %dma_wait3A_645 : memref<1x8x256xi32, #tpu.memory_space<vmem>> -> memref<8x256xi32, #tpu.memory_space<vmem>>
    %dma_wait3A_647 = tpu.memref_slice %arg4[%mul3A_87, %mul3A_113] : memref<16x4096xi32, #tpu.memory_space<hbm>> -> memref<8x256xi32, #tpu.memory_space<hbm>>
    %dma_wait3A_648 = arith.constant 0 : i32
    %dma_wait3A_649 = arith.constant 0 : i32
    %dma_wait3A_650 = tpu.memref_slice %arg15[%dma_wait3A_642, %dma_wait3A_648, %dma_wait3A_649] : memref<2x8x256xi32, #tpu.memory_space<vmem>> -> memref<1x8x256xi32, #tpu.memory_space<vmem>>
    %dma_wait3A_651 = tpu.memref_squeeze %dma_wait3A_650 : memref<1x8x256xi32, #tpu.memory_space<vmem>> -> memref<8x256xi32, #tpu.memory_space<vmem>>
    %dma_wait3A_652 = tpu.memref_slice %arg4[%mul3A_87, %mul3A_113] : memref<16x4096xi32, #tpu.memory_space<hbm>> -> memref<8x256xi32, #tpu.memory_space<hbm>>
    tpu.wait_dma2 semaphore(%arg23 : memref<!tpu.dma_semaphore, #tpu.memory_space<semaphore_mem>>) src(%dma_wait3A_652 : memref<8x256xi32, #tpu.memory_space<hbm>>) dst(%dma_wait3A_651 : memref<8x256xi32, #tpu.memory_space<vmem>>)
    %dma_start3A_653 = arith.constant 1 : i32
    %dma_start3A_654 = arith.constant 0 : i32
    %dma_start3A_655 = arith.constant 0 : i32
    %dma_start3A_656 = tpu.memref_slice %arg15[%dma_start3A_653, %dma_start3A_654, %dma_start3A_655] : memref<2x8x256xi32, #tpu.memory_space<vmem>> -> memref<1x8x256xi32, #tpu.memory_space<vmem>>
    %dma_start3A_657 = tpu.memref_squeeze %dma_start3A_656 : memref<1x8x256xi32, #tpu.memory_space<vmem>> -> memref<8x256xi32, #tpu.memory_space<vmem>>
    %dma_start3A_658 = tpu.memref_slice %arg8[%mul3A_87, %mul3A_113] : memref<16x4096xi32, #tpu.memory_space<hbm>> -> memref<8x256xi32, #tpu.memory_space<hbm>>
    %dma_start3A_659 = tpu.memref_slice %arg8[%mul3A_87, %mul3A_113] : memref<16x4096xi32, #tpu.memory_space<hbm>> -> memref<8x256xi32, #tpu.memory_space<hbm>>
    %dma_start3A_660 = arith.constant 0 : i32
    %dma_start3A_661 = arith.constant 0 : i32
    %dma_start3A_662 = tpu.memref_slice %arg15[%dma_start3A_653, %dma_start3A_660, %dma_start3A_661] : memref<2x8x256xi32, #tpu.memory_space<vmem>> -> memref<1x8x256xi32, #tpu.memory_space<vmem>>
    %dma_start3A_663 = tpu.memref_squeeze %dma_start3A_662 : memref<1x8x256xi32, #tpu.memory_space<vmem>> -> memref<8x256xi32, #tpu.memory_space<vmem>>
    tpu.enqueue_dma source(%dma_start3A_663 : memref<8x256xi32, #tpu.memory_space<vmem>>) target(%dma_start3A_659 : memref<8x256xi32, #tpu.memory_space<hbm>>) target_semaphore(%arg23 : memref<!tpu.dma_semaphore, #tpu.memory_space<semaphore_mem>>)
    %add3A_664 = arith.constant 12 : i32
    %add3A_665 = arith.addi %mul3A_32, %add3A_664 : i32
    %sub3A_666 = arith.constant 2 : i32
    %sub3A_667 = arith.subi %add3A_665, %sub3A_666 : i32
    %mul3A_668 = arith.constant 8 : i32
    %mul3A_669 = arith.muli %sub3A_667, %mul3A_668 : i32
    %dma_wait3A_670 = arith.constant 0 : i32
    %dma_wait3A_671 = tpu.memref_slice %arg6[%select_n3A, %mul3A_669, %dma_wait3A_670] : memref<16x192x1024xf32, #tpu.memory_space<hbm>> -> memref<1x8x1024xf32, #tpu.memory_space<hbm>>
    %dma_wait3A_672 = tpu.memref_squeeze %dma_wait3A_671 : memref<1x8x1024xf32, #tpu.memory_space<hbm>> -> memref<8x1024xf32, #tpu.memory_space<hbm>>
    %dma_wait3A_673 = arith.constant 0 : i32
    %dma_wait3A_674 = tpu.memref_slice %arg6[%select_n3A, %mul3A_669, %dma_wait3A_673] : memref<16x192x1024xf32, #tpu.memory_space<hbm>> -> memref<1x8x1024xf32, #tpu.memory_space<hbm>>
    %dma_wait3A_675 = tpu.memref_squeeze %dma_wait3A_674 : memref<1x8x1024xf32, #tpu.memory_space<hbm>> -> memref<8x1024xf32, #tpu.memory_space<hbm>>
    tpu.wait_dma2 semaphore(%arg19 : memref<!tpu.dma_semaphore, #tpu.memory_space<semaphore_mem>>) src(%arg13 : memref<8x1024xf32, #tpu.memory_space<vmem>>) dst(%dma_wait3A_675 : memref<8x1024xf32, #tpu.memory_space<hbm>>)
    %add3A_676 = arith.constant 12 : i32
    %add3A_677 = arith.addi %mul3A_32, %add3A_676 : i32
    %sub3A_678 = arith.constant 1 : i32
    %sub3A_679 = arith.subi %add3A_677, %sub3A_678 : i32
    %mul3A_680 = arith.constant 8 : i32
    %mul3A_681 = arith.muli %sub3A_679, %mul3A_680 : i32
    %dma_wait3A_682 = arith.constant 0 : i32
    %dma_wait3A_683 = tpu.memref_slice %arg6[%select_n3A, %mul3A_681, %dma_wait3A_682] : memref<16x192x1024xf32, #tpu.memory_space<hbm>> -> memref<1x8x1024xf32, #tpu.memory_space<hbm>>
    %dma_wait3A_684 = tpu.memref_squeeze %dma_wait3A_683 : memref<1x8x1024xf32, #tpu.memory_space<hbm>> -> memref<8x1024xf32, #tpu.memory_space<hbm>>
    %dma_wait3A_685 = arith.constant 0 : i32
    %dma_wait3A_686 = tpu.memref_slice %arg6[%select_n3A, %mul3A_681, %dma_wait3A_685] : memref<16x192x1024xf32, #tpu.memory_space<hbm>> -> memref<1x8x1024xf32, #tpu.memory_space<hbm>>
    %dma_wait3A_687 = tpu.memref_squeeze %dma_wait3A_686 : memref<1x8x1024xf32, #tpu.memory_space<hbm>> -> memref<8x1024xf32, #tpu.memory_space<hbm>>
    tpu.wait_dma2 semaphore(%arg20 : memref<!tpu.dma_semaphore, #tpu.memory_space<semaphore_mem>>) src(%arg14 : memref<8x1024xf32, #tpu.memory_space<vmem>>) dst(%dma_wait3A_687 : memref<8x1024xf32, #tpu.memory_space<hbm>>)
    %dma_wait3A_688 = arith.constant 0 : i32
    %dma_wait3A_689 = arith.constant 0 : i32
    %dma_wait3A_690 = arith.constant 0 : i32
    %dma_wait3A_691 = tpu.memref_slice %arg15[%dma_wait3A_688, %dma_wait3A_689, %dma_wait3A_690] : memref<2x8x256xi32, #tpu.memory_space<vmem>> -> memref<1x8x256xi32, #tpu.memory_space<vmem>>
    %dma_wait3A_692 = tpu.memref_squeeze %dma_wait3A_691 : memref<1x8x256xi32, #tpu.memory_space<vmem>> -> memref<8x256xi32, #tpu.memory_space<vmem>>
    %dma_wait3A_693 = tpu.memref_slice %arg7[%mul3A_87, %mul3A_113] : memref<16x4096xi32, #tpu.memory_space<hbm>> -> memref<8x256xi32, #tpu.memory_space<hbm>>
    %dma_wait3A_694 = tpu.memref_slice %arg7[%mul3A_87, %mul3A_113] : memref<16x4096xi32, #tpu.memory_space<hbm>> -> memref<8x256xi32, #tpu.memory_space<hbm>>
    %dma_wait3A_695 = arith.constant 0 : i32
    %dma_wait3A_696 = arith.constant 0 : i32
    %dma_wait3A_697 = tpu.memref_slice %arg15[%dma_wait3A_688, %dma_wait3A_695, %dma_wait3A_696] : memref<2x8x256xi32, #tpu.memory_space<vmem>> -> memref<1x8x256xi32, #tpu.memory_space<vmem>>
    %dma_wait3A_698 = tpu.memref_squeeze %dma_wait3A_697 : memref<1x8x256xi32, #tpu.memory_space<vmem>> -> memref<8x256xi32, #tpu.memory_space<vmem>>
    tpu.wait_dma2 semaphore(%arg22 : memref<!tpu.dma_semaphore, #tpu.memory_space<semaphore_mem>>) src(%dma_wait3A_698 : memref<8x256xi32, #tpu.memory_space<vmem>>) dst(%dma_wait3A_694 : memref<8x256xi32, #tpu.memory_space<hbm>>)
    %dma_wait3A_699 = arith.constant 1 : i32
    %dma_wait3A_700 = arith.constant 0 : i32
    %dma_wait3A_701 = arith.constant 0 : i32
    %dma_wait3A_702 = tpu.memref_slice %arg15[%dma_wait3A_699, %dma_wait3A_700, %dma_wait3A_701] : memref<2x8x256xi32, #tpu.memory_space<vmem>> -> memref<1x8x256xi32, #tpu.memory_space<vmem>>
    %dma_wait3A_703 = tpu.memref_squeeze %dma_wait3A_702 : memref<1x8x256xi32, #tpu.memory_space<vmem>> -> memref<8x256xi32, #tpu.memory_space<vmem>>
    %dma_wait3A_704 = tpu.memref_slice %arg8[%mul3A_87, %mul3A_113] : memref<16x4096xi32, #tpu.memory_space<hbm>> -> memref<8x256xi32, #tpu.memory_space<hbm>>
    %dma_wait3A_705 = tpu.memref_slice %arg8[%mul3A_87, %mul3A_113] : memref<16x4096xi32, #tpu.memory_space<hbm>> -> memref<8x256xi32, #tpu.memory_space<hbm>>
    %dma_wait3A_706 = arith.constant 0 : i32
    %dma_wait3A_707 = arith.constant 0 : i32
    %dma_wait3A_708 = tpu.memref_slice %arg15[%dma_wait3A_699, %dma_wait3A_706, %dma_wait3A_707] : memref<2x8x256xi32, #tpu.memory_space<vmem>> -> memref<1x8x256xi32, #tpu.memory_space<vmem>>
    %dma_wait3A_709 = tpu.memref_squeeze %dma_wait3A_708 : memref<1x8x256xi32, #tpu.memory_space<vmem>> -> memref<8x256xi32, #tpu.memory_space<vmem>>
    tpu.wait_dma2 semaphore(%arg23 : memref<!tpu.dma_semaphore, #tpu.memory_space<semaphore_mem>>) src(%dma_wait3A_709 : memref<8x256xi32, #tpu.memory_space<vmem>>) dst(%dma_wait3A_705 : memref<8x256xi32, #tpu.memory_space<hbm>>)
    return
  }
}

</mosaic_0001>

<sc_bundles>
// kernel: kernel.3.cloned.1.call-start
scs
__scs_entry_jumppad:
0x0: {  	(pc) =	sbr.rel $0x88, $3  }
0x1: {  	(tag) =	ssettag $0x0;
	lr =	simm.s32 $0x1  }
0x2: {  	[smem:$0x3FA0] =	sst lr;
	_ =	strace $0xD0000000  }
0x3: {  	_ = 	snop  }
0x4: {  	_ = 	snop  }
0x5: {  	_ = 	snop  }
0x6: {  	_ = 	snop  }
0x7: {  	_ = 	snop  }
__scs_overlays_trampoline_lowered:
0x8: {  	[smem:$0x3FAF] =	sst s0  }
0x9: {  	[smem:$0x3FB0] =	sst s1  }
0xa: {  	[smem:$0x3FB1] =	sst s2  }
0xb: {  	[smem:$0x3FB2] =	sst s3  }
0xc: {  	[smem:$0x3FB3] =	sst s4  }
0xd: {  	[smem:$0x3FB4] =	sst s5  }
0xe: {  	[smem:$0x3FB5] =	sst s6  }
0xf: {  	[smem:$0x3FB6] =	sst s7  }
0x10: {  	[smem:$0x3FB7] =	sst s8  }
0x11: {  	[smem:$0x3FB8] =	sst s9;
	s0 =	simm.s32 @!p0 $0x0  }
0x12: {  	s1 =	sld [smem:$0x3F9E];
	s0 =	simm.s32 @p0 $0x1  }
0x13: {  	[smem:$0x3FB9] =	sst s0;
	s0 =	simm.s32 @!p1 $0x0  }
0x14: {  	s2 =	sld [smem:$0x3F9D];
	s0 =	simm.s32 @p1 $0x1  }
0x15: {  	[smem:$0x3FBA] =	sst s0;
	s0 =	simm.s32 @!p2 $0x0  }
0x16: {  	s3 =	sld [smem:$0x3FDB];
	s0 =	simm.s32 @p2 $0x1  }
0x17: {  	s4 =	simm.s32 $0x1BF5;
	[smem:$0x3FBC] =	sst s0  }
0x18: {  	s0 =	sld [smem:$0x3F9F];
	_ =	swait.ge [sflag:s4], $0x0  }
0x19: {  	s7 =	sld [smem:$0x3FA0]  }
0x1a: {  	s8 =	sadd.s32 $0xFFFFE003, lr  }
0x1b: {  	s9 =	sadd.s32 $0xFFFFFEF7, lr;
	s5 =	simm.s32 $0xFFFFFFFF;
	p2 =	slt.u32 s8, $0xFFFFF086  }
0x1c: {  	p1 =	slt.u32 s9, $0xF7A;
	s5 =	simm.s32 @!p2 $0x0  }
0x1d: {  	s5 =	simm.s32 @p1 $0x1;
	p0 =	seq.s32 s7, s2  }
0x1e: {  	s7 =	smul.u32 @!p0 $0xF7A, s2;
	p2 =	seq.s32 @!p0 s5, $0x0  }
0x1f: {  	s9 =	smul.u32 $0xF7A, s1;
	s8 =	simm.s32 @!p0 $0x1BF5;
	p2 =	por !p2, p0  }
0x20: {  	[sflag:s8] =	ssyncset.s32 @!p0 $0xFFFFF086;
	s6 =	sadd.s32 @!p0 s3, s7;
	s7 =	simm.s32 @!p0 $0x108  }
0x21: {  	s3 =	sadd.s32 s3, s9;
	s6 =	sadd.s32 @!p0 $0x88, s6;
	s7 =	simm.s32 @p2 $0x1082  }
0x22: {  	[simem:s7], [sflag:s8] =	dma.local @!p0 [hbm:s6], $0xF7A  }
0x23: {  	s9 =	sor.u32 $0xD0000000, s2;
	s6 =	simm.s32 $0x108;
	_ =	swait.ge @!p0 [sflag:s8], $0x0  }
0x24: {  	s3 =	sadd.s32 $0x88, s3;
	s6 =	simm.s32 @!p1 $0x1082;
	[sflag:s4] =	ssyncset.s32 $0xFFFFF086  }
0x25: {  	[simem:s6], [sflag:s4] =	dma.local [hbm:s3], $0xF7A  }
0x26: {  	[smem:$0x3FA0] =	sst s1;
	(tag) =	ssettag s2;
	_ =	strace s9  }
0x27: {  	s1 =	sld [smem:$0x3FB0]  }
0x28: {  	s2 =	sld [smem:$0x3FB1]  }
0x29: {  	s4 =	sld [smem:$0x3FB3]  }
0x2a: {  	p0 =	seq.s32 s5, $0x0;
	s5 =	sld [smem:$0x3FB4]  }
0x2b: {  	s6 =	sld [smem:$0x3FB5]  }
0x2c: {  	s7 =	sld [smem:$0x3FB6]  }
0x2d: {  	s3 =	simm.s32 $0x108;
	s8 =	sld [smem:$0x3FB7]  }
0x2e: {  	s3 =	simm.s32 @!p0 $0x1082;
	s9 =	sld [smem:$0x3FB8]  }
0x2f: {  	lr =	sadd.s32 s0, s3;
	s0 =	sld [smem:$0x3FAF]  }
0x30: {  	s3 =	sld [smem:$0x3FB2]  }
0x31: {  	[smem:$0x3FBB] =	sst s10  }
0x32: {  	s10 =	sld [smem:$0x3FB9];
	_ =	sdelay $0x3  }
0x33: {  	p0 =	seq.s32 s10, $0x1;
	s10 =	sld [smem:$0x3FBB];
	_ =	sdelay $0x3  }
0x34: {  	[smem:$0x3FBB] =	sst s10  }
0x35: {  	s10 =	sld [smem:$0x3FBA];
	_ =	sdelay $0x3  }
0x36: {  	p1 =	seq.s32 s10, $0x1;
	s10 =	sld [smem:$0x3FBB];
	_ =	sdelay $0x3  }
0x37: {  	[smem:$0x3FBB] =	sst s10  }
0x38: {  	s10 =	sld [smem:$0x3FBC]  }
0x39: {  	_ = 	snop;
	(pc) =	sbr.ind lr, $3  }
0x3a: {  	_ = 	snop  }
0x3b: {  	_ = 	snop  }
0x3c: {  	p2 =	seq.s32 s10, $0x1;
	s10 =	sld [smem:$0x3FBB]  }
0x3d: {  	_ =	shalt  }
0x3e: {  	_ =	shalt  }
0x3f: {  	_ =	shalt  }
0x40: {  	_ =	shalt  }
0x41: {  	_ =	shalt  }
0x42: {  	_ =	shalt  }
0x43: {  	_ =	shalt  }
0x44: {  	_ =	shalt  }
0x45: {  	_ =	shalt  }
0x46: {  	_ =	shalt  }
0x47: {  	_ =	shalt  }
0x48: {  	_ =	shalt  }
0x49: {  	_ =	shalt  }
0x4a: {  	_ =	shalt  }
0x4b: {  	_ =	shalt  }
0x4c: {  	_ =	shalt  }
0x4d: {  	_ =	shalt  }
0x4e: {  	_ =	shalt  }
0x4f: {  	_ =	shalt  }
0x50: {  	_ =	shalt  }
0x51: {  	_ =	shalt  }
0x52: {  	_ =	shalt  }
0x53: {  	_ =	shalt  }
0x54: {  	_ =	shalt  }
0x55: {  	_ =	shalt  }
0x56: {  	_ =	shalt  }
0x57: {  	_ =	shalt  }
0x58: {  	_ =	shalt  }
0x59: {  	_ =	shalt  }
0x5a: {  	_ =	shalt  }
0x5b: {  	_ =	shalt  }
0x5c: {  	_ =	shalt  }
0x5d: {  	_ =	shalt  }
0x5e: {  	_ =	shalt  }
0x5f: {  	_ =	shalt  }
0x60: {  	_ =	shalt  }
0x61: {  	_ =	shalt  }
0x62: {  	_ =	shalt  }
0x63: {  	_ =	shalt  }
0x64: {  	_ =	shalt  }
0x65: {  	_ =	shalt  }
0x66: {  	_ =	shalt  }
0x67: {  	_ =	shalt  }
0x68: {  	_ =	shalt  }
0x69: {  	_ =	shalt  }
0x6a: {  	_ =	shalt  }
0x6b: {  	_ =	shalt  }
0x6c: {  	_ =	shalt  }
0x6d: {  	_ =	shalt  }
0x6e: {  	_ =	shalt  }
0x6f: {  	_ =	shalt  }
0x70: {  	_ =	shalt  }
0x71: {  	_ =	shalt  }
0x72: {  	_ =	shalt  }
0x73: {  	_ =	shalt  }
0x74: {  	_ =	shalt  }
0x75: {  	_ =	shalt  }
0x76: {  	_ =	shalt  }
0x77: {  	_ =	shalt  }
0x78: {  	_ =	shalt  }
0x79: {  	_ =	shalt  }
0x7a: {  	_ =	shalt  }
0x7b: {  	_ =	shalt  }
0x7c: {  	_ =	shalt  }
0x7d: {  	_ =	shalt  }
0x7e: {  	_ =	shalt  }
0x7f: {  	_ =	shalt  }
0x80: {  	_ =	shalt  }
0x81: {  	_ =	shalt  }
0x82: {  	_ =	shalt  }
0x83: {  	_ =	shalt  }
0x84: {  	_ =	shalt  }
0x85: {  	_ =	shalt  }
0x86: {  	_ =	shalt  }
0x87: {  	_ =	shalt  }
.Lfunc_end0:
.L_simem_size_0:
called_computation_lowered:
.L_overlay_start_0:
0x88: {  	s2 =	sld [smem:$0x3FD9]  }
0x89: {  	s3 =	sld [smem:$0x3FFE];
	_ =	sdelay $0x1  }
0x8a: {  	s1 =	srdreg.scid  }
0x8b: {  	s0 =	sand.u32 $0x1, s1  }
0x8c: {  	s14 =	sshll.u32 s0, $0xA;
	s2 =	sadd.s32 s3, s2  }
0x8d: {  	s2 =	sadd.s32 s2, s14  }
0x8e: {  	[smem:$0x3FC7] =	sst s2  }
0x8f: {  	_ = 	snop  }
0x90: {  	s2 =	sld [smem:$0x3FD0];
	_ =	sdelay $0x2  }
0x91: {  	s4 =	simm.s32 $0xA;
	s5 =	simm.s32 $0x10;
	s15 =	sld [smem:$0x3FC9]  }
0x92: {  	[smem:s5], [sflag:s4] =	dma.local [hbm:s2], $0x1  }
0x93: {  	_ =	swait.eq [sflag:s4], $0x1  }
0x94: {  	s16 =	sld [smem:$0x10];
	[sflag:s4] =	ssyncset.done $0x0  }
0x95: {  	s17 =	sld [smem:$0x11];
	[sflag:s4] =	ssyncadd.s32 $0xFFFFFFFF  }
0x96: {  	s18 =	sld [smem:$0x12];
	(tm) =	ssettm $0x1  }
0x97: {  	s6 =	sld [smem:$0x3FFB];
	_ =	sdelay $0x3  }
0x98: {  	_ =	strace s6  }
0x99: {  	s6 =	sld [smem:$0x3FFC];
	_ =	sdelay $0x3  }
0x9a: {  	_ =	strace s6  }
0x9b: {  	s6 =	sld [smem:$0x3FFD];
	_ =	sdelay $0x3  }
0x9c: {  	_ =	strace s6  }
0x9d: {  	_ =	strace $0x8FFFFFFF  }
0x9e: {  	s19 =	sld [smem:$0x3FDB];
	_ =	sdelay $0x1  }
0x9f: {  	s7 =	simm.s32 $_scs_section_size  }
0xa0: {  	s8 =	simm.s32 $_size__tile_overlayer_lowered;
	s9 =	simm.s32 $_tile_overlayer_lowered  }
0xa1: {  	s22 =	simm.s32 $0x1BFF;
	s21 =	sshll.u32 s9, $0x1;
	s6 =	sadd.s32 s7, s19  }
0xa2: {  	s10 =	simm.s32 $0x0;
	s20 =	sshll.u32 s8, $0x1;
	s8 =	sadd.s32 s21, s6  }
0xa3: {  	[timem:s10], [sflag:s22] =	dma.local [hbm:s8], s20  }
0xa4: {  	_ =	swait.ge [sflag:s22], s20  }
0xa5: {  	s7 =	ssub.s32 $0x0, s20;
	[sflag:s22] =	ssyncset.done $0x0  }
0xa6: {  	[sflag:s22] =	ssyncadd.s32 s7;
	_ =	sdelay $0x1  }
0xa7: {  	s23 =	simm.s32 $0x1B8B  }
0xa8: {  	_ =	swait.ge [sflag:s23], $0x1  }
0xa9: {  	[sflag:s23] =	ssyncset.done $0x0  }
0xaa: {  	s25 =	simm.s32 $0x1B8E;
	s24 =	sld [smem:$0x3FFE];
	[sflag:s23] =	ssyncadd.s32 $0xFFFFFFFF  }
0xab: {  	s26 =	simm.s32 $execute0_lowered;
	[smem:$0x3FD2] =	sst s25  }
0xac: {  	s8 =	sshll.u32 s26, $0x1;
	_ =	strace $0x80000046;
	[dreg:$0x1] =	wrdreg $0xFFFFFFFF  }
0xad: {  	s28 =	simm.s32 $_size_execute0_lowered;
	s6 =	sadd.s32 s6, s8;
	[dreg:$0x0] =	wrdreg $0x0  }
0xae: {  	s8 =	sshll.u32 s28, $0x1;
	[dreg:$0x2] =	wrdreg s6  }
0xaf: {  	[dreg:$0x3] =	wrdreg s8  }
0xb0: {  	[dreg:$0x4] =	wrdreg $0xC0  }
0xb1: {  	_ =	task [dreg:s10], $0x5FFFF  }
0xb2: {  	[dreg:$0x1] =	wrdreg $0xFFFFFFFF  }
0xb3: {  	[dreg:$0x0] =	wrdreg $0x60  }
0xb4: {  	[dreg:$0x2] =	wrdreg s15  }
0xb5: {  	[dreg:$0x3] =	wrdreg s24  }
0xb6: {  	[dreg:$0x4] =	wrdreg s16  }
0xb7: {  	[dreg:$0x5] =	wrdreg s17  }
0xb8: {  	[dreg:$0x6] =	wrdreg s18  }
0xb9: {  	[dreg:$0x7] =	wrdreg $0x9  }
0xba: {  	_ =	task.clear_ibuf [dreg:s10], $0x8FFFF;
	_ =	strace $0x90000046  }
0xbb: {  	s29 =	simm.s32 $0x9;
	_ =	strace $0x80000048  }
0xbc: {  	_ =	swait.ge [sflag:s29], $0x1  }
0xbd: {  	[sflag:s29] =	ssyncadd.s32 $0xFFFFFFFF  }
0xbe: {  	_ =	strace $0x90000048  }
0xbf: {  	_ =	sfence  }
0xc0: {  	s30 =	sld [smem:$0x0];
	_ =	sdelay $0x2  }
0xc1: {  	s31 =	sshll.u32 s1, $0xD;
	s1 =	sshrl.u32 s1, $0x2  }
0xc2: {  	s3 =	sand.u32 $0x4000, s31;
	s1 =	sadd.s32 s1, s30  }
0xc3: {  	s0 =	sor.u32 s3, s0;
	s1 =	sshll.u32 s1, $0x11  }
0xc4: {  	s0 =	sor.u32 s1, s0  }
0xc5: {  	s0 =	sadd.s32 $0x8F2B, s0  }
0xc6: {  	[sflag:s0] =	ssyncadd.remote.s32 $0x1  }
0xc7: {  	_ =	sfence.sel $0xFFFF  }
0xc8: {  	[dreg:$0x0] =	wrdreg $0xFFFFFFFF;
	(pc) =	sbr.abs _section_cstart, $3  }
0xc9: {  	[dreg:$0x1] =	wrdreg $0xFFFFFFFF  }
0xca: {  	_ =	task.clear_ibuf [dreg:s10], $0x2FFFF;
	_ =	strace $0x9FFFFFFF  }
0xcb: {  	(tm) =	ssettm $0x7FFFFFFF  }
tec
execute0_lowered:
.L_overlay_start_1:
0x0: {  	(tag) =	ssettag $0x1  }
0x1: {  	s0 =	srdreg.scid;
	s2 =	stileid.u32  }
0x2: {  	s1 =	simm.s32 $0x1;
	s5 =	sand.u32 $0x1, s0;
	s8 =	sshll.u32 s2, $0x1  }
0x3: {  	s0 =	sor.u32 s5, s8;
	p1 =	seq.s32 s5, $0x1;
	s6 =	smul.u32 $0xC, s5  }
0x4: {  	s9 =	sshll.u32 s5, $0xF;
	s3 =	ssub.s32 $0x2, s5;
	s12 =	smul.u32 $0x60, s5  }
0x5: {  	p0 =	seq.s32 s0, $0x0;
	s4 =	sshrl.u32 s3, $0x1;
	s0 =	sshll.u32 s0, $0x7  }
0x6: {  	p0 =	por !p0, !p1;
	s13 =	sor.u32 $0x3, s6;
	s14 =	sadd.s32 $0x20, s12  }
0x7: {  	s18 =	sadd.s32 $0x30, s12;
	s19 =	sadd.s32 $0x38, s12;
	s20 =	sadd.s32 $0x40, s12  }
0x8: {  	s24 =	sadd.s32 $0x48, s12;
	s25 =	sadd.s32 $0x50, s12;
	s26 =	sadd.s32 $0x58, s12  }
0x9: {  	p0 =	por !p0, !p0;
	s15 =	sshll.u32 s13, $0xF;
	s16 =	sshll.u32 s14, $0xC  }
0xa: {  	s21 =	sshll.u32 s18, $0xC;
	s22 =	sshll.u32 s19, $0xC;
	s23 =	sshll.u32 s20, $0xC  }
0xb: {  	s28 =	sshll.u32 s25, $0xC;
	s29 =	sshll.u32 s26, $0xC;
	s1 =	simm.s32 @!p0 $0x0  }
0xc: {  	s18 =	sshll.u32 s18, $0xA;
	s7 =	ssub.s32 s2, s1;
	s1 =	ssub.s32 s3, s4  }
0xd: {  	s4 =	sor.u32 $0x1, s6;
	s3 =	sor.u32 $0x2, s6;
	s6 =	sadd.s32 $0x28, s12  }
0xe: {  	s12 =	sshll.u32 s24, $0xC;
	s2 =	sshll.u32 s7, $0xB;
	s8 =	smul.u32 $0xC0000, s7  }
0xf: {  	s10 =	sshll.u32 s4, $0xF;
	s11 =	sshll.u32 s3, $0xF;
	s17 =	sshll.u32 s6, $0xC  }
0x10: {  	s7 =	smul.u32 $0x30000, s7;
	s4 =	sshll.u32 s4, $0xD;
	s3 =	sshll.u32 s3, $0xD  }
0x11: {  	s6 =	sshll.u32 s6, $0xA;
	s2 =	sadd.s32 s9, s2;
	s9 =	smul.u32 $0x60000, s5  }
0x12: {  	s5 =	smul.u32 $0x18000, s5;
	s10 =	sadd.s32 s10, s8;
	s11 =	sadd.s32 s11, s8  }
0x13: {  	s15 =	sadd.s32 s15, s8;
	s16 =	sadd.s32 s16, s8;
	s17 =	sadd.s32 s17, s8  }
0x14: {  	s21 =	sadd.s32 s21, s8;
	s22 =	sadd.s32 s22, s8;
	s23 =	sadd.s32 s23, s8  }
0x15: {  	s12 =	sadd.s32 s12, s8;
	s28 =	sadd.s32 s28, s8;
	s4 =	sadd.s32 s4, s7  }
0x16: {  	s3 =	sadd.s32 s3, s7;
	s6 =	sadd.s32 s6, s7;
	s2 =	sshrl.u32 s2, $0x3  }
0x17: {  	s9 =	sadd.s32 s9, s8;
	s8 =	sadd.s32 s29, s8;
	s10 =	sshrl.u32 s10, $0x3  }
0x18: {  	s29 =	rddreg [dreg:$0x0];
	s22 =	sshrl.u32 s22, $0x3;
	s5 =	sadd.s32 s5, s7  }
0x19: {  	s4 =	sshrl.u32 s4, $0x3;
	s3 =	sshrl.u32 s3, $0x3;
	s9 =	sshrl.u32 s9, $0x3  }
0x1a: {  	s10 =	sadd.s32 s29, s10;
	s8 =	sshrl.u32 s8, $0x3;
	s9 =	sadd.s32 s29, s9  }
0x1b: {  	[dreg:$0x7] =	wrdreg s10;
	s10 =	sshrl.u32 s11, $0x3;
	s11 =	sshrl.u32 s15, $0x3  }
0x1c: {  	s15 =	sshrl.u32 s16, $0x3;
	s16 =	sshrl.u32 s17, $0x3;
	s17 =	sshrl.u32 s21, $0x3  }
0x1d: {  	s8 =	sadd.s32 s29, s8;
	[dreg:$0x6] =	wrdreg s9;
	s9 =	sadd.s32 s29, s10  }
0x1e: {  	s10 =	sshrl.u32 s23, $0x3;
	[dreg:$0x11] =	wrdreg s8;
	s23 =	sshll.u32 s24, $0xA  }
0x1f: {  	s24 =	sshll.u32 s25, $0xA;
	s25 =	sshll.u32 s26, $0xA;
	s26 =	rddreg [dreg:$0x2]  }
0x20: {  	s5 =	sshrl.u32 s5, $0x3;
	s21 =	sadd.s32 s29, s17;
	[dreg:$0x8] =	wrdreg s9  }
0x21: {  	s17 =	sshll.u32 s14, $0xA;
	s9 =	sadd.s32 s29, s11;
	[dreg:$0xc] =	wrdreg s21  }
0x22: {  	s11 =	sshrl.u32 s12, $0x3;
	s14 =	sadd.s32 s23, s7;
	s23 =	rddreg [dreg:$0x3]  }
0x23: {  	s21 =	sshll.u32 s19, $0xA;
	s5 =	sadd.s32 s26, s5;
	[dreg:$0x9] =	wrdreg s9  }
0x24: {  	s4 =	sadd.s32 s26, s4;
	s3 =	sadd.s32 s26, s3;
	[dreg:$0x12] =	wrdreg s5  }
0x25: {  	s9 =	sadd.s32 s29, s15;
	s12 =	sadd.s32 s29, s11;
	[dreg:$0x13] =	wrdreg s4  }
0x26: {  	s15 =	sshrl.u32 s28, $0x3;
	s11 =	sadd.s32 s21, s7;
	[dreg:$0x14] =	wrdreg s3  }
0x27: {  	s19 =	sshrl.u32 s14, $0x3;
	s28 =	sadd.s32 s23, s2;
	[dreg:$0xa] =	wrdreg s9  }
0x28: {  	s14 =	simm.s32 $0x5;
	s9 =	sadd.s32 s29, s16;
	[dreg:$0xf] =	wrdreg s12  }
0x29: {  	s12 =	simm.s32 $0x0;
	s16 =	sshll.u32 s13, $0xD;
	[dreg:$0xb] =	wrdreg s9  }
0x2a: {  	s11 =	sshrl.u32 s11, $0x3;
	s9 =	sadd.s32 s29, s22;
	[smem:$0x7FF] =	sst s12  }
0x2b: {  	s8 =	sadd.s32 s16, s7;
	s22 =	sshll.u32 s20, $0xA;
	s16 =	simm.s32 $0x0  }
0x2c: {  	[dreg:$0xd] =	wrdreg s9;
	s9 =	sadd.s32 s29, s10;
	s10 =	sadd.s32 s18, s7  }
0x2d: {  	s13 =	sadd.s32 s22, s7;
	s4 =	sshrl.u32 s8, $0x3;
	s22 =	rddreg [dreg:$0x1]  }
0x2e: {  	s8 =	sshrl.u32 s6, $0x3;
	[dreg:$0xe] =	wrdreg s9;
	s9 =	sadd.s32 s29, s15  }
0x2f: {  	s15 =	sadd.s32 s24, s7;
	s3 =	sadd.s32 s26, s4;
	s10 =	sshrl.u32 s10, $0x3  }
0x30: {  	s0 =	sadd.s32 s0, s22;
	s4 =	simm.s32 $0x10400;
	[dreg:$0x10] =	wrdreg s9  }
0x31: {  	s9 =	sadd.s32 s17, s7;
	s7 =	sadd.s32 s25, s7;
	[dreg:$0x15] =	wrdreg s3  }
0x32: {  	s17 =	sshrl.u32 s13, $0x3;
	s20 =	sshrl.u32 s15, $0x3;
	s30 =	sadd.s32 $0x4800, s0  }
0x33: {  	s0 =	smax.u32 s1, $0x1;
	s1 =	simm.s32 $0x1;
	s13 =	simm.s32 $0x4  }
0x34: {  	s15 =	simm.s32 $0x7;
	s5 =	sshrl.u32 s9, $0x3;
	s9 =	sadd.s32 s26, s8  }
0x35: {  	s18 =	sadd.s32 s26, s17;
	s21 =	sshrl.u32 s7, $0x3;
	s24 =	sadd.s32 s26, s20  }
0x36: {  	s17 =	simm.s32 $0x1C400;
	s7 =	simm.s32 $0x6;
	[dreg:$0x17] =	wrdreg s9  }
0x37: {  	s8 =	simm.s32 $0x18400;
	s3 =	sadd.s32 s26, s5;
	[dreg:$0x1a] =	wrdreg s18  }
0x38: {  	s25 =	sadd.s32 s26, s21;
	[dreg:$0x16] =	wrdreg s3;
	s3 =	sadd.s32 s26, s10  }
0x39: {  	s18 =	simm.s32 $0x1CC00;
	[dreg:$0x18] =	wrdreg s3;
	s3 =	sadd.s32 s26, s11  }
0x3a: {  	s9 =	simm.s32 $0x2;
	s5 =	simm.s32 $0x8;
	[dreg:$0x19] =	wrdreg s3  }
0x3b: {  	s10 =	simm.s32 $0x1A400;
	s3 =	sadd.s32 s26, s19;
	s26 =	rddreg [dreg:$0x4]  }
0x3c: {  	s11 =	simm.s32 $0x3;
	[dreg:$0x1b] =	wrdreg s3;
	s3 =	sadd.s32 s2, s22  }
0x3d: {  	s29 =	sadd.s32 s26, s2;
	s2 =	simm.s32 $0x400;
	_ =	strace $0x80000047  }
0x3e: {  	s31 =	sadd.s32 $0x800, s3;
	s26 =	sadd.s32 $0x2800, s3;
	s3 =	simm.s32 $0x8400  }
.LBB2_1:
0x3f: {  	[tilespmem:s12], [sflag:$0x6] =	stream.linear.gather [hbm4b:s30+s12], $0x400, $0x38;
	[tilespmem:$0x1D400] =	vst v63  }
0x40: {  	s6 =	rddreg [dreg:$0x6]  }
0x41: {  	[tilespmem:s2], [sflag:$0x1] =	stream.linear.gather [hbm4b:s6+s12], $0x8000, $0x38;
	[tilespmem:$0x1D400] =	vst v63  }
0x42: {  	s23 =	rddreg [dreg:$0x7]  }
0x43: {  	[tilespmem:s3], [sflag:$0x2] =	stream.linear.gather [hbm4b:s23+s12], $0x8000, $0x38;
	[tilespmem:$0x1D400] =	vst v63  }
0x44: {  	s19 =	rddreg [dreg:$0x8]  }
0x45: {  	[tilespmem:s4], [sflag:$0x3] =	stream.linear.gather [hbm4b:s19+s12], $0x8000, $0x38;
	[tilespmem:$0x1D400] =	vst v63  }
0x46: {  	_ = 	snop  }
0x47: {  	[tilespmem:s17], [sflag:$0x7] =	stream.linear.gather [hbm4b:s31+s12], $0x800, $0x38;
	[tilespmem:$0x1D400] =	vst v63  }
0x48: {  	_ = 	snop  }
0x49: {  	[tilespmem:s18], [sflag:$0x8] =	stream.linear.gather [hbm4b:s26+s12], $0x800, $0x38;
	[tilespmem:$0x1D400] =	vst v63  }
0x4a: {  	_ =	swait.ge [sflag:s7], $0x400  }
0x4b: {  	[sflag:s7] =	ssyncset.done $0x0  }
0x4c: {  	[sflag:s7] =	ssyncadd.s32 $0xFFFFFC00  }
0x4d: {  	s20 =	sand.u32 $0xE00, s12;
	_ =	swait.ge [sflag:s1], $0x8000  }
0x4e: {  	s21 =	sand.u32 $0x70, s12;
	s6 =	sshrl.u32 s20, $0x2;
	[sflag:s1] =	ssyncset.done $0x0  }
0x4f: {  	s6 =	sor.u32 s21, s6;
	[sflag:s1] =	ssyncadd.s32 $0xFFFF8000  }
0x50: {  	v0 =	vld [tilespmem:s6+$0x0];
	_ =	sdelay $0x4  }
0x51: {  	v1 =	vshll.u32 v0, $0x3  }
0x52: {  	v0 =	vand.u32 $0x7F, v0;
	v1 =	vand.u32 $0xFFFFFC00, v1  }
0x53: {  	v0 =	vor.u32 v0, v1;
	_ =	sdelay $0x4  }
0x54: {  	v1 =	vld.idx.msk [tilespmem:v0+s2+$0x0], $0xffff  }
0x55: {  	v2 =	vor.u32 $0x80, v0;
	_ =	sdelay $0x1  }
0x56: {  	s22 =	sand.u32 $0x1C00, s12  }
0x57: {  	s6 =	sor.u32 s21, s22  }
0x58: {  	[tilespmem:s6+$0x18400] =	vst v1  }
0x59: {  	v1 =	vld.idx.msk [tilespmem:v2+s2+$0x0], $0xffff  }
0x5a: {  	v2 =	vor.u32 $0x100, v0;
	_ =	sdelay $0x2  }
0x5b: {  	s17 =	sadd.s32 $0x18400, s6  }
0x5c: {  	[tilespmem:s17+$0x80] =	vst v1  }
0x5d: {  	v1 =	vld.idx.msk [tilespmem:v2+s2+$0x0], $0xffff  }
0x5e: {  	v2 =	vor.u32 $0x180, v0;
	_ =	sdelay $0x3  }
0x5f: {  	[tilespmem:s17+$0x100] =	vst v1  }
0x60: {  	v1 =	vld.idx.msk [tilespmem:v2+s2+$0x0], $0xffff  }
0x61: {  	v2 =	vor.u32 $0x200, v0;
	_ =	sdelay $0x3  }
0x62: {  	[tilespmem:s17+$0x180] =	vst v1  }
0x63: {  	v1 =	vld.idx.msk [tilespmem:v2+s2+$0x0], $0xffff  }
0x64: {  	v2 =	vor.u32 $0x280, v0;
	_ =	sdelay $0x3  }
0x65: {  	[tilespmem:s17+$0x200] =	vst v1  }
0x66: {  	v1 =	vld.idx.msk [tilespmem:v2+s2+$0x0], $0xffff  }
0x67: {  	v2 =	vor.u32 $0x300, v0;
	_ =	sdelay $0x3  }
0x68: {  	[tilespmem:s17+$0x280] =	vst v1  }
0x69: {  	v1 =	vld.idx.msk [tilespmem:v2+s2+$0x0], $0xffff  }
0x6a: {  	v0 =	vor.u32 $0x380, v0;
	_ =	sdelay $0x3  }
0x6b: {  	s19 =	simm.s32 $0x40;
	[tilespmem:s17+$0x300] =	vst v1  }
0x6c: {  	s23 =	sand.u32 $0xE00, s19;
	v0 =	vld.idx.msk [tilespmem:v0+s2+$0x0], $0xffff  }
0x6d: {  	s19 =	sshrl.u32 s23, $0x2  }
0x6e: {  	s18 =	simm.s32 $0x80;
	s21 =	sor.u32 s12, s12;
	s6 =	simm.s32 $0x10  }
0x6f: {  	s22 =	sor.u32 $0x380, s21;
	s20 =	sand.u32 $0x70, s6;
	s17 =	simm.s32 $0x0  }
.LBB2_2:
0x70: {  	s23 =	sor.u32 s20, s19  }
0x71: {  	[tilespmem:s22+$0x18400] =	vst v0;
	s17 =	sadd.s32 $0x80, s17;
	s19 =	smov.u32 s18;
	s21 =	sadd.s32 $0x40, s18  }
0x72: {  	p0 =	sne.s32 s18, $0xFC0;
	v0 =	vld [tilespmem:s23+$0x0];
	_ =	sdelay $0x4  }
0x73: {  	v1 =	vshll.u32 v0, $0x3  }
0x74: {  	v0 =	vand.u32 $0x7F, v0;
	v1 =	vand.u32 $0xFFFFFC00, v1  }
0x75: {  	v0 =	vor.u32 v0, v1;
	_ =	sdelay $0x4  }
0x76: {  	v1 =	vld.idx.msk [tilespmem:v0+s2+$0x0], $0xffff;
	_ =	sdelay $0x1  }
0x77: {  	v2 =	vor.u32 $0x80, v0;
	_ =	sdelay $0x1  }
0x78: {  	s18 =	sand.u32 $0x1C00, s17  }
0x79: {  	s18 =	sor.u32 s20, s18  }
0x7a: {  	[tilespmem:s18+$0x18400] =	vst v1  }
0x7b: {  	v1 =	vld.idx.msk [tilespmem:v2+s2+$0x0], $0xffff;
	_ =	sdelay $0x1  }
0x7c: {  	v2 =	vor.u32 $0x100, v0;
	_ =	sdelay $0x2  }
0x7d: {  	s18 =	sadd.s32 $0x18400, s18  }
0x7e: {  	[tilespmem:s18+$0x80] =	vst v1  }
0x7f: {  	v1 =	vld.idx.msk [tilespmem:v2+s2+$0x0], $0xffff;
	_ =	sdelay $0x1  }
0x80: {  	v2 =	vor.u32 $0x180, v0;
	_ =	sdelay $0x3  }
0x81: {  	[tilespmem:s18+$0x100] =	vst v1  }
0x82: {  	v1 =	vld.idx.msk [tilespmem:v2+s2+$0x0], $0xffff;
	_ =	sdelay $0x1  }
0x83: {  	v2 =	vor.u32 $0x200, v0;
	_ =	sdelay $0x3  }
0x84: {  	[tilespmem:s18+$0x180] =	vst v1  }
0x85: {  	v1 =	vld.idx.msk [tilespmem:v2+s2+$0x0], $0xffff;
	_ =	sdelay $0x1  }
0x86: {  	v2 =	vor.u32 $0x280, v0;
	_ =	sdelay $0x3  }
0x87: {  	[tilespmem:s18+$0x200] =	vst v1  }
0x88: {  	v1 =	vld.idx.msk [tilespmem:v2+s2+$0x0], $0xffff;
	_ =	sdelay $0x1  }
0x89: {  	v2 =	vor.u32 $0x300, v0;
	_ =	sdelay $0x3  }
0x8a: {  	[tilespmem:s18+$0x280] =	vst v1  }
0x8b: {  	v1 =	vld.idx.msk [tilespmem:v2+s2+$0x0], $0xffff;
	_ =	sdelay $0x1  }
0x8c: {  	v0 =	vor.u32 $0x380, v0;
	_ =	sdelay $0x3  }
0x8d: {  	[tilespmem:s18+$0x300] =	vst v1  }
0x8e: {  	v0 =	vld.idx.msk [tilespmem:v0+s2+$0x0], $0xffff  }
.Ltmp0:
0x8f: {  	(pc) =	sbr.rel @p0 .LBB2_2-.Ltmp0, $4  }
0x90: {  	_ = 	snop  }
0x91: {  	s22 =	sor.u32 s17, s6;
	s6 =	sadd.s32 $0x10, s6  }
0x92: {  	s20 =	sand.u32 $0x70, s6;
	s18 =	sand.u32 $0xE00, s19  }
0x93: {  	s22 =	sor.u32 $0x380, s22;
	s19 =	sshrl.u32 s18, $0x2;
	s18 =	smov.u32 s21  }
0x94: {  	s18 =	sor.u32 s20, s19;
	[tilespmem:s22+$0x18400] =	vst v0  }
0x95: {  	v0 =	vld [tilespmem:s18+$0x0];
	_ =	sdelay $0x4  }
0x96: {  	v1 =	vshll.u32 v0, $0x3  }
0x97: {  	v0 =	vand.u32 $0x7F, v0;
	v1 =	vand.u32 $0xFFFFFC00, v1  }
0x98: {  	v0 =	vor.u32 v0, v1;
	_ =	sdelay $0x4  }
0x99: {  	v1 =	vld.idx.msk [tilespmem:v0+s2+$0x0], $0xffff  }
0x9a: {  	v2 =	vor.u32 $0x80, v0  }
0x9b: {  	s17 =	sadd.s32 $0x80, s17  }
0x9c: {  	s22 =	sand.u32 $0x1C00, s17  }
0x9d: {  	s18 =	sor.u32 s20, s22  }
0x9e: {  	[tilespmem:s18+$0x18400] =	vst v1  }
0x9f: {  	v1 =	vld.idx.msk [tilespmem:v2+s2+$0x0], $0xffff  }
0xa0: {  	v2 =	vor.u32 $0x100, v0;
	_ =	sdelay $0x2  }
0xa1: {  	s18 =	sadd.s32 $0x18400, s18  }
0xa2: {  	[tilespmem:s18+$0x80] =	vst v1  }
0xa3: {  	v1 =	vld.idx.msk [tilespmem:v2+s2+$0x0], $0xffff  }
0xa4: {  	v2 =	vor.u32 $0x180, v0;
	_ =	sdelay $0x3  }
0xa5: {  	[tilespmem:s18+$0x100] =	vst v1  }
0xa6: {  	v1 =	vld.idx.msk [tilespmem:v2+s2+$0x0], $0xffff  }
0xa7: {  	v2 =	vor.u32 $0x200, v0;
	_ =	sdelay $0x3  }
0xa8: {  	[tilespmem:s18+$0x180] =	vst v1  }
0xa9: {  	v1 =	vld.idx.msk [tilespmem:v2+s2+$0x0], $0xffff  }
0xaa: {  	v2 =	vor.u32 $0x280, v0;
	_ =	sdelay $0x3  }
0xab: {  	[tilespmem:s18+$0x200] =	vst v1  }
0xac: {  	v1 =	vld.idx.msk [tilespmem:v2+s2+$0x0], $0xffff  }
0xad: {  	v2 =	vor.u32 $0x300, v0;
	_ =	sdelay $0x3  }
0xae: {  	[tilespmem:s18+$0x280] =	vst v1  }
0xaf: {  	v1 =	vld.idx.msk [tilespmem:v2+s2+$0x0], $0xffff  }
0xb0: {  	v0 =	vor.u32 $0x380, v0;
	_ =	sdelay $0x3  }
0xb1: {  	[tilespmem:s18+$0x300] =	vst v1  }
0xb2: {  	v0 =	vld.idx.msk [tilespmem:v0+s2+$0x0], $0xffff;
	_ =	sdelay $0x2  }
0xb3: {  	s6 =	sor.u32 s17, s6  }
0xb4: {  	s6 =	sor.u32 $0x380, s6  }
0xb5: {  	s23 =	rddreg [dreg:$0x12];
	[tilespmem:s6+$0x18400] =	vst v0;
	s6 =	simm.s32 $0x0  }
0xb6: {  	[hbm4b:s23+s6] =	stream.linear.scatter [tilespmem:s8], [sflag:$0x4], $0x2000, $0x38;
	[tilespmem:$0x1D400] =	vst v63  }
0xb7: {  	s18 =	rddreg [dreg:$0x9]  }
0xb8: {  	[tilespmem:s2], [sflag:$0x1] =	stream.linear.gather [hbm4b:s18+s6], $0x8000, $0x38;
	[tilespmem:$0x1D400] =	vst v63  }
0xb9: {  	s19 =	sand.u32 $0xE00, s6;
	_ =	swait.ge [sflag:s9], $0x8000  }
0xba: {  	s20 =	sand.u32 $0x70, s6;
	s17 =	sshrl.u32 s19, $0x2;
	[sflag:s9] =	ssyncset.done $0x0  }
0xbb: {  	s17 =	sor.u32 s20, s17;
	[sflag:s9] =	ssyncadd.s32 $0xFFFF8000  }
0xbc: {  	v0 =	vld [tilespmem:s17+$0x0];
	_ =	sdelay $0x4  }
0xbd: {  	v1 =	vshll.u32 v0, $0x3  }
0xbe: {  	v0 =	vand.u32 $0x7F, v0;
	v1 =	vand.u32 $0xFFFFFC00, v1  }
0xbf: {  	v0 =	vor.u32 v0, v1;
	_ =	sdelay $0x4  }
0xc0: {  	v1 =	vld.idx.msk [tilespmem:v0+s3+$0x0], $0xffff  }
0xc1: {  	v2 =	vor.u32 $0x80, v0;
	_ =	sdelay $0x1  }
0xc2: {  	s21 =	sand.u32 $0x1C00, s6  }
0xc3: {  	s17 =	sor.u32 s20, s21  }
0xc4: {  	[tilespmem:s17+$0x1A400] =	vst v1  }
0xc5: {  	v1 =	vld.idx.msk [tilespmem:v2+s3+$0x0], $0xffff  }
0xc6: {  	v2 =	vor.u32 $0x100, v0;
	_ =	sdelay $0x2  }
0xc7: {  	s17 =	sadd.s32 $0x1A400, s17  }
0xc8: {  	[tilespmem:s17+$0x80] =	vst v1  }
0xc9: {  	v1 =	vld.idx.msk [tilespmem:v2+s3+$0x0], $0xffff  }
0xca: {  	v2 =	vor.u32 $0x180, v0;
	_ =	sdelay $0x3  }
0xcb: {  	[tilespmem:s17+$0x100] =	vst v1  }
0xcc: {  	v1 =	vld.idx.msk [tilespmem:v2+s3+$0x0], $0xffff  }
0xcd: {  	v2 =	vor.u32 $0x200, v0;
	_ =	sdelay $0x3  }
0xce: {  	[tilespmem:s17+$0x180] =	vst v1  }
0xcf: {  	v1 =	vld.idx.msk [tilespmem:v2+s3+$0x0], $0xffff  }
0xd0: {  	v2 =	vor.u32 $0x280, v0;
	_ =	sdelay $0x3  }
0xd1: {  	[tilespmem:s17+$0x200] =	vst v1  }
0xd2: {  	v1 =	vld.idx.msk [tilespmem:v2+s3+$0x0], $0xffff  }
0xd3: {  	v2 =	vor.u32 $0x300, v0;
	_ =	sdelay $0x3  }
0xd4: {  	[tilespmem:s17+$0x280] =	vst v1  }
0xd5: {  	v1 =	vld.idx.msk [tilespmem:v2+s3+$0x0], $0xffff  }
0xd6: {  	v0 =	vor.u32 $0x380, v0;
	_ =	sdelay $0x3  }
0xd7: {  	[tilespmem:s17+$0x300] =	vst v1  }
0xd8: {  	v0 =	vld.idx.msk [tilespmem:v0+s3+$0x0], $0xffff  }
0xd9: {  	s22 =	simm.s32 $0x40;
	s23 =	sor.u32 s6, s6  }
0xda: {  	s18 =	sand.u32 $0xE00, s22;
	s22 =	sor.u32 $0x380, s23;
	s17 =	simm.s32 $0x10  }
0xdb: {  	s19 =	sshrl.u32 s18, $0x2;
	s21 =	simm.s32 $0x80;
	s20 =	sand.u32 $0x70, s17  }
.LBB2_4:
0xdc: {  	s23 =	sor.u32 s20, s19  }
0xdd: {  	[tilespmem:s22+$0x1A400] =	vst v0;
	s6 =	sadd.s32 $0x80, s6;
	s19 =	smov.u32 s21;
	s18 =	sadd.s32 $0x40, s21  }
0xde: {  	p0 =	sne.s32 s21, $0xFC0;
	v0 =	vld [tilespmem:s23+$0x0];
	_ =	sdelay $0x4  }
0xdf: {  	v1 =	vshll.u32 v0, $0x3  }
0xe0: {  	v0 =	vand.u32 $0x7F, v0;
	v1 =	vand.u32 $0xFFFFFC00, v1  }
0xe1: {  	v0 =	vor.u32 v0, v1;
	_ =	sdelay $0x4  }
0xe2: {  	v1 =	vld.idx.msk [tilespmem:v0+s3+$0x0], $0xffff;
	_ =	sdelay $0x1  }
0xe3: {  	v2 =	vor.u32 $0x80, v0;
	_ =	sdelay $0x1  }
0xe4: {  	s21 =	sand.u32 $0x1C00, s6  }
0xe5: {  	s20 =	sor.u32 s20, s21  }
0xe6: {  	[tilespmem:s20+$0x1A400] =	vst v1  }
0xe7: {  	v1 =	vld.idx.msk [tilespmem:v2+s3+$0x0], $0xffff;
	_ =	sdelay $0x1  }
0xe8: {  	v2 =	vor.u32 $0x100, v0;
	_ =	sdelay $0x2  }
0xe9: {  	s20 =	sadd.s32 $0x1A400, s20  }
0xea: {  	[tilespmem:s20+$0x80] =	vst v1  }
0xeb: {  	v1 =	vld.idx.msk [tilespmem:v2+s3+$0x0], $0xffff;
	_ =	sdelay $0x1  }
0xec: {  	v2 =	vor.u32 $0x180, v0;
	_ =	sdelay $0x3  }
0xed: {  	[tilespmem:s20+$0x100] =	vst v1  }
0xee: {  	v1 =	vld.idx.msk [tilespmem:v2+s3+$0x0], $0xffff;
	_ =	sdelay $0x1  }
0xef: {  	v2 =	vor.u32 $0x200, v0;
	_ =	sdelay $0x3  }
0xf0: {  	[tilespmem:s20+$0x180] =	vst v1  }
0xf1: {  	v1 =	vld.idx.msk [tilespmem:v2+s3+$0x0], $0xffff;
	_ =	sdelay $0x1  }
0xf2: {  	v2 =	vor.u32 $0x280, v0;
	_ =	sdelay $0x3  }
0xf3: {  	[tilespmem:s20+$0x200] =	vst v1  }
0xf4: {  	v1 =	vld.idx.msk [tilespmem:v2+s3+$0x0], $0xffff;
	_ =	sdelay $0x1  }
0xf5: {  	v2 =	vor.u32 $0x300, v0;
	_ =	sdelay $0x3  }
0xf6: {  	[tilespmem:s20+$0x280] =	vst v1  }
0xf7: {  	v1 =	vld.idx.msk [tilespmem:v2+s3+$0x0], $0xffff;
	_ =	sdelay $0x1  }
0xf8: {  	v0 =	vor.u32 $0x380, v0;
	_ =	sdelay $0x3  }
0xf9: {  	[tilespmem:s20+$0x300] =	vst v1  }
0xfa: {  	v0 =	vld.idx.msk [tilespmem:v0+s3+$0x0], $0xffff  }
.Ltmp1:
0xfb: {  	(pc) =	sbr.rel @p0 .LBB2_4-.Ltmp1, $4  }
0xfc: {  	_ = 	snop  }
0xfd: {  	s19 =	sand.u32 $0xE00, s19  }
0xfe: {  	s21 =	sor.u32 s6, s17;
	s17 =	sadd.s32 $0x10, s17;
	s19 =	sshrl.u32 s19, $0x2  }
0xff: {  	s22 =	sor.u32 $0x380, s21;
	s21 =	smov.u32 s18;
	s20 =	sand.u32 $0x70, s17  }
0x100: {  	s18 =	sor.u32 s20, s19;
	[tilespmem:s22+$0x1A400] =	vst v0  }
0x101: {  	v0 =	vld [tilespmem:s18+$0x0];
	_ =	sdelay $0x4  }
0x102: {  	v1 =	vshll.u32 v0, $0x3  }
0x103: {  	v0 =	vand.u32 $0x7F, v0;
	v1 =	vand.u32 $0xFFFFFC00, v1  }
0x104: {  	v0 =	vor.u32 v0, v1;
	_ =	sdelay $0x4  }
0x105: {  	v1 =	vld.idx.msk [tilespmem:v0+s3+$0x0], $0xffff  }
0x106: {  	v2 =	vor.u32 $0x80, v0  }
0x107: {  	s6 =	sadd.s32 $0x80, s6  }
0x108: {  	s22 =	sand.u32 $0x1C00, s6  }
0x109: {  	s18 =	sor.u32 s20, s22  }
0x10a: {  	[tilespmem:s18+$0x1A400] =	vst v1  }
0x10b: {  	v1 =	vld.idx.msk [tilespmem:v2+s3+$0x0], $0xffff  }
0x10c: {  	v2 =	vor.u32 $0x100, v0;
	_ =	sdelay $0x2  }
0x10d: {  	s18 =	sadd.s32 $0x1A400, s18  }
0x10e: {  	[tilespmem:s18+$0x80] =	vst v1  }
0x10f: {  	v1 =	vld.idx.msk [tilespmem:v2+s3+$0x0], $0xffff  }
0x110: {  	v2 =	vor.u32 $0x180, v0;
	_ =	sdelay $0x3  }
0x111: {  	[tilespmem:s18+$0x100] =	vst v1  }
0x112: {  	v1 =	vld.idx.msk [tilespmem:v2+s3+$0x0], $0xffff  }
0x113: {  	v2 =	vor.u32 $0x200, v0;
	_ =	sdelay $0x3  }
0x114: {  	[tilespmem:s18+$0x180] =	vst v1  }
0x115: {  	v1 =	vld.idx.msk [tilespmem:v2+s3+$0x0], $0xffff  }
0x116: {  	v2 =	vor.u32 $0x280, v0;
	_ =	sdelay $0x3  }
0x117: {  	[tilespmem:s18+$0x200] =	vst v1  }
0x118: {  	v1 =	vld.idx.msk [tilespmem:v2+s3+$0x0], $0xffff  }
0x119: {  	v2 =	vor.u32 $0x300, v0;
	_ =	sdelay $0x3  }
0x11a: {  	[tilespmem:s18+$0x280] =	vst v1  }
0x11b: {  	v1 =	vld.idx.msk [tilespmem:v2+s3+$0x0], $0xffff  }
0x11c: {  	v0 =	vor.u32 $0x380, v0;
	_ =	sdelay $0x3  }
0x11d: {  	[tilespmem:s18+$0x300] =	vst v1  }
0x11e: {  	v0 =	vld.idx.msk [tilespmem:v0+s3+$0x0], $0xffff;
	_ =	sdelay $0x2  }
0x11f: {  	s6 =	sor.u32 s6, s17  }
0x120: {  	s6 =	sor.u32 $0x380, s6  }
0x121: {  	s23 =	rddreg [dreg:$0x13];
	[tilespmem:s6+$0x1A400] =	vst v0;
	s6 =	simm.s32 $0x0  }
0x122: {  	[hbm4b:s23+s6] =	stream.linear.scatter [tilespmem:s10], [sflag:$0x5], $0x2000, $0x38;
	[tilespmem:$0x1D400] =	vst v63  }
0x123: {  	s18 =	rddreg [dreg:$0xa]  }
0x124: {  	[tilespmem:s3], [sflag:$0x2] =	stream.linear.gather [hbm4b:s18+s6], $0x8000, $0x38;
	[tilespmem:$0x1D400] =	vst v63  }
0x125: {  	_ =	swait.ge [sflag:s11], $0x8000  }
0x126: {  	[sflag:s11] =	ssyncset.done $0x0  }
0x127: {  	[sflag:s11] =	ssyncadd.s32 $0xFFFF8000  }
0x128: {  	s19 =	sand.u32 $0xE00, s6;
	_ =	swait.ge [sflag:s13], $0x2000  }
0x129: {  	s20 =	sand.u32 $0x70, s6;
	s17 =	sshrl.u32 s19, $0x2;
	[sflag:s13] =	ssyncset.done $0x0  }
0x12a: {  	s17 =	sor.u32 s20, s17;
	[sflag:s13] =	ssyncadd.s32 $0xFFFFE000  }
0x12b: {  	v0 =	vld [tilespmem:s17+$0x0];
	_ =	sdelay $0x4  }
0x12c: {  	v1 =	vshll.u32 v0, $0x3  }
0x12d: {  	v0 =	vand.u32 $0x7F, v0;
	v1 =	vand.u32 $0xFFFFFC00, v1  }
0x12e: {  	v0 =	vor.u32 v0, v1;
	_ =	sdelay $0x4  }
0x12f: {  	v1 =	vld.idx.msk [tilespmem:v0+s4+$0x0], $0xffff  }
0x130: {  	v2 =	vor.u32 $0x80, v0;
	_ =	sdelay $0x1  }
0x131: {  	s21 =	sand.u32 $0x1C00, s6  }
0x132: {  	s17 =	sor.u32 s20, s21  }
0x133: {  	[tilespmem:s17+$0x18400] =	vst v1  }
0x134: {  	v1 =	vld.idx.msk [tilespmem:v2+s4+$0x0], $0xffff  }
0x135: {  	v2 =	vor.u32 $0x100, v0;
	_ =	sdelay $0x2  }
0x136: {  	s17 =	sadd.s32 $0x18400, s17  }
0x137: {  	[tilespmem:s17+$0x80] =	vst v1  }
0x138: {  	v1 =	vld.idx.msk [tilespmem:v2+s4+$0x0], $0xffff  }
0x139: {  	v2 =	vor.u32 $0x180, v0;
	_ =	sdelay $0x3  }
0x13a: {  	[tilespmem:s17+$0x100] =	vst v1  }
0x13b: {  	v1 =	vld.idx.msk [tilespmem:v2+s4+$0x0], $0xffff  }
0x13c: {  	v2 =	vor.u32 $0x200, v0;
	_ =	sdelay $0x3  }
0x13d: {  	[tilespmem:s17+$0x180] =	vst v1  }
0x13e: {  	v1 =	vld.idx.msk [tilespmem:v2+s4+$0x0], $0xffff  }
0x13f: {  	v2 =	vor.u32 $0x280, v0;
	_ =	sdelay $0x3  }
0x140: {  	[tilespmem:s17+$0x200] =	vst v1  }
0x141: {  	v1 =	vld.idx.msk [tilespmem:v2+s4+$0x0], $0xffff  }
0x142: {  	v2 =	vor.u32 $0x300, v0;
	_ =	sdelay $0x3  }
0x143: {  	[tilespmem:s17+$0x280] =	vst v1  }
0x144: {  	v1 =	vld.idx.msk [tilespmem:v2+s4+$0x0], $0xffff  }
0x145: {  	v0 =	vor.u32 $0x380, v0;
	_ =	sdelay $0x3  }
0x146: {  	[tilespmem:s17+$0x300] =	vst v1  }
0x147: {  	v0 =	vld.idx.msk [tilespmem:v0+s4+$0x0], $0xffff  }
0x148: {  	s22 =	simm.s32 $0x40;
	s23 =	sor.u32 s6, s6  }
0x149: {  	s18 =	sand.u32 $0xE00, s22;
	s22 =	sor.u32 $0x380, s23;
	s17 =	simm.s32 $0x10  }
0x14a: {  	s19 =	sshrl.u32 s18, $0x2;
	s21 =	simm.s32 $0x80;
	s20 =	sand.u32 $0x70, s17  }
.LBB2_6:
0x14b: {  	s23 =	sor.u32 s20, s19  }
0x14c: {  	[tilespmem:s22+$0x18400] =	vst v0;
	s6 =	sadd.s32 $0x80, s6;
	s19 =	smov.u32 s21;
	s18 =	sadd.s32 $0x40, s21  }
0x14d: {  	p0 =	sne.s32 s21, $0xFC0;
	v0 =	vld [tilespmem:s23+$0x0];
	_ =	sdelay $0x4  }
0x14e: {  	v1 =	vshll.u32 v0, $0x3  }
0x14f: {  	v0 =	vand.u32 $0x7F, v0;
	v1 =	vand.u32 $0xFFFFFC00, v1  }
0x150: {  	v0 =	vor.u32 v0, v1;
	_ =	sdelay $0x4  }
0x151: {  	v1 =	vld.idx.msk [tilespmem:v0+s4+$0x0], $0xffff;
	_ =	sdelay $0x1  }
0x152: {  	v2 =	vor.u32 $0x80, v0;
	_ =	sdelay $0x1  }
0x153: {  	s21 =	sand.u32 $0x1C00, s6  }
0x154: {  	s20 =	sor.u32 s20, s21  }
0x155: {  	[tilespmem:s20+$0x18400] =	vst v1  }
0x156: {  	v1 =	vld.idx.msk [tilespmem:v2+s4+$0x0], $0xffff;
	_ =	sdelay $0x1  }
0x157: {  	v2 =	vor.u32 $0x100, v0;
	_ =	sdelay $0x2  }
0x158: {  	s20 =	sadd.s32 $0x18400, s20  }
0x159: {  	[tilespmem:s20+$0x80] =	vst v1  }
0x15a: {  	v1 =	vld.idx.msk [tilespmem:v2+s4+$0x0], $0xffff;
	_ =	sdelay $0x1  }
0x15b: {  	v2 =	vor.u32 $0x180, v0;
	_ =	sdelay $0x3  }
0x15c: {  	[tilespmem:s20+$0x100] =	vst v1  }
0x15d: {  	v1 =	vld.idx.msk [tilespmem:v2+s4+$0x0], $0xffff;
	_ =	sdelay $0x1  }
0x15e: {  	v2 =	vor.u32 $0x200, v0;
	_ =	sdelay $0x3  }
0x15f: {  	[tilespmem:s20+$0x180] =	vst v1  }
0x160: {  	v1 =	vld.idx.msk [tilespmem:v2+s4+$0x0], $0xffff;
	_ =	sdelay $0x1  }
0x161: {  	v2 =	vor.u32 $0x280, v0;
	_ =	sdelay $0x3  }
0x162: {  	[tilespmem:s20+$0x200] =	vst v1  }
0x163: {  	v1 =	vld.idx.msk [tilespmem:v2+s4+$0x0], $0xffff;
	_ =	sdelay $0x1  }
0x164: {  	v2 =	vor.u32 $0x300, v0;
	_ =	sdelay $0x3  }
0x165: {  	[tilespmem:s20+$0x280] =	vst v1  }
0x166: {  	v1 =	vld.idx.msk [tilespmem:v2+s4+$0x0], $0xffff;
	_ =	sdelay $0x1  }
0x167: {  	v0 =	vor.u32 $0x380, v0;
	_ =	sdelay $0x3  }
0x168: {  	[tilespmem:s20+$0x300] =	vst v1  }
0x169: {  	v0 =	vld.idx.msk [tilespmem:v0+s4+$0x0], $0xffff  }
.Ltmp2:
0x16a: {  	(pc) =	sbr.rel @p0 .LBB2_6-.Ltmp2, $4  }
0x16b: {  	_ = 	snop  }
0x16c: {  	s19 =	sand.u32 $0xE00, s19  }
0x16d: {  	s21 =	sor.u32 s6, s17;
	s17 =	sadd.s32 $0x10, s17;
	s19 =	sshrl.u32 s19, $0x2  }
0x16e: {  	s22 =	sor.u32 $0x380, s21;
	s21 =	smov.u32 s18;
	s20 =	sand.u32 $0x70, s17  }
0x16f: {  	s18 =	sor.u32 s20, s19;
	[tilespmem:s22+$0x18400] =	vst v0  }
0x170: {  	v0 =	vld [tilespmem:s18+$0x0];
	_ =	sdelay $0x4  }
0x171: {  	v1 =	vshll.u32 v0, $0x3  }
0x172: {  	v0 =	vand.u32 $0x7F, v0;
	v1 =	vand.u32 $0xFFFFFC00, v1  }
0x173: {  	v0 =	vor.u32 v0, v1;
	_ =	sdelay $0x4  }
0x174: {  	v1 =	vld.idx.msk [tilespmem:v0+s4+$0x0], $0xffff  }
0x175: {  	v2 =	vor.u32 $0x80, v0  }
0x176: {  	s6 =	sadd.s32 $0x80, s6  }
0x177: {  	s22 =	sand.u32 $0x1C00, s6  }
0x178: {  	s18 =	sor.u32 s20, s22  }
0x179: {  	[tilespmem:s18+$0x18400] =	vst v1  }
0x17a: {  	v1 =	vld.idx.msk [tilespmem:v2+s4+$0x0], $0xffff  }
0x17b: {  	v2 =	vor.u32 $0x100, v0;
	_ =	sdelay $0x2  }
0x17c: {  	s18 =	sadd.s32 $0x18400, s18  }
0x17d: {  	[tilespmem:s18+$0x80] =	vst v1  }
0x17e: {  	v1 =	vld.idx.msk [tilespmem:v2+s4+$0x0], $0xffff  }
0x17f: {  	v2 =	vor.u32 $0x180, v0;
	_ =	sdelay $0x3  }
0x180: {  	[tilespmem:s18+$0x100] =	vst v1  }
0x181: {  	v1 =	vld.idx.msk [tilespmem:v2+s4+$0x0], $0xffff  }
0x182: {  	v2 =	vor.u32 $0x200, v0;
	_ =	sdelay $0x3  }
0x183: {  	[tilespmem:s18+$0x180] =	vst v1  }
0x184: {  	v1 =	vld.idx.msk [tilespmem:v2+s4+$0x0], $0xffff  }
0x185: {  	v2 =	vor.u32 $0x280, v0;
	_ =	sdelay $0x3  }
0x186: {  	[tilespmem:s18+$0x200] =	vst v1  }
0x187: {  	v1 =	vld.idx.msk [tilespmem:v2+s4+$0x0], $0xffff  }
0x188: {  	v2 =	vor.u32 $0x300, v0;
	_ =	sdelay $0x3  }
0x189: {  	[tilespmem:s18+$0x280] =	vst v1  }
0x18a: {  	v1 =	vld.idx.msk [tilespmem:v2+s4+$0x0], $0xffff  }
0x18b: {  	v0 =	vor.u32 $0x380, v0;
	_ =	sdelay $0x3  }
0x18c: {  	[tilespmem:s18+$0x300] =	vst v1  }
0x18d: {  	v0 =	vld.idx.msk [tilespmem:v0+s4+$0x0], $0xffff;
	_ =	sdelay $0x2  }
0x18e: {  	s6 =	sor.u32 s6, s17  }
0x18f: {  	s6 =	sor.u32 $0x380, s6  }
0x190: {  	s23 =	rddreg [dreg:$0x14];
	[tilespmem:s6+$0x18400] =	vst v0;
	s6 =	simm.s32 $0x0  }
0x191: {  	[hbm4b:s23+s6] =	stream.linear.scatter [tilespmem:s8], [sflag:$0x4], $0x2000, $0x38;
	[tilespmem:$0x1D400] =	vst v63  }
0x192: {  	s18 =	rddreg [dreg:$0xb]  }
0x193: {  	[tilespmem:s4], [sflag:$0x3] =	stream.linear.gather [hbm4b:s18+s6], $0x8000, $0x38;
	[tilespmem:$0x1D400] =	vst v63  }
0x194: {  	_ =	swait.ge [sflag:s1], $0x8000  }
0x195: {  	[sflag:s1] =	ssyncset.done $0x0  }
0x196: {  	[sflag:s1] =	ssyncadd.s32 $0xFFFF8000  }
0x197: {  	s19 =	sand.u32 $0xE00, s6;
	_ =	swait.ge [sflag:s14], $0x2000  }
0x198: {  	s20 =	sand.u32 $0x70, s6;
	s17 =	sshrl.u32 s19, $0x2;
	[sflag:s14] =	ssyncset.done $0x0  }
0x199: {  	s17 =	sor.u32 s20, s17;
	[sflag:s14] =	ssyncadd.s32 $0xFFFFE000  }
0x19a: {  	v0 =	vld [tilespmem:s17+$0x0];
	_ =	sdelay $0x4  }
0x19b: {  	v1 =	vshll.u32 v0, $0x3  }
0x19c: {  	v0 =	vand.u32 $0x7F, v0;
	v1 =	vand.u32 $0xFFFFFC00, v1  }
0x19d: {  	v0 =	vor.u32 v0, v1;
	_ =	sdelay $0x4  }
0x19e: {  	v1 =	vld.idx.msk [tilespmem:v0+s2+$0x0], $0xffff  }
0x19f: {  	v2 =	vor.u32 $0x80, v0;
	_ =	sdelay $0x1  }
0x1a0: {  	s21 =	sand.u32 $0x1C00, s6  }
0x1a1: {  	s17 =	sor.u32 s20, s21  }
0x1a2: {  	[tilespmem:s17+$0x1A400] =	vst v1  }
0x1a3: {  	v1 =	vld.idx.msk [tilespmem:v2+s2+$0x0], $0xffff  }
0x1a4: {  	v2 =	vor.u32 $0x100, v0;
	_ =	sdelay $0x2  }
0x1a5: {  	s17 =	sadd.s32 $0x1A400, s17  }
0x1a6: {  	[tilespmem:s17+$0x80] =	vst v1  }
0x1a7: {  	v1 =	vld.idx.msk [tilespmem:v2+s2+$0x0], $0xffff  }
0x1a8: {  	v2 =	vor.u32 $0x180, v0;
	_ =	sdelay $0x3  }
0x1a9: {  	[tilespmem:s17+$0x100] =	vst v1  }
0x1aa: {  	v1 =	vld.idx.msk [tilespmem:v2+s2+$0x0], $0xffff  }
0x1ab: {  	v2 =	vor.u32 $0x200, v0;
	_ =	sdelay $0x3  }
0x1ac: {  	[tilespmem:s17+$0x180] =	vst v1  }
0x1ad: {  	v1 =	vld.idx.msk [tilespmem:v2+s2+$0x0], $0xffff  }
0x1ae: {  	v2 =	vor.u32 $0x280, v0;
	_ =	sdelay $0x3  }
0x1af: {  	[tilespmem:s17+$0x200] =	vst v1  }
0x1b0: {  	v1 =	vld.idx.msk [tilespmem:v2+s2+$0x0], $0xffff  }
0x1b1: {  	v2 =	vor.u32 $0x300, v0;
	_ =	sdelay $0x3  }
0x1b2: {  	[tilespmem:s17+$0x280] =	vst v1  }
0x1b3: {  	v1 =	vld.idx.msk [tilespmem:v2+s2+$0x0], $0xffff  }
0x1b4: {  	v0 =	vor.u32 $0x380, v0;
	_ =	sdelay $0x3  }
0x1b5: {  	[tilespmem:s17+$0x300] =	vst v1  }
0x1b6: {  	v0 =	vld.idx.msk [tilespmem:v0+s2+$0x0], $0xffff  }
0x1b7: {  	s22 =	simm.s32 $0x40;
	s23 =	sor.u32 s6, s6  }
0x1b8: {  	s18 =	sand.u32 $0xE00, s22;
	s22 =	sor.u32 $0x380, s23;
	s17 =	simm.s32 $0x10  }
0x1b9: {  	s19 =	sshrl.u32 s18, $0x2;
	s21 =	simm.s32 $0x80;
	s20 =	sand.u32 $0x70, s17  }
.LBB2_8:
0x1ba: {  	s23 =	sor.u32 s20, s19  }
0x1bb: {  	[tilespmem:s22+$0x1A400] =	vst v0;
	s6 =	sadd.s32 $0x80, s6;
	s19 =	smov.u32 s21;
	s18 =	sadd.s32 $0x40, s21  }
0x1bc: {  	p0 =	sne.s32 s21, $0xFC0;
	v0 =	vld [tilespmem:s23+$0x0];
	_ =	sdelay $0x4  }
0x1bd: {  	v1 =	vshll.u32 v0, $0x3  }
0x1be: {  	v0 =	vand.u32 $0x7F, v0;
	v1 =	vand.u32 $0xFFFFFC00, v1  }
0x1bf: {  	v0 =	vor.u32 v0, v1;
	_ =	sdelay $0x4  }
0x1c0: {  	v1 =	vld.idx.msk [tilespmem:v0+s2+$0x0], $0xffff;
	_ =	sdelay $0x1  }
0x1c1: {  	v2 =	vor.u32 $0x80, v0;
	_ =	sdelay $0x1  }
0x1c2: {  	s21 =	sand.u32 $0x1C00, s6  }
0x1c3: {  	s20 =	sor.u32 s20, s21  }
0x1c4: {  	[tilespmem:s20+$0x1A400] =	vst v1  }
0x1c5: {  	v1 =	vld.idx.msk [tilespmem:v2+s2+$0x0], $0xffff;
	_ =	sdelay $0x1  }
0x1c6: {  	v2 =	vor.u32 $0x100, v0;
	_ =	sdelay $0x2  }
0x1c7: {  	s20 =	sadd.s32 $0x1A400, s20  }
0x1c8: {  	[tilespmem:s20+$0x80] =	vst v1  }
0x1c9: {  	v1 =	vld.idx.msk [tilespmem:v2+s2+$0x0], $0xffff;
	_ =	sdelay $0x1  }
0x1ca: {  	v2 =	vor.u32 $0x180, v0;
	_ =	sdelay $0x3  }
0x1cb: {  	[tilespmem:s20+$0x100] =	vst v1  }
0x1cc: {  	v1 =	vld.idx.msk [tilespmem:v2+s2+$0x0], $0xffff;
	_ =	sdelay $0x1  }
0x1cd: {  	v2 =	vor.u32 $0x200, v0;
	_ =	sdelay $0x3  }
0x1ce: {  	[tilespmem:s20+$0x180] =	vst v1  }
0x1cf: {  	v1 =	vld.idx.msk [tilespmem:v2+s2+$0x0], $0xffff;
	_ =	sdelay $0x1  }
0x1d0: {  	v2 =	vor.u32 $0x280, v0;
	_ =	sdelay $0x3  }
0x1d1: {  	[tilespmem:s20+$0x200] =	vst v1  }
0x1d2: {  	v1 =	vld.idx.msk [tilespmem:v2+s2+$0x0], $0xffff;
	_ =	sdelay $0x1  }
0x1d3: {  	v2 =	vor.u32 $0x300, v0;
	_ =	sdelay $0x3  }
0x1d4: {  	[tilespmem:s20+$0x280] =	vst v1  }
0x1d5: {  	v1 =	vld.idx.msk [tilespmem:v2+s2+$0x0], $0xffff;
	_ =	sdelay $0x1  }
0x1d6: {  	v0 =	vor.u32 $0x380, v0;
	_ =	sdelay $0x3  }
0x1d7: {  	[tilespmem:s20+$0x300] =	vst v1  }
0x1d8: {  	v0 =	vld.idx.msk [tilespmem:v0+s2+$0x0], $0xffff  }
.Ltmp3:
0x1d9: {  	(pc) =	sbr.rel @p0 .LBB2_8-.Ltmp3, $4  }
0x1da: {  	_ = 	snop  }
0x1db: {  	s19 =	sand.u32 $0xE00, s19  }
0x1dc: {  	s21 =	sor.u32 s6, s17;
	s17 =	sadd.s32 $0x10, s17;
	s19 =	sshrl.u32 s19, $0x2  }
0x1dd: {  	s22 =	sor.u32 $0x380, s21;
	s21 =	smov.u32 s18;
	s20 =	sand.u32 $0x70, s17  }
0x1de: {  	s18 =	sor.u32 s20, s19;
	[tilespmem:s22+$0x1A400] =	vst v0  }
0x1df: {  	v0 =	vld [tilespmem:s18+$0x0];
	_ =	sdelay $0x4  }
0x1e0: {  	v1 =	vshll.u32 v0, $0x3  }
0x1e1: {  	v0 =	vand.u32 $0x7F, v0;
	v1 =	vand.u32 $0xFFFFFC00, v1  }
0x1e2: {  	v0 =	vor.u32 v0, v1;
	_ =	sdelay $0x4  }
0x1e3: {  	v1 =	vld.idx.msk [tilespmem:v0+s2+$0x0], $0xffff  }
0x1e4: {  	v2 =	vor.u32 $0x80, v0  }
0x1e5: {  	s6 =	sadd.s32 $0x80, s6  }
0x1e6: {  	s22 =	sand.u32 $0x1C00, s6  }
0x1e7: {  	s18 =	sor.u32 s20, s22  }
0x1e8: {  	[tilespmem:s18+$0x1A400] =	vst v1  }
0x1e9: {  	v1 =	vld.idx.msk [tilespmem:v2+s2+$0x0], $0xffff  }
0x1ea: {  	v2 =	vor.u32 $0x100, v0;
	_ =	sdelay $0x2  }
0x1eb: {  	s18 =	sadd.s32 $0x1A400, s18  }
0x1ec: {  	[tilespmem:s18+$0x80] =	vst v1  }
0x1ed: {  	v1 =	vld.idx.msk [tilespmem:v2+s2+$0x0], $0xffff  }
0x1ee: {  	v2 =	vor.u32 $0x180, v0;
	_ =	sdelay $0x3  }
0x1ef: {  	[tilespmem:s18+$0x100] =	vst v1  }
0x1f0: {  	v1 =	vld.idx.msk [tilespmem:v2+s2+$0x0], $0xffff  }
0x1f1: {  	v2 =	vor.u32 $0x200, v0;
	_ =	sdelay $0x3  }
0x1f2: {  	[tilespmem:s18+$0x180] =	vst v1  }
0x1f3: {  	v1 =	vld.idx.msk [tilespmem:v2+s2+$0x0], $0xffff  }
0x1f4: {  	v2 =	vor.u32 $0x280, v0;
	_ =	sdelay $0x3  }
0x1f5: {  	[tilespmem:s18+$0x200] =	vst v1  }
0x1f6: {  	v1 =	vld.idx.msk [tilespmem:v2+s2+$0x0], $0xffff  }
0x1f7: {  	v2 =	vor.u32 $0x300, v0;
	_ =	sdelay $0x3  }
0x1f8: {  	[tilespmem:s18+$0x280] =	vst v1  }
0x1f9: {  	v1 =	vld.idx.msk [tilespmem:v2+s2+$0x0], $0xffff  }
0x1fa: {  	v0 =	vor.u32 $0x380, v0;
	_ =	sdelay $0x3  }
0x1fb: {  	[tilespmem:s18+$0x300] =	vst v1  }
0x1fc: {  	v0 =	vld.idx.msk [tilespmem:v0+s2+$0x0], $0xffff;
	_ =	sdelay $0x2  }
0x1fd: {  	s6 =	sor.u32 s6, s17  }
0x1fe: {  	s6 =	sor.u32 $0x380, s6  }
0x1ff: {  	s23 =	rddreg [dreg:$0x15];
	[tilespmem:s6+$0x1A400] =	vst v0;
	s6 =	simm.s32 $0x0  }
0x200: {  	[hbm4b:s23+s6] =	stream.linear.scatter [tilespmem:s10], [sflag:$0x5], $0x2000, $0x38;
	[tilespmem:$0x1D400] =	vst v63  }
0x201: {  	s18 =	rddreg [dreg:$0xc]  }
0x202: {  	[tilespmem:s2], [sflag:$0x1] =	stream.linear.gather [hbm4b:s18+s6], $0x8000, $0x38;
	[tilespmem:$0x1D400] =	vst v63  }
0x203: {  	_ =	swait.ge [sflag:s9], $0x8000  }
0x204: {  	[sflag:s9] =	ssyncset.done $0x0  }
0x205: {  	[sflag:s9] =	ssyncadd.s32 $0xFFFF8000  }
0x206: {  	s19 =	sand.u32 $0xE00, s6;
	_ =	swait.ge [sflag:s13], $0x2000  }
0x207: {  	s20 =	sand.u32 $0x70, s6;
	s17 =	sshrl.u32 s19, $0x2;
	[sflag:s13] =	ssyncset.done $0x0  }
0x208: {  	s17 =	sor.u32 s20, s17;
	[sflag:s13] =	ssyncadd.s32 $0xFFFFE000  }
0x209: {  	v0 =	vld [tilespmem:s17+$0x0];
	_ =	sdelay $0x4  }
0x20a: {  	v1 =	vshll.u32 v0, $0x3  }
0x20b: {  	v0 =	vand.u32 $0x7F, v0;
	v1 =	vand.u32 $0xFFFFFC00, v1  }
0x20c: {  	v0 =	vor.u32 v0, v1;
	_ =	sdelay $0x4  }
0x20d: {  	v1 =	vld.idx.msk [tilespmem:v0+s3+$0x0], $0xffff  }
0x20e: {  	v2 =	vor.u32 $0x80, v0;
	_ =	sdelay $0x1  }
0x20f: {  	s21 =	sand.u32 $0x1C00, s6  }
0x210: {  	s17 =	sor.u32 s20, s21  }
0x211: {  	[tilespmem:s17+$0x18400] =	vst v1  }
0x212: {  	v1 =	vld.idx.msk [tilespmem:v2+s3+$0x0], $0xffff  }
0x213: {  	v2 =	vor.u32 $0x100, v0;
	_ =	sdelay $0x2  }
0x214: {  	s17 =	sadd.s32 $0x18400, s17  }
0x215: {  	[tilespmem:s17+$0x80] =	vst v1  }
0x216: {  	v1 =	vld.idx.msk [tilespmem:v2+s3+$0x0], $0xffff  }
0x217: {  	v2 =	vor.u32 $0x180, v0;
	_ =	sdelay $0x3  }
0x218: {  	[tilespmem:s17+$0x100] =	vst v1  }
0x219: {  	v1 =	vld.idx.msk [tilespmem:v2+s3+$0x0], $0xffff  }
0x21a: {  	v2 =	vor.u32 $0x200, v0;
	_ =	sdelay $0x3  }
0x21b: {  	[tilespmem:s17+$0x180] =	vst v1  }
0x21c: {  	v1 =	vld.idx.msk [tilespmem:v2+s3+$0x0], $0xffff  }
0x21d: {  	v2 =	vor.u32 $0x280, v0;
	_ =	sdelay $0x3  }
0x21e: {  	[tilespmem:s17+$0x200] =	vst v1  }
0x21f: {  	v1 =	vld.idx.msk [tilespmem:v2+s3+$0x0], $0xffff  }
0x220: {  	v2 =	vor.u32 $0x300, v0;
	_ =	sdelay $0x3  }
0x221: {  	[tilespmem:s17+$0x280] =	vst v1  }
0x222: {  	v1 =	vld.idx.msk [tilespmem:v2+s3+$0x0], $0xffff  }
0x223: {  	v0 =	vor.u32 $0x380, v0;
	_ =	sdelay $0x3  }
0x224: {  	[tilespmem:s17+$0x300] =	vst v1  }
0x225: {  	v0 =	vld.idx.msk [tilespmem:v0+s3+$0x0], $0xffff  }
0x226: {  	s22 =	simm.s32 $0x40;
	s23 =	sor.u32 s6, s6  }
0x227: {  	s18 =	sand.u32 $0xE00, s22;
	s22 =	sor.u32 $0x380, s23;
	s17 =	simm.s32 $0x10  }
0x228: {  	s19 =	sshrl.u32 s18, $0x2;
	s21 =	simm.s32 $0x80;
	s20 =	sand.u32 $0x70, s17  }
.LBB2_10:
0x229: {  	s23 =	sor.u32 s20, s19  }
0x22a: {  	[tilespmem:s22+$0x18400] =	vst v0;
	s6 =	sadd.s32 $0x80, s6;
	s19 =	smov.u32 s21;
	s18 =	sadd.s32 $0x40, s21  }
0x22b: {  	p0 =	sne.s32 s21, $0xFC0;
	v0 =	vld [tilespmem:s23+$0x0];
	_ =	sdelay $0x4  }
0x22c: {  	v1 =	vshll.u32 v0, $0x3  }
0x22d: {  	v0 =	vand.u32 $0x7F, v0;
	v1 =	vand.u32 $0xFFFFFC00, v1  }
0x22e: {  	v0 =	vor.u32 v0, v1;
	_ =	sdelay $0x4  }
0x22f: {  	v1 =	vld.idx.msk [tilespmem:v0+s3+$0x0], $0xffff;
	_ =	sdelay $0x1  }
0x230: {  	v2 =	vor.u32 $0x80, v0;
	_ =	sdelay $0x1  }
0x231: {  	s21 =	sand.u32 $0x1C00, s6  }
0x232: {  	s20 =	sor.u32 s20, s21  }
0x233: {  	[tilespmem:s20+$0x18400] =	vst v1  }
0x234: {  	v1 =	vld.idx.msk [tilespmem:v2+s3+$0x0], $0xffff;
	_ =	sdelay $0x1  }
0x235: {  	v2 =	vor.u32 $0x100, v0;
	_ =	sdelay $0x2  }
0x236: {  	s20 =	sadd.s32 $0x18400, s20  }
0x237: {  	[tilespmem:s20+$0x80] =	vst v1  }
0x238: {  	v1 =	vld.idx.msk [tilespmem:v2+s3+$0x0], $0xffff;
	_ =	sdelay $0x1  }
0x239: {  	v2 =	vor.u32 $0x180, v0;
	_ =	sdelay $0x3  }
0x23a: {  	[tilespmem:s20+$0x100] =	vst v1  }
0x23b: {  	v1 =	vld.idx.msk [tilespmem:v2+s3+$0x0], $0xffff;
	_ =	sdelay $0x1  }
0x23c: {  	v2 =	vor.u32 $0x200, v0;
	_ =	sdelay $0x3  }
0x23d: {  	[tilespmem:s20+$0x180] =	vst v1  }
0x23e: {  	v1 =	vld.idx.msk [tilespmem:v2+s3+$0x0], $0xffff;
	_ =	sdelay $0x1  }
0x23f: {  	v2 =	vor.u32 $0x280, v0;
	_ =	sdelay $0x3  }
0x240: {  	[tilespmem:s20+$0x200] =	vst v1  }
0x241: {  	v1 =	vld.idx.msk [tilespmem:v2+s3+$0x0], $0xffff;
	_ =	sdelay $0x1  }
0x242: {  	v2 =	vor.u32 $0x300, v0;
	_ =	sdelay $0x3  }
0x243: {  	[tilespmem:s20+$0x280] =	vst v1  }
0x244: {  	v1 =	vld.idx.msk [tilespmem:v2+s3+$0x0], $0xffff;
	_ =	sdelay $0x1  }
0x245: {  	v0 =	vor.u32 $0x380, v0;
	_ =	sdelay $0x3  }
0x246: {  	[tilespmem:s20+$0x300] =	vst v1  }
0x247: {  	v0 =	vld.idx.msk [tilespmem:v0+s3+$0x0], $0xffff  }
.Ltmp4:
0x248: {  	(pc) =	sbr.rel @p0 .LBB2_10-.Ltmp4, $4  }
0x249: {  	_ = 	snop  }
0x24a: {  	s19 =	sand.u32 $0xE00, s19  }
0x24b: {  	s21 =	sor.u32 s6, s17;
	s17 =	sadd.s32 $0x10, s17;
	s19 =	sshrl.u32 s19, $0x2  }
0x24c: {  	s22 =	sor.u32 $0x380, s21;
	s21 =	smov.u32 s18;
	s20 =	sand.u32 $0x70, s17  }
0x24d: {  	s18 =	sor.u32 s20, s19;
	[tilespmem:s22+$0x18400] =	vst v0  }
0x24e: {  	v0 =	vld [tilespmem:s18+$0x0];
	_ =	sdelay $0x4  }
0x24f: {  	v1 =	vshll.u32 v0, $0x3  }
0x250: {  	v0 =	vand.u32 $0x7F, v0;
	v1 =	vand.u32 $0xFFFFFC00, v1  }
0x251: {  	v0 =	vor.u32 v0, v1;
	_ =	sdelay $0x4  }
0x252: {  	v1 =	vld.idx.msk [tilespmem:v0+s3+$0x0], $0xffff  }
0x253: {  	v2 =	vor.u32 $0x80, v0  }
0x254: {  	s6 =	sadd.s32 $0x80, s6  }
0x255: {  	s22 =	sand.u32 $0x1C00, s6  }
0x256: {  	s18 =	sor.u32 s20, s22  }
0x257: {  	[tilespmem:s18+$0x18400] =	vst v1  }
0x258: {  	v1 =	vld.idx.msk [tilespmem:v2+s3+$0x0], $0xffff  }
0x259: {  	v2 =	vor.u32 $0x100, v0;
	_ =	sdelay $0x2  }
0x25a: {  	s18 =	sadd.s32 $0x18400, s18  }
0x25b: {  	[tilespmem:s18+$0x80] =	vst v1  }
0x25c: {  	v1 =	vld.idx.msk [tilespmem:v2+s3+$0x0], $0xffff  }
0x25d: {  	v2 =	vor.u32 $0x180, v0;
	_ =	sdelay $0x3  }
0x25e: {  	[tilespmem:s18+$0x100] =	vst v1  }
0x25f: {  	v1 =	vld.idx.msk [tilespmem:v2+s3+$0x0], $0xffff  }
0x260: {  	v2 =	vor.u32 $0x200, v0;
	_ =	sdelay $0x3  }
0x261: {  	[tilespmem:s18+$0x180] =	vst v1  }
0x262: {  	v1 =	vld.idx.msk [tilespmem:v2+s3+$0x0], $0xffff  }
0x263: {  	v2 =	vor.u32 $0x280, v0;
	_ =	sdelay $0x3  }
0x264: {  	[tilespmem:s18+$0x200] =	vst v1  }
0x265: {  	v1 =	vld.idx.msk [tilespmem:v2+s3+$0x0], $0xffff  }
0x266: {  	v2 =	vor.u32 $0x300, v0;
	_ =	sdelay $0x3  }
0x267: {  	[tilespmem:s18+$0x280] =	vst v1  }
0x268: {  	v1 =	vld.idx.msk [tilespmem:v2+s3+$0x0], $0xffff  }
0x269: {  	v0 =	vor.u32 $0x380, v0;
	_ =	sdelay $0x3  }
0x26a: {  	[tilespmem:s18+$0x300] =	vst v1  }
0x26b: {  	v0 =	vld.idx.msk [tilespmem:v0+s3+$0x0], $0xffff;
	_ =	sdelay $0x2  }
0x26c: {  	s6 =	sor.u32 s6, s17  }
0x26d: {  	s6 =	sor.u32 $0x380, s6  }
0x26e: {  	s23 =	rddreg [dreg:$0x16];
	[tilespmem:s6+$0x18400] =	vst v0;
	s6 =	simm.s32 $0x0  }
0x26f: {  	[hbm4b:s23+s6] =	stream.linear.scatter [tilespmem:s8], [sflag:$0x4], $0x2000, $0x38;
	[tilespmem:$0x1D400] =	vst v63  }
0x270: {  	s18 =	rddreg [dreg:$0xd]  }
0x271: {  	[tilespmem:s3], [sflag:$0x2] =	stream.linear.gather [hbm4b:s18+s6], $0x8000, $0x38;
	[tilespmem:$0x1D400] =	vst v63  }
0x272: {  	_ =	swait.ge [sflag:s11], $0x8000  }
0x273: {  	[sflag:s11] =	ssyncset.done $0x0  }
0x274: {  	[sflag:s11] =	ssyncadd.s32 $0xFFFF8000  }
0x275: {  	s19 =	sand.u32 $0xE00, s6;
	_ =	swait.ge [sflag:s14], $0x2000  }
0x276: {  	s20 =	sand.u32 $0x70, s6;
	s17 =	sshrl.u32 s19, $0x2;
	[sflag:s14] =	ssyncset.done $0x0  }
0x277: {  	s17 =	sor.u32 s20, s17;
	[sflag:s14] =	ssyncadd.s32 $0xFFFFE000  }
0x278: {  	v0 =	vld [tilespmem:s17+$0x0];
	_ =	sdelay $0x4  }
0x279: {  	v1 =	vshll.u32 v0, $0x3  }
0x27a: {  	v0 =	vand.u32 $0x7F, v0;
	v1 =	vand.u32 $0xFFFFFC00, v1  }
0x27b: {  	v0 =	vor.u32 v0, v1;
	_ =	sdelay $0x4  }
0x27c: {  	v1 =	vld.idx.msk [tilespmem:v0+s4+$0x0], $0xffff  }
0x27d: {  	v2 =	vor.u32 $0x80, v0;
	_ =	sdelay $0x1  }
0x27e: {  	s21 =	sand.u32 $0x1C00, s6  }
0x27f: {  	s17 =	sor.u32 s20, s21  }
0x280: {  	[tilespmem:s17+$0x1A400] =	vst v1  }
0x281: {  	v1 =	vld.idx.msk [tilespmem:v2+s4+$0x0], $0xffff  }
0x282: {  	v2 =	vor.u32 $0x100, v0;
	_ =	sdelay $0x2  }
0x283: {  	s17 =	sadd.s32 $0x1A400, s17  }
0x284: {  	[tilespmem:s17+$0x80] =	vst v1  }
0x285: {  	v1 =	vld.idx.msk [tilespmem:v2+s4+$0x0], $0xffff  }
0x286: {  	v2 =	vor.u32 $0x180, v0;
	_ =	sdelay $0x3  }
0x287: {  	[tilespmem:s17+$0x100] =	vst v1  }
0x288: {  	v1 =	vld.idx.msk [tilespmem:v2+s4+$0x0], $0xffff  }
0x289: {  	v2 =	vor.u32 $0x200, v0;
	_ =	sdelay $0x3  }
0x28a: {  	[tilespmem:s17+$0x180] =	vst v1  }
0x28b: {  	v1 =	vld.idx.msk [tilespmem:v2+s4+$0x0], $0xffff  }
0x28c: {  	v2 =	vor.u32 $0x280, v0;
	_ =	sdelay $0x3  }
0x28d: {  	[tilespmem:s17+$0x200] =	vst v1  }
0x28e: {  	v1 =	vld.idx.msk [tilespmem:v2+s4+$0x0], $0xffff  }
0x28f: {  	v2 =	vor.u32 $0x300, v0;
	_ =	sdelay $0x3  }
0x290: {  	[tilespmem:s17+$0x280] =	vst v1  }
0x291: {  	v1 =	vld.idx.msk [tilespmem:v2+s4+$0x0], $0xffff  }
0x292: {  	v0 =	vor.u32 $0x380, v0;
	_ =	sdelay $0x3  }
0x293: {  	[tilespmem:s17+$0x300] =	vst v1  }
0x294: {  	v0 =	vld.idx.msk [tilespmem:v0+s4+$0x0], $0xffff  }
0x295: {  	s22 =	simm.s32 $0x40;
	s23 =	sor.u32 s6, s6  }
0x296: {  	s18 =	sand.u32 $0xE00, s22;
	s22 =	sor.u32 $0x380, s23;
	s17 =	simm.s32 $0x10  }
0x297: {  	s19 =	sshrl.u32 s18, $0x2;
	s21 =	simm.s32 $0x80;
	s20 =	sand.u32 $0x70, s17  }
.LBB2_12:
0x298: {  	s23 =	sor.u32 s20, s19  }
0x299: {  	[tilespmem:s22+$0x1A400] =	vst v0;
	s6 =	sadd.s32 $0x80, s6;
	s19 =	smov.u32 s21;
	s18 =	sadd.s32 $0x40, s21  }
0x29a: {  	p0 =	sne.s32 s21, $0xFC0;
	v0 =	vld [tilespmem:s23+$0x0];
	_ =	sdelay $0x4  }
0x29b: {  	v1 =	vshll.u32 v0, $0x3  }
0x29c: {  	v0 =	vand.u32 $0x7F, v0;
	v1 =	vand.u32 $0xFFFFFC00, v1  }
0x29d: {  	v0 =	vor.u32 v0, v1;
	_ =	sdelay $0x4  }
0x29e: {  	v1 =	vld.idx.msk [tilespmem:v0+s4+$0x0], $0xffff;
	_ =	sdelay $0x1  }
0x29f: {  	v2 =	vor.u32 $0x80, v0;
	_ =	sdelay $0x1  }
0x2a0: {  	s21 =	sand.u32 $0x1C00, s6  }
0x2a1: {  	s20 =	sor.u32 s20, s21  }
0x2a2: {  	[tilespmem:s20+$0x1A400] =	vst v1  }
0x2a3: {  	v1 =	vld.idx.msk [tilespmem:v2+s4+$0x0], $0xffff;
	_ =	sdelay $0x1  }
0x2a4: {  	v2 =	vor.u32 $0x100, v0;
	_ =	sdelay $0x2  }
0x2a5: {  	s20 =	sadd.s32 $0x1A400, s20  }
0x2a6: {  	[tilespmem:s20+$0x80] =	vst v1  }
0x2a7: {  	v1 =	vld.idx.msk [tilespmem:v2+s4+$0x0], $0xffff;
	_ =	sdelay $0x1  }
0x2a8: {  	v2 =	vor.u32 $0x180, v0;
	_ =	sdelay $0x3  }
0x2a9: {  	[tilespmem:s20+$0x100] =	vst v1  }
0x2aa: {  	v1 =	vld.idx.msk [tilespmem:v2+s4+$0x0], $0xffff;
	_ =	sdelay $0x1  }
0x2ab: {  	v2 =	vor.u32 $0x200, v0;
	_ =	sdelay $0x3  }
0x2ac: {  	[tilespmem:s20+$0x180] =	vst v1  }
0x2ad: {  	v1 =	vld.idx.msk [tilespmem:v2+s4+$0x0], $0xffff;
	_ =	sdelay $0x1  }
0x2ae: {  	v2 =	vor.u32 $0x280, v0;
	_ =	sdelay $0x3  }
0x2af: {  	[tilespmem:s20+$0x200] =	vst v1  }
0x2b0: {  	v1 =	vld.idx.msk [tilespmem:v2+s4+$0x0], $0xffff;
	_ =	sdelay $0x1  }
0x2b1: {  	v2 =	vor.u32 $0x300, v0;
	_ =	sdelay $0x3  }
0x2b2: {  	[tilespmem:s20+$0x280] =	vst v1  }
0x2b3: {  	v1 =	vld.idx.msk [tilespmem:v2+s4+$0x0], $0xffff;
	_ =	sdelay $0x1  }
0x2b4: {  	v0 =	vor.u32 $0x380, v0;
	_ =	sdelay $0x3  }
0x2b5: {  	[tilespmem:s20+$0x300] =	vst v1  }
0x2b6: {  	v0 =	vld.idx.msk [tilespmem:v0+s4+$0x0], $0xffff  }
.Ltmp5:
0x2b7: {  	(pc) =	sbr.rel @p0 .LBB2_12-.Ltmp5, $4  }
0x2b8: {  	_ = 	snop  }
0x2b9: {  	s19 =	sand.u32 $0xE00, s19  }
0x2ba: {  	s21 =	sor.u32 s6, s17;
	s17 =	sadd.s32 $0x10, s17;
	s19 =	sshrl.u32 s19, $0x2  }
0x2bb: {  	s22 =	sor.u32 $0x380, s21;
	s21 =	smov.u32 s18;
	s20 =	sand.u32 $0x70, s17  }
0x2bc: {  	s18 =	sor.u32 s20, s19;
	[tilespmem:s22+$0x1A400] =	vst v0  }
0x2bd: {  	v0 =	vld [tilespmem:s18+$0x0];
	_ =	sdelay $0x4  }
0x2be: {  	v1 =	vshll.u32 v0, $0x3  }
0x2bf: {  	v0 =	vand.u32 $0x7F, v0;
	v1 =	vand.u32 $0xFFFFFC00, v1  }
0x2c0: {  	v0 =	vor.u32 v0, v1;
	_ =	sdelay $0x4  }
0x2c1: {  	v1 =	vld.idx.msk [tilespmem:v0+s4+$0x0], $0xffff  }
0x2c2: {  	v2 =	vor.u32 $0x80, v0  }
0x2c3: {  	s6 =	sadd.s32 $0x80, s6  }
0x2c4: {  	s22 =	sand.u32 $0x1C00, s6  }
0x2c5: {  	s18 =	sor.u32 s20, s22  }
0x2c6: {  	[tilespmem:s18+$0x1A400] =	vst v1  }
0x2c7: {  	v1 =	vld.idx.msk [tilespmem:v2+s4+$0x0], $0xffff  }
0x2c8: {  	v2 =	vor.u32 $0x100, v0;
	_ =	sdelay $0x2  }
0x2c9: {  	s18 =	sadd.s32 $0x1A400, s18  }
0x2ca: {  	[tilespmem:s18+$0x80] =	vst v1  }
0x2cb: {  	v1 =	vld.idx.msk [tilespmem:v2+s4+$0x0], $0xffff  }
0x2cc: {  	v2 =	vor.u32 $0x180, v0;
	_ =	sdelay $0x3  }
0x2cd: {  	[tilespmem:s18+$0x100] =	vst v1  }
0x2ce: {  	v1 =	vld.idx.msk [tilespmem:v2+s4+$0x0], $0xffff  }
0x2cf: {  	v2 =	vor.u32 $0x200, v0;
	_ =	sdelay $0x3  }
0x2d0: {  	[tilespmem:s18+$0x180] =	vst v1  }
0x2d1: {  	v1 =	vld.idx.msk [tilespmem:v2+s4+$0x0], $0xffff  }
0x2d2: {  	v2 =	vor.u32 $0x280, v0;
	_ =	sdelay $0x3  }
0x2d3: {  	[tilespmem:s18+$0x200] =	vst v1  }
0x2d4: {  	v1 =	vld.idx.msk [tilespmem:v2+s4+$0x0], $0xffff  }
0x2d5: {  	v2 =	vor.u32 $0x300, v0;
	_ =	sdelay $0x3  }
0x2d6: {  	[tilespmem:s18+$0x280] =	vst v1  }
0x2d7: {  	v1 =	vld.idx.msk [tilespmem:v2+s4+$0x0], $0xffff  }
0x2d8: {  	v0 =	vor.u32 $0x380, v0;
	_ =	sdelay $0x3  }
0x2d9: {  	[tilespmem:s18+$0x300] =	vst v1  }
0x2da: {  	v0 =	vld.idx.msk [tilespmem:v0+s4+$0x0], $0xffff;
	_ =	sdelay $0x2  }
0x2db: {  	s6 =	sor.u32 s6, s17  }
0x2dc: {  	s6 =	sor.u32 $0x380, s6  }
0x2dd: {  	s23 =	rddreg [dreg:$0x17];
	[tilespmem:s6+$0x1A400] =	vst v0;
	s6 =	simm.s32 $0x0  }
0x2de: {  	[hbm4b:s23+s6] =	stream.linear.scatter [tilespmem:s10], [sflag:$0x5], $0x2000, $0x38;
	[tilespmem:$0x1D400] =	vst v63  }
0x2df: {  	s18 =	rddreg [dreg:$0xe]  }
0x2e0: {  	[tilespmem:s4], [sflag:$0x3] =	stream.linear.gather [hbm4b:s18+s6], $0x8000, $0x38;
	[tilespmem:$0x1D400] =	vst v63  }
0x2e1: {  	_ =	swait.ge [sflag:s1], $0x8000  }
0x2e2: {  	[sflag:s1] =	ssyncset.done $0x0  }
0x2e3: {  	[sflag:s1] =	ssyncadd.s32 $0xFFFF8000  }
0x2e4: {  	s19 =	sand.u32 $0xE00, s6;
	_ =	swait.ge [sflag:s13], $0x2000  }
0x2e5: {  	s20 =	sand.u32 $0x70, s6;
	s17 =	sshrl.u32 s19, $0x2;
	[sflag:s13] =	ssyncset.done $0x0  }
0x2e6: {  	s17 =	sor.u32 s20, s17;
	[sflag:s13] =	ssyncadd.s32 $0xFFFFE000  }
0x2e7: {  	v0 =	vld [tilespmem:s17+$0x0];
	_ =	sdelay $0x4  }
0x2e8: {  	v1 =	vshll.u32 v0, $0x3  }
0x2e9: {  	v0 =	vand.u32 $0x7F, v0;
	v1 =	vand.u32 $0xFFFFFC00, v1  }
0x2ea: {  	v0 =	vor.u32 v0, v1;
	_ =	sdelay $0x4  }
0x2eb: {  	v1 =	vld.idx.msk [tilespmem:v0+s2+$0x0], $0xffff  }
0x2ec: {  	v2 =	vor.u32 $0x80, v0;
	_ =	sdelay $0x1  }
0x2ed: {  	s21 =	sand.u32 $0x1C00, s6  }
0x2ee: {  	s17 =	sor.u32 s20, s21  }
0x2ef: {  	[tilespmem:s17+$0x18400] =	vst v1  }
0x2f0: {  	v1 =	vld.idx.msk [tilespmem:v2+s2+$0x0], $0xffff  }
0x2f1: {  	v2 =	vor.u32 $0x100, v0;
	_ =	sdelay $0x2  }
0x2f2: {  	s17 =	sadd.s32 $0x18400, s17  }
0x2f3: {  	[tilespmem:s17+$0x80] =	vst v1  }
0x2f4: {  	v1 =	vld.idx.msk [tilespmem:v2+s2+$0x0], $0xffff  }
0x2f5: {  	v2 =	vor.u32 $0x180, v0;
	_ =	sdelay $0x3  }
0x2f6: {  	[tilespmem:s17+$0x100] =	vst v1  }
0x2f7: {  	v1 =	vld.idx.msk [tilespmem:v2+s2+$0x0], $0xffff  }
0x2f8: {  	v2 =	vor.u32 $0x200, v0;
	_ =	sdelay $0x3  }
0x2f9: {  	[tilespmem:s17+$0x180] =	vst v1  }
0x2fa: {  	v1 =	vld.idx.msk [tilespmem:v2+s2+$0x0], $0xffff  }
0x2fb: {  	v2 =	vor.u32 $0x280, v0;
	_ =	sdelay $0x3  }
0x2fc: {  	[tilespmem:s17+$0x200] =	vst v1  }
0x2fd: {  	v1 =	vld.idx.msk [tilespmem:v2+s2+$0x0], $0xffff  }
0x2fe: {  	v2 =	vor.u32 $0x300, v0;
	_ =	sdelay $0x3  }
0x2ff: {  	[tilespmem:s17+$0x280] =	vst v1  }
0x300: {  	v1 =	vld.idx.msk [tilespmem:v2+s2+$0x0], $0xffff  }
0x301: {  	v0 =	vor.u32 $0x380, v0;
	_ =	sdelay $0x3  }
0x302: {  	[tilespmem:s17+$0x300] =	vst v1  }
0x303: {  	v0 =	vld.idx.msk [tilespmem:v0+s2+$0x0], $0xffff  }
0x304: {  	s22 =	simm.s32 $0x40;
	s23 =	sor.u32 s6, s6  }
0x305: {  	s18 =	sand.u32 $0xE00, s22;
	s22 =	sor.u32 $0x380, s23;
	s17 =	simm.s32 $0x10  }
0x306: {  	s19 =	sshrl.u32 s18, $0x2;
	s21 =	simm.s32 $0x80;
	s20 =	sand.u32 $0x70, s17  }
.LBB2_14:
0x307: {  	s23 =	sor.u32 s20, s19  }
0x308: {  	[tilespmem:s22+$0x18400] =	vst v0;
	s6 =	sadd.s32 $0x80, s6;
	s19 =	smov.u32 s21;
	s18 =	sadd.s32 $0x40, s21  }
0x309: {  	p0 =	sne.s32 s21, $0xFC0;
	v0 =	vld [tilespmem:s23+$0x0];
	_ =	sdelay $0x4  }
0x30a: {  	v1 =	vshll.u32 v0, $0x3  }
0x30b: {  	v0 =	vand.u32 $0x7F, v0;
	v1 =	vand.u32 $0xFFFFFC00, v1  }
0x30c: {  	v0 =	vor.u32 v0, v1;
	_ =	sdelay $0x4  }
0x30d: {  	v1 =	vld.idx.msk [tilespmem:v0+s2+$0x0], $0xffff;
	_ =	sdelay $0x1  }
0x30e: {  	v2 =	vor.u32 $0x80, v0;
	_ =	sdelay $0x1  }
0x30f: {  	s21 =	sand.u32 $0x1C00, s6  }
0x310: {  	s20 =	sor.u32 s20, s21  }
0x311: {  	[tilespmem:s20+$0x18400] =	vst v1  }
0x312: {  	v1 =	vld.idx.msk [tilespmem:v2+s2+$0x0], $0xffff;
	_ =	sdelay $0x1  }
0x313: {  	v2 =	vor.u32 $0x100, v0;
	_ =	sdelay $0x2  }
0x314: {  	s20 =	sadd.s32 $0x18400, s20  }
0x315: {  	[tilespmem:s20+$0x80] =	vst v1  }
0x316: {  	v1 =	vld.idx.msk [tilespmem:v2+s2+$0x0], $0xffff;
	_ =	sdelay $0x1  }
0x317: {  	v2 =	vor.u32 $0x180, v0;
	_ =	sdelay $0x3  }
0x318: {  	[tilespmem:s20+$0x100] =	vst v1  }
0x319: {  	v1 =	vld.idx.msk [tilespmem:v2+s2+$0x0], $0xffff;
	_ =	sdelay $0x1  }
0x31a: {  	v2 =	vor.u32 $0x200, v0;
	_ =	sdelay $0x3  }
0x31b: {  	[tilespmem:s20+$0x180] =	vst v1  }
0x31c: {  	v1 =	vld.idx.msk [tilespmem:v2+s2+$0x0], $0xffff;
	_ =	sdelay $0x1  }
0x31d: {  	v2 =	vor.u32 $0x280, v0;
	_ =	sdelay $0x3  }
0x31e: {  	[tilespmem:s20+$0x200] =	vst v1  }
0x31f: {  	v1 =	vld.idx.msk [tilespmem:v2+s2+$0x0], $0xffff;
	_ =	sdelay $0x1  }
0x320: {  	v2 =	vor.u32 $0x300, v0;
	_ =	sdelay $0x3  }
0x321: {  	[tilespmem:s20+$0x280] =	vst v1  }
0x322: {  	v1 =	vld.idx.msk [tilespmem:v2+s2+$0x0], $0xffff;
	_ =	sdelay $0x1  }
0x323: {  	v0 =	vor.u32 $0x380, v0;
	_ =	sdelay $0x3  }
0x324: {  	[tilespmem:s20+$0x300] =	vst v1  }
0x325: {  	v0 =	vld.idx.msk [tilespmem:v0+s2+$0x0], $0xffff  }
.Ltmp6:
0x326: {  	(pc) =	sbr.rel @p0 .LBB2_14-.Ltmp6, $4  }
0x327: {  	_ = 	snop  }
0x328: {  	s19 =	sand.u32 $0xE00, s19  }
0x329: {  	s21 =	sor.u32 s6, s17;
	s17 =	sadd.s32 $0x10, s17;
	s19 =	sshrl.u32 s19, $0x2  }
0x32a: {  	s22 =	sor.u32 $0x380, s21;
	s21 =	smov.u32 s18;
	s20 =	sand.u32 $0x70, s17  }
0x32b: {  	s18 =	sor.u32 s20, s19;
	[tilespmem:s22+$0x18400] =	vst v0  }
0x32c: {  	v0 =	vld [tilespmem:s18+$0x0];
	_ =	sdelay $0x4  }
0x32d: {  	v1 =	vshll.u32 v0, $0x3  }
0x32e: {  	v0 =	vand.u32 $0x7F, v0;
	v1 =	vand.u32 $0xFFFFFC00, v1  }
0x32f: {  	v0 =	vor.u32 v0, v1;
	_ =	sdelay $0x4  }
0x330: {  	v1 =	vld.idx.msk [tilespmem:v0+s2+$0x0], $0xffff  }
0x331: {  	v2 =	vor.u32 $0x80, v0  }
0x332: {  	s6 =	sadd.s32 $0x80, s6  }
0x333: {  	s22 =	sand.u32 $0x1C00, s6  }
0x334: {  	s18 =	sor.u32 s20, s22  }
0x335: {  	[tilespmem:s18+$0x18400] =	vst v1  }
0x336: {  	v1 =	vld.idx.msk [tilespmem:v2+s2+$0x0], $0xffff  }
0x337: {  	v2 =	vor.u32 $0x100, v0;
	_ =	sdelay $0x2  }
0x338: {  	s18 =	sadd.s32 $0x18400, s18  }
0x339: {  	[tilespmem:s18+$0x80] =	vst v1  }
0x33a: {  	v1 =	vld.idx.msk [tilespmem:v2+s2+$0x0], $0xffff  }
0x33b: {  	v2 =	vor.u32 $0x180, v0;
	_ =	sdelay $0x3  }
0x33c: {  	[tilespmem:s18+$0x100] =	vst v1  }
0x33d: {  	v1 =	vld.idx.msk [tilespmem:v2+s2+$0x0], $0xffff  }
0x33e: {  	v2 =	vor.u32 $0x200, v0;
	_ =	sdelay $0x3  }
0x33f: {  	[tilespmem:s18+$0x180] =	vst v1  }
0x340: {  	v1 =	vld.idx.msk [tilespmem:v2+s2+$0x0], $0xffff  }
0x341: {  	v2 =	vor.u32 $0x280, v0;
	_ =	sdelay $0x3  }
0x342: {  	[tilespmem:s18+$0x200] =	vst v1  }
0x343: {  	v1 =	vld.idx.msk [tilespmem:v2+s2+$0x0], $0xffff  }
0x344: {  	v2 =	vor.u32 $0x300, v0;
	_ =	sdelay $0x3  }
0x345: {  	[tilespmem:s18+$0x280] =	vst v1  }
0x346: {  	v1 =	vld.idx.msk [tilespmem:v2+s2+$0x0], $0xffff  }
0x347: {  	v0 =	vor.u32 $0x380, v0;
	_ =	sdelay $0x3  }
0x348: {  	[tilespmem:s18+$0x300] =	vst v1  }
0x349: {  	v0 =	vld.idx.msk [tilespmem:v0+s2+$0x0], $0xffff;
	_ =	sdelay $0x2  }
0x34a: {  	s6 =	sor.u32 s6, s17  }
0x34b: {  	s6 =	sor.u32 $0x380, s6  }
0x34c: {  	s23 =	rddreg [dreg:$0x18];
	[tilespmem:s6+$0x18400] =	vst v0;
	s6 =	simm.s32 $0x0  }
0x34d: {  	[hbm4b:s23+s6] =	stream.linear.scatter [tilespmem:s8], [sflag:$0x4], $0x2000, $0x38;
	[tilespmem:$0x1D400] =	vst v63  }
0x34e: {  	s18 =	rddreg [dreg:$0xf]  }
0x34f: {  	[tilespmem:s2], [sflag:$0x1] =	stream.linear.gather [hbm4b:s18+s6], $0x8000, $0x38;
	[tilespmem:$0x1D400] =	vst v63  }
0x350: {  	_ =	swait.ge [sflag:s9], $0x8000  }
0x351: {  	[sflag:s9] =	ssyncset.done $0x0  }
0x352: {  	[sflag:s9] =	ssyncadd.s32 $0xFFFF8000  }
0x353: {  	s19 =	sand.u32 $0xE00, s6;
	_ =	swait.ge [sflag:s14], $0x2000  }
0x354: {  	s20 =	sand.u32 $0x70, s6;
	s17 =	sshrl.u32 s19, $0x2;
	[sflag:s14] =	ssyncset.done $0x0  }
0x355: {  	s17 =	sor.u32 s20, s17;
	[sflag:s14] =	ssyncadd.s32 $0xFFFFE000  }
0x356: {  	v0 =	vld [tilespmem:s17+$0x0];
	_ =	sdelay $0x4  }
0x357: {  	v1 =	vshll.u32 v0, $0x3  }
0x358: {  	v0 =	vand.u32 $0x7F, v0;
	v1 =	vand.u32 $0xFFFFFC00, v1  }
0x359: {  	v0 =	vor.u32 v0, v1;
	_ =	sdelay $0x4  }
0x35a: {  	v1 =	vld.idx.msk [tilespmem:v0+s3+$0x0], $0xffff  }
0x35b: {  	v2 =	vor.u32 $0x80, v0;
	_ =	sdelay $0x1  }
0x35c: {  	s21 =	sand.u32 $0x1C00, s6  }
0x35d: {  	s17 =	sor.u32 s20, s21  }
0x35e: {  	[tilespmem:s17+$0x1A400] =	vst v1  }
0x35f: {  	v1 =	vld.idx.msk [tilespmem:v2+s3+$0x0], $0xffff  }
0x360: {  	v2 =	vor.u32 $0x100, v0;
	_ =	sdelay $0x2  }
0x361: {  	s17 =	sadd.s32 $0x1A400, s17  }
0x362: {  	[tilespmem:s17+$0x80] =	vst v1  }
0x363: {  	v1 =	vld.idx.msk [tilespmem:v2+s3+$0x0], $0xffff  }
0x364: {  	v2 =	vor.u32 $0x180, v0;
	_ =	sdelay $0x3  }
0x365: {  	[tilespmem:s17+$0x100] =	vst v1  }
0x366: {  	v1 =	vld.idx.msk [tilespmem:v2+s3+$0x0], $0xffff  }
0x367: {  	v2 =	vor.u32 $0x200, v0;
	_ =	sdelay $0x3  }
0x368: {  	[tilespmem:s17+$0x180] =	vst v1  }
0x369: {  	v1 =	vld.idx.msk [tilespmem:v2+s3+$0x0], $0xffff  }
0x36a: {  	v2 =	vor.u32 $0x280, v0;
	_ =	sdelay $0x3  }
0x36b: {  	[tilespmem:s17+$0x200] =	vst v1  }
0x36c: {  	v1 =	vld.idx.msk [tilespmem:v2+s3+$0x0], $0xffff  }
0x36d: {  	v2 =	vor.u32 $0x300, v0;
	_ =	sdelay $0x3  }
0x36e: {  	[tilespmem:s17+$0x280] =	vst v1  }
0x36f: {  	v1 =	vld.idx.msk [tilespmem:v2+s3+$0x0], $0xffff  }
0x370: {  	v0 =	vor.u32 $0x380, v0;
	_ =	sdelay $0x3  }
0x371: {  	[tilespmem:s17+$0x300] =	vst v1  }
0x372: {  	v0 =	vld.idx.msk [tilespmem:v0+s3+$0x0], $0xffff  }
0x373: {  	s22 =	simm.s32 $0x40;
	s23 =	sor.u32 s6, s6  }
0x374: {  	s18 =	sand.u32 $0xE00, s22;
	s22 =	sor.u32 $0x380, s23;
	s17 =	simm.s32 $0x10  }
0x375: {  	s19 =	sshrl.u32 s18, $0x2;
	s21 =	simm.s32 $0x80;
	s20 =	sand.u32 $0x70, s17  }
.LBB2_16:
0x376: {  	s23 =	sor.u32 s20, s19  }
0x377: {  	[tilespmem:s22+$0x1A400] =	vst v0;
	s6 =	sadd.s32 $0x80, s6;
	s19 =	smov.u32 s21;
	s18 =	sadd.s32 $0x40, s21  }
0x378: {  	p0 =	sne.s32 s21, $0xFC0;
	v0 =	vld [tilespmem:s23+$0x0];
	_ =	sdelay $0x4  }
0x379: {  	v1 =	vshll.u32 v0, $0x3  }
0x37a: {  	v0 =	vand.u32 $0x7F, v0;
	v1 =	vand.u32 $0xFFFFFC00, v1  }
0x37b: {  	v0 =	vor.u32 v0, v1;
	_ =	sdelay $0x4  }
0x37c: {  	v1 =	vld.idx.msk [tilespmem:v0+s3+$0x0], $0xffff;
	_ =	sdelay $0x1  }
0x37d: {  	v2 =	vor.u32 $0x80, v0;
	_ =	sdelay $0x1  }
0x37e: {  	s21 =	sand.u32 $0x1C00, s6  }
0x37f: {  	s20 =	sor.u32 s20, s21  }
0x380: {  	[tilespmem:s20+$0x1A400] =	vst v1  }
0x381: {  	v1 =	vld.idx.msk [tilespmem:v2+s3+$0x0], $0xffff;
	_ =	sdelay $0x1  }
0x382: {  	v2 =	vor.u32 $0x100, v0;
	_ =	sdelay $0x2  }
0x383: {  	s20 =	sadd.s32 $0x1A400, s20  }
0x384: {  	[tilespmem:s20+$0x80] =	vst v1  }
0x385: {  	v1 =	vld.idx.msk [tilespmem:v2+s3+$0x0], $0xffff;
	_ =	sdelay $0x1  }
0x386: {  	v2 =	vor.u32 $0x180, v0;
	_ =	sdelay $0x3  }
0x387: {  	[tilespmem:s20+$0x100] =	vst v1  }
0x388: {  	v1 =	vld.idx.msk [tilespmem:v2+s3+$0x0], $0xffff;
	_ =	sdelay $0x1  }
0x389: {  	v2 =	vor.u32 $0x200, v0;
	_ =	sdelay $0x3  }
0x38a: {  	[tilespmem:s20+$0x180] =	vst v1  }
0x38b: {  	v1 =	vld.idx.msk [tilespmem:v2+s3+$0x0], $0xffff;
	_ =	sdelay $0x1  }
0x38c: {  	v2 =	vor.u32 $0x280, v0;
	_ =	sdelay $0x3  }
0x38d: {  	[tilespmem:s20+$0x200] =	vst v1  }
0x38e: {  	v1 =	vld.idx.msk [tilespmem:v2+s3+$0x0], $0xffff;
	_ =	sdelay $0x1  }
0x38f: {  	v2 =	vor.u32 $0x300, v0;
	_ =	sdelay $0x3  }
0x390: {  	[tilespmem:s20+$0x280] =	vst v1  }
0x391: {  	v1 =	vld.idx.msk [tilespmem:v2+s3+$0x0], $0xffff;
	_ =	sdelay $0x1  }
0x392: {  	v0 =	vor.u32 $0x380, v0;
	_ =	sdelay $0x3  }
0x393: {  	[tilespmem:s20+$0x300] =	vst v1  }
0x394: {  	v0 =	vld.idx.msk [tilespmem:v0+s3+$0x0], $0xffff  }
.Ltmp7:
0x395: {  	(pc) =	sbr.rel @p0 .LBB2_16-.Ltmp7, $4  }
0x396: {  	_ = 	snop  }
0x397: {  	s19 =	sand.u32 $0xE00, s19  }
0x398: {  	s21 =	sor.u32 s6, s17;
	s17 =	sadd.s32 $0x10, s17;
	s19 =	sshrl.u32 s19, $0x2  }
0x399: {  	s22 =	sor.u32 $0x380, s21;
	s21 =	smov.u32 s18;
	s20 =	sand.u32 $0x70, s17  }
0x39a: {  	s18 =	sor.u32 s20, s19;
	[tilespmem:s22+$0x1A400] =	vst v0  }
0x39b: {  	v0 =	vld [tilespmem:s18+$0x0];
	_ =	sdelay $0x4  }
0x39c: {  	v1 =	vshll.u32 v0, $0x3  }
0x39d: {  	v0 =	vand.u32 $0x7F, v0;
	v1 =	vand.u32 $0xFFFFFC00, v1  }
0x39e: {  	v0 =	vor.u32 v0, v1;
	_ =	sdelay $0x4  }
0x39f: {  	v1 =	vld.idx.msk [tilespmem:v0+s3+$0x0], $0xffff  }
0x3a0: {  	v2 =	vor.u32 $0x80, v0  }
0x3a1: {  	s6 =	sadd.s32 $0x80, s6  }
0x3a2: {  	s22 =	sand.u32 $0x1C00, s6  }
0x3a3: {  	s18 =	sor.u32 s20, s22  }
0x3a4: {  	[tilespmem:s18+$0x1A400] =	vst v1  }
0x3a5: {  	v1 =	vld.idx.msk [tilespmem:v2+s3+$0x0], $0xffff  }
0x3a6: {  	v2 =	vor.u32 $0x100, v0;
	_ =	sdelay $0x2  }
0x3a7: {  	s18 =	sadd.s32 $0x1A400, s18  }
0x3a8: {  	[tilespmem:s18+$0x80] =	vst v1  }
0x3a9: {  	v1 =	vld.idx.msk [tilespmem:v2+s3+$0x0], $0xffff  }
0x3aa: {  	v2 =	vor.u32 $0x180, v0;
	_ =	sdelay $0x3  }
0x3ab: {  	[tilespmem:s18+$0x100] =	vst v1  }
0x3ac: {  	v1 =	vld.idx.msk [tilespmem:v2+s3+$0x0], $0xffff  }
0x3ad: {  	v2 =	vor.u32 $0x200, v0;
	_ =	sdelay $0x3  }
0x3ae: {  	[tilespmem:s18+$0x180] =	vst v1  }
0x3af: {  	v1 =	vld.idx.msk [tilespmem:v2+s3+$0x0], $0xffff  }
0x3b0: {  	v2 =	vor.u32 $0x280, v0;
	_ =	sdelay $0x3  }
0x3b1: {  	[tilespmem:s18+$0x200] =	vst v1  }
0x3b2: {  	v1 =	vld.idx.msk [tilespmem:v2+s3+$0x0], $0xffff  }
0x3b3: {  	v2 =	vor.u32 $0x300, v0;
	_ =	sdelay $0x3  }
0x3b4: {  	[tilespmem:s18+$0x280] =	vst v1  }
0x3b5: {  	v1 =	vld.idx.msk [tilespmem:v2+s3+$0x0], $0xffff  }
0x3b6: {  	v0 =	vor.u32 $0x380, v0;
	_ =	sdelay $0x3  }
0x3b7: {  	[tilespmem:s18+$0x300] =	vst v1  }
0x3b8: {  	v0 =	vld.idx.msk [tilespmem:v0+s3+$0x0], $0xffff;
	_ =	sdelay $0x2  }
0x3b9: {  	s6 =	sor.u32 s6, s17  }
0x3ba: {  	s6 =	sor.u32 $0x380, s6  }
0x3bb: {  	s23 =	rddreg [dreg:$0x19];
	[tilespmem:s6+$0x1A400] =	vst v0;
	s6 =	simm.s32 $0x0  }
0x3bc: {  	[hbm4b:s23+s6] =	stream.linear.scatter [tilespmem:s10], [sflag:$0x5], $0x2000, $0x38;
	[tilespmem:$0x1D400] =	vst v63  }
0x3bd: {  	s18 =	rddreg [dreg:$0x10]  }
0x3be: {  	[tilespmem:s3], [sflag:$0x2] =	stream.linear.gather [hbm4b:s18+s6], $0x8000, $0x38;
	[tilespmem:$0x1D400] =	vst v63  }
0x3bf: {  	_ =	swait.ge [sflag:s11], $0x8000  }
0x3c0: {  	[sflag:s11] =	ssyncset.done $0x0  }
0x3c1: {  	[sflag:s11] =	ssyncadd.s32 $0xFFFF8000  }
0x3c2: {  	s19 =	sand.u32 $0xE00, s6;
	_ =	swait.ge [sflag:s13], $0x2000  }
0x3c3: {  	s20 =	sand.u32 $0x70, s6;
	s17 =	sshrl.u32 s19, $0x2;
	[sflag:s13] =	ssyncset.done $0x0  }
0x3c4: {  	s17 =	sor.u32 s20, s17;
	[sflag:s13] =	ssyncadd.s32 $0xFFFFE000  }
0x3c5: {  	v0 =	vld [tilespmem:s17+$0x0];
	_ =	sdelay $0x4  }
0x3c6: {  	v1 =	vshll.u32 v0, $0x3  }
0x3c7: {  	v0 =	vand.u32 $0x7F, v0;
	v1 =	vand.u32 $0xFFFFFC00, v1  }
0x3c8: {  	v0 =	vor.u32 v0, v1;
	_ =	sdelay $0x4  }
0x3c9: {  	v1 =	vld.idx.msk [tilespmem:v0+s4+$0x0], $0xffff  }
0x3ca: {  	v2 =	vor.u32 $0x80, v0;
	_ =	sdelay $0x1  }
0x3cb: {  	s21 =	sand.u32 $0x1C00, s6  }
0x3cc: {  	s17 =	sor.u32 s20, s21  }
0x3cd: {  	[tilespmem:s17+$0x18400] =	vst v1  }
0x3ce: {  	v1 =	vld.idx.msk [tilespmem:v2+s4+$0x0], $0xffff  }
0x3cf: {  	v2 =	vor.u32 $0x100, v0;
	_ =	sdelay $0x2  }
0x3d0: {  	s17 =	sadd.s32 $0x18400, s17  }
0x3d1: {  	[tilespmem:s17+$0x80] =	vst v1  }
0x3d2: {  	v1 =	vld.idx.msk [tilespmem:v2+s4+$0x0], $0xffff  }
0x3d3: {  	v2 =	vor.u32 $0x180, v0;
	_ =	sdelay $0x3  }
0x3d4: {  	[tilespmem:s17+$0x100] =	vst v1  }
0x3d5: {  	v1 =	vld.idx.msk [tilespmem:v2+s4+$0x0], $0xffff  }
0x3d6: {  	v2 =	vor.u32 $0x200, v0;
	_ =	sdelay $0x3  }
0x3d7: {  	[tilespmem:s17+$0x180] =	vst v1  }
0x3d8: {  	v1 =	vld.idx.msk [tilespmem:v2+s4+$0x0], $0xffff  }
0x3d9: {  	v2 =	vor.u32 $0x280, v0;
	_ =	sdelay $0x3  }
0x3da: {  	[tilespmem:s17+$0x200] =	vst v1  }
0x3db: {  	v1 =	vld.idx.msk [tilespmem:v2+s4+$0x0], $0xffff  }
0x3dc: {  	v2 =	vor.u32 $0x300, v0;
	_ =	sdelay $0x3  }
0x3dd: {  	[tilespmem:s17+$0x280] =	vst v1  }
0x3de: {  	v1 =	vld.idx.msk [tilespmem:v2+s4+$0x0], $0xffff  }
0x3df: {  	v0 =	vor.u32 $0x380, v0;
	_ =	sdelay $0x3  }
0x3e0: {  	[tilespmem:s17+$0x300] =	vst v1  }
0x3e1: {  	v0 =	vld.idx.msk [tilespmem:v0+s4+$0x0], $0xffff  }
0x3e2: {  	s22 =	simm.s32 $0x40;
	s23 =	sor.u32 s6, s6  }
0x3e3: {  	s18 =	sand.u32 $0xE00, s22;
	s22 =	sor.u32 $0x380, s23;
	s17 =	simm.s32 $0x10  }
0x3e4: {  	s19 =	sshrl.u32 s18, $0x2;
	s21 =	simm.s32 $0x80;
	s20 =	sand.u32 $0x70, s17  }
.LBB2_18:
0x3e5: {  	s23 =	sor.u32 s20, s19  }
0x3e6: {  	[tilespmem:s22+$0x18400] =	vst v0;
	s6 =	sadd.s32 $0x80, s6;
	s19 =	smov.u32 s21;
	s18 =	sadd.s32 $0x40, s21  }
0x3e7: {  	p0 =	sne.s32 s21, $0xFC0;
	v0 =	vld [tilespmem:s23+$0x0];
	_ =	sdelay $0x4  }
0x3e8: {  	v1 =	vshll.u32 v0, $0x3  }
0x3e9: {  	v0 =	vand.u32 $0x7F, v0;
	v1 =	vand.u32 $0xFFFFFC00, v1  }
0x3ea: {  	v0 =	vor.u32 v0, v1;
	_ =	sdelay $0x4  }
0x3eb: {  	v1 =	vld.idx.msk [tilespmem:v0+s4+$0x0], $0xffff;
	_ =	sdelay $0x1  }
0x3ec: {  	v2 =	vor.u32 $0x80, v0;
	_ =	sdelay $0x1  }
0x3ed: {  	s21 =	sand.u32 $0x1C00, s6  }
0x3ee: {  	s20 =	sor.u32 s20, s21  }
0x3ef: {  	[tilespmem:s20+$0x18400] =	vst v1  }
0x3f0: {  	v1 =	vld.idx.msk [tilespmem:v2+s4+$0x0], $0xffff;
	_ =	sdelay $0x1  }
0x3f1: {  	v2 =	vor.u32 $0x100, v0;
	_ =	sdelay $0x2  }
0x3f2: {  	s20 =	sadd.s32 $0x18400, s20  }
0x3f3: {  	[tilespmem:s20+$0x80] =	vst v1  }
0x3f4: {  	v1 =	vld.idx.msk [tilespmem:v2+s4+$0x0], $0xffff;
	_ =	sdelay $0x1  }
0x3f5: {  	v2 =	vor.u32 $0x180, v0;
	_ =	sdelay $0x3  }
0x3f6: {  	[tilespmem:s20+$0x100] =	vst v1  }
0x3f7: {  	v1 =	vld.idx.msk [tilespmem:v2+s4+$0x0], $0xffff;
	_ =	sdelay $0x1  }
0x3f8: {  	v2 =	vor.u32 $0x200, v0;
	_ =	sdelay $0x3  }
0x3f9: {  	[tilespmem:s20+$0x180] =	vst v1  }
0x3fa: {  	v1 =	vld.idx.msk [tilespmem:v2+s4+$0x0], $0xffff;
	_ =	sdelay $0x1  }
0x3fb: {  	v2 =	vor.u32 $0x280, v0;
	_ =	sdelay $0x3  }
0x3fc: {  	[tilespmem:s20+$0x200] =	vst v1  }
0x3fd: {  	v1 =	vld.idx.msk [tilespmem:v2+s4+$0x0], $0xffff;
	_ =	sdelay $0x1  }
0x3fe: {  	v2 =	vor.u32 $0x300, v0;
	_ =	sdelay $0x3  }
0x3ff: {  	[tilespmem:s20+$0x280] =	vst v1  }
0x400: {  	v1 =	vld.idx.msk [tilespmem:v2+s4+$0x0], $0xffff;
	_ =	sdelay $0x1  }
0x401: {  	v0 =	vor.u32 $0x380, v0;
	_ =	sdelay $0x3  }
0x402: {  	[tilespmem:s20+$0x300] =	vst v1  }
0x403: {  	v0 =	vld.idx.msk [tilespmem:v0+s4+$0x0], $0xffff  }
.Ltmp8:
0x404: {  	(pc) =	sbr.rel @p0 .LBB2_18-.Ltmp8, $4  }
0x405: {  	_ = 	snop  }
0x406: {  	s19 =	sand.u32 $0xE00, s19  }
0x407: {  	s21 =	sor.u32 s6, s17;
	s17 =	sadd.s32 $0x10, s17;
	s19 =	sshrl.u32 s19, $0x2  }
0x408: {  	s22 =	sor.u32 $0x380, s21;
	s21 =	smov.u32 s18;
	s20 =	sand.u32 $0x70, s17  }
0x409: {  	s18 =	sor.u32 s20, s19;
	[tilespmem:s22+$0x18400] =	vst v0  }
0x40a: {  	v0 =	vld [tilespmem:s18+$0x0];
	_ =	sdelay $0x4  }
0x40b: {  	v1 =	vshll.u32 v0, $0x3  }
0x40c: {  	v0 =	vand.u32 $0x7F, v0;
	v1 =	vand.u32 $0xFFFFFC00, v1  }
0x40d: {  	v0 =	vor.u32 v0, v1;
	_ =	sdelay $0x4  }
0x40e: {  	v1 =	vld.idx.msk [tilespmem:v0+s4+$0x0], $0xffff  }
0x40f: {  	v2 =	vor.u32 $0x80, v0  }
0x410: {  	s6 =	sadd.s32 $0x80, s6  }
0x411: {  	s22 =	sand.u32 $0x1C00, s6  }
0x412: {  	s18 =	sor.u32 s20, s22  }
0x413: {  	[tilespmem:s18+$0x18400] =	vst v1  }
0x414: {  	v1 =	vld.idx.msk [tilespmem:v2+s4+$0x0], $0xffff  }
0x415: {  	v2 =	vor.u32 $0x100, v0;
	_ =	sdelay $0x2  }
0x416: {  	s18 =	sadd.s32 $0x18400, s18  }
0x417: {  	[tilespmem:s18+$0x80] =	vst v1  }
0x418: {  	v1 =	vld.idx.msk [tilespmem:v2+s4+$0x0], $0xffff  }
0x419: {  	v2 =	vor.u32 $0x180, v0;
	_ =	sdelay $0x3  }
0x41a: {  	[tilespmem:s18+$0x100] =	vst v1  }
0x41b: {  	v1 =	vld.idx.msk [tilespmem:v2+s4+$0x0], $0xffff  }
0x41c: {  	v2 =	vor.u32 $0x200, v0;
	_ =	sdelay $0x3  }
0x41d: {  	[tilespmem:s18+$0x180] =	vst v1  }
0x41e: {  	v1 =	vld.idx.msk [tilespmem:v2+s4+$0x0], $0xffff  }
0x41f: {  	v2 =	vor.u32 $0x280, v0;
	_ =	sdelay $0x3  }
0x420: {  	[tilespmem:s18+$0x200] =	vst v1  }
0x421: {  	v1 =	vld.idx.msk [tilespmem:v2+s4+$0x0], $0xffff  }
0x422: {  	v2 =	vor.u32 $0x300, v0;
	_ =	sdelay $0x3  }
0x423: {  	[tilespmem:s18+$0x280] =	vst v1  }
0x424: {  	v1 =	vld.idx.msk [tilespmem:v2+s4+$0x0], $0xffff  }
0x425: {  	v0 =	vor.u32 $0x380, v0;
	_ =	sdelay $0x3  }
0x426: {  	[tilespmem:s18+$0x300] =	vst v1  }
0x427: {  	v0 =	vld.idx.msk [tilespmem:v0+s4+$0x0], $0xffff;
	_ =	sdelay $0x2  }
0x428: {  	s6 =	sor.u32 s6, s17  }
0x429: {  	s6 =	sor.u32 $0x380, s6  }
0x42a: {  	s23 =	rddreg [dreg:$0x1a];
	[tilespmem:s6+$0x18400] =	vst v0;
	s6 =	simm.s32 $0x0  }
0x42b: {  	[hbm4b:s23+s6] =	stream.linear.scatter [tilespmem:s8], [sflag:$0x4], $0x2000, $0x38;
	[tilespmem:$0x1D400] =	vst v63  }
0x42c: {  	s18 =	rddreg [dreg:$0x11]  }
0x42d: {  	[tilespmem:s4], [sflag:$0x3] =	stream.linear.gather [hbm4b:s18+s6], $0x8000, $0x38;
	[tilespmem:$0x1D400] =	vst v63  }
0x42e: {  	_ =	swait.ge [sflag:s1], $0x8000  }
0x42f: {  	[sflag:s1] =	ssyncset.done $0x0  }
0x430: {  	[sflag:s1] =	ssyncadd.s32 $0xFFFF8000  }
0x431: {  	s19 =	sand.u32 $0xE00, s6;
	_ =	swait.ge [sflag:s14], $0x2000  }
0x432: {  	s20 =	sand.u32 $0x70, s6;
	s17 =	sshrl.u32 s19, $0x2;
	[sflag:s14] =	ssyncset.done $0x0  }
0x433: {  	s17 =	sor.u32 s20, s17;
	[sflag:s14] =	ssyncadd.s32 $0xFFFFE000  }
0x434: {  	v0 =	vld [tilespmem:s17+$0x0];
	_ =	sdelay $0x4  }
0x435: {  	v1 =	vshll.u32 v0, $0x3  }
0x436: {  	v0 =	vand.u32 $0x7F, v0;
	v1 =	vand.u32 $0xFFFFFC00, v1  }
0x437: {  	v0 =	vor.u32 v0, v1;
	_ =	sdelay $0x4  }
0x438: {  	v1 =	vld.idx.msk [tilespmem:v0+s2+$0x0], $0xffff  }
0x439: {  	v2 =	vor.u32 $0x80, v0;
	_ =	sdelay $0x1  }
0x43a: {  	s21 =	sand.u32 $0x1C00, s6  }
0x43b: {  	s17 =	sor.u32 s20, s21  }
0x43c: {  	[tilespmem:s17+$0x1A400] =	vst v1  }
0x43d: {  	v1 =	vld.idx.msk [tilespmem:v2+s2+$0x0], $0xffff  }
0x43e: {  	v2 =	vor.u32 $0x100, v0;
	_ =	sdelay $0x2  }
0x43f: {  	s17 =	sadd.s32 $0x1A400, s17  }
0x440: {  	[tilespmem:s17+$0x80] =	vst v1  }
0x441: {  	v1 =	vld.idx.msk [tilespmem:v2+s2+$0x0], $0xffff  }
0x442: {  	v2 =	vor.u32 $0x180, v0;
	_ =	sdelay $0x3  }
0x443: {  	[tilespmem:s17+$0x100] =	vst v1  }
0x444: {  	v1 =	vld.idx.msk [tilespmem:v2+s2+$0x0], $0xffff  }
0x445: {  	v2 =	vor.u32 $0x200, v0;
	_ =	sdelay $0x3  }
0x446: {  	[tilespmem:s17+$0x180] =	vst v1  }
0x447: {  	v1 =	vld.idx.msk [tilespmem:v2+s2+$0x0], $0xffff  }
0x448: {  	v2 =	vor.u32 $0x280, v0;
	_ =	sdelay $0x3  }
0x449: {  	[tilespmem:s17+$0x200] =	vst v1  }
0x44a: {  	v1 =	vld.idx.msk [tilespmem:v2+s2+$0x0], $0xffff  }
0x44b: {  	v2 =	vor.u32 $0x300, v0;
	_ =	sdelay $0x3  }
0x44c: {  	[tilespmem:s17+$0x280] =	vst v1  }
0x44d: {  	v1 =	vld.idx.msk [tilespmem:v2+s2+$0x0], $0xffff  }
0x44e: {  	v0 =	vor.u32 $0x380, v0;
	_ =	sdelay $0x3  }
0x44f: {  	[tilespmem:s17+$0x300] =	vst v1  }
0x450: {  	v0 =	vld.idx.msk [tilespmem:v0+s2+$0x0], $0xffff  }
0x451: {  	s22 =	simm.s32 $0x40;
	s23 =	sor.u32 s6, s6  }
0x452: {  	s18 =	sand.u32 $0xE00, s22;
	s22 =	sor.u32 $0x380, s23;
	s17 =	simm.s32 $0x10  }
0x453: {  	s19 =	sshrl.u32 s18, $0x2;
	s21 =	simm.s32 $0x80;
	s20 =	sand.u32 $0x70, s17  }
.LBB2_20:
0x454: {  	s23 =	sor.u32 s20, s19  }
0x455: {  	[tilespmem:s22+$0x1A400] =	vst v0;
	s6 =	sadd.s32 $0x80, s6;
	s19 =	smov.u32 s21;
	s18 =	sadd.s32 $0x40, s21  }
0x456: {  	p0 =	sne.s32 s21, $0xFC0;
	v0 =	vld [tilespmem:s23+$0x0];
	_ =	sdelay $0x4  }
0x457: {  	v1 =	vshll.u32 v0, $0x3  }
0x458: {  	v0 =	vand.u32 $0x7F, v0;
	v1 =	vand.u32 $0xFFFFFC00, v1  }
0x459: {  	v0 =	vor.u32 v0, v1;
	_ =	sdelay $0x4  }
0x45a: {  	v1 =	vld.idx.msk [tilespmem:v0+s2+$0x0], $0xffff;
	_ =	sdelay $0x1  }
0x45b: {  	v2 =	vor.u32 $0x80, v0;
	_ =	sdelay $0x1  }
0x45c: {  	s21 =	sand.u32 $0x1C00, s6  }
0x45d: {  	s20 =	sor.u32 s20, s21  }
0x45e: {  	[tilespmem:s20+$0x1A400] =	vst v1  }
0x45f: {  	v1 =	vld.idx.msk [tilespmem:v2+s2+$0x0], $0xffff;
	_ =	sdelay $0x1  }
0x460: {  	v2 =	vor.u32 $0x100, v0;
	_ =	sdelay $0x2  }
0x461: {  	s20 =	sadd.s32 $0x1A400, s20  }
0x462: {  	[tilespmem:s20+$0x80] =	vst v1  }
0x463: {  	v1 =	vld.idx.msk [tilespmem:v2+s2+$0x0], $0xffff;
	_ =	sdelay $0x1  }
0x464: {  	v2 =	vor.u32 $0x180, v0;
	_ =	sdelay $0x3  }
0x465: {  	[tilespmem:s20+$0x100] =	vst v1  }
0x466: {  	v1 =	vld.idx.msk [tilespmem:v2+s2+$0x0], $0xffff;
	_ =	sdelay $0x1  }
0x467: {  	v2 =	vor.u32 $0x200, v0;
	_ =	sdelay $0x3  }
0x468: {  	[tilespmem:s20+$0x180] =	vst v1  }
0x469: {  	v1 =	vld.idx.msk [tilespmem:v2+s2+$0x0], $0xffff;
	_ =	sdelay $0x1  }
0x46a: {  	v2 =	vor.u32 $0x280, v0;
	_ =	sdelay $0x3  }
0x46b: {  	[tilespmem:s20+$0x200] =	vst v1  }
0x46c: {  	v1 =	vld.idx.msk [tilespmem:v2+s2+$0x0], $0xffff;
	_ =	sdelay $0x1  }
0x46d: {  	v2 =	vor.u32 $0x300, v0;
	_ =	sdelay $0x3  }
0x46e: {  	[tilespmem:s20+$0x280] =	vst v1  }
0x46f: {  	v1 =	vld.idx.msk [tilespmem:v2+s2+$0x0], $0xffff;
	_ =	sdelay $0x1  }
0x470: {  	v0 =	vor.u32 $0x380, v0;
	_ =	sdelay $0x3  }
0x471: {  	[tilespmem:s20+$0x300] =	vst v1  }
0x472: {  	v0 =	vld.idx.msk [tilespmem:v0+s2+$0x0], $0xffff  }
.Ltmp9:
0x473: {  	(pc) =	sbr.rel @p0 .LBB2_20-.Ltmp9, $4  }
0x474: {  	_ = 	snop  }
0x475: {  	s19 =	sand.u32 $0xE00, s19  }
0x476: {  	s21 =	sor.u32 s6, s17;
	s17 =	sadd.s32 $0x10, s17;
	s19 =	sshrl.u32 s19, $0x2  }
0x477: {  	s22 =	sor.u32 $0x380, s21;
	s21 =	smov.u32 s18;
	s20 =	sand.u32 $0x70, s17  }
0x478: {  	s18 =	sor.u32 s20, s19;
	[tilespmem:s22+$0x1A400] =	vst v0  }
0x479: {  	v0 =	vld [tilespmem:s18+$0x0];
	_ =	sdelay $0x4  }
0x47a: {  	v1 =	vshll.u32 v0, $0x3  }
0x47b: {  	v0 =	vand.u32 $0x7F, v0;
	v1 =	vand.u32 $0xFFFFFC00, v1  }
0x47c: {  	v0 =	vor.u32 v0, v1;
	_ =	sdelay $0x4  }
0x47d: {  	v1 =	vld.idx.msk [tilespmem:v0+s2+$0x0], $0xffff  }
0x47e: {  	v2 =	vor.u32 $0x80, v0  }
0x47f: {  	s6 =	sadd.s32 $0x80, s6  }
0x480: {  	s23 =	sand.u32 $0x1C00, s6  }
0x481: {  	s18 =	sor.u32 s20, s23  }
0x482: {  	[tilespmem:s18+$0x1A400] =	vst v1  }
0x483: {  	v1 =	vld.idx.msk [tilespmem:v2+s2+$0x0], $0xffff  }
0x484: {  	v2 =	vor.u32 $0x100, v0;
	_ =	sdelay $0x2  }
0x485: {  	s18 =	sadd.s32 $0x1A400, s18  }
0x486: {  	[tilespmem:s18+$0x80] =	vst v1  }
0x487: {  	v1 =	vld.idx.msk [tilespmem:v2+s2+$0x0], $0xffff  }
0x488: {  	v2 =	vor.u32 $0x180, v0;
	_ =	sdelay $0x3  }
0x489: {  	[tilespmem:s18+$0x100] =	vst v1  }
0x48a: {  	v1 =	vld.idx.msk [tilespmem:v2+s2+$0x0], $0xffff  }
0x48b: {  	v2 =	vor.u32 $0x200, v0;
	_ =	sdelay $0x3  }
0x48c: {  	[tilespmem:s18+$0x180] =	vst v1  }
0x48d: {  	v1 =	vld.idx.msk [tilespmem:v2+s2+$0x0], $0xffff  }
0x48e: {  	v2 =	vor.u32 $0x280, v0;
	_ =	sdelay $0x3  }
0x48f: {  	[tilespmem:s18+$0x200] =	vst v1  }
0x490: {  	v1 =	vld.idx.msk [tilespmem:v2+s2+$0x0], $0xffff  }
0x491: {  	v2 =	vor.u32 $0x300, v0;
	_ =	sdelay $0x3  }
0x492: {  	[tilespmem:s18+$0x280] =	vst v1  }
0x493: {  	v1 =	vld.idx.msk [tilespmem:v2+s2+$0x0], $0xffff  }
0x494: {  	v0 =	vor.u32 $0x380, v0;
	_ =	sdelay $0x3  }
0x495: {  	[tilespmem:s18+$0x300] =	vst v1  }
0x496: {  	v0 =	vld.idx.msk [tilespmem:v0+s2+$0x0], $0xffff;
	_ =	sdelay $0x2  }
0x497: {  	s6 =	sor.u32 s6, s17  }
0x498: {  	s6 =	sor.u32 $0x380, s6  }
0x499: {  	s18 =	rddreg [dreg:$0x1b];
	[tilespmem:s6+$0x1A400] =	vst v0;
	s6 =	simm.s32 $0x0  }
0x49a: {  	[hbm4b:s18+s6] =	stream.linear.scatter [tilespmem:s10], [sflag:$0x5], $0x2000, $0x38;
	[tilespmem:$0x1D400] =	vst v63  }
0x49b: {  	_ =	swait.ge [sflag:s9], $0x8000  }
0x49c: {  	[sflag:s9] =	ssyncset.done $0x0  }
0x49d: {  	[sflag:s9] =	ssyncadd.s32 $0xFFFF8000  }
0x49e: {  	s19 =	sand.u32 $0xE00, s6;
	_ =	swait.ge [sflag:s13], $0x2000  }
0x49f: {  	s20 =	sand.u32 $0x70, s6;
	s17 =	sshrl.u32 s19, $0x2;
	[sflag:s13] =	ssyncset.done $0x0  }
0x4a0: {  	s17 =	sor.u32 s20, s17;
	[sflag:s13] =	ssyncadd.s32 $0xFFFFE000  }
0x4a1: {  	v0 =	vld [tilespmem:s17+$0x0];
	_ =	sdelay $0x4  }
0x4a2: {  	v1 =	vshll.u32 v0, $0x3  }
0x4a3: {  	v0 =	vand.u32 $0x7F, v0;
	v1 =	vand.u32 $0xFFFFFC00, v1  }
0x4a4: {  	v0 =	vor.u32 v0, v1;
	_ =	sdelay $0x4  }
0x4a5: {  	v1 =	vld.idx.msk [tilespmem:v0+s3+$0x0], $0xffff  }
0x4a6: {  	v2 =	vor.u32 $0x80, v0;
	_ =	sdelay $0x1  }
0x4a7: {  	s21 =	sand.u32 $0x1C00, s6  }
0x4a8: {  	s17 =	sor.u32 s20, s21  }
0x4a9: {  	[tilespmem:s17+$0x18400] =	vst v1  }
0x4aa: {  	v1 =	vld.idx.msk [tilespmem:v2+s3+$0x0], $0xffff  }
0x4ab: {  	v2 =	vor.u32 $0x100, v0;
	_ =	sdelay $0x2  }
0x4ac: {  	s17 =	sadd.s32 $0x18400, s17  }
0x4ad: {  	[tilespmem:s17+$0x80] =	vst v1  }
0x4ae: {  	v1 =	vld.idx.msk [tilespmem:v2+s3+$0x0], $0xffff  }
0x4af: {  	v2 =	vor.u32 $0x180, v0;
	_ =	sdelay $0x3  }
0x4b0: {  	[tilespmem:s17+$0x100] =	vst v1  }
0x4b1: {  	v1 =	vld.idx.msk [tilespmem:v2+s3+$0x0], $0xffff  }
0x4b2: {  	v2 =	vor.u32 $0x200, v0;
	_ =	sdelay $0x3  }
0x4b3: {  	[tilespmem:s17+$0x180] =	vst v1  }
0x4b4: {  	v1 =	vld.idx.msk [tilespmem:v2+s3+$0x0], $0xffff  }
0x4b5: {  	v2 =	vor.u32 $0x280, v0;
	_ =	sdelay $0x3  }
0x4b6: {  	[tilespmem:s17+$0x200] =	vst v1  }
0x4b7: {  	v1 =	vld.idx.msk [tilespmem:v2+s3+$0x0], $0xffff  }
0x4b8: {  	v2 =	vor.u32 $0x300, v0;
	_ =	sdelay $0x3  }
0x4b9: {  	[tilespmem:s17+$0x280] =	vst v1  }
0x4ba: {  	v1 =	vld.idx.msk [tilespmem:v2+s3+$0x0], $0xffff  }
0x4bb: {  	v0 =	vor.u32 $0x380, v0;
	_ =	sdelay $0x3  }
0x4bc: {  	[tilespmem:s17+$0x300] =	vst v1  }
0x4bd: {  	s22 =	simm.s32 $0x40;
	v0 =	vld.idx.msk [tilespmem:v0+s3+$0x0], $0xffff  }
0x4be: {  	s18 =	sand.u32 $0xE00, s22  }
0x4bf: {  	s23 =	sor.u32 s6, s6;
	s19 =	sshrl.u32 s18, $0x2;
	s17 =	simm.s32 $0x10  }
0x4c0: {  	s22 =	sor.u32 $0x380, s23;
	s21 =	simm.s32 $0x80;
	s20 =	sand.u32 $0x70, s17  }
.LBB2_22:
0x4c1: {  	s23 =	sor.u32 s20, s19  }
0x4c2: {  	[tilespmem:s22+$0x18400] =	vst v0;
	s6 =	sadd.s32 $0x80, s6;
	s19 =	smov.u32 s21;
	s18 =	sadd.s32 $0x40, s21  }
0x4c3: {  	p0 =	sne.s32 s21, $0xFC0;
	v0 =	vld [tilespmem:s23+$0x0];
	_ =	sdelay $0x4  }
0x4c4: {  	v1 =	vshll.u32 v0, $0x3  }
0x4c5: {  	v0 =	vand.u32 $0x7F, v0;
	v1 =	vand.u32 $0xFFFFFC00, v1  }
0x4c6: {  	v0 =	vor.u32 v0, v1;
	_ =	sdelay $0x4  }
0x4c7: {  	v1 =	vld.idx.msk [tilespmem:v0+s3+$0x0], $0xffff;
	_ =	sdelay $0x1  }
0x4c8: {  	v2 =	vor.u32 $0x80, v0;
	_ =	sdelay $0x1  }
0x4c9: {  	s21 =	sand.u32 $0x1C00, s6  }
0x4ca: {  	s20 =	sor.u32 s20, s21  }
0x4cb: {  	[tilespmem:s20+$0x18400] =	vst v1  }
0x4cc: {  	v1 =	vld.idx.msk [tilespmem:v2+s3+$0x0], $0xffff;
	_ =	sdelay $0x1  }
0x4cd: {  	v2 =	vor.u32 $0x100, v0;
	_ =	sdelay $0x2  }
0x4ce: {  	s20 =	sadd.s32 $0x18400, s20  }
0x4cf: {  	[tilespmem:s20+$0x80] =	vst v1  }
0x4d0: {  	v1 =	vld.idx.msk [tilespmem:v2+s3+$0x0], $0xffff;
	_ =	sdelay $0x1  }
0x4d1: {  	v2 =	vor.u32 $0x180, v0;
	_ =	sdelay $0x3  }
0x4d2: {  	[tilespmem:s20+$0x100] =	vst v1  }
0x4d3: {  	v1 =	vld.idx.msk [tilespmem:v2+s3+$0x0], $0xffff;
	_ =	sdelay $0x1  }
0x4d4: {  	v2 =	vor.u32 $0x200, v0;
	_ =	sdelay $0x3  }
0x4d5: {  	[tilespmem:s20+$0x180] =	vst v1  }
0x4d6: {  	v1 =	vld.idx.msk [tilespmem:v2+s3+$0x0], $0xffff;
	_ =	sdelay $0x1  }
0x4d7: {  	v2 =	vor.u32 $0x280, v0;
	_ =	sdelay $0x3  }
0x4d8: {  	[tilespmem:s20+$0x200] =	vst v1  }
0x4d9: {  	v1 =	vld.idx.msk [tilespmem:v2+s3+$0x0], $0xffff;
	_ =	sdelay $0x1  }
0x4da: {  	v2 =	vor.u32 $0x300, v0;
	_ =	sdelay $0x3  }
0x4db: {  	[tilespmem:s20+$0x280] =	vst v1  }
0x4dc: {  	v1 =	vld.idx.msk [tilespmem:v2+s3+$0x0], $0xffff;
	_ =	sdelay $0x1  }
0x4dd: {  	v0 =	vor.u32 $0x380, v0;
	_ =	sdelay $0x3  }
0x4de: {  	[tilespmem:s20+$0x300] =	vst v1  }
0x4df: {  	v0 =	vld.idx.msk [tilespmem:v0+s3+$0x0], $0xffff  }
.Ltmp10:
0x4e0: {  	(pc) =	sbr.rel @p0 .LBB2_22-.Ltmp10, $4  }
0x4e1: {  	_ = 	snop  }
0x4e2: {  	s19 =	sand.u32 $0xE00, s19  }
0x4e3: {  	s21 =	sor.u32 s6, s17;
	s17 =	sadd.s32 $0x10, s17;
	s19 =	sshrl.u32 s19, $0x2  }
0x4e4: {  	s22 =	sor.u32 $0x380, s21;
	s21 =	smov.u32 s18;
	s20 =	sand.u32 $0x70, s17  }
0x4e5: {  	s18 =	sor.u32 s20, s19;
	[tilespmem:s22+$0x18400] =	vst v0  }
0x4e6: {  	v0 =	vld [tilespmem:s18+$0x0];
	_ =	sdelay $0x4  }
0x4e7: {  	v1 =	vshll.u32 v0, $0x3  }
0x4e8: {  	v0 =	vand.u32 $0x7F, v0;
	v1 =	vand.u32 $0xFFFFFC00, v1  }
0x4e9: {  	v0 =	vor.u32 v0, v1;
	_ =	sdelay $0x4  }
0x4ea: {  	v1 =	vld.idx.msk [tilespmem:v0+s3+$0x0], $0xffff  }
0x4eb: {  	v2 =	vor.u32 $0x80, v0  }
0x4ec: {  	s6 =	sadd.s32 $0x80, s6  }
0x4ed: {  	s23 =	sand.u32 $0x1C00, s6  }
0x4ee: {  	s18 =	sor.u32 s20, s23  }
0x4ef: {  	[tilespmem:s18+$0x18400] =	vst v1  }
0x4f0: {  	v1 =	vld.idx.msk [tilespmem:v2+s3+$0x0], $0xffff  }
0x4f1: {  	v2 =	vor.u32 $0x100, v0;
	_ =	sdelay $0x2  }
0x4f2: {  	s18 =	sadd.s32 $0x18400, s18  }
0x4f3: {  	[tilespmem:s18+$0x80] =	vst v1  }
0x4f4: {  	v1 =	vld.idx.msk [tilespmem:v2+s3+$0x0], $0xffff  }
0x4f5: {  	v2 =	vor.u32 $0x180, v0;
	_ =	sdelay $0x3  }
0x4f6: {  	[tilespmem:s18+$0x100] =	vst v1  }
0x4f7: {  	v1 =	vld.idx.msk [tilespmem:v2+s3+$0x0], $0xffff  }
0x4f8: {  	v2 =	vor.u32 $0x200, v0;
	_ =	sdelay $0x3  }
0x4f9: {  	[tilespmem:s18+$0x180] =	vst v1  }
0x4fa: {  	v1 =	vld.idx.msk [tilespmem:v2+s3+$0x0], $0xffff  }
0x4fb: {  	v2 =	vor.u32 $0x280, v0;
	_ =	sdelay $0x3  }
0x4fc: {  	[tilespmem:s18+$0x200] =	vst v1  }
0x4fd: {  	v1 =	vld.idx.msk [tilespmem:v2+s3+$0x0], $0xffff  }
0x4fe: {  	v2 =	vor.u32 $0x300, v0;
	_ =	sdelay $0x3  }
0x4ff: {  	[tilespmem:s18+$0x280] =	vst v1  }
0x500: {  	v1 =	vld.idx.msk [tilespmem:v2+s3+$0x0], $0xffff  }
0x501: {  	v0 =	vor.u32 $0x380, v0;
	_ =	sdelay $0x3  }
0x502: {  	[tilespmem:s18+$0x300] =	vst v1  }
0x503: {  	v0 =	vld.idx.msk [tilespmem:v0+s3+$0x0], $0xffff;
	_ =	sdelay $0x2  }
0x504: {  	s6 =	sor.u32 s6, s17  }
0x505: {  	s6 =	sor.u32 $0x380, s6  }
0x506: {  	[tilespmem:s6+$0x18400] =	vst v0;
	s6 =	simm.s32 $0x0  }
0x507: {  	[hbm4b:s24+s6] =	stream.linear.scatter [tilespmem:s8], [sflag:$0x4], $0x2000, $0x38;
	[tilespmem:$0x1D400] =	vst v63  }
0x508: {  	_ =	swait.ge [sflag:s11], $0x8000  }
0x509: {  	[sflag:s11] =	ssyncset.done $0x0  }
0x50a: {  	[sflag:s11] =	ssyncadd.s32 $0xFFFF8000  }
0x50b: {  	s19 =	sand.u32 $0xE00, s6;
	_ =	swait.ge [sflag:s14], $0x2000  }
0x50c: {  	s20 =	sand.u32 $0x70, s6;
	s17 =	sshrl.u32 s19, $0x2;
	[sflag:s14] =	ssyncset.done $0x0  }
0x50d: {  	s17 =	sor.u32 s20, s17;
	[sflag:s14] =	ssyncadd.s32 $0xFFFFE000  }
0x50e: {  	v0 =	vld [tilespmem:s17+$0x0];
	_ =	sdelay $0x4  }
0x50f: {  	v1 =	vshll.u32 v0, $0x3  }
0x510: {  	v0 =	vand.u32 $0x7F, v0;
	v1 =	vand.u32 $0xFFFFFC00, v1  }
0x511: {  	v0 =	vor.u32 v0, v1;
	_ =	sdelay $0x4  }
0x512: {  	v1 =	vld.idx.msk [tilespmem:v0+s4+$0x0], $0xffff  }
0x513: {  	v2 =	vor.u32 $0x80, v0;
	_ =	sdelay $0x1  }
0x514: {  	s21 =	sand.u32 $0x1C00, s6  }
0x515: {  	s17 =	sor.u32 s20, s21  }
0x516: {  	[tilespmem:s17+$0x1A400] =	vst v1  }
0x517: {  	v1 =	vld.idx.msk [tilespmem:v2+s4+$0x0], $0xffff  }
0x518: {  	v2 =	vor.u32 $0x100, v0;
	_ =	sdelay $0x2  }
0x519: {  	s17 =	sadd.s32 $0x1A400, s17  }
0x51a: {  	[tilespmem:s17+$0x80] =	vst v1  }
0x51b: {  	v1 =	vld.idx.msk [tilespmem:v2+s4+$0x0], $0xffff  }
0x51c: {  	v2 =	vor.u32 $0x180, v0;
	_ =	sdelay $0x3  }
0x51d: {  	[tilespmem:s17+$0x100] =	vst v1  }
0x51e: {  	v1 =	vld.idx.msk [tilespmem:v2+s4+$0x0], $0xffff  }
0x51f: {  	v2 =	vor.u32 $0x200, v0;
	_ =	sdelay $0x3  }
0x520: {  	[tilespmem:s17+$0x180] =	vst v1  }
0x521: {  	v1 =	vld.idx.msk [tilespmem:v2+s4+$0x0], $0xffff  }
0x522: {  	v2 =	vor.u32 $0x280, v0;
	_ =	sdelay $0x3  }
0x523: {  	[tilespmem:s17+$0x200] =	vst v1  }
0x524: {  	v1 =	vld.idx.msk [tilespmem:v2+s4+$0x0], $0xffff  }
0x525: {  	v2 =	vor.u32 $0x300, v0;
	_ =	sdelay $0x3  }
0x526: {  	[tilespmem:s17+$0x280] =	vst v1  }
0x527: {  	v1 =	vld.idx.msk [tilespmem:v2+s4+$0x0], $0xffff  }
0x528: {  	v0 =	vor.u32 $0x380, v0;
	_ =	sdelay $0x3  }
0x529: {  	[tilespmem:s17+$0x300] =	vst v1  }
0x52a: {  	s22 =	simm.s32 $0x40;
	v0 =	vld.idx.msk [tilespmem:v0+s4+$0x0], $0xffff  }
0x52b: {  	s18 =	sand.u32 $0xE00, s22  }
0x52c: {  	s23 =	sor.u32 s6, s6;
	s19 =	sshrl.u32 s18, $0x2;
	s17 =	simm.s32 $0x10  }
0x52d: {  	s22 =	sor.u32 $0x380, s23;
	s21 =	simm.s32 $0x80;
	s20 =	sand.u32 $0x70, s17  }
.LBB2_24:
0x52e: {  	s23 =	sor.u32 s20, s19  }
0x52f: {  	[tilespmem:s22+$0x1A400] =	vst v0;
	s6 =	sadd.s32 $0x80, s6;
	s19 =	smov.u32 s21;
	s18 =	sadd.s32 $0x40, s21  }
0x530: {  	p0 =	sne.s32 s21, $0xFC0;
	v0 =	vld [tilespmem:s23+$0x0];
	_ =	sdelay $0x4  }
0x531: {  	v1 =	vshll.u32 v0, $0x3  }
0x532: {  	v0 =	vand.u32 $0x7F, v0;
	v1 =	vand.u32 $0xFFFFFC00, v1  }
0x533: {  	v0 =	vor.u32 v0, v1;
	_ =	sdelay $0x4  }
0x534: {  	v1 =	vld.idx.msk [tilespmem:v0+s4+$0x0], $0xffff;
	_ =	sdelay $0x1  }
0x535: {  	v2 =	vor.u32 $0x80, v0;
	_ =	sdelay $0x1  }
0x536: {  	s21 =	sand.u32 $0x1C00, s6  }
0x537: {  	s20 =	sor.u32 s20, s21  }
0x538: {  	[tilespmem:s20+$0x1A400] =	vst v1  }
0x539: {  	v1 =	vld.idx.msk [tilespmem:v2+s4+$0x0], $0xffff;
	_ =	sdelay $0x1  }
0x53a: {  	v2 =	vor.u32 $0x100, v0;
	_ =	sdelay $0x2  }
0x53b: {  	s20 =	sadd.s32 $0x1A400, s20  }
0x53c: {  	[tilespmem:s20+$0x80] =	vst v1  }
0x53d: {  	v1 =	vld.idx.msk [tilespmem:v2+s4+$0x0], $0xffff;
	_ =	sdelay $0x1  }
0x53e: {  	v2 =	vor.u32 $0x180, v0;
	_ =	sdelay $0x3  }
0x53f: {  	[tilespmem:s20+$0x100] =	vst v1  }
0x540: {  	v1 =	vld.idx.msk [tilespmem:v2+s4+$0x0], $0xffff;
	_ =	sdelay $0x1  }
0x541: {  	v2 =	vor.u32 $0x200, v0;
	_ =	sdelay $0x3  }
0x542: {  	[tilespmem:s20+$0x180] =	vst v1  }
0x543: {  	v1 =	vld.idx.msk [tilespmem:v2+s4+$0x0], $0xffff;
	_ =	sdelay $0x1  }
0x544: {  	v2 =	vor.u32 $0x280, v0;
	_ =	sdelay $0x3  }
0x545: {  	[tilespmem:s20+$0x200] =	vst v1  }
0x546: {  	v1 =	vld.idx.msk [tilespmem:v2+s4+$0x0], $0xffff;
	_ =	sdelay $0x1  }
0x547: {  	v2 =	vor.u32 $0x300, v0;
	_ =	sdelay $0x3  }
0x548: {  	[tilespmem:s20+$0x280] =	vst v1  }
0x549: {  	v1 =	vld.idx.msk [tilespmem:v2+s4+$0x0], $0xffff;
	_ =	sdelay $0x1  }
0x54a: {  	v0 =	vor.u32 $0x380, v0;
	_ =	sdelay $0x3  }
0x54b: {  	[tilespmem:s20+$0x300] =	vst v1  }
0x54c: {  	v0 =	vld.idx.msk [tilespmem:v0+s4+$0x0], $0xffff  }
.Ltmp11:
0x54d: {  	(pc) =	sbr.rel @p0 .LBB2_24-.Ltmp11, $4  }
0x54e: {  	_ = 	snop  }
0x54f: {  	s19 =	sand.u32 $0xE00, s19  }
0x550: {  	s21 =	sor.u32 s6, s17;
	s17 =	sadd.s32 $0x10, s17;
	s19 =	sshrl.u32 s19, $0x2  }
0x551: {  	s22 =	sor.u32 $0x380, s21;
	s21 =	smov.u32 s18;
	s20 =	sand.u32 $0x70, s17  }
0x552: {  	s18 =	sor.u32 s20, s19;
	[tilespmem:s22+$0x1A400] =	vst v0  }
0x553: {  	v0 =	vld [tilespmem:s18+$0x0];
	_ =	sdelay $0x4  }
0x554: {  	v1 =	vshll.u32 v0, $0x3  }
0x555: {  	v0 =	vand.u32 $0x7F, v0;
	v1 =	vand.u32 $0xFFFFFC00, v1  }
0x556: {  	v0 =	vor.u32 v0, v1;
	_ =	sdelay $0x4  }
0x557: {  	v1 =	vld.idx.msk [tilespmem:v0+s4+$0x0], $0xffff  }
0x558: {  	v2 =	vor.u32 $0x80, v0  }
0x559: {  	s6 =	sadd.s32 $0x80, s6  }
0x55a: {  	s23 =	sand.u32 $0x1C00, s6  }
0x55b: {  	s18 =	sor.u32 s20, s23  }
0x55c: {  	[tilespmem:s18+$0x1A400] =	vst v1  }
0x55d: {  	v1 =	vld.idx.msk [tilespmem:v2+s4+$0x0], $0xffff  }
0x55e: {  	v59 =	vor.u32 $0x100, v0;
	_ =	sdelay $0x2  }
0x55f: {  	s18 =	sadd.s32 $0x1A400, s18  }
0x560: {  	[tilespmem:s18+$0x80] =	vst v1  }
0x561: {  	v1 =	vld.idx.msk [tilespmem:v59+s4+$0x0], $0xffff  }
0x562: {  	v60 =	vor.u32 $0x180, v0;
	_ =	sdelay $0x3  }
0x563: {  	[tilespmem:s18+$0x100] =	vst v1  }
0x564: {  	v1 =	vld.idx.msk [tilespmem:v60+s4+$0x0], $0xffff  }
0x565: {  	v61 =	vor.u32 $0x200, v0;
	_ =	sdelay $0x3  }
0x566: {  	[tilespmem:s18+$0x180] =	vst v1  }
0x567: {  	v1 =	vld.idx.msk [tilespmem:v61+s4+$0x0], $0xffff  }
0x568: {  	v62 =	vor.u32 $0x280, v0;
	_ =	sdelay $0x3  }
0x569: {  	[tilespmem:s18+$0x200] =	vst v1  }
0x56a: {  	v1 =	vld.idx.msk [tilespmem:v62+s4+$0x0], $0xffff  }
0x56b: {  	v63 =	vor.u32 $0x300, v0;
	_ =	sdelay $0x3  }
0x56c: {  	[tilespmem:s18+$0x280] =	vst v1  }
0x56d: {  	v1 =	vld.idx.msk [tilespmem:v63+s4+$0x0], $0xffff  }
0x56e: {  	v0 =	vor.u32 $0x380, v0;
	_ =	sdelay $0x3  }
0x56f: {  	[tilespmem:s18+$0x300] =	vst v1  }
0x570: {  	v0 =	vld.idx.msk [tilespmem:v0+s4+$0x0], $0xffff;
	_ =	sdelay $0x2  }
0x571: {  	s6 =	sor.u32 s6, s17  }
0x572: {  	s6 =	sor.u32 $0x380, s6  }
0x573: {  	[tilespmem:s6+$0x1A400] =	vst v0  }
0x574: {  	[hbm4b:s25+s12] =	stream.linear.scatter [tilespmem:s10], [sflag:$0x5], $0x2000, $0x38;
	[tilespmem:$0x1D400] =	vst v63  }
0x575: {  	_ =	swait.ge [sflag:s15], $0x800  }
0x576: {  	[sflag:s15] =	ssyncset.done $0x0  }
0x577: {  	s17 =	simm.s32 $0x1C400;
	[sflag:s15] =	ssyncadd.s32 $0xFFFFF800  }
0x578: {  	[hbm4b:s28+s12] =	stream.linear.scatter [tilespmem:s17], [sflag:$0x7], $0x800, $0x38;
	[tilespmem:$0x1D400] =	vst v63  }
0x579: {  	_ =	swait.ge [sflag:s5], $0x800  }
0x57a: {  	[sflag:s5] =	ssyncset.done $0x0  }
0x57b: {  	s18 =	simm.s32 $0x1CC00;
	[sflag:s5] =	ssyncadd.s32 $0xFFFFF800  }
0x57c: {  	[hbm4b:s29+s12] =	stream.linear.scatter [tilespmem:s18], [sflag:$0x8], $0x800, $0x38;
	[tilespmem:$0x1D400] =	vst v63  }
0x57d: {  	_ =	swait.ge [sflag:s13], $0x2000  }
0x57e: {  	[sflag:s13] =	ssyncset.done $0x0  }
0x57f: {  	[sflag:s13] =	ssyncadd.s32 $0xFFFFE000  }
0x580: {  	_ =	swait.ge [sflag:s14], $0x2000  }
0x581: {  	[sflag:s14] =	ssyncset.done $0x0  }
0x582: {  	s16 =	sadd.s32 $0x1, s16;
	[sflag:s14] =	ssyncadd.s32 $0xFFFFE000  }
0x583: {  	p0 =	sne.s32 s16, s0;
	_ =	swait.ge [sflag:s15], $0x800  }
.Ltmp12:
0x584: {  	[sflag:s15] =	ssyncset.done $0x0;
	(pc) =	sbr.rel @p0 .LBB2_1-.Ltmp12, $4  }
0x585: {  	[sflag:s15] =	ssyncadd.s32 $0xFFFFF800  }
0x586: {  	_ =	swait.ge [sflag:s5], $0x800  }
0x587: {  	[sflag:s5] =	ssyncset.done $0x0  }
0x588: {  	[sflag:s5] =	ssyncadd.s32 $0xFFFFF800  }
0x589: {  	_ =	sfence.sel $0x180000  }
0x58a: {  	[bflag:$0x0] =	sbarrier.arrive $0xFFFF  }
0x58b: {  	_ =	strace $0x90000047  }
0x58c: {  	s0 =	stileid.u32;
	[bflag:$0x2] =	sbarrier.arrive $0xFFFF  }
0x58d: {  	p0 =	sne.s32 s0, $0x0;
	s0 =	rddreg [dreg:$0x5]  }
0x58e: {  	s0 =	sadd.s32 @!p0 $0x100000, s0  }
0x58f: {  	[sflag:s0] =	ssyncadd.tile.s32 @!p0 $0x1;
	_ =	shalt  }
.Lfunc_end2:
_tile_overlayer_lowered:
.L_overlay_start_2:
0x590: {  	(tag) =	ssettag $0x2  }
0x591: {  	s0 =	rddreg [dreg:$0x0];
	s2 =	stileid.u32  }
0x592: {  	s1 =	rddreg [dreg:$0x1];
	p0 =	sne.s32 s2, $0x0  }
0x593: {  	s3 =	rddreg [dreg:$0x2];
	[bflag:$0x3] =	sbarrier.arrive $0xFFFF;
	s2 =	simm.s32 @!p0 $0x1C09  }
0x594: {  	[timem:s3], [sflag:s2] =	dma.local @!p0 [hbm:s0], s1  }
0x595: {  	s0 =	simm.s32 @!p0 $0x9  }
0x596: {  	_ =	swait.ge @!p0 [sflag:s0], s1  }
0x597: {  	s1 =	ssub.s32 @!p0 $0x0, s1;
	[sflag:s0] =	ssyncset.done @!p0 $0x0  }
0x598: {  	[sflag:s0] =	ssyncadd.s32 @!p0 s1  }
0x599: {  	[bflag:$0x3] =	sbarrier.arrive $0xFFFF  }
0x59a: {  	_ =	shalt  }

</sc_bundles>
